<compile_context>
chip_gen: v7x
topology: tpu7x:2x2x1
jax: 0.10.2.dev20260603
libtpu: 0.0.44.dev20260713+nightly
codegen_flags: <defaults>
</compile_context>

<pallas_src>
import functools

import jax
import jax.numpy as jnp
from jax import lax
from jax.experimental import pallas as pl
from jax.experimental.pallas import tpu as pltpu
from jax.experimental.pallas import tpu_sc as plsc

F32 = jnp.float32
_HIGH = lax.Precision.HIGHEST


def _dot(a, b, dims=None, prec=None):
    dn = (((1,), (0,)), ((), ())) if dims is None else dims
    return lax.dot_general(a, b, dn, precision=prec, preferred_element_type=F32)




def _k0_call(batch_col, x, w0h):
    n, nf = x.shape
    h = w0h.shape[1]
    blk = 1000
    grid = (n // blk,)

    def body(b_ref, x_ref, w_ref, cnt_ref, g0_ref):
        i = pl.program_id(0)

        @pl.when(i == 0)
        def _():
            cnt_ref[...] = jnp.zeros_like(cnt_ref)

        bcol = b_ref[0]
        gi = lax.broadcasted_iota(jnp.int32, (1, 64), 1)
        oh = (bcol == gi).astype(F32)
        ones = jnp.ones((blk, 1), F32)
        cnt_ref[...] += _dot(oh, ones, (((0,), (0,)), ((), ())), prec=_HIGH)
        g0_ref[...] = _dot(x_ref[...], w_ref[...])

    return pl.pallas_call(
        body,
        grid=grid,
        in_specs=[
            pl.BlockSpec((1, blk, 1), lambda i: (i, 0, 0)),
            pl.BlockSpec((blk, nf), lambda i: (i, 0)),
            pl.BlockSpec((nf, h), lambda i: (0, 0)),
        ],
        out_specs=[
            pl.BlockSpec((64, 1), lambda i: (0, 0)),
            pl.BlockSpec((blk, h), lambda i: (i, 0)),
        ],
        out_shape=[
            jax.ShapeDtypeStruct((64, 1), F32),
            jax.ShapeDtypeStruct((n, h), F32),
        ],
    )(batch_col, x, w0h)


def _edge_call(ea, src3, rp_lo, rp_hi, we, bm):
    e, ef = ea.shape
    h = we.shape[1]
    blk = 1280
    grid = (e // blk,)

    def body(ea_ref, s_ref, lo_ref, hi_ref, w_ref, b_ref,
             a0_ref, a1_ref, a2_ref, hv_ref, ec_ref):
        i = pl.program_id(0)

        @pl.when(i == 0)
        def _():
            hv_ref[...] = jnp.zeros_like(hv_ref)
            ec_ref[...] = jnp.zeros_like(ec_ref)

        eab = ea_ref[...]
        for l, aref in enumerate((a0_ref, a1_ref, a2_ref)):
            aref[...] = _dot(eab, w_ref[l * ef:(l + 1) * ef, :]) + b_ref[l:l + 1, :]
        sv = s_ref[0]
        oh = ((sv >= lo_ref[...]) & (sv < hi_ref[...])).astype(F32)
        hv_ref[...] += _dot(oh, eab, prec=_HIGH)
        ec_ref[...] += jnp.sum(oh, axis=1, keepdims=True)

    return pl.pallas_call(
        body,
        grid=grid,
        in_specs=[
            pl.BlockSpec((blk, ef), lambda i: (i, 0)),
            pl.BlockSpec((1, 1, blk), lambda i: (i, 0, 0)),
            pl.BlockSpec((64, 1), lambda i: (0, 0)),
            pl.BlockSpec((64, 1), lambda i: (0, 0)),
            pl.BlockSpec((3 * ef, h), lambda i: (0, 0)),
            pl.BlockSpec((3, h), lambda i: (0, 0)),
        ],
        out_specs=[
            pl.BlockSpec((blk, h), lambda i: (i, 0)),
            pl.BlockSpec((blk, h), lambda i: (i, 0)),
            pl.BlockSpec((blk, h), lambda i: (i, 0)),
            pl.BlockSpec((64, ef), lambda i: (0, 0)),
            pl.BlockSpec((64, 1), lambda i: (0, 0)),
        ],
        out_shape=[
            jax.ShapeDtypeStruct((e, h), F32),
            jax.ShapeDtypeStruct((e, h), F32),
            jax.ShapeDtypeStruct((e, h), F32),
            jax.ShapeDtypeStruct((64, ef), F32),
            jax.ShapeDtypeStruct((64, 1), F32),
        ],
    )(ea, src3, rp_lo, rp_hi, we, bm)


def _update_call(hprev, agg, wut, wub, bu, wmnext):
    n, hin = hprev.shape
    h = wub.shape[1]
    blk = 1000
    grid = (n // blk,)

    hw = wmnext.shape[1]

    def body(h_ref, a_ref, wt_ref, wb_ref, b_ref, wm_ref, hn_ref, gn_ref):
        hn = _dot(h_ref[...], wt_ref[...]) + _dot(a_ref[...], wb_ref[...])
        hn = jnp.maximum(hn + b_ref[...], 0.0)
        hn_ref[...] = hn
        gn_ref[...] = _dot(hn, wm_ref[...])

    return pl.pallas_call(
        body,
        grid=grid,
        in_specs=[
            pl.BlockSpec((blk, hin), lambda i: (i, 0)),
            pl.BlockSpec((blk, h), lambda i: (i, 0)),
            pl.BlockSpec((hin, h), lambda i: (0, 0)),
            pl.BlockSpec((h, h), lambda i: (0, 0)),
            pl.BlockSpec((1, h), lambda i: (0, 0)),
            pl.BlockSpec((h, hw), lambda i: (0, 0)),
        ],
        out_specs=[
            pl.BlockSpec((blk, h), lambda i: (i, 0)),
            pl.BlockSpec((blk, hw), lambda i: (i, 0)),
        ],
        out_shape=[
            jax.ShapeDtypeStruct((n, h), F32),
            jax.ShapeDtypeStruct((n, hw), F32),
        ],
    )(hprev, agg, wut, wub, bu, wmnext)


def _update_pool_call(hprev, agg, wut, wub, bu, batch_col, batch2):
    n, h = hprev.shape
    blk = 1000
    grid = (n // blk,)

    def body(h_ref, a_ref, wt_ref, wb_ref, b_ref, bc_ref, bs_ref,
             sum_ref, max_ref):
        i = pl.program_id(0)

        @pl.when(i == 0)
        def _():
            sum_ref[...] = jnp.zeros_like(sum_ref)
            max_ref[...] = jnp.full_like(max_ref, -1e30)

        hn = _dot(h_ref[...], wt_ref[...]) + _dot(a_ref[...], wb_ref[...])
        hn = jnp.maximum(hn + b_ref[...], 0.0)
        bcol = bc_ref[0]
        gi = lax.broadcasted_iota(jnp.int32, (1, 64), 1)
        oh = (bcol == gi).astype(F32)
        sum_ref[...] += _dot(oh, hn, (((0,), (0,)), ((), ())), prec=_HIGH)
        g_lo = bs_ref[0, 0, 0]
        g_hi = bs_ref[0, 0, blk - 1]

        def gbody(g, _):
            sel = jnp.where(bcol == g, hn, -1e30)
            mx = jnp.max(sel, axis=0, keepdims=True)
            max_ref[pl.ds(g, 1), :] = jnp.maximum(max_ref[pl.ds(g, 1), :], mx)
            return 0

        lax.fori_loop(g_lo, g_hi + 1, gbody, 0)

    return pl.pallas_call(
        body,
        grid=grid,
        in_specs=[
            pl.BlockSpec((blk, h), lambda i: (i, 0)),
            pl.BlockSpec((blk, h), lambda i: (i, 0)),
            pl.BlockSpec((h, h), lambda i: (0, 0)),
            pl.BlockSpec((h, h), lambda i: (0, 0)),
            pl.BlockSpec((1, h), lambda i: (0, 0)),
            pl.BlockSpec((1, blk, 1), lambda i: (i, 0, 0)),
            pl.BlockSpec((1, 1, blk), lambda i: (i, 0, 0),
                         memory_space=pltpu.SMEM),
        ],
        out_specs=[
            pl.BlockSpec((64, h), lambda i: (0, 0)),
            pl.BlockSpec((64, h), lambda i: (0, 0)),
        ],
        out_shape=[
            jax.ShapeDtypeStruct((64, h), F32),
            jax.ShapeDtypeStruct((64, h), F32),
        ],
    )(hprev, agg, wut, wub, bu, batch_col, batch2)


def _heads_call(hsum, hmax, cnt, hvnum, ecnt, poles_t, zeros_t, wd):
    names = ['Wt1', 'bt1', 'Wt2', 'bt2', 'Wtmu', 'btmu', 'Wtlv', 'btlv',
             'Wv1', 'bv1', 'Wv2', 'bv2', 'Wvmu', 'bvmu', 'Wvlv', 'bvlv',
             'Wp1', 'bp1', 'Wp2', 'bp2', 'Wp3', 'bp3',
             'Wz1', 'bz1', 'Wz2', 'bz2', 'Wz3', 'bz3',
             'Wc', 'bc', 'Wpmu', 'bpmu', 'Wplv', 'bplv']
    ws = [wd[k] for k in names]

    def body(hs_ref, hm_ref, c_ref, hv_ref, ec_ref, p_ref, z_ref, *refs):
        w = {k: r[...] for k, r in zip(names, refs[:len(names)])}
        mu_ref, lv_ref = refs[len(names):]
        cnt_ = c_ref[...]
        mean = hs_ref[...] / jnp.maximum(cnt_, 1.0)
        maxp = jnp.where(cnt_ > 0, hm_ref[...], 0.0)
        ht = jnp.concatenate([mean, maxp], axis=1)
        ht = jnp.maximum(_dot(ht, w['Wt1']) + w['bt1'], 0.0)
        ht = jnp.maximum(_dot(ht, w['Wt2']) + w['bt2'], 0.0)
        mu_t = _dot(ht, w['Wtmu']) + w['btmu']
        lv_t = _dot(ht, w['Wtlv']) + w['btlv']
        hv = hv_ref[...] / jnp.maximum(ec_ref[...], 1.0)
        hv = jnp.maximum(_dot(hv, w['Wv1']) + w['bv1'], 0.0)
        hv = jnp.maximum(_dot(hv, w['Wv2']) + w['bv2'], 0.0)
        mu_v = _dot(hv, w['Wvmu']) + w['bvmu']
        lv_v = _dot(hv, w['Wvlv']) + w['bvlv']

        def deepset(x_ref, w1, b1, w2, b2, w3, b3):
            a = jnp.maximum(_dot(x_ref[...], w1) + b1, 0.0)
            a = jnp.maximum(_dot(a, w2) + b2, 0.0)
            s = a[0:64, :]
            for i in range(1, 8):
                s = s + a[i * 64:(i + 1) * 64, :]
            return _dot(s, w3) + b3

        php = deepset(p_ref, w['Wp1'], w['bp1'], w['Wp2'], w['bp2'],
                      w['Wp3'], w['bp3'])
        phz = deepset(z_ref, w['Wz1'], w['bz1'], w['Wz2'], w['bz2'],
                      w['Wz3'], w['bz3'])
        hpz = jnp.concatenate([php, phz], axis=1)
        hpz = jnp.maximum(_dot(hpz, w['Wc']) + w['bc'], 0.0)
        mu_pz = _dot(hpz, w['Wpmu']) + w['bpmu']
        lv_pz = _dot(hpz, w['Wplv']) + w['bplv']
        mu_ref[...] = jnp.concatenate([mu_t, mu_v, mu_pz], axis=1)
        lv_ref[...] = jnp.concatenate([lv_t, lv_v, lv_pz], axis=1)

    return pl.pallas_call(
        body,
        in_specs=[
            pl.BlockSpec(a.shape, lambda: (0, 0))
            for a in (hsum, hmax, cnt, hvnum, ecnt, poles_t, zeros_t, *ws)
        ],
        out_specs=[
            pl.BlockSpec((64, 8), lambda: (0, 0)),
            pl.BlockSpec((64, 8), lambda: (0, 0)),
        ],
        out_shape=[
            jax.ShapeDtypeStruct((64, 8), F32),
            jax.ShapeDtypeStruct((64, 8), F32),
        ],
    )(hsum, hmax, cnt, hvnum, ecnt, poles_t, zeros_t, *ws)



_ECH = 32
_NTILES = 16


_SPLIT = 25040
_TPAIRS = 12560
_ZP = _TPAIRS // _NTILES
_CPAIRS = 32
_DUMP = _SPLIT // 2


def _sc_layer(g_tab, a_mat, src1d, dst1d):
    n, gw = g_tab.shape
    h = a_mat.shape[1]
    e = src1d.shape[0]
    nch = e // _ECH
    half0, half1 = _SPLIT, n - _SPLIT
    hp0, hp1 = half0 // 2, half1 // 2
    mesh = plsc.VectorSubcoreMesh(core_axis_name="c", subcore_axis_name="s",
                                  num_cores=2, num_subcores=_NTILES)
    assert 2 * _TPAIRS >= _SPLIT + 64 and gw == 2 * h

    @functools.partial(
        pl.kernel, mesh=mesh,
        out_type=jax.ShapeDtypeStruct((n // 2, gw), F32),
        scratch_types=[
            pltpu.VMEM((_ECH, h), F32),
            pltpu.VMEM((_ECH, gw), F32),
            pltpu.VMEM((_ECH,), jnp.int32),
            pltpu.VMEM((_ECH,), jnp.int32),
            pltpu.VMEM((_ECH, gw), F32),
            pltpu.VMEM((1, _ECH), jnp.int32),
            pltpu.VMEM((1, _ECH), jnp.int32),
            pltpu.VMEM((_CPAIRS, gw), F32),
            pltpu.VMEM((1, _CPAIRS), jnp.int32),
            pltpu.VMEM_SHARED((_TPAIRS, gw), F32),
            pltpu.SemaphoreType.DMA,
            pltpu.SemaphoreType.DMA,
        ],
    )
    def k(g_hbm, a_hbm, s_hbm, d_hbm, out_hbm,
          abuf, mbuf, sbuf, dbuf, mbuf2, ibuf, ibuf2, cbuf, rbuf, table,
          sem_g, sem_a):
        c = lax.axis_index("c")
        s = lax.axis_index("s")
        base = c * _SPLIT
        basep = c * hp0
        halfn = jnp.where(c == 0, half0, half1)
        hp = jnp.where(c == 0, hp0, hp1)

        def fill_ramp(off):
            for j in range(_CPAIRS // 16):
                rbuf[0, pl.ds(j * 16, 16)] = (off + j * 16
                                              + lax.iota(jnp.int32, 16))

        def zrow(r, _):
            for q in range(gw // 16):
                cbuf[r, pl.ds(q * 16, 16)] = jnp.zeros((16,), F32)
            return 0

        lax.fori_loop(0, _CPAIRS, zrow, 0)

        def z2row(r, _):
            for q in range(h // 16):
                mbuf2[r, pl.ds(q * 16, 16)] = jnp.zeros((16,), F32)
            return 0

        lax.fori_loop(0, _ECH, z2row, 0)

        def init_strip(t, _):
            off = jnp.minimum(s * _ZP + t * _CPAIRS, s * _ZP + _ZP - _CPAIRS)
            fill_ramp(off)
            pltpu.sync_copy(cbuf, table.at[rbuf.at[0]])
            return 0

        lax.fori_loop(0, (_ZP + _CPAIRS - 1) // _CPAIRS, init_strip, 0)
        plsc.subcore_barrier()
        lo = (s * nch) // _NTILES
        hi = ((s + 1) * nch) // _NTILES

        def chunk(i, _):
            pltpu.sync_copy(s_hbm.at[pl.ds(i * _ECH, _ECH)], sbuf)
            pltpu.sync_copy(d_hbm.at[pl.ds(i * _ECH, _ECH)], dbuf)
            gd = pltpu.async_copy(g_hbm.at[sbuf], mbuf, sem_g)
            ad = pltpu.async_copy(a_hbm.at[pl.ds(i * _ECH, _ECH)], abuf, sem_a)
            for j in range(_ECH // 16):
                d = dbuf[pl.ds(j * 16, 16)]
                loc = d - base
                even = (loc & 1) == 0
                inr = (loc >= 0) & (loc < halfn)
                ii = lax.iota(jnp.int32, 16) + (j * 16)
                dummy_e = _DUMP + (ii & 15)
                dummy_o = _DUMP + 16 + (ii & 15)
                pair = jnp.where(inr, loc >> 1, dummy_e)
                ibuf[0, pl.ds(j * 16, 16)] = jnp.where(even, pair, dummy_e)
                pair2 = jnp.where(inr, loc >> 1, dummy_o)
                ibuf2[0, pl.ds(j * 16, 16)] = jnp.where(even, dummy_o, pair2)
            ad.wait()
            gd.wait()

            def row(r, _):
                for q in range(h // 16):
                    g = mbuf[r, pl.ds(q * 16, 16)]
                    a = abuf[r, pl.ds(q * 16, 16)]
                    m = jnp.maximum(a + g, 0.0)
                    mbuf[r, pl.ds(q * 16, 16)] = m
                    mbuf2[r, pl.ds(h + q * 16, 16)] = m
                return 0

            lax.fori_loop(0, _ECH, row, 0)
            pltpu.sync_copy(mbuf, table.at[ibuf.at[0]], add=True)
            pltpu.sync_copy(mbuf2, table.at[ibuf2.at[0]], add=True)
            return 0

        lax.fori_loop(lo, hi, chunk, 0)
        plsc.subcore_barrier()

        nstrips = (hp + _CPAIRS - 1) // _CPAIRS

        def out_strip(j, _):
            kk = s + j * _NTILES

            @pl.when(kk < nstrips)
            def _():
                off = jnp.minimum(kk * _CPAIRS, hp - _CPAIRS)
                fill_ramp(off)
                pltpu.sync_copy(table.at[rbuf.at[0]], cbuf)
                pltpu.sync_copy(cbuf, out_hbm.at[pl.ds(basep + off, _CPAIRS)])

            return 0

        lax.fori_loop(0, (hp0 // _CPAIRS + _NTILES) // _NTILES, out_strip, 0)

    return k(g_tab, a_mat, src1d, dst1d)




def kernel(x, edge_index, edge_attr, batch, poles_list, zeros_list, params):
    n, nf = x.shape
    e, ef = edge_attr.shape
    b, pp, _ = poles_list.shape
    p = params
    h = p['bm0'].shape[0]

    src, dst = edge_index[0], edge_index[1]
    src3 = src.reshape(e // 1280, 1, 1280)
    batch_col = batch.reshape(n // 1000, 1000, 1)
    batch2 = batch.reshape(n // 1000, 1, 1000)
    poles_t = poles_list.transpose(1, 0, 2).reshape(pp * b, 2)
    zeros_t = zeros_list.transpose(1, 0, 2).reshape(pp * b, 2)

    we = jnp.concatenate([p['Wm0'][nf:], p['Wm1'][h:], p['Wm2'][h:]], axis=0)
    bm = jnp.stack([p['bm0'], p['bm1'], p['bm2']])
    r1 = lambda v: v.reshape(1, -1)

    padg = lambda w: jnp.pad(w, ((0, 0), (0, 2 * h - w.shape[1])))
    cnt, g0 = _k0_call(batch_col, x, padg(p['Wm0'][:nf]))
    rp = jnp.concatenate([jnp.zeros((1,), jnp.int32),
                          jnp.cumsum(cnt[:, 0].astype(jnp.int32))])
    rp_lo = rp[:64].reshape(64, 1)
    rp_hi = rp[1:].reshape(64, 1)

    a0, a1, a2, hvnum, ecnt = _edge_call(edge_attr, src3, rp_lo, rp_hi, we, bm)

    agg0 = _sc_layer(g0, a0, src, dst).reshape(n, h)
    h1, g1 = _update_call(x, agg0, p['Wu0'][:nf], p['Wu0'][nf:],
                          r1(p['bu0']), padg(p['Wm1'][:h]))
    agg1 = _sc_layer(g1, a1, src, dst).reshape(n, h)
    h2, g2 = _update_call(h1, agg1, p['Wu1'][:h], p['Wu1'][h:],
                          r1(p['bu1']), padg(p['Wm2'][:h]))
    agg2 = _sc_layer(g2, a2, src, dst).reshape(n, h)
    hsum, hmax = _update_pool_call(h2, agg2, p['Wu2'][:h], p['Wu2'][h:],
                                   r1(p['bu2']), batch_col, batch2)

    wd = {k: (r1(v) if k.startswith('b') else v) for k, v in p.items()}
    mu, lv = _heads_call(hsum, hmax, cnt, hvnum, ecnt, poles_t, zeros_t, wd)
    return mu, mu, lv

# --- scband reference (transcript-rebuilt; emitter-appended) ---
"""Pipeline reference for scband-hierarchical-encoder-19215683682484 (READ-ONLY COPY).

The authoritative reference and input builder live on the scoring server;
editing this copy changes nothing except your own understanding.
"""

import jax, jax.numpy as jnp
import numpy as np

N = 50000; E = 800000; B = 64; P = 8; H = 64; NF = 4; EF = 7

_SHAPES = {
    'Wm0': (NF+EF, H), 'bm0': (H,), 'Wu0': (NF+H, H), 'bu0': (H,),
    'Wm1': (H+EF, H), 'bm1': (H,), 'Wu1': (2*H, H), 'bu1': (H,),
    'Wm2': (H+EF, H), 'bm2': (H,), 'Wu2': (2*H, H), 'bu2': (H,),
    'Wt1': (2*H, H), 'bt1': (H,), 'Wt2': (H, H//2), 'bt2': (H//2,),
    'Wtmu': (H//2, 2), 'btmu': (2,), 'Wtlv': (H//2, 2), 'btlv': (2,),
    'Wv1': (EF, H), 'bv1': (H,), 'Wv2': (H, H//2), 'bv2': (H//2,),
    'Wvmu': (H//2, 2), 'bvmu': (2,), 'Wvlv': (H//2, 2), 'bvlv': (2,),
    'Wp1': (2, 32), 'bp1': (32,), 'Wp2': (32, 32), 'bp2': (32,), 'Wp3': (32, 16), 'bp3': (16,),
    'Wz1': (2, 32), 'bz1': (32,), 'Wz2': (32, 32), 'bz2': (32,), 'Wz3': (32, 16), 'bz3': (16,),
    'Wc': (32, H//2), 'bc': (H//2,), 'Wpmu': (H//2, 4), 'bpmu': (4,), 'Wplv': (H//2, 4), 'bplv': (4,),
}

def _init_params(key):
    params = {}
    for i, (n, s) in enumerate(_SHAPES.items()):
        k = jax.random.fold_in(key, i)
        if n.startswith('b'):
            params[n] = jnp.zeros(s, jnp.float32)
        else:
            params[n] = jax.random.normal(k, s, jnp.float32) * 0.1
    return params

def setup_inputs(seed: int = 0) -> dict:
    key = jax.random.key(seed)
    ks = jax.random.split(key, 8)
    return {
        'x': jax.random.normal(ks[0], (N, NF), dtype=jnp.float32),
        'edge_index': jax.random.randint(ks[1], (2, E), 0, N, dtype=jnp.int32),
        'edge_attr': jax.random.normal(ks[2], (E, EF), dtype=jnp.float32),
        'batch': jnp.sort(jax.random.randint(ks[3], (N,), 0, B, dtype=jnp.int32)),
        'poles_list': jax.random.normal(ks[4], (B, P, 2), dtype=jnp.float32),
        'zeros_list': jax.random.normal(ks[5], (B, P, 2), dtype=jnp.float32),
        'params': _init_params(jax.random.fold_in(key, 100)),
    }

def _forward(x, edge_attr, poles, zeros, p, edge_index, batch):
    relu = jax.nn.relu
    src, dst = edge_index[0], edge_index[1]
    # Stage 1: impedance-aware GNN (3 message-passing layers with edge features)
    h = x
    for l in range(3):
        m = relu(jnp.concatenate([h[src], edge_attr], axis=-1) @ p['Wm%d' % l] + p['bm%d' % l])
        agg = jax.ops.segment_sum(m, dst, num_segments=N)
        h = relu(jnp.concatenate([h, agg], axis=-1) @ p['Wu%d' % l] + p['bu%d' % l])
    # Branch 1: topology via global mean+max pooling
    cnt = jax.ops.segment_sum(jnp.ones((N,), jnp.float32), batch, num_segments=B)
    mean_p = jax.ops.segment_sum(h, batch, num_segments=B) / jnp.maximum(cnt, 1.0)[:, None]
    max_p = jax.ops.segment_max(h, batch, num_segments=B)
    max_p = jnp.where(cnt[:, None] > 0, max_p, 0.0)
    ht = jnp.concatenate([mean_p, max_p], axis=-1)
    ht = relu(ht @ p['Wt1'] + p['bt1'])
    ht = relu(ht @ p['Wt2'] + p['bt2'])
    mu_t = ht @ p['Wtmu'] + p['btmu']
    lv_t = ht @ p['Wtlv'] + p['btlv']
    # Branch 2: per-graph mean of edge features
    eb = batch[src]
    ecnt = jax.ops.segment_sum(jnp.ones((E,), jnp.float32), eb, num_segments=B)
    hv = jax.ops.segment_sum(edge_attr, eb, num_segments=B) / jnp.maximum(ecnt, 1.0)[:, None]
    hv = relu(hv @ p['Wv1'] + p['bv1'])
    hv = relu(hv @ p['Wv2'] + p['bv2'])
    mu_v = hv @ p['Wvmu'] + p['bvmu']
    lv_v = hv @ p['Wvlv'] + p['bvlv']
    # Branch 3: DeepSets over poles and zeros
    php = relu(relu(poles @ p['Wp1'] + p['bp1']) @ p['Wp2'] + p['bp2']).sum(axis=1) @ p['Wp3'] + p['bp3']
    phz = relu(relu(zeros @ p['Wz1'] + p['bz1']) @ p['Wz2'] + p['bz2']).sum(axis=1) @ p['Wz3'] + p['bz3']
    hpz = relu(jnp.concatenate([php, phz], axis=-1) @ p['Wc'] + p['bc'])
    mu_pz = hpz @ p['Wpmu'] + p['bpmu']
    lv_pz = hpz @ p['Wplv'] + p['bplv']
    mu = jnp.concatenate([mu_t, mu_v, mu_pz], axis=-1)
    lv = jnp.concatenate([lv_t, lv_v, lv_pz], axis=-1)
    z = mu  # eval mode: reparameterize returns mu deterministically
    return z, mu, lv

def reference(x, edge_index, edge_attr, batch, poles_list, zeros_list, params):
    return _forward(x, edge_attr, poles_list, zeros_list, params, edge_index, batch)

if __name__ == "__main__":
    import jax
    _d = setup_inputs()
    print(jax.jit(kernel)(*tuple(_d.values())))

</pallas_src>

<mosaic_0001>
#map = affine_map<(d0, d1) -> (0, 0)>
#map1 = affine_map<(d0, d1) -> (0)>
module attributes {stable_mosaic.version = 14 : i64} {
  func.func @k(%arg0: i32, %arg1: i32, %arg2: memref<50000x128xf32, #tpu.memory_space<hbm>>, %arg3: memref<800000x64xf32, #tpu.memory_space<hbm>>, %arg4: memref<800000xi32, #tpu.memory_space<hbm>>, %arg5: memref<800000xi32, #tpu.memory_space<hbm>>, %arg6: memref<25000x128xf32, #tpu.memory_space<hbm>>, %arg7: memref<32x64xf32, #tpu.memory_space<vmem>>, %arg8: memref<32x128xf32, #tpu.memory_space<vmem>>, %arg9: memref<32xi32, #tpu.memory_space<vmem>>, %arg10: memref<32xi32, #tpu.memory_space<vmem>>, %arg11: memref<32x128xf32, #tpu.memory_space<vmem>>, %arg12: memref<1x32xi32, #tpu.memory_space<vmem>>, %arg13: memref<1x32xi32, #tpu.memory_space<vmem>>, %arg14: memref<32x128xf32, #tpu.memory_space<vmem>>, %arg15: memref<1x32xi32, #tpu.memory_space<vmem>>, %arg16: memref<12560x128xf32, #tpu.memory_space<vmem_shared>>, %arg17: memref<!tpu.dma_semaphore, #tpu.memory_space<semaphore_mem>>, %arg18: memref<!tpu.dma_semaphore, #tpu.memory_space<semaphore_mem>>) attributes {dimension_semantics = [#tpu.dimension_semantics<core_parallel>, #tpu.dimension_semantics<subcore_parallel>], iteration_bounds = array<i64: 2, 16>, scalar_prefetch = 0 : i64, scratch_operands = 12 : i64, tpu.core_type = #tpu.core_type<sc_vector_subcore>, window_params = [{transform_indices = #map}, {transform_indices = #map}, {transform_indices = #map1}, {transform_indices = #map1}, {transform_indices = #map}]} {
    %mul3A = arith.constant 25040 : i32
    %mul3A_0 = arith.muli %arg0, %mul3A : i32
    %mul3A_1 = arith.constant 12520 : i32
    %mul3A_2 = arith.muli %arg0, %mul3A_1 : i32
    %eq3A = arith.constant 0 : i32
    %eq3A_3 = arith.cmpi eq, %arg0, %eq3A : i32
    %jit3A = arith.constant 25040 : i32
    %jit3A_4 = arith.constant 24960 : i32
    %select_n3A = arith.select %eq3A_3, %jit3A, %jit3A_4 : i32
    %eq3A_5 = arith.constant 0 : i32
    %eq3A_6 = arith.cmpi eq, %arg0, %eq3A_5 : i32
    %jit3A_7 = arith.constant 12520 : i32
    %jit3A_8 = arith.constant 12480 : i32
    %select_n3A_9 = arith.select %eq3A_6, %jit3A_7, %jit3A_8 : i32
    %scan3A = arith.constant 0 : i32
    %scan3A_10 = arith.constant 0 : i32
    %scan3A_11 = arith.constant 32 : i32
    %scan3A_12 = arith.addi %scan3A_10, %scan3A_11 : i32
    %scan3A_13 = arith.constant 1 : i32
    %scan3A_14 = scf.for %scan3A_123 = %scan3A_10 to %scan3A_12 step %scan3A_13 iter_args(%scan3A_124 = %scan3A) -> (i32)  : i32 {
      %broadcast_in_dim3A = arith.constant 0.000000e+00 : f32
      %broadcast_in_dim3A_125 = vector.broadcast %broadcast_in_dim3A : f32 to vector<16xf32>
      %swap3A = arith.index_cast %scan3A_123 : i32 to index
      %swap3A_126 = arith.constant 0 : index
      %swap3A_127 = tpu.vector_load %arg14[%swap3A, %swap3A_126] {strides = array<i32>} : memref<32x128xf32, #tpu.memory_space<vmem>>, vector<1x16xf32>,
      %swap3A_128 = vector.shape_cast %swap3A_127 : vector<1x16xf32> to vector<16xf32>
      %swap3A_129 = vector.shape_cast %broadcast_in_dim3A_125 : vector<16xf32> to vector<1x16xf32>
      tpu.vector_store %arg14[%swap3A, %swap3A_126], %swap3A_129 {strides = array<i32>} : memref<32x128xf32, #tpu.memory_space<vmem>>, vector<1x16xf32>,
      %broadcast_in_dim3A_130 = arith.constant 0.000000e+00 : f32
      %broadcast_in_dim3A_131 = vector.broadcast %broadcast_in_dim3A_130 : f32 to vector<16xf32>
      %swap3A_132 = arith.index_cast %scan3A_123 : i32 to index
      %swap3A_133 = arith.constant 16 : index
      %swap3A_134 = tpu.vector_load %arg14[%swap3A_132, %swap3A_133] {strides = array<i32>} : memref<32x128xf32, #tpu.memory_space<vmem>>, vector<1x16xf32>,
      %swap3A_135 = vector.shape_cast %swap3A_134 : vector<1x16xf32> to vector<16xf32>
      %swap3A_136 = vector.shape_cast %broadcast_in_dim3A_131 : vector<16xf32> to vector<1x16xf32>
      tpu.vector_store %arg14[%swap3A_132, %swap3A_133], %swap3A_136 {strides = array<i32>} : memref<32x128xf32, #tpu.memory_space<vmem>>, vector<1x16xf32>,
      %broadcast_in_dim3A_137 = arith.constant 0.000000e+00 : f32
      %broadcast_in_dim3A_138 = vector.broadcast %broadcast_in_dim3A_137 : f32 to vector<16xf32>
      %swap3A_139 = arith.index_cast %scan3A_123 : i32 to index
      %swap3A_140 = arith.constant 32 : index
      %swap3A_141 = tpu.vector_load %arg14[%swap3A_139, %swap3A_140] {strides = array<i32>} : memref<32x128xf32, #tpu.memory_space<vmem>>, vector<1x16xf32>,
      %swap3A_142 = vector.shape_cast %swap3A_141 : vector<1x16xf32> to vector<16xf32>
      %swap3A_143 = vector.shape_cast %broadcast_in_dim3A_138 : vector<16xf32> to vector<1x16xf32>
      tpu.vector_store %arg14[%swap3A_139, %swap3A_140], %swap3A_143 {strides = array<i32>} : memref<32x128xf32, #tpu.memory_space<vmem>>, vector<1x16xf32>,
      %broadcast_in_dim3A_144 = arith.constant 0.000000e+00 : f32
      %broadcast_in_dim3A_145 = vector.broadcast %broadcast_in_dim3A_144 : f32 to vector<16xf32>
      %swap3A_146 = arith.index_cast %scan3A_123 : i32 to index
      %swap3A_147 = arith.constant 48 : index
      %swap3A_148 = tpu.vector_load %arg14[%swap3A_146, %swap3A_147] {strides = array<i32>} : memref<32x128xf32, #tpu.memory_space<vmem>>, vector<1x16xf32>,
      %swap3A_149 = vector.shape_cast %swap3A_148 : vector<1x16xf32> to vector<16xf32>
      %swap3A_150 = vector.shape_cast %broadcast_in_dim3A_145 : vector<16xf32> to vector<1x16xf32>
      tpu.vector_store %arg14[%swap3A_146, %swap3A_147], %swap3A_150 {strides = array<i32>} : memref<32x128xf32, #tpu.memory_space<vmem>>, vector<1x16xf32>,
      %broadcast_in_dim3A_151 = arith.constant 0.000000e+00 : f32
      %broadcast_in_dim3A_152 = vector.broadcast %broadcast_in_dim3A_151 : f32 to vector<16xf32>
      %swap3A_153 = arith.index_cast %scan3A_123 : i32 to index
      %swap3A_154 = arith.constant 64 : index
      %swap3A_155 = tpu.vector_load %arg14[%swap3A_153, %swap3A_154] {strides = array<i32>} : memref<32x128xf32, #tpu.memory_space<vmem>>, vector<1x16xf32>,
      %swap3A_156 = vector.shape_cast %swap3A_155 : vector<1x16xf32> to vector<16xf32>
      %swap3A_157 = vector.shape_cast %broadcast_in_dim3A_152 : vector<16xf32> to vector<1x16xf32>
      tpu.vector_store %arg14[%swap3A_153, %swap3A_154], %swap3A_157 {strides = array<i32>} : memref<32x128xf32, #tpu.memory_space<vmem>>, vector<1x16xf32>,
      %broadcast_in_dim3A_158 = arith.constant 0.000000e+00 : f32
      %broadcast_in_dim3A_159 = vector.broadcast %broadcast_in_dim3A_158 : f32 to vector<16xf32>
      %swap3A_160 = arith.index_cast %scan3A_123 : i32 to index
      %swap3A_161 = arith.constant 80 : index
      %swap3A_162 = tpu.vector_load %arg14[%swap3A_160, %swap3A_161] {strides = array<i32>} : memref<32x128xf32, #tpu.memory_space<vmem>>, vector<1x16xf32>,
      %swap3A_163 = vector.shape_cast %swap3A_162 : vector<1x16xf32> to vector<16xf32>
      %swap3A_164 = vector.shape_cast %broadcast_in_dim3A_159 : vector<16xf32> to vector<1x16xf32>
      tpu.vector_store %arg14[%swap3A_160, %swap3A_161], %swap3A_164 {strides = array<i32>} : memref<32x128xf32, #tpu.memory_space<vmem>>, vector<1x16xf32>,
      %broadcast_in_dim3A_165 = arith.constant 0.000000e+00 : f32
      %broadcast_in_dim3A_166 = vector.broadcast %broadcast_in_dim3A_165 : f32 to vector<16xf32>
      %swap3A_167 = arith.index_cast %scan3A_123 : i32 to index
      %swap3A_168 = arith.constant 96 : index
      %swap3A_169 = tpu.vector_load %arg14[%swap3A_167, %swap3A_168] {strides = array<i32>} : memref<32x128xf32, #tpu.memory_space<vmem>>, vector<1x16xf32>,
      %swap3A_170 = vector.shape_cast %swap3A_169 : vector<1x16xf32> to vector<16xf32>
      %swap3A_171 = vector.shape_cast %broadcast_in_dim3A_166 : vector<16xf32> to vector<1x16xf32>
      tpu.vector_store %arg14[%swap3A_167, %swap3A_168], %swap3A_171 {strides = array<i32>} : memref<32x128xf32, #tpu.memory_space<vmem>>, vector<1x16xf32>,
      %broadcast_in_dim3A_172 = arith.constant 0.000000e+00 : f32
      %broadcast_in_dim3A_173 = vector.broadcast %broadcast_in_dim3A_172 : f32 to vector<16xf32>
      %swap3A_174 = arith.index_cast %scan3A_123 : i32 to index
      %swap3A_175 = arith.constant 112 : index
      %swap3A_176 = tpu.vector_load %arg14[%swap3A_174, %swap3A_175] {strides = array<i32>} : memref<32x128xf32, #tpu.memory_space<vmem>>, vector<1x16xf32>,
      %swap3A_177 = vector.shape_cast %swap3A_176 : vector<1x16xf32> to vector<16xf32>
      %swap3A_178 = vector.shape_cast %broadcast_in_dim3A_173 : vector<16xf32> to vector<1x16xf32>
      tpu.vector_store %arg14[%swap3A_174, %swap3A_175], %swap3A_178 {strides = array<i32>} : memref<32x128xf32, #tpu.memory_space<vmem>>, vector<1x16xf32>,
      %scan3A_179 = arith.constant 0 : i32
      scf.yield %scan3A_179 : i32
    }
    %scan3A_15 = arith.constant 32 : i32
    %scan3A_16 = arith.constant 0 : i32
    %scan3A_17 = arith.constant 0 : i32
    %scan3A_18 = arith.constant 32 : i32
    %scan3A_19 = arith.addi %scan3A_17, %scan3A_18 : i32
    %scan3A_20 = arith.constant 1 : i32
    %scan3A_21 = scf.for %scan3A_123 = %scan3A_17 to %scan3A_19 step %scan3A_20 iter_args(%scan3A_124 = %scan3A_16) -> (i32)  : i32 {
      %broadcast_in_dim3A = arith.constant 0.000000e+00 : f32
      %broadcast_in_dim3A_125 = vector.broadcast %broadcast_in_dim3A : f32 to vector<16xf32>
      %swap3A = arith.index_cast %scan3A_123 : i32 to index
      %swap3A_126 = arith.constant 0 : index
      %swap3A_127 = tpu.vector_load %arg11[%swap3A, %swap3A_126] {strides = array<i32>} : memref<32x128xf32, #tpu.memory_space<vmem>>, vector<1x16xf32>,
      %swap3A_128 = vector.shape_cast %swap3A_127 : vector<1x16xf32> to vector<16xf32>
      %swap3A_129 = vector.shape_cast %broadcast_in_dim3A_125 : vector<16xf32> to vector<1x16xf32>
      tpu.vector_store %arg11[%swap3A, %swap3A_126], %swap3A_129 {strides = array<i32>} : memref<32x128xf32, #tpu.memory_space<vmem>>, vector<1x16xf32>,
      %broadcast_in_dim3A_130 = arith.constant 0.000000e+00 : f32
      %broadcast_in_dim3A_131 = vector.broadcast %broadcast_in_dim3A_130 : f32 to vector<16xf32>
      %swap3A_132 = arith.index_cast %scan3A_123 : i32 to index
      %swap3A_133 = arith.constant 16 : index
      %swap3A_134 = tpu.vector_load %arg11[%swap3A_132, %swap3A_133] {strides = array<i32>} : memref<32x128xf32, #tpu.memory_space<vmem>>, vector<1x16xf32>,
      %swap3A_135 = vector.shape_cast %swap3A_134 : vector<1x16xf32> to vector<16xf32>
      %swap3A_136 = vector.shape_cast %broadcast_in_dim3A_131 : vector<16xf32> to vector<1x16xf32>
      tpu.vector_store %arg11[%swap3A_132, %swap3A_133], %swap3A_136 {strides = array<i32>} : memref<32x128xf32, #tpu.memory_space<vmem>>, vector<1x16xf32>,
      %broadcast_in_dim3A_137 = arith.constant 0.000000e+00 : f32
      %broadcast_in_dim3A_138 = vector.broadcast %broadcast_in_dim3A_137 : f32 to vector<16xf32>
      %swap3A_139 = arith.index_cast %scan3A_123 : i32 to index
      %swap3A_140 = arith.constant 32 : index
      %swap3A_141 = tpu.vector_load %arg11[%swap3A_139, %swap3A_140] {strides = array<i32>} : memref<32x128xf32, #tpu.memory_space<vmem>>, vector<1x16xf32>,
      %swap3A_142 = vector.shape_cast %swap3A_141 : vector<1x16xf32> to vector<16xf32>
      %swap3A_143 = vector.shape_cast %broadcast_in_dim3A_138 : vector<16xf32> to vector<1x16xf32>
      tpu.vector_store %arg11[%swap3A_139, %swap3A_140], %swap3A_143 {strides = array<i32>} : memref<32x128xf32, #tpu.memory_space<vmem>>, vector<1x16xf32>,
      %broadcast_in_dim3A_144 = arith.constant 0.000000e+00 : f32
      %broadcast_in_dim3A_145 = vector.broadcast %broadcast_in_dim3A_144 : f32 to vector<16xf32>
      %swap3A_146 = arith.index_cast %scan3A_123 : i32 to index
      %swap3A_147 = arith.constant 48 : index
      %swap3A_148 = tpu.vector_load %arg11[%swap3A_146, %swap3A_147] {strides = array<i32>} : memref<32x128xf32, #tpu.memory_space<vmem>>, vector<1x16xf32>,
      %swap3A_149 = vector.shape_cast %swap3A_148 : vector<1x16xf32> to vector<16xf32>
      %swap3A_150 = vector.shape_cast %broadcast_in_dim3A_145 : vector<16xf32> to vector<1x16xf32>
      tpu.vector_store %arg11[%swap3A_146, %swap3A_147], %swap3A_150 {strides = array<i32>} : memref<32x128xf32, #tpu.memory_space<vmem>>, vector<1x16xf32>,
      %scan3A_151 = arith.constant 0 : i32
      scf.yield %scan3A_151 : i32
    }
    %scan3A_22 = arith.constant 32 : i32
    %scan3A_23 = arith.constant 0 : i32
    %scan3A_24 = arith.constant 0 : i32
    %scan3A_25 = arith.constant 25 : i32
    %scan3A_26 = arith.addi %scan3A_24, %scan3A_25 : i32
    %scan3A_27 = arith.constant 1 : i32
    %scan3A_28 = scf.for %scan3A_123 = %scan3A_24 to %scan3A_26 step %scan3A_27 iter_args(%scan3A_124 = %scan3A_23) -> (i32)  : i32 {
      %mul3A_125 = arith.constant 785 : i32
      %mul3A_126 = arith.muli %arg1, %mul3A_125 : i32
      %mul3A_127 = arith.constant 32 : i32
      %mul3A_128 = arith.muli %scan3A_123, %mul3A_127 : i32
      %add3A_129 = arith.addi %mul3A_126, %mul3A_128 : i32
      %mul3A_130 = arith.constant 785 : i32
      %mul3A_131 = arith.muli %arg1, %mul3A_130 : i32
      %add3A_132 = arith.constant 785 : i32
      %add3A_133 = arith.addi %mul3A_131, %add3A_132 : i32
      %sub3A_134 = arith.constant 32 : i32
      %sub3A_135 = arith.subi %add3A_133, %sub3A_134 : i32
      %min3A = arith.minsi %add3A_129, %sub3A_135 : i32
      %add3A_136 = arith.constant 0 : i32
      %add3A_137 = arith.addi %min3A, %add3A_136 : i32
      %iota3A = tpu.iota {dimensions = array<i32: 0>} : vector<16xi32>
      %add3A_138 = vector.broadcast %add3A_137 : i32 to vector<16xi32>
      %add3A_139 = arith.addi %add3A_138, %iota3A : vector<16xi32>
      %swap3A = arith.constant 0 : i32
      %swap3A_140 = arith.index_cast %swap3A : i32 to index
      %swap3A_141 = arith.constant 0 : index
      %swap3A_142 = tpu.vector_load %arg15[%swap3A_140, %swap3A_141] {strides = array<i32>} : memref<1x32xi32, #tpu.memory_space<vmem>>, vector<1x16xi32>,
      %swap3A_143 = vector.shape_cast %swap3A_142 : vector<1x16xi32> to vector<16xi32>
      %swap3A_144 = vector.shape_cast %add3A_139 : vector<16xi32> to vector<1x16xi32>
      tpu.vector_store %arg15[%swap3A_140, %swap3A_141], %swap3A_144 {strides = array<i32>} : memref<1x32xi32, #tpu.memory_space<vmem>>, vector<1x16xi32>,
      %add3A_145 = arith.constant 16 : i32
      %add3A_146 = arith.addi %min3A, %add3A_145 : i32
      %iota3A_147 = tpu.iota {dimensions = array<i32: 0>} : vector<16xi32>
      %add3A_148 = vector.broadcast %add3A_146 : i32 to vector<16xi32>
      %add3A_149 = arith.addi %add3A_148, %iota3A_147 : vector<16xi32>
      %swap3A_150 = arith.constant 0 : i32
      %swap3A_151 = arith.index_cast %swap3A_150 : i32 to index
      %swap3A_152 = arith.constant 16 : index
      %swap3A_153 = tpu.vector_load %arg15[%swap3A_151, %swap3A_152] {strides = array<i32>} : memref<1x32xi32, #tpu.memory_space<vmem>>, vector<1x16xi32>,
      %swap3A_154 = vector.shape_cast %swap3A_153 : vector<1x16xi32> to vector<16xi32>
      %swap3A_155 = vector.shape_cast %add3A_149 : vector<16xi32> to vector<1x16xi32>
      tpu.vector_store %arg15[%swap3A_151, %swap3A_152], %swap3A_155 {strides = array<i32>} : memref<1x32xi32, #tpu.memory_space<vmem>>, vector<1x16xi32>,
      %run_scoped3A = arith.constant 0 : i32
      "tpu.region"() ({
        %run_scoped3A_157 = tpu.sem_alloc : memref<!tpu.dma_semaphore, #tpu.memory_space<semaphore_mem>>
        %dma_start3A = arith.constant 0 : i32
        %dma_start3A_158 = tpu.memref_slice %arg15[%run_scoped3A, %dma_start3A] : memref<1x32xi32, #tpu.memory_space<vmem>> -> memref<1x32xi32, #tpu.memory_space<vmem>>
        %dma_start3A_159 = tpu.memref_squeeze %dma_start3A_158 : memref<1x32xi32, #tpu.memory_space<vmem>> -> memref<32xi32, #tpu.memory_space<vmem>>
        %dma_start3A_160 = arith.constant 0 : i32
        %dma_start3A_161 = arith.constant 0 : i32
        %dma_start3A_162 = tpu.memref_slice %arg16[%dma_start3A_160, %dma_start3A_161] : memref<12560x128xf32, #tpu.memory_space<vmem_shared>> -> memref<12560x128xf32, #tpu.memory_space<vmem_shared>>
        tpu.enqueue_indirect_dma source(%arg14 : memref<32x128xf32, #tpu.memory_space<vmem>>) target(%dma_start3A_162 : memref<12560x128xf32, #tpu.memory_space<vmem_shared>>) offsets(%dma_start3A_159 : memref<32xi32, #tpu.memory_space<vmem>>) semaphore(%run_scoped3A_157 : memref<!tpu.dma_semaphore, #tpu.memory_space<semaphore_mem>>)
        %dma_wait3A = arith.constant 0 : i32
        %dma_wait3A_163 = tpu.memref_slice %arg15[%run_scoped3A, %dma_wait3A] : memref<1x32xi32, #tpu.memory_space<vmem>> -> memref<1x32xi32, #tpu.memory_space<vmem>>
        %dma_wait3A_164 = tpu.memref_squeeze %dma_wait3A_163 : memref<1x32xi32, #tpu.memory_space<vmem>> -> memref<32xi32, #tpu.memory_space<vmem>>
        %dma_wait3A_165 = arith.constant 0 : i32
        %dma_wait3A_166 = arith.constant 0 : i32
        %dma_wait3A_167 = tpu.memref_slice %arg16[%dma_wait3A_165, %dma_wait3A_166] : memref<12560x128xf32, #tpu.memory_space<vmem_shared>> -> memref<12560x128xf32, #tpu.memory_space<vmem_shared>>
        tpu.wait_indirect_dma semaphore(%run_scoped3A_157 : memref<!tpu.dma_semaphore, #tpu.memory_space<semaphore_mem>>) src(%arg14 : memref<32x128xf32, #tpu.memory_space<vmem>>) dst(%dma_wait3A_167 : memref<12560x128xf32, #tpu.memory_space<vmem_shared>>)
        tpu.yield
      }) : () -> ()
      %scan3A_156 = arith.constant 0 : i32
      scf.yield %scan3A_156 : i32
    }
    %scan3A_29 = arith.constant 25 : i32
    %barrier3A = arith.constant 0 : index
    tpu.barrier barrier_id(%barrier3A)
    %mul3A_30 = arith.constant 25000 : i32
    %mul3A_31 = arith.muli %arg1, %mul3A_30 : i32
    %jit3A_32 = arith.constant 16 : i32
    %div3A = arith.divsi %mul3A_31, %jit3A_32 : i32
    %sign3A = arith.constant 0 : i32
    %sign3A_33 = arith.cmpi sgt, %mul3A_31, %sign3A : i32
    %sign3A_34 = arith.extui %sign3A_33 : i1 to i32
    %sign3A_35 = arith.constant 0 : i32
    %sign3A_36 = arith.cmpi slt, %mul3A_31, %sign3A_35 : i32
    %sign3A_37 = arith.extui %sign3A_36 : i1 to i32
    %sign3A_38 = arith.subi %sign3A_34, %sign3A_37 : i32
    %sign3A_39 = arith.constant 0 : i32
    %sign3A_40 = arith.cmpi sgt, %jit3A_32, %sign3A_39 : i32
    %sign3A_41 = arith.extui %sign3A_40 : i1 to i32
    %sign3A_42 = arith.constant 0 : i32
    %sign3A_43 = arith.cmpi slt, %jit3A_32, %sign3A_42 : i32
    %sign3A_44 = arith.extui %sign3A_43 : i1 to i32
    %sign3A_45 = arith.subi %sign3A_41, %sign3A_44 : i32
    %ne3A = arith.cmpi ne, %sign3A_38, %sign3A_45 : i32
    %rem3A = arith.remsi %mul3A_31, %jit3A_32 : i32
    %ne3A_46 = arith.constant 0 : i32
    %ne3A_47 = arith.cmpi ne, %rem3A, %ne3A_46 : i32
    %and3A = arith.andi %ne3A, %ne3A_47 : i1
    %sub3A = arith.constant 1 : i32
    %sub3A_48 = arith.subi %div3A, %sub3A : i32
    %select_n3A_49 = arith.select %and3A, %sub3A_48, %div3A : i32
    %add3A = arith.constant 1 : i32
    %add3A_50 = arith.addi %arg1, %add3A : i32
    %mul3A_51 = arith.constant 25000 : i32
    %mul3A_52 = arith.muli %add3A_50, %mul3A_51 : i32
    %jit3A_53 = arith.constant 16 : i32
    %div3A_54 = arith.divsi %mul3A_52, %jit3A_53 : i32
    %sign3A_55 = arith.constant 0 : i32
    %sign3A_56 = arith.cmpi sgt, %mul3A_52, %sign3A_55 : i32
    %sign3A_57 = arith.extui %sign3A_56 : i1 to i32
    %sign3A_58 = arith.constant 0 : i32
    %sign3A_59 = arith.cmpi slt, %mul3A_52, %sign3A_58 : i32
    %sign3A_60 = arith.extui %sign3A_59 : i1 to i32
    %sign3A_61 = arith.subi %sign3A_57, %sign3A_60 : i32
    %sign3A_62 = arith.constant 0 : i32
    %sign3A_63 = arith.cmpi sgt, %jit3A_53, %sign3A_62 : i32
    %sign3A_64 = arith.extui %sign3A_63 : i1 to i32
    %sign3A_65 = arith.constant 0 : i32
    %sign3A_66 = arith.cmpi slt, %jit3A_53, %sign3A_65 : i32
    %sign3A_67 = arith.extui %sign3A_66 : i1 to i32
    %sign3A_68 = arith.subi %sign3A_64, %sign3A_67 : i32
    %ne3A_69 = arith.cmpi ne, %sign3A_61, %sign3A_68 : i32
    %rem3A_70 = arith.remsi %mul3A_52, %jit3A_53 : i32
    %ne3A_71 = arith.constant 0 : i32
    %ne3A_72 = arith.cmpi ne, %rem3A_70, %ne3A_71 : i32
    %and3A_73 = arith.andi %ne3A_69, %ne3A_72 : i1
    %sub3A_74 = arith.constant 1 : i32
    %sub3A_75 = arith.subi %div3A_54, %sub3A_74 : i32
    %select_n3A_76 = arith.select %and3A_73, %sub3A_75, %div3A_54 : i32
    %while3A = arith.constant 0 : i32
    %while3A_77 = arith.subi %select_n3A_76, %select_n3A_49 : i32
    %while3A_78 = arith.addi %select_n3A_49, %while3A_77 : i32
    %while3A_79 = arith.constant 1 : i32
    %while3A_80 = arith.divsi %while3A_77, %while3A_79 : i32
    %while3A_81 = arith.muli %while3A_80, %while3A_79 : i32
    %while3A_82 = arith.addi %select_n3A_49, %while3A_81 : i32
    %while3A_83 = arith.constant 1 : i32
    %while3A_84 = scf.for %while3A_123 = %select_n3A_49 to %while3A_82 step %while3A_83 iter_args(%while3A_124 = %while3A) -> (i32)  : i32 {
      %mul3A_125 = arith.constant 32 : i32
      %mul3A_126 = arith.muli %while3A_123, %mul3A_125 : i32
      "tpu.region"() ({
        %run_scoped3A_256 = tpu.sem_alloc : memref<!tpu.dma_semaphore, #tpu.memory_space<semaphore_mem>>
        %dma_start3A_257 = tpu.memref_slice %arg4[%mul3A_126] : memref<800000xi32, #tpu.memory_space<hbm>> -> memref<32xi32, #tpu.memory_space<hbm>>
        %dma_start3A_258 = tpu.memref_slice %arg4[%mul3A_126] : memref<800000xi32, #tpu.memory_space<hbm>> -> memref<32xi32, #tpu.memory_space<hbm>>
        tpu.enqueue_dma source(%dma_start3A_258 : memref<32xi32, #tpu.memory_space<hbm>>) target(%arg9 : memref<32xi32, #tpu.memory_space<vmem>>) target_semaphore(%run_scoped3A_256 : memref<!tpu.dma_semaphore, #tpu.memory_space<semaphore_mem>>)
        %dma_wait3A_259 = tpu.memref_slice %arg4[%mul3A_126] : memref<800000xi32, #tpu.memory_space<hbm>> -> memref<32xi32, #tpu.memory_space<hbm>>
        %dma_wait3A_260 = tpu.memref_slice %arg4[%mul3A_126] : memref<800000xi32, #tpu.memory_space<hbm>> -> memref<32xi32, #tpu.memory_space<hbm>>
        tpu.wait_dma2 semaphore(%run_scoped3A_256 : memref<!tpu.dma_semaphore, #tpu.memory_space<semaphore_mem>>) src(%dma_wait3A_260 : memref<32xi32, #tpu.memory_space<hbm>>) dst(%arg9 : memref<32xi32, #tpu.memory_space<vmem>>)
        tpu.yield
      }) : () -> ()
      %mul3A_127 = arith.constant 32 : i32
      %mul3A_128 = arith.muli %while3A_123, %mul3A_127 : i32
      "tpu.region"() ({
        %run_scoped3A_256 = tpu.sem_alloc : memref<!tpu.dma_semaphore, #tpu.memory_space<semaphore_mem>>
        %dma_start3A_257 = tpu.memref_slice %arg5[%mul3A_128] : memref<800000xi32, #tpu.memory_space<hbm>> -> memref<32xi32, #tpu.memory_space<hbm>>
        %dma_start3A_258 = tpu.memref_slice %arg5[%mul3A_128] : memref<800000xi32, #tpu.memory_space<hbm>> -> memref<32xi32, #tpu.memory_space<hbm>>
        tpu.enqueue_dma source(%dma_start3A_258 : memref<32xi32, #tpu.memory_space<hbm>>) target(%arg10 : memref<32xi32, #tpu.memory_space<vmem>>) target_semaphore(%run_scoped3A_256 : memref<!tpu.dma_semaphore, #tpu.memory_space<semaphore_mem>>)
        %dma_wait3A_259 = tpu.memref_slice %arg5[%mul3A_128] : memref<800000xi32, #tpu.memory_space<hbm>> -> memref<32xi32, #tpu.memory_space<hbm>>
        %dma_wait3A_260 = tpu.memref_slice %arg5[%mul3A_128] : memref<800000xi32, #tpu.memory_space<hbm>> -> memref<32xi32, #tpu.memory_space<hbm>>
        tpu.wait_dma2 semaphore(%run_scoped3A_256 : memref<!tpu.dma_semaphore, #tpu.memory_space<semaphore_mem>>) src(%dma_wait3A_260 : memref<32xi32, #tpu.memory_space<hbm>>) dst(%arg10 : memref<32xi32, #tpu.memory_space<vmem>>)
        tpu.yield
      }) : () -> ()
      %dma_start3A = arith.constant 0 : i32
      %dma_start3A_129 = arith.constant 0 : i32
      %dma_start3A_130 = tpu.memref_slice %arg2[%dma_start3A, %dma_start3A_129] : memref<50000x128xf32, #tpu.memory_space<hbm>> -> memref<50000x128xf32, #tpu.memory_space<hbm>>
      tpu.enqueue_indirect_dma source(%dma_start3A_130 : memref<50000x128xf32, #tpu.memory_space<hbm>>) target(%arg8 : memref<32x128xf32, #tpu.memory_space<vmem>>) offsets(%arg9 : memref<32xi32, #tpu.memory_space<vmem>>) semaphore(%arg17 : memref<!tpu.dma_semaphore, #tpu.memory_space<semaphore_mem>>)
      %mul3A_131 = arith.constant 32 : i32
      %mul3A_132 = arith.muli %while3A_123, %mul3A_131 : i32
      %dma_start3A_133 = arith.constant 0 : i32
      %dma_start3A_134 = tpu.memref_slice %arg3[%mul3A_132, %dma_start3A_133] : memref<800000x64xf32, #tpu.memory_space<hbm>> -> memref<32x64xf32, #tpu.memory_space<hbm>>
      %dma_start3A_135 = arith.constant 0 : i32
      %dma_start3A_136 = tpu.memref_slice %arg3[%mul3A_132, %dma_start3A_135] : memref<800000x64xf32, #tpu.memory_space<hbm>> -> memref<32x64xf32, #tpu.memory_space<hbm>>
      tpu.enqueue_dma source(%dma_start3A_136 : memref<32x64xf32, #tpu.memory_space<hbm>>) target(%arg7 : memref<32x64xf32, #tpu.memory_space<vmem>>) target_semaphore(%arg18 : memref<!tpu.dma_semaphore, #tpu.memory_space<semaphore_mem>>)
      %get3A = arith.constant 0 : index
      %get3A_137 = tpu.vector_load %arg10[%get3A] {strides = array<i32>} : memref<32xi32, #tpu.memory_space<vmem>>, vector<16xi32>,
      %get3A_138 = vector.shape_cast %get3A_137 : vector<16xi32> to vector<16xi32>
      %sub3A_139 = vector.broadcast %mul3A_0 : i32 to vector<16xi32>
      %sub3A_140 = arith.subi %get3A_138, %sub3A_139 : vector<16xi32>
      %and3A_141 = arith.constant 1 : i32
      %and3A_142 = vector.broadcast %and3A_141 : i32 to vector<16xi32>
      %and3A_143 = arith.andi %sub3A_140, %and3A_142 : vector<16xi32>
      %eq3A_144 = arith.constant 0 : i32
      %eq3A_145 = vector.broadcast %eq3A_144 : i32 to vector<16xi32>
      %eq3A_146 = arith.cmpi eq, %and3A_143, %eq3A_145 : vector<16xi32>
      %ge3A = arith.constant 0 : i32
      %ge3A_147 = vector.broadcast %ge3A : i32 to vector<16xi32>
      %ge3A_148 = arith.cmpi sge, %sub3A_140, %ge3A_147 : vector<16xi32>
      %lt3A = vector.broadcast %select_n3A : i32 to vector<16xi32>
      %lt3A_149 = arith.cmpi slt, %sub3A_140, %lt3A : vector<16xi32>
      %and3A_150 = arith.andi %ge3A_148, %lt3A_149 : vector<16xi1>
      %iota3A = tpu.iota {dimensions = array<i32: 0>} : vector<16xi32>
      %add3A_151 = arith.constant 0 : i32
      %add3A_152 = vector.broadcast %add3A_151 : i32 to vector<16xi32>
      %add3A_153 = arith.addi %iota3A, %add3A_152 : vector<16xi32>
      %and3A_154 = arith.constant 15 : i32
      %and3A_155 = vector.broadcast %and3A_154 : i32 to vector<16xi32>
      %and3A_156 = arith.andi %add3A_153, %and3A_155 : vector<16xi32>
      %add3A_157 = arith.constant 12520 : i32
      %add3A_158 = vector.broadcast %add3A_157 : i32 to vector<16xi32>
      %add3A_159 = arith.addi %add3A_158, %and3A_156 : vector<16xi32>
      %and3A_160 = arith.constant 15 : i32
      %and3A_161 = vector.broadcast %and3A_160 : i32 to vector<16xi32>
      %and3A_162 = arith.andi %add3A_153, %and3A_161 : vector<16xi32>
      %add3A_163 = arith.constant 12536 : i32
      %add3A_164 = vector.broadcast %add3A_163 : i32 to vector<16xi32>
      %add3A_165 = arith.addi %add3A_164, %and3A_162 : vector<16xi32>
      %shift_right_arithmetic3A = arith.constant 1 : i32
      %shift_right_arithmetic3A_166 = vector.broadcast %shift_right_arithmetic3A : i32 to vector<16xi32>
      %shift_right_arithmetic3A_167 = arith.shrsi %sub3A_140, %shift_right_arithmetic3A_166 : vector<16xi32>
      %select_n3A_168 = arith.select %and3A_150, %shift_right_arithmetic3A_167, %add3A_159 : vector<16xi1>, vector<16xi32>
      %select_n3A_169 = arith.select %eq3A_146, %select_n3A_168, %add3A_159 : vector<16xi1>, vector<16xi32>
      %swap3A = arith.constant 0 : i32
      %swap3A_170 = arith.index_cast %swap3A : i32 to index
      %swap3A_171 = arith.constant 0 : index
      %swap3A_172 = tpu.vector_load %arg12[%swap3A_170, %swap3A_171] {strides = array<i32>} : memref<1x32xi32, #tpu.memory_space<vmem>>, vector<1x16xi32>,
      %swap3A_173 = vector.shape_cast %swap3A_172 : vector<1x16xi32> to vector<16xi32>
      %swap3A_174 = vector.shape_cast %select_n3A_169 : vector<16xi32> to vector<1x16xi32>
      tpu.vector_store %arg12[%swap3A_170, %swap3A_171], %swap3A_174 {strides = array<i32>} : memref<1x32xi32, #tpu.memory_space<vmem>>, vector<1x16xi32>,
      %shift_right_arithmetic3A_175 = arith.constant 1 : i32
      %shift_right_arithmetic3A_176 = vector.broadcast %shift_right_arithmetic3A_175 : i32 to vector<16xi32>
      %shift_right_arithmetic3A_177 = arith.shrsi %sub3A_140, %shift_right_arithmetic3A_176 : vector<16xi32>
      %select_n3A_178 = arith.select %and3A_150, %shift_right_arithmetic3A_177, %add3A_165 : vector<16xi1>, vector<16xi32>
      %select_n3A_179 = arith.select %eq3A_146, %add3A_165, %select_n3A_178 : vector<16xi1>, vector<16xi32>
      %swap3A_180 = arith.constant 0 : i32
      %swap3A_181 = arith.index_cast %swap3A_180 : i32 to index
      %swap3A_182 = arith.constant 0 : index
      %swap3A_183 = tpu.vector_load %arg13[%swap3A_181, %swap3A_182] {strides = array<i32>} : memref<1x32xi32, #tpu.memory_space<vmem>>, vector<1x16xi32>,
      %swap3A_184 = vector.shape_cast %swap3A_183 : vector<1x16xi32> to vector<16xi32>
      %swap3A_185 = vector.shape_cast %select_n3A_179 : vector<16xi32> to vector<1x16xi32>
      tpu.vector_store %arg13[%swap3A_181, %swap3A_182], %swap3A_185 {strides = array<i32>} : memref<1x32xi32, #tpu.memory_space<vmem>>, vector<1x16xi32>,
      %get3A_186 = arith.constant 16 : index
      %get3A_187 = tpu.vector_load %arg10[%get3A_186] {strides = array<i32>} : memref<32xi32, #tpu.memory_space<vmem>>, vector<16xi32>,
      %get3A_188 = vector.shape_cast %get3A_187 : vector<16xi32> to vector<16xi32>
      %sub3A_189 = vector.broadcast %mul3A_0 : i32 to vector<16xi32>
      %sub3A_190 = arith.subi %get3A_188, %sub3A_189 : vector<16xi32>
      %and3A_191 = arith.constant 1 : i32
      %and3A_192 = vector.broadcast %and3A_191 : i32 to vector<16xi32>
      %and3A_193 = arith.andi %sub3A_190, %and3A_192 : vector<16xi32>
      %eq3A_194 = arith.constant 0 : i32
      %eq3A_195 = vector.broadcast %eq3A_194 : i32 to vector<16xi32>
      %eq3A_196 = arith.cmpi eq, %and3A_193, %eq3A_195 : vector<16xi32>
      %ge3A_197 = arith.constant 0 : i32
      %ge3A_198 = vector.broadcast %ge3A_197 : i32 to vector<16xi32>
      %ge3A_199 = arith.cmpi sge, %sub3A_190, %ge3A_198 : vector<16xi32>
      %lt3A_200 = vector.broadcast %select_n3A : i32 to vector<16xi32>
      %lt3A_201 = arith.cmpi slt, %sub3A_190, %lt3A_200 : vector<16xi32>
      %and3A_202 = arith.andi %ge3A_199, %lt3A_201 : vector<16xi1>
      %iota3A_203 = tpu.iota {dimensions = array<i32: 0>} : vector<16xi32>
      %add3A_204 = arith.constant 16 : i32
      %add3A_205 = vector.broadcast %add3A_204 : i32 to vector<16xi32>
      %add3A_206 = arith.addi %iota3A_203, %add3A_205 : vector<16xi32>
      %and3A_207 = arith.constant 15 : i32
      %and3A_208 = vector.broadcast %and3A_207 : i32 to vector<16xi32>
      %and3A_209 = arith.andi %add3A_206, %and3A_208 : vector<16xi32>
      %add3A_210 = arith.constant 12520 : i32
      %add3A_211 = vector.broadcast %add3A_210 : i32 to vector<16xi32>
      %add3A_212 = arith.addi %add3A_211, %and3A_209 : vector<16xi32>
      %and3A_213 = arith.constant 15 : i32
      %and3A_214 = vector.broadcast %and3A_213 : i32 to vector<16xi32>
      %and3A_215 = arith.andi %add3A_206, %and3A_214 : vector<16xi32>
      %add3A_216 = arith.constant 12536 : i32
      %add3A_217 = vector.broadcast %add3A_216 : i32 to vector<16xi32>
      %add3A_218 = arith.addi %add3A_217, %and3A_215 : vector<16xi32>
      %shift_right_arithmetic3A_219 = arith.constant 1 : i32
      %shift_right_arithmetic3A_220 = vector.broadcast %shift_right_arithmetic3A_219 : i32 to vector<16xi32>
      %shift_right_arithmetic3A_221 = arith.shrsi %sub3A_190, %shift_right_arithmetic3A_220 : vector<16xi32>
      %select_n3A_222 = arith.select %and3A_202, %shift_right_arithmetic3A_221, %add3A_212 : vector<16xi1>, vector<16xi32>
      %select_n3A_223 = arith.select %eq3A_196, %select_n3A_222, %add3A_212 : vector<16xi1>, vector<16xi32>
      %swap3A_224 = arith.constant 0 : i32
      %swap3A_225 = arith.index_cast %swap3A_224 : i32 to index
      %swap3A_226 = arith.constant 16 : index
      %swap3A_227 = tpu.vector_load %arg12[%swap3A_225, %swap3A_226] {strides = array<i32>} : memref<1x32xi32, #tpu.memory_space<vmem>>, vector<1x16xi32>,
      %swap3A_228 = vector.shape_cast %swap3A_227 : vector<1x16xi32> to vector<16xi32>
      %swap3A_229 = vector.shape_cast %select_n3A_223 : vector<16xi32> to vector<1x16xi32>
      tpu.vector_store %arg12[%swap3A_225, %swap3A_226], %swap3A_229 {strides = array<i32>} : memref<1x32xi32, #tpu.memory_space<vmem>>, vector<1x16xi32>,
      %shift_right_arithmetic3A_230 = arith.constant 1 : i32
      %shift_right_arithmetic3A_231 = vector.broadcast %shift_right_arithmetic3A_230 : i32 to vector<16xi32>
      %shift_right_arithmetic3A_232 = arith.shrsi %sub3A_190, %shift_right_arithmetic3A_231 : vector<16xi32>
      %select_n3A_233 = arith.select %and3A_202, %shift_right_arithmetic3A_232, %add3A_218 : vector<16xi1>, vector<16xi32>
      %select_n3A_234 = arith.select %eq3A_196, %add3A_218, %select_n3A_233 : vector<16xi1>, vector<16xi32>
      %swap3A_235 = arith.constant 0 : i32
      %swap3A_236 = arith.index_cast %swap3A_235 : i32 to index
      %swap3A_237 = arith.constant 16 : index
      %swap3A_238 = tpu.vector_load %arg13[%swap3A_236, %swap3A_237] {strides = array<i32>} : memref<1x32xi32, #tpu.memory_space<vmem>>, vector<1x16xi32>,
      %swap3A_239 = vector.shape_cast %swap3A_238 : vector<1x16xi32> to vector<16xi32>
      %swap3A_240 = vector.shape_cast %select_n3A_234 : vector<16xi32> to vector<1x16xi32>
      tpu.vector_store %arg13[%swap3A_236, %swap3A_237], %swap3A_240 {strides = array<i32>} : memref<1x32xi32, #tpu.memory_space<vmem>>, vector<1x16xi32>,
      %dma_wait3A = arith.constant 0 : i32
      %dma_wait3A_241 = tpu.memref_slice %arg3[%mul3A_132, %dma_wait3A] : memref<800000x64xf32, #tpu.memory_space<hbm>> -> memref<32x64xf32, #tpu.memory_space<hbm>>
      %dma_wait3A_242 = arith.constant 0 : i32
      %dma_wait3A_243 = tpu.memref_slice %arg3[%mul3A_132, %dma_wait3A_242] : memref<800000x64xf32, #tpu.memory_space<hbm>> -> memref<32x64xf32, #tpu.memory_space<hbm>>
      tpu.wait_dma2 semaphore(%arg18 : memref<!tpu.dma_semaphore, #tpu.memory_space<semaphore_mem>>) src(%dma_wait3A_243 : memref<32x64xf32, #tpu.memory_space<hbm>>) dst(%arg7 : memref<32x64xf32, #tpu.memory_space<vmem>>)
      %dma_wait3A_244 = arith.constant 0 : i32
      %dma_wait3A_245 = arith.constant 0 : i32
      %dma_wait3A_246 = tpu.memref_slice %arg2[%dma_wait3A_244, %dma_wait3A_245] : memref<50000x128xf32, #tpu.memory_space<hbm>> -> memref<50000x128xf32, #tpu.memory_space<hbm>>
      tpu.wait_indirect_dma semaphore(%arg17 : memref<!tpu.dma_semaphore, #tpu.memory_space<semaphore_mem>>) src(%dma_wait3A_246 : memref<50000x128xf32, #tpu.memory_space<hbm>>) dst(%arg8 : memref<32x128xf32, #tpu.memory_space<vmem>>)
      %scan3A_247 = arith.constant 0 : i32
      %scan3A_248 = arith.constant 0 : i32
      %scan3A_249 = arith.constant 32 : i32
      %scan3A_250 = arith.addi %scan3A_248, %scan3A_249 : i32
      %scan3A_251 = arith.constant 1 : i32
      %scan3A_252 = scf.for %scan3A_256 = %scan3A_248 to %scan3A_250 step %scan3A_251 iter_args(%scan3A_257 = %scan3A_247) -> (i32)  : i32 {
        %get3A_258 = arith.index_cast %scan3A_256 : i32 to index
        %get3A_259 = arith.constant 0 : index
        %get3A_260 = tpu.vector_load %arg8[%get3A_258, %get3A_259] {strides = array<i32>} : memref<32x128xf32, #tpu.memory_space<vmem>>, vector<1x16xf32>,
        %get3A_261 = vector.shape_cast %get3A_260 : vector<1x16xf32> to vector<16xf32>
        %get3A_262 = arith.index_cast %scan3A_256 : i32 to index
        %get3A_263 = arith.constant 0 : index
        %get3A_264 = tpu.vector_load %arg7[%get3A_262, %get3A_263] {strides = array<i32>} : memref<32x64xf32, #tpu.memory_space<vmem>>, vector<1x16xf32>,
        %get3A_265 = vector.shape_cast %get3A_264 : vector<1x16xf32> to vector<16xf32>
        %add3A_266 = arith.addf %get3A_265, %get3A_261 : vector<16xf32>
        %max3A = arith.constant 0.000000e+00 : f32
        %max3A_267 = vector.broadcast %max3A : f32 to vector<16xf32>
        %max3A_268 = arith.maximumf %add3A_266, %max3A_267 : vector<16xf32>
        %swap3A_269 = arith.index_cast %scan3A_256 : i32 to index
        %swap3A_270 = arith.constant 0 : index
        %swap3A_271 = tpu.vector_load %arg8[%swap3A_269, %swap3A_270] {strides = array<i32>} : memref<32x128xf32, #tpu.memory_space<vmem>>, vector<1x16xf32>,
        %swap3A_272 = vector.shape_cast %swap3A_271 : vector<1x16xf32> to vector<16xf32>
        %swap3A_273 = vector.shape_cast %max3A_268 : vector<16xf32> to vector<1x16xf32>
        tpu.vector_store %arg8[%swap3A_269, %swap3A_270], %swap3A_273 {strides = array<i32>} : memref<32x128xf32, #tpu.memory_space<vmem>>, vector<1x16xf32>,
        %swap3A_274 = arith.index_cast %scan3A_256 : i32 to index
        %swap3A_275 = arith.constant 64 : index
        %swap3A_276 = tpu.vector_load %arg11[%swap3A_274, %swap3A_275] {strides = array<i32>} : memref<32x128xf32, #tpu.memory_space<vmem>>, vector<1x16xf32>,
        %swap3A_277 = vector.shape_cast %swap3A_276 : vector<1x16xf32> to vector<16xf32>
        %swap3A_278 = vector.shape_cast %max3A_268 : vector<16xf32> to vector<1x16xf32>
        tpu.vector_store %arg11[%swap3A_274, %swap3A_275], %swap3A_278 {strides = array<i32>} : memref<32x128xf32, #tpu.memory_space<vmem>>, vector<1x16xf32>,
        %get3A_279 = arith.index_cast %scan3A_256 : i32 to index
        %get3A_280 = arith.constant 16 : index
        %get3A_281 = tpu.vector_load %arg8[%get3A_279, %get3A_280] {strides = array<i32>} : memref<32x128xf32, #tpu.memory_space<vmem>>, vector<1x16xf32>,
        %get3A_282 = vector.shape_cast %get3A_281 : vector<1x16xf32> to vector<16xf32>
        %get3A_283 = arith.index_cast %scan3A_256 : i32 to index
        %get3A_284 = arith.constant 16 : index
        %get3A_285 = tpu.vector_load %arg7[%get3A_283, %get3A_284] {strides = array<i32>} : memref<32x64xf32, #tpu.memory_space<vmem>>, vector<1x16xf32>,
        %get3A_286 = vector.shape_cast %get3A_285 : vector<1x16xf32> to vector<16xf32>
        %add3A_287 = arith.addf %get3A_286, %get3A_282 : vector<16xf32>
        %max3A_288 = arith.constant 0.000000e+00 : f32
        %max3A_289 = vector.broadcast %max3A_288 : f32 to vector<16xf32>
        %max3A_290 = arith.maximumf %add3A_287, %max3A_289 : vector<16xf32>
        %swap3A_291 = arith.index_cast %scan3A_256 : i32 to index
        %swap3A_292 = arith.constant 16 : index
        %swap3A_293 = tpu.vector_load %arg8[%swap3A_291, %swap3A_292] {strides = array<i32>} : memref<32x128xf32, #tpu.memory_space<vmem>>, vector<1x16xf32>,
        %swap3A_294 = vector.shape_cast %swap3A_293 : vector<1x16xf32> to vector<16xf32>
        %swap3A_295 = vector.shape_cast %max3A_290 : vector<16xf32> to vector<1x16xf32>
        tpu.vector_store %arg8[%swap3A_291, %swap3A_292], %swap3A_295 {strides = array<i32>} : memref<32x128xf32, #tpu.memory_space<vmem>>, vector<1x16xf32>,
        %swap3A_296 = arith.index_cast %scan3A_256 : i32 to index
        %swap3A_297 = arith.constant 80 : index
        %swap3A_298 = tpu.vector_load %arg11[%swap3A_296, %swap3A_297] {strides = array<i32>} : memref<32x128xf32, #tpu.memory_space<vmem>>, vector<1x16xf32>,
        %swap3A_299 = vector.shape_cast %swap3A_298 : vector<1x16xf32> to vector<16xf32>
        %swap3A_300 = vector.shape_cast %max3A_290 : vector<16xf32> to vector<1x16xf32>
        tpu.vector_store %arg11[%swap3A_296, %swap3A_297], %swap3A_300 {strides = array<i32>} : memref<32x128xf32, #tpu.memory_space<vmem>>, vector<1x16xf32>,
        %get3A_301 = arith.index_cast %scan3A_256 : i32 to index
        %get3A_302 = arith.constant 32 : index
        %get3A_303 = tpu.vector_load %arg8[%get3A_301, %get3A_302] {strides = array<i32>} : memref<32x128xf32, #tpu.memory_space<vmem>>, vector<1x16xf32>,
        %get3A_304 = vector.shape_cast %get3A_303 : vector<1x16xf32> to vector<16xf32>
        %get3A_305 = arith.index_cast %scan3A_256 : i32 to index
        %get3A_306 = arith.constant 32 : index
        %get3A_307 = tpu.vector_load %arg7[%get3A_305, %get3A_306] {strides = array<i32>} : memref<32x64xf32, #tpu.memory_space<vmem>>, vector<1x16xf32>,
        %get3A_308 = vector.shape_cast %get3A_307 : vector<1x16xf32> to vector<16xf32>
        %add3A_309 = arith.addf %get3A_308, %get3A_304 : vector<16xf32>
        %max3A_310 = arith.constant 0.000000e+00 : f32
        %max3A_311 = vector.broadcast %max3A_310 : f32 to vector<16xf32>
        %max3A_312 = arith.maximumf %add3A_309, %max3A_311 : vector<16xf32>
        %swap3A_313 = arith.index_cast %scan3A_256 : i32 to index
        %swap3A_314 = arith.constant 32 : index
        %swap3A_315 = tpu.vector_load %arg8[%swap3A_313, %swap3A_314] {strides = array<i32>} : memref<32x128xf32, #tpu.memory_space<vmem>>, vector<1x16xf32>,
        %swap3A_316 = vector.shape_cast %swap3A_315 : vector<1x16xf32> to vector<16xf32>
        %swap3A_317 = vector.shape_cast %max3A_312 : vector<16xf32> to vector<1x16xf32>
        tpu.vector_store %arg8[%swap3A_313, %swap3A_314], %swap3A_317 {strides = array<i32>} : memref<32x128xf32, #tpu.memory_space<vmem>>, vector<1x16xf32>,
        %swap3A_318 = arith.index_cast %scan3A_256 : i32 to index
        %swap3A_319 = arith.constant 96 : index
        %swap3A_320 = tpu.vector_load %arg11[%swap3A_318, %swap3A_319] {strides = array<i32>} : memref<32x128xf32, #tpu.memory_space<vmem>>, vector<1x16xf32>,
        %swap3A_321 = vector.shape_cast %swap3A_320 : vector<1x16xf32> to vector<16xf32>
        %swap3A_322 = vector.shape_cast %max3A_312 : vector<16xf32> to vector<1x16xf32>
        tpu.vector_store %arg11[%swap3A_318, %swap3A_319], %swap3A_322 {strides = array<i32>} : memref<32x128xf32, #tpu.memory_space<vmem>>, vector<1x16xf32>,
        %get3A_323 = arith.index_cast %scan3A_256 : i32 to index
        %get3A_324 = arith.constant 48 : index
        %get3A_325 = tpu.vector_load %arg8[%get3A_323, %get3A_324] {strides = array<i32>} : memref<32x128xf32, #tpu.memory_space<vmem>>, vector<1x16xf32>,
        %get3A_326 = vector.shape_cast %get3A_325 : vector<1x16xf32> to vector<16xf32>
        %get3A_327 = arith.index_cast %scan3A_256 : i32 to index
        %get3A_328 = arith.constant 48 : index
        %get3A_329 = tpu.vector_load %arg7[%get3A_327, %get3A_328] {strides = array<i32>} : memref<32x64xf32, #tpu.memory_space<vmem>>, vector<1x16xf32>,
        %get3A_330 = vector.shape_cast %get3A_329 : vector<1x16xf32> to vector<16xf32>
        %add3A_331 = arith.addf %get3A_330, %get3A_326 : vector<16xf32>
        %max3A_332 = arith.constant 0.000000e+00 : f32
        %max3A_333 = vector.broadcast %max3A_332 : f32 to vector<16xf32>
        %max3A_334 = arith.maximumf %add3A_331, %max3A_333 : vector<16xf32>
        %swap3A_335 = arith.index_cast %scan3A_256 : i32 to index
        %swap3A_336 = arith.constant 48 : index
        %swap3A_337 = tpu.vector_load %arg8[%swap3A_335, %swap3A_336] {strides = array<i32>} : memref<32x128xf32, #tpu.memory_space<vmem>>, vector<1x16xf32>,
        %swap3A_338 = vector.shape_cast %swap3A_337 : vector<1x16xf32> to vector<16xf32>
        %swap3A_339 = vector.shape_cast %max3A_334 : vector<16xf32> to vector<1x16xf32>
        tpu.vector_store %arg8[%swap3A_335, %swap3A_336], %swap3A_339 {strides = array<i32>} : memref<32x128xf32, #tpu.memory_space<vmem>>, vector<1x16xf32>,
        %swap3A_340 = arith.index_cast %scan3A_256 : i32 to index
        %swap3A_341 = arith.constant 112 : index
        %swap3A_342 = tpu.vector_load %arg11[%swap3A_340, %swap3A_341] {strides = array<i32>} : memref<32x128xf32, #tpu.memory_space<vmem>>, vector<1x16xf32>,
        %swap3A_343 = vector.shape_cast %swap3A_342 : vector<1x16xf32> to vector<16xf32>
        %swap3A_344 = vector.shape_cast %max3A_334 : vector<16xf32> to vector<1x16xf32>
        tpu.vector_store %arg11[%swap3A_340, %swap3A_341], %swap3A_344 {strides = array<i32>} : memref<32x128xf32, #tpu.memory_space<vmem>>, vector<1x16xf32>,
        %scan3A_345 = arith.constant 0 : i32
        scf.yield %scan3A_345 : i32
      }
      %scan3A_253 = arith.constant 32 : i32
      %run_scoped3A = arith.constant 0 : i32
      "tpu.region"() ({
        %run_scoped3A_256 = tpu.sem_alloc : memref<!tpu.dma_semaphore, #tpu.memory_space<semaphore_mem>>
        %dma_start3A_257 = arith.constant 0 : i32
        %dma_start3A_258 = tpu.memref_slice %arg12[%run_scoped3A, %dma_start3A_257] : memref<1x32xi32, #tpu.memory_space<vmem>> -> memref<1x32xi32, #tpu.memory_space<vmem>>
        %dma_start3A_259 = tpu.memref_squeeze %dma_start3A_258 : memref<1x32xi32, #tpu.memory_space<vmem>> -> memref<32xi32, #tpu.memory_space<vmem>>
        %dma_start3A_260 = arith.constant 0 : i32
        %dma_start3A_261 = arith.constant 0 : i32
        %dma_start3A_262 = tpu.memref_slice %arg16[%dma_start3A_260, %dma_start3A_261] : memref<12560x128xf32, #tpu.memory_space<vmem_shared>> -> memref<12560x128xf32, #tpu.memory_space<vmem_shared>>
        tpu.enqueue_indirect_dma source(%arg8 : memref<32x128xf32, #tpu.memory_space<vmem>>) target(%dma_start3A_262 : memref<12560x128xf32, #tpu.memory_space<vmem_shared>>) offsets(%dma_start3A_259 : memref<32xi32, #tpu.memory_space<vmem>>) semaphore(%run_scoped3A_256 : memref<!tpu.dma_semaphore, #tpu.memory_space<semaphore_mem>>) {add = true}
        %dma_wait3A_263 = arith.constant 0 : i32
        %dma_wait3A_264 = tpu.memref_slice %arg12[%run_scoped3A, %dma_wait3A_263] : memref<1x32xi32, #tpu.memory_space<vmem>> -> memref<1x32xi32, #tpu.memory_space<vmem>>
        %dma_wait3A_265 = tpu.memref_squeeze %dma_wait3A_264 : memref<1x32xi32, #tpu.memory_space<vmem>> -> memref<32xi32, #tpu.memory_space<vmem>>
        %dma_wait3A_266 = arith.constant 0 : i32
        %dma_wait3A_267 = arith.constant 0 : i32
        %dma_wait3A_268 = tpu.memref_slice %arg16[%dma_wait3A_266, %dma_wait3A_267] : memref<12560x128xf32, #tpu.memory_space<vmem_shared>> -> memref<12560x128xf32, #tpu.memory_space<vmem_shared>>
        tpu.wait_indirect_dma semaphore(%run_scoped3A_256 : memref<!tpu.dma_semaphore, #tpu.memory_space<semaphore_mem>>) src(%arg8 : memref<32x128xf32, #tpu.memory_space<vmem>>) dst(%dma_wait3A_268 : memref<12560x128xf32, #tpu.memory_space<vmem_shared>>)
        tpu.yield
      }) : () -> ()
      %run_scoped3A_254 = arith.constant 0 : i32
      "tpu.region"() ({
        %run_scoped3A_256 = tpu.sem_alloc : memref<!tpu.dma_semaphore, #tpu.memory_space<semaphore_mem>>
        %dma_start3A_257 = arith.constant 0 : i32
        %dma_start3A_258 = tpu.memref_slice %arg13[%run_scoped3A_254, %dma_start3A_257] : memref<1x32xi32, #tpu.memory_space<vmem>> -> memref<1x32xi32, #tpu.memory_space<vmem>>
        %dma_start3A_259 = tpu.memref_squeeze %dma_start3A_258 : memref<1x32xi32, #tpu.memory_space<vmem>> -> memref<32xi32, #tpu.memory_space<vmem>>
        %dma_start3A_260 = arith.constant 0 : i32
        %dma_start3A_261 = arith.constant 0 : i32
        %dma_start3A_262 = tpu.memref_slice %arg16[%dma_start3A_260, %dma_start3A_261] : memref<12560x128xf32, #tpu.memory_space<vmem_shared>> -> memref<12560x128xf32, #tpu.memory_space<vmem_shared>>
        tpu.enqueue_indirect_dma source(%arg11 : memref<32x128xf32, #tpu.memory_space<vmem>>) target(%dma_start3A_262 : memref<12560x128xf32, #tpu.memory_space<vmem_shared>>) offsets(%dma_start3A_259 : memref<32xi32, #tpu.memory_space<vmem>>) semaphore(%run_scoped3A_256 : memref<!tpu.dma_semaphore, #tpu.memory_space<semaphore_mem>>) {add = true}
        %dma_wait3A_263 = arith.constant 0 : i32
        %dma_wait3A_264 = tpu.memref_slice %arg13[%run_scoped3A_254, %dma_wait3A_263] : memref<1x32xi32, #tpu.memory_space<vmem>> -> memref<1x32xi32, #tpu.memory_space<vmem>>
        %dma_wait3A_265 = tpu.memref_squeeze %dma_wait3A_264 : memref<1x32xi32, #tpu.memory_space<vmem>> -> memref<32xi32, #tpu.memory_space<vmem>>
        %dma_wait3A_266 = arith.constant 0 : i32
        %dma_wait3A_267 = arith.constant 0 : i32
        %dma_wait3A_268 = tpu.memref_slice %arg16[%dma_wait3A_266, %dma_wait3A_267] : memref<12560x128xf32, #tpu.memory_space<vmem_shared>> -> memref<12560x128xf32, #tpu.memory_space<vmem_shared>>
        tpu.wait_indirect_dma semaphore(%run_scoped3A_256 : memref<!tpu.dma_semaphore, #tpu.memory_space<semaphore_mem>>) src(%arg11 : memref<32x128xf32, #tpu.memory_space<vmem>>) dst(%dma_wait3A_268 : memref<12560x128xf32, #tpu.memory_space<vmem_shared>>)
        tpu.yield
      }) : () -> ()
      %while3A_255 = arith.constant 0 : i32
      scf.yield %while3A_255 : i32
    }
    %while3A_85 = arith.constant 1 : i32
    %while3A_86 = scf.for %while3A_123 = %while3A_82 to %while3A_78 step %while3A_85 iter_args(%while3A_124 = %while3A_84) -> (i32)  : i32 {
      %mul3A_125 = arith.constant 32 : i32
      %mul3A_126 = arith.muli %while3A_123, %mul3A_125 : i32
      "tpu.region"() ({
        %run_scoped3A_256 = tpu.sem_alloc : memref<!tpu.dma_semaphore, #tpu.memory_space<semaphore_mem>>
        %dma_start3A_257 = tpu.memref_slice %arg4[%mul3A_126] : memref<800000xi32, #tpu.memory_space<hbm>> -> memref<32xi32, #tpu.memory_space<hbm>>
        %dma_start3A_258 = tpu.memref_slice %arg4[%mul3A_126] : memref<800000xi32, #tpu.memory_space<hbm>> -> memref<32xi32, #tpu.memory_space<hbm>>
        tpu.enqueue_dma source(%dma_start3A_258 : memref<32xi32, #tpu.memory_space<hbm>>) target(%arg9 : memref<32xi32, #tpu.memory_space<vmem>>) target_semaphore(%run_scoped3A_256 : memref<!tpu.dma_semaphore, #tpu.memory_space<semaphore_mem>>)
        %dma_wait3A_259 = tpu.memref_slice %arg4[%mul3A_126] : memref<800000xi32, #tpu.memory_space<hbm>> -> memref<32xi32, #tpu.memory_space<hbm>>
        %dma_wait3A_260 = tpu.memref_slice %arg4[%mul3A_126] : memref<800000xi32, #tpu.memory_space<hbm>> -> memref<32xi32, #tpu.memory_space<hbm>>
        tpu.wait_dma2 semaphore(%run_scoped3A_256 : memref<!tpu.dma_semaphore, #tpu.memory_space<semaphore_mem>>) src(%dma_wait3A_260 : memref<32xi32, #tpu.memory_space<hbm>>) dst(%arg9 : memref<32xi32, #tpu.memory_space<vmem>>)
        tpu.yield
      }) : () -> ()
      %mul3A_127 = arith.constant 32 : i32
      %mul3A_128 = arith.muli %while3A_123, %mul3A_127 : i32
      "tpu.region"() ({
        %run_scoped3A_256 = tpu.sem_alloc : memref<!tpu.dma_semaphore, #tpu.memory_space<semaphore_mem>>
        %dma_start3A_257 = tpu.memref_slice %arg5[%mul3A_128] : memref<800000xi32, #tpu.memory_space<hbm>> -> memref<32xi32, #tpu.memory_space<hbm>>
        %dma_start3A_258 = tpu.memref_slice %arg5[%mul3A_128] : memref<800000xi32, #tpu.memory_space<hbm>> -> memref<32xi32, #tpu.memory_space<hbm>>
        tpu.enqueue_dma source(%dma_start3A_258 : memref<32xi32, #tpu.memory_space<hbm>>) target(%arg10 : memref<32xi32, #tpu.memory_space<vmem>>) target_semaphore(%run_scoped3A_256 : memref<!tpu.dma_semaphore, #tpu.memory_space<semaphore_mem>>)
        %dma_wait3A_259 = tpu.memref_slice %arg5[%mul3A_128] : memref<800000xi32, #tpu.memory_space<hbm>> -> memref<32xi32, #tpu.memory_space<hbm>>
        %dma_wait3A_260 = tpu.memref_slice %arg5[%mul3A_128] : memref<800000xi32, #tpu.memory_space<hbm>> -> memref<32xi32, #tpu.memory_space<hbm>>
        tpu.wait_dma2 semaphore(%run_scoped3A_256 : memref<!tpu.dma_semaphore, #tpu.memory_space<semaphore_mem>>) src(%dma_wait3A_260 : memref<32xi32, #tpu.memory_space<hbm>>) dst(%arg10 : memref<32xi32, #tpu.memory_space<vmem>>)
        tpu.yield
      }) : () -> ()
      %dma_start3A = arith.constant 0 : i32
      %dma_start3A_129 = arith.constant 0 : i32
      %dma_start3A_130 = tpu.memref_slice %arg2[%dma_start3A, %dma_start3A_129] : memref<50000x128xf32, #tpu.memory_space<hbm>> -> memref<50000x128xf32, #tpu.memory_space<hbm>>
      tpu.enqueue_indirect_dma source(%dma_start3A_130 : memref<50000x128xf32, #tpu.memory_space<hbm>>) target(%arg8 : memref<32x128xf32, #tpu.memory_space<vmem>>) offsets(%arg9 : memref<32xi32, #tpu.memory_space<vmem>>) semaphore(%arg17 : memref<!tpu.dma_semaphore, #tpu.memory_space<semaphore_mem>>)
      %mul3A_131 = arith.constant 32 : i32
      %mul3A_132 = arith.muli %while3A_123, %mul3A_131 : i32
      %dma_start3A_133 = arith.constant 0 : i32
      %dma_start3A_134 = tpu.memref_slice %arg3[%mul3A_132, %dma_start3A_133] : memref<800000x64xf32, #tpu.memory_space<hbm>> -> memref<32x64xf32, #tpu.memory_space<hbm>>
      %dma_start3A_135 = arith.constant 0 : i32
      %dma_start3A_136 = tpu.memref_slice %arg3[%mul3A_132, %dma_start3A_135] : memref<800000x64xf32, #tpu.memory_space<hbm>> -> memref<32x64xf32, #tpu.memory_space<hbm>>
      tpu.enqueue_dma source(%dma_start3A_136 : memref<32x64xf32, #tpu.memory_space<hbm>>) target(%arg7 : memref<32x64xf32, #tpu.memory_space<vmem>>) target_semaphore(%arg18 : memref<!tpu.dma_semaphore, #tpu.memory_space<semaphore_mem>>)
      %get3A = arith.constant 0 : index
      %get3A_137 = tpu.vector_load %arg10[%get3A] {strides = array<i32>} : memref<32xi32, #tpu.memory_space<vmem>>, vector<16xi32>,
      %get3A_138 = vector.shape_cast %get3A_137 : vector<16xi32> to vector<16xi32>
      %sub3A_139 = vector.broadcast %mul3A_0 : i32 to vector<16xi32>
      %sub3A_140 = arith.subi %get3A_138, %sub3A_139 : vector<16xi32>
      %and3A_141 = arith.constant 1 : i32
      %and3A_142 = vector.broadcast %and3A_141 : i32 to vector<16xi32>
      %and3A_143 = arith.andi %sub3A_140, %and3A_142 : vector<16xi32>
      %eq3A_144 = arith.constant 0 : i32
      %eq3A_145 = vector.broadcast %eq3A_144 : i32 to vector<16xi32>
      %eq3A_146 = arith.cmpi eq, %and3A_143, %eq3A_145 : vector<16xi32>
      %ge3A = arith.constant 0 : i32
      %ge3A_147 = vector.broadcast %ge3A : i32 to vector<16xi32>
      %ge3A_148 = arith.cmpi sge, %sub3A_140, %ge3A_147 : vector<16xi32>
      %lt3A = vector.broadcast %select_n3A : i32 to vector<16xi32>
      %lt3A_149 = arith.cmpi slt, %sub3A_140, %lt3A : vector<16xi32>
      %and3A_150 = arith.andi %ge3A_148, %lt3A_149 : vector<16xi1>
      %iota3A = tpu.iota {dimensions = array<i32: 0>} : vector<16xi32>
      %add3A_151 = arith.constant 0 : i32
      %add3A_152 = vector.broadcast %add3A_151 : i32 to vector<16xi32>
      %add3A_153 = arith.addi %iota3A, %add3A_152 : vector<16xi32>
      %and3A_154 = arith.constant 15 : i32
      %and3A_155 = vector.broadcast %and3A_154 : i32 to vector<16xi32>
      %and3A_156 = arith.andi %add3A_153, %and3A_155 : vector<16xi32>
      %add3A_157 = arith.constant 12520 : i32
      %add3A_158 = vector.broadcast %add3A_157 : i32 to vector<16xi32>
      %add3A_159 = arith.addi %add3A_158, %and3A_156 : vector<16xi32>
      %and3A_160 = arith.constant 15 : i32
      %and3A_161 = vector.broadcast %and3A_160 : i32 to vector<16xi32>
      %and3A_162 = arith.andi %add3A_153, %and3A_161 : vector<16xi32>
      %add3A_163 = arith.constant 12536 : i32
      %add3A_164 = vector.broadcast %add3A_163 : i32 to vector<16xi32>
      %add3A_165 = arith.addi %add3A_164, %and3A_162 : vector<16xi32>
      %shift_right_arithmetic3A = arith.constant 1 : i32
      %shift_right_arithmetic3A_166 = vector.broadcast %shift_right_arithmetic3A : i32 to vector<16xi32>
      %shift_right_arithmetic3A_167 = arith.shrsi %sub3A_140, %shift_right_arithmetic3A_166 : vector<16xi32>
      %select_n3A_168 = arith.select %and3A_150, %shift_right_arithmetic3A_167, %add3A_159 : vector<16xi1>, vector<16xi32>
      %select_n3A_169 = arith.select %eq3A_146, %select_n3A_168, %add3A_159 : vector<16xi1>, vector<16xi32>
      %swap3A = arith.constant 0 : i32
      %swap3A_170 = arith.index_cast %swap3A : i32 to index
      %swap3A_171 = arith.constant 0 : index
      %swap3A_172 = tpu.vector_load %arg12[%swap3A_170, %swap3A_171] {strides = array<i32>} : memref<1x32xi32, #tpu.memory_space<vmem>>, vector<1x16xi32>,
      %swap3A_173 = vector.shape_cast %swap3A_172 : vector<1x16xi32> to vector<16xi32>
      %swap3A_174 = vector.shape_cast %select_n3A_169 : vector<16xi32> to vector<1x16xi32>
      tpu.vector_store %arg12[%swap3A_170, %swap3A_171], %swap3A_174 {strides = array<i32>} : memref<1x32xi32, #tpu.memory_space<vmem>>, vector<1x16xi32>,
      %shift_right_arithmetic3A_175 = arith.constant 1 : i32
      %shift_right_arithmetic3A_176 = vector.broadcast %shift_right_arithmetic3A_175 : i32 to vector<16xi32>
      %shift_right_arithmetic3A_177 = arith.shrsi %sub3A_140, %shift_right_arithmetic3A_176 : vector<16xi32>
      %select_n3A_178 = arith.select %and3A_150, %shift_right_arithmetic3A_177, %add3A_165 : vector<16xi1>, vector<16xi32>
      %select_n3A_179 = arith.select %eq3A_146, %add3A_165, %select_n3A_178 : vector<16xi1>, vector<16xi32>
      %swap3A_180 = arith.constant 0 : i32
      %swap3A_181 = arith.index_cast %swap3A_180 : i32 to index
      %swap3A_182 = arith.constant 0 : index
      %swap3A_183 = tpu.vector_load %arg13[%swap3A_181, %swap3A_182] {strides = array<i32>} : memref<1x32xi32, #tpu.memory_space<vmem>>, vector<1x16xi32>,
      %swap3A_184 = vector.shape_cast %swap3A_183 : vector<1x16xi32> to vector<16xi32>
      %swap3A_185 = vector.shape_cast %select_n3A_179 : vector<16xi32> to vector<1x16xi32>
      tpu.vector_store %arg13[%swap3A_181, %swap3A_182], %swap3A_185 {strides = array<i32>} : memref<1x32xi32, #tpu.memory_space<vmem>>, vector<1x16xi32>,
      %get3A_186 = arith.constant 16 : index
      %get3A_187 = tpu.vector_load %arg10[%get3A_186] {strides = array<i32>} : memref<32xi32, #tpu.memory_space<vmem>>, vector<16xi32>,
      %get3A_188 = vector.shape_cast %get3A_187 : vector<16xi32> to vector<16xi32>
      %sub3A_189 = vector.broadcast %mul3A_0 : i32 to vector<16xi32>
      %sub3A_190 = arith.subi %get3A_188, %sub3A_189 : vector<16xi32>
      %and3A_191 = arith.constant 1 : i32
      %and3A_192 = vector.broadcast %and3A_191 : i32 to vector<16xi32>
      %and3A_193 = arith.andi %sub3A_190, %and3A_192 : vector<16xi32>
      %eq3A_194 = arith.constant 0 : i32
      %eq3A_195 = vector.broadcast %eq3A_194 : i32 to vector<16xi32>
      %eq3A_196 = arith.cmpi eq, %and3A_193, %eq3A_195 : vector<16xi32>
      %ge3A_197 = arith.constant 0 : i32
      %ge3A_198 = vector.broadcast %ge3A_197 : i32 to vector<16xi32>
      %ge3A_199 = arith.cmpi sge, %sub3A_190, %ge3A_198 : vector<16xi32>
      %lt3A_200 = vector.broadcast %select_n3A : i32 to vector<16xi32>
      %lt3A_201 = arith.cmpi slt, %sub3A_190, %lt3A_200 : vector<16xi32>
      %and3A_202 = arith.andi %ge3A_199, %lt3A_201 : vector<16xi1>
      %iota3A_203 = tpu.iota {dimensions = array<i32: 0>} : vector<16xi32>
      %add3A_204 = arith.constant 16 : i32
      %add3A_205 = vector.broadcast %add3A_204 : i32 to vector<16xi32>
      %add3A_206 = arith.addi %iota3A_203, %add3A_205 : vector<16xi32>
      %and3A_207 = arith.constant 15 : i32
      %and3A_208 = vector.broadcast %and3A_207 : i32 to vector<16xi32>
      %and3A_209 = arith.andi %add3A_206, %and3A_208 : vector<16xi32>
      %add3A_210 = arith.constant 12520 : i32
      %add3A_211 = vector.broadcast %add3A_210 : i32 to vector<16xi32>
      %add3A_212 = arith.addi %add3A_211, %and3A_209 : vector<16xi32>
      %and3A_213 = arith.constant 15 : i32
      %and3A_214 = vector.broadcast %and3A_213 : i32 to vector<16xi32>
      %and3A_215 = arith.andi %add3A_206, %and3A_214 : vector<16xi32>
      %add3A_216 = arith.constant 12536 : i32
      %add3A_217 = vector.broadcast %add3A_216 : i32 to vector<16xi32>
      %add3A_218 = arith.addi %add3A_217, %and3A_215 : vector<16xi32>
      %shift_right_arithmetic3A_219 = arith.constant 1 : i32
      %shift_right_arithmetic3A_220 = vector.broadcast %shift_right_arithmetic3A_219 : i32 to vector<16xi32>
      %shift_right_arithmetic3A_221 = arith.shrsi %sub3A_190, %shift_right_arithmetic3A_220 : vector<16xi32>
      %select_n3A_222 = arith.select %and3A_202, %shift_right_arithmetic3A_221, %add3A_212 : vector<16xi1>, vector<16xi32>
      %select_n3A_223 = arith.select %eq3A_196, %select_n3A_222, %add3A_212 : vector<16xi1>, vector<16xi32>
      %swap3A_224 = arith.constant 0 : i32
      %swap3A_225 = arith.index_cast %swap3A_224 : i32 to index
      %swap3A_226 = arith.constant 16 : index
      %swap3A_227 = tpu.vector_load %arg12[%swap3A_225, %swap3A_226] {strides = array<i32>} : memref<1x32xi32, #tpu.memory_space<vmem>>, vector<1x16xi32>,
      %swap3A_228 = vector.shape_cast %swap3A_227 : vector<1x16xi32> to vector<16xi32>
      %swap3A_229 = vector.shape_cast %select_n3A_223 : vector<16xi32> to vector<1x16xi32>
      tpu.vector_store %arg12[%swap3A_225, %swap3A_226], %swap3A_229 {strides = array<i32>} : memref<1x32xi32, #tpu.memory_space<vmem>>, vector<1x16xi32>,
      %shift_right_arithmetic3A_230 = arith.constant 1 : i32
      %shift_right_arithmetic3A_231 = vector.broadcast %shift_right_arithmetic3A_230 : i32 to vector<16xi32>
      %shift_right_arithmetic3A_232 = arith.shrsi %sub3A_190, %shift_right_arithmetic3A_231 : vector<16xi32>
      %select_n3A_233 = arith.select %and3A_202, %shift_right_arithmetic3A_232, %add3A_218 : vector<16xi1>, vector<16xi32>
      %select_n3A_234 = arith.select %eq3A_196, %add3A_218, %select_n3A_233 : vector<16xi1>, vector<16xi32>
      %swap3A_235 = arith.constant 0 : i32
      %swap3A_236 = arith.index_cast %swap3A_235 : i32 to index
      %swap3A_237 = arith.constant 16 : index
      %swap3A_238 = tpu.vector_load %arg13[%swap3A_236, %swap3A_237] {strides = array<i32>} : memref<1x32xi32, #tpu.memory_space<vmem>>, vector<1x16xi32>,
      %swap3A_239 = vector.shape_cast %swap3A_238 : vector<1x16xi32> to vector<16xi32>
      %swap3A_240 = vector.shape_cast %select_n3A_234 : vector<16xi32> to vector<1x16xi32>
      tpu.vector_store %arg13[%swap3A_236, %swap3A_237], %swap3A_240 {strides = array<i32>} : memref<1x32xi32, #tpu.memory_space<vmem>>, vector<1x16xi32>,
      %dma_wait3A = arith.constant 0 : i32
      %dma_wait3A_241 = tpu.memref_slice %arg3[%mul3A_132, %dma_wait3A] : memref<800000x64xf32, #tpu.memory_space<hbm>> -> memref<32x64xf32, #tpu.memory_space<hbm>>
      %dma_wait3A_242 = arith.constant 0 : i32
      %dma_wait3A_243 = tpu.memref_slice %arg3[%mul3A_132, %dma_wait3A_242] : memref<800000x64xf32, #tpu.memory_space<hbm>> -> memref<32x64xf32, #tpu.memory_space<hbm>>
      tpu.wait_dma2 semaphore(%arg18 : memref<!tpu.dma_semaphore, #tpu.memory_space<semaphore_mem>>) src(%dma_wait3A_243 : memref<32x64xf32, #tpu.memory_space<hbm>>) dst(%arg7 : memref<32x64xf32, #tpu.memory_space<vmem>>)
      %dma_wait3A_244 = arith.constant 0 : i32
      %dma_wait3A_245 = arith.constant 0 : i32
      %dma_wait3A_246 = tpu.memref_slice %arg2[%dma_wait3A_244, %dma_wait3A_245] : memref<50000x128xf32, #tpu.memory_space<hbm>> -> memref<50000x128xf32, #tpu.memory_space<hbm>>
      tpu.wait_indirect_dma semaphore(%arg17 : memref<!tpu.dma_semaphore, #tpu.memory_space<semaphore_mem>>) src(%dma_wait3A_246 : memref<50000x128xf32, #tpu.memory_space<hbm>>) dst(%arg8 : memref<32x128xf32, #tpu.memory_space<vmem>>)
      %scan3A_247 = arith.constant 0 : i32
      %scan3A_248 = arith.constant 0 : i32
      %scan3A_249 = arith.constant 32 : i32
      %scan3A_250 = arith.addi %scan3A_248, %scan3A_249 : i32
      %scan3A_251 = arith.constant 1 : i32
      %scan3A_252 = scf.for %scan3A_256 = %scan3A_248 to %scan3A_250 step %scan3A_251 iter_args(%scan3A_257 = %scan3A_247) -> (i32)  : i32 {
        %get3A_258 = arith.index_cast %scan3A_256 : i32 to index
        %get3A_259 = arith.constant 0 : index
        %get3A_260 = tpu.vector_load %arg8[%get3A_258, %get3A_259] {strides = array<i32>} : memref<32x128xf32, #tpu.memory_space<vmem>>, vector<1x16xf32>,
        %get3A_261 = vector.shape_cast %get3A_260 : vector<1x16xf32> to vector<16xf32>
        %get3A_262 = arith.index_cast %scan3A_256 : i32 to index
        %get3A_263 = arith.constant 0 : index
        %get3A_264 = tpu.vector_load %arg7[%get3A_262, %get3A_263] {strides = array<i32>} : memref<32x64xf32, #tpu.memory_space<vmem>>, vector<1x16xf32>,
        %get3A_265 = vector.shape_cast %get3A_264 : vector<1x16xf32> to vector<16xf32>
        %add3A_266 = arith.addf %get3A_265, %get3A_261 : vector<16xf32>
        %max3A = arith.constant 0.000000e+00 : f32
        %max3A_267 = vector.broadcast %max3A : f32 to vector<16xf32>
        %max3A_268 = arith.maximumf %add3A_266, %max3A_267 : vector<16xf32>
        %swap3A_269 = arith.index_cast %scan3A_256 : i32 to index
        %swap3A_270 = arith.constant 0 : index
        %swap3A_271 = tpu.vector_load %arg8[%swap3A_269, %swap3A_270] {strides = array<i32>} : memref<32x128xf32, #tpu.memory_space<vmem>>, vector<1x16xf32>,
        %swap3A_272 = vector.shape_cast %swap3A_271 : vector<1x16xf32> to vector<16xf32>
        %swap3A_273 = vector.shape_cast %max3A_268 : vector<16xf32> to vector<1x16xf32>
        tpu.vector_store %arg8[%swap3A_269, %swap3A_270], %swap3A_273 {strides = array<i32>} : memref<32x128xf32, #tpu.memory_space<vmem>>, vector<1x16xf32>,
        %swap3A_274 = arith.index_cast %scan3A_256 : i32 to index
        %swap3A_275 = arith.constant 64 : index
        %swap3A_276 = tpu.vector_load %arg11[%swap3A_274, %swap3A_275] {strides = array<i32>} : memref<32x128xf32, #tpu.memory_space<vmem>>, vector<1x16xf32>,
        %swap3A_277 = vector.shape_cast %swap3A_276 : vector<1x16xf32> to vector<16xf32>
        %swap3A_278 = vector.shape_cast %max3A_268 : vector<16xf32> to vector<1x16xf32>
        tpu.vector_store %arg11[%swap3A_274, %swap3A_275], %swap3A_278 {strides = array<i32>} : memref<32x128xf32, #tpu.memory_space<vmem>>, vector<1x16xf32>,
        %get3A_279 = arith.index_cast %scan3A_256 : i32 to index
        %get3A_280 = arith.constant 16 : index
        %get3A_281 = tpu.vector_load %arg8[%get3A_279, %get3A_280] {strides = array<i32>} : memref<32x128xf32, #tpu.memory_space<vmem>>, vector<1x16xf32>,
        %get3A_282 = vector.shape_cast %get3A_281 : vector<1x16xf32> to vector<16xf32>
        %get3A_283 = arith.index_cast %scan3A_256 : i32 to index
        %get3A_284 = arith.constant 16 : index
        %get3A_285 = tpu.vector_load %arg7[%get3A_283, %get3A_284] {strides = array<i32>} : memref<32x64xf32, #tpu.memory_space<vmem>>, vector<1x16xf32>,
        %get3A_286 = vector.shape_cast %get3A_285 : vector<1x16xf32> to vector<16xf32>
        %add3A_287 = arith.addf %get3A_286, %get3A_282 : vector<16xf32>
        %max3A_288 = arith.constant 0.000000e+00 : f32
        %max3A_289 = vector.broadcast %max3A_288 : f32 to vector<16xf32>
        %max3A_290 = arith.maximumf %add3A_287, %max3A_289 : vector<16xf32>
        %swap3A_291 = arith.index_cast %scan3A_256 : i32 to index
        %swap3A_292 = arith.constant 16 : index
        %swap3A_293 = tpu.vector_load %arg8[%swap3A_291, %swap3A_292] {strides = array<i32>} : memref<32x128xf32, #tpu.memory_space<vmem>>, vector<1x16xf32>,
        %swap3A_294 = vector.shape_cast %swap3A_293 : vector<1x16xf32> to vector<16xf32>
        %swap3A_295 = vector.shape_cast %max3A_290 : vector<16xf32> to vector<1x16xf32>
        tpu.vector_store %arg8[%swap3A_291, %swap3A_292], %swap3A_295 {strides = array<i32>} : memref<32x128xf32, #tpu.memory_space<vmem>>, vector<1x16xf32>,
        %swap3A_296 = arith.index_cast %scan3A_256 : i32 to index
        %swap3A_297 = arith.constant 80 : index
        %swap3A_298 = tpu.vector_load %arg11[%swap3A_296, %swap3A_297] {strides = array<i32>} : memref<32x128xf32, #tpu.memory_space<vmem>>, vector<1x16xf32>,
        %swap3A_299 = vector.shape_cast %swap3A_298 : vector<1x16xf32> to vector<16xf32>
        %swap3A_300 = vector.shape_cast %max3A_290 : vector<16xf32> to vector<1x16xf32>
        tpu.vector_store %arg11[%swap3A_296, %swap3A_297], %swap3A_300 {strides = array<i32>} : memref<32x128xf32, #tpu.memory_space<vmem>>, vector<1x16xf32>,
        %get3A_301 = arith.index_cast %scan3A_256 : i32 to index
        %get3A_302 = arith.constant 32 : index
        %get3A_303 = tpu.vector_load %arg8[%get3A_301, %get3A_302] {strides = array<i32>} : memref<32x128xf32, #tpu.memory_space<vmem>>, vector<1x16xf32>,
        %get3A_304 = vector.shape_cast %get3A_303 : vector<1x16xf32> to vector<16xf32>
        %get3A_305 = arith.index_cast %scan3A_256 : i32 to index
        %get3A_306 = arith.constant 32 : index
        %get3A_307 = tpu.vector_load %arg7[%get3A_305, %get3A_306] {strides = array<i32>} : memref<32x64xf32, #tpu.memory_space<vmem>>, vector<1x16xf32>,
        %get3A_308 = vector.shape_cast %get3A_307 : vector<1x16xf32> to vector<16xf32>
        %add3A_309 = arith.addf %get3A_308, %get3A_304 : vector<16xf32>
        %max3A_310 = arith.constant 0.000000e+00 : f32
        %max3A_311 = vector.broadcast %max3A_310 : f32 to vector<16xf32>
        %max3A_312 = arith.maximumf %add3A_309, %max3A_311 : vector<16xf32>
        %swap3A_313 = arith.index_cast %scan3A_256 : i32 to index
        %swap3A_314 = arith.constant 32 : index
        %swap3A_315 = tpu.vector_load %arg8[%swap3A_313, %swap3A_314] {strides = array<i32>} : memref<32x128xf32, #tpu.memory_space<vmem>>, vector<1x16xf32>,
        %swap3A_316 = vector.shape_cast %swap3A_315 : vector<1x16xf32> to vector<16xf32>
        %swap3A_317 = vector.shape_cast %max3A_312 : vector<16xf32> to vector<1x16xf32>
        tpu.vector_store %arg8[%swap3A_313, %swap3A_314], %swap3A_317 {strides = array<i32>} : memref<32x128xf32, #tpu.memory_space<vmem>>, vector<1x16xf32>,
        %swap3A_318 = arith.index_cast %scan3A_256 : i32 to index
        %swap3A_319 = arith.constant 96 : index
        %swap3A_320 = tpu.vector_load %arg11[%swap3A_318, %swap3A_319] {strides = array<i32>} : memref<32x128xf32, #tpu.memory_space<vmem>>, vector<1x16xf32>,
        %swap3A_321 = vector.shape_cast %swap3A_320 : vector<1x16xf32> to vector<16xf32>
        %swap3A_322 = vector.shape_cast %max3A_312 : vector<16xf32> to vector<1x16xf32>
        tpu.vector_store %arg11[%swap3A_318, %swap3A_319], %swap3A_322 {strides = array<i32>} : memref<32x128xf32, #tpu.memory_space<vmem>>, vector<1x16xf32>,
        %get3A_323 = arith.index_cast %scan3A_256 : i32 to index
        %get3A_324 = arith.constant 48 : index
        %get3A_325 = tpu.vector_load %arg8[%get3A_323, %get3A_324] {strides = array<i32>} : memref<32x128xf32, #tpu.memory_space<vmem>>, vector<1x16xf32>,
        %get3A_326 = vector.shape_cast %get3A_325 : vector<1x16xf32> to vector<16xf32>
        %get3A_327 = arith.index_cast %scan3A_256 : i32 to index
        %get3A_328 = arith.constant 48 : index
        %get3A_329 = tpu.vector_load %arg7[%get3A_327, %get3A_328] {strides = array<i32>} : memref<32x64xf32, #tpu.memory_space<vmem>>, vector<1x16xf32>,
        %get3A_330 = vector.shape_cast %get3A_329 : vector<1x16xf32> to vector<16xf32>
        %add3A_331 = arith.addf %get3A_330, %get3A_326 : vector<16xf32>
        %max3A_332 = arith.constant 0.000000e+00 : f32
        %max3A_333 = vector.broadcast %max3A_332 : f32 to vector<16xf32>
        %max3A_334 = arith.maximumf %add3A_331, %max3A_333 : vector<16xf32>
        %swap3A_335 = arith.index_cast %scan3A_256 : i32 to index
        %swap3A_336 = arith.constant 48 : index
        %swap3A_337 = tpu.vector_load %arg8[%swap3A_335, %swap3A_336] {strides = array<i32>} : memref<32x128xf32, #tpu.memory_space<vmem>>, vector<1x16xf32>,
        %swap3A_338 = vector.shape_cast %swap3A_337 : vector<1x16xf32> to vector<16xf32>
        %swap3A_339 = vector.shape_cast %max3A_334 : vector<16xf32> to vector<1x16xf32>
        tpu.vector_store %arg8[%swap3A_335, %swap3A_336], %swap3A_339 {strides = array<i32>} : memref<32x128xf32, #tpu.memory_space<vmem>>, vector<1x16xf32>,
        %swap3A_340 = arith.index_cast %scan3A_256 : i32 to index
        %swap3A_341 = arith.constant 112 : index
        %swap3A_342 = tpu.vector_load %arg11[%swap3A_340, %swap3A_341] {strides = array<i32>} : memref<32x128xf32, #tpu.memory_space<vmem>>, vector<1x16xf32>,
        %swap3A_343 = vector.shape_cast %swap3A_342 : vector<1x16xf32> to vector<16xf32>
        %swap3A_344 = vector.shape_cast %max3A_334 : vector<16xf32> to vector<1x16xf32>
        tpu.vector_store %arg11[%swap3A_340, %swap3A_341], %swap3A_344 {strides = array<i32>} : memref<32x128xf32, #tpu.memory_space<vmem>>, vector<1x16xf32>,
        %scan3A_345 = arith.constant 0 : i32
        scf.yield %scan3A_345 : i32
      }
      %scan3A_253 = arith.constant 32 : i32
      %run_scoped3A = arith.constant 0 : i32
      "tpu.region"() ({
        %run_scoped3A_256 = tpu.sem_alloc : memref<!tpu.dma_semaphore, #tpu.memory_space<semaphore_mem>>
        %dma_start3A_257 = arith.constant 0 : i32
        %dma_start3A_258 = tpu.memref_slice %arg12[%run_scoped3A, %dma_start3A_257] : memref<1x32xi32, #tpu.memory_space<vmem>> -> memref<1x32xi32, #tpu.memory_space<vmem>>
        %dma_start3A_259 = tpu.memref_squeeze %dma_start3A_258 : memref<1x32xi32, #tpu.memory_space<vmem>> -> memref<32xi32, #tpu.memory_space<vmem>>
        %dma_start3A_260 = arith.constant 0 : i32
        %dma_start3A_261 = arith.constant 0 : i32
        %dma_start3A_262 = tpu.memref_slice %arg16[%dma_start3A_260, %dma_start3A_261] : memref<12560x128xf32, #tpu.memory_space<vmem_shared>> -> memref<12560x128xf32, #tpu.memory_space<vmem_shared>>
        tpu.enqueue_indirect_dma source(%arg8 : memref<32x128xf32, #tpu.memory_space<vmem>>) target(%dma_start3A_262 : memref<12560x128xf32, #tpu.memory_space<vmem_shared>>) offsets(%dma_start3A_259 : memref<32xi32, #tpu.memory_space<vmem>>) semaphore(%run_scoped3A_256 : memref<!tpu.dma_semaphore, #tpu.memory_space<semaphore_mem>>) {add = true}
        %dma_wait3A_263 = arith.constant 0 : i32
        %dma_wait3A_264 = tpu.memref_slice %arg12[%run_scoped3A, %dma_wait3A_263] : memref<1x32xi32, #tpu.memory_space<vmem>> -> memref<1x32xi32, #tpu.memory_space<vmem>>
        %dma_wait3A_265 = tpu.memref_squeeze %dma_wait3A_264 : memref<1x32xi32, #tpu.memory_space<vmem>> -> memref<32xi32, #tpu.memory_space<vmem>>
        %dma_wait3A_266 = arith.constant 0 : i32
        %dma_wait3A_267 = arith.constant 0 : i32
        %dma_wait3A_268 = tpu.memref_slice %arg16[%dma_wait3A_266, %dma_wait3A_267] : memref<12560x128xf32, #tpu.memory_space<vmem_shared>> -> memref<12560x128xf32, #tpu.memory_space<vmem_shared>>
        tpu.wait_indirect_dma semaphore(%run_scoped3A_256 : memref<!tpu.dma_semaphore, #tpu.memory_space<semaphore_mem>>) src(%arg8 : memref<32x128xf32, #tpu.memory_space<vmem>>) dst(%dma_wait3A_268 : memref<12560x128xf32, #tpu.memory_space<vmem_shared>>)
        tpu.yield
      }) : () -> ()
      %run_scoped3A_254 = arith.constant 0 : i32
      "tpu.region"() ({
        %run_scoped3A_256 = tpu.sem_alloc : memref<!tpu.dma_semaphore, #tpu.memory_space<semaphore_mem>>
        %dma_start3A_257 = arith.constant 0 : i32
        %dma_start3A_258 = tpu.memref_slice %arg13[%run_scoped3A_254, %dma_start3A_257] : memref<1x32xi32, #tpu.memory_space<vmem>> -> memref<1x32xi32, #tpu.memory_space<vmem>>
        %dma_start3A_259 = tpu.memref_squeeze %dma_start3A_258 : memref<1x32xi32, #tpu.memory_space<vmem>> -> memref<32xi32, #tpu.memory_space<vmem>>
        %dma_start3A_260 = arith.constant 0 : i32
        %dma_start3A_261 = arith.constant 0 : i32
        %dma_start3A_262 = tpu.memref_slice %arg16[%dma_start3A_260, %dma_start3A_261] : memref<12560x128xf32, #tpu.memory_space<vmem_shared>> -> memref<12560x128xf32, #tpu.memory_space<vmem_shared>>
        tpu.enqueue_indirect_dma source(%arg11 : memref<32x128xf32, #tpu.memory_space<vmem>>) target(%dma_start3A_262 : memref<12560x128xf32, #tpu.memory_space<vmem_shared>>) offsets(%dma_start3A_259 : memref<32xi32, #tpu.memory_space<vmem>>) semaphore(%run_scoped3A_256 : memref<!tpu.dma_semaphore, #tpu.memory_space<semaphore_mem>>) {add = true}
        %dma_wait3A_263 = arith.constant 0 : i32
        %dma_wait3A_264 = tpu.memref_slice %arg13[%run_scoped3A_254, %dma_wait3A_263] : memref<1x32xi32, #tpu.memory_space<vmem>> -> memref<1x32xi32, #tpu.memory_space<vmem>>
        %dma_wait3A_265 = tpu.memref_squeeze %dma_wait3A_264 : memref<1x32xi32, #tpu.memory_space<vmem>> -> memref<32xi32, #tpu.memory_space<vmem>>
        %dma_wait3A_266 = arith.constant 0 : i32
        %dma_wait3A_267 = arith.constant 0 : i32
        %dma_wait3A_268 = tpu.memref_slice %arg16[%dma_wait3A_266, %dma_wait3A_267] : memref<12560x128xf32, #tpu.memory_space<vmem_shared>> -> memref<12560x128xf32, #tpu.memory_space<vmem_shared>>
        tpu.wait_indirect_dma semaphore(%run_scoped3A_256 : memref<!tpu.dma_semaphore, #tpu.memory_space<semaphore_mem>>) src(%arg11 : memref<32x128xf32, #tpu.memory_space<vmem>>) dst(%dma_wait3A_268 : memref<12560x128xf32, #tpu.memory_space<vmem_shared>>)
        tpu.yield
      }) : () -> ()
      %while3A_255 = arith.constant 0 : i32
      scf.yield %while3A_255 : i32
    }
    %barrier3A_87 = arith.constant 0 : index
    tpu.barrier barrier_id(%barrier3A_87)
    %add3A_88 = arith.constant 32 : i32
    %add3A_89 = arith.addi %select_n3A_9, %add3A_88 : i32
    %sub3A_90 = arith.constant 1 : i32
    %sub3A_91 = arith.subi %add3A_89, %sub3A_90 : i32
    %jit3A_92 = arith.constant 32 : i32
    %div3A_93 = arith.divsi %sub3A_91, %jit3A_92 : i32
    %sign3A_94 = arith.constant 0 : i32
    %sign3A_95 = arith.cmpi sgt, %sub3A_91, %sign3A_94 : i32
    %sign3A_96 = arith.extui %sign3A_95 : i1 to i32
    %sign3A_97 = arith.constant 0 : i32
    %sign3A_98 = arith.cmpi slt, %sub3A_91, %sign3A_97 : i32
    %sign3A_99 = arith.extui %sign3A_98 : i1 to i32
    %sign3A_100 = arith.subi %sign3A_96, %sign3A_99 : i32
    %sign3A_101 = arith.constant 0 : i32
    %sign3A_102 = arith.cmpi sgt, %jit3A_92, %sign3A_101 : i32
    %sign3A_103 = arith.extui %sign3A_102 : i1 to i32
    %sign3A_104 = arith.constant 0 : i32
    %sign3A_105 = arith.cmpi slt, %jit3A_92, %sign3A_104 : i32
    %sign3A_106 = arith.extui %sign3A_105 : i1 to i32
    %sign3A_107 = arith.subi %sign3A_103, %sign3A_106 : i32
    %ne3A_108 = arith.cmpi ne, %sign3A_100, %sign3A_107 : i32
    %rem3A_109 = arith.remsi %sub3A_91, %jit3A_92 : i32
    %ne3A_110 = arith.constant 0 : i32
    %ne3A_111 = arith.cmpi ne, %rem3A_109, %ne3A_110 : i32
    %and3A_112 = arith.andi %ne3A_108, %ne3A_111 : i1
    %sub3A_113 = arith.constant 1 : i32
    %sub3A_114 = arith.subi %div3A_93, %sub3A_113 : i32
    %select_n3A_115 = arith.select %and3A_112, %sub3A_114, %div3A_93 : i32
    %scan3A_116 = arith.constant 0 : i32
    %scan3A_117 = arith.constant 0 : i32
    %scan3A_118 = arith.constant 25 : i32
    %scan3A_119 = arith.addi %scan3A_117, %scan3A_118 : i32
    %scan3A_120 = arith.constant 1 : i32
    %scan3A_121 = scf.for %scan3A_123 = %scan3A_117 to %scan3A_119 step %scan3A_120 iter_args(%scan3A_124 = %scan3A_116) -> (i32)  : i32 {
      %mul3A_125 = arith.constant 16 : i32
      %mul3A_126 = arith.muli %scan3A_123, %mul3A_125 : i32
      %add3A_127 = arith.addi %arg1, %mul3A_126 : i32
      %lt3A = arith.cmpi slt, %add3A_127, %select_n3A_115 : i32
      %convert_element_type3A = arith.extui %lt3A : i1 to i32
      %cond3A = arith.constant 0 : i32
      %cond3A_128 = arith.cmpi ne, %convert_element_type3A, %cond3A : i32
      scf.if %cond3A_128 {
        %mul3A_130 = arith.constant 32 : i32
        %mul3A_131 = arith.muli %add3A_127, %mul3A_130 : i32
        %sub3A_132 = arith.constant 32 : i32
        %sub3A_133 = arith.subi %select_n3A_9, %sub3A_132 : i32
        %min3A = arith.minsi %mul3A_131, %sub3A_133 : i32
        %add3A_134 = arith.constant 0 : i32
        %add3A_135 = arith.addi %min3A, %add3A_134 : i32
        %iota3A = tpu.iota {dimensions = array<i32: 0>} : vector<16xi32>
        %add3A_136 = vector.broadcast %add3A_135 : i32 to vector<16xi32>
        %add3A_137 = arith.addi %add3A_136, %iota3A : vector<16xi32>
        %swap3A = arith.constant 0 : i32
        %swap3A_138 = arith.index_cast %swap3A : i32 to index
        %swap3A_139 = arith.constant 0 : index
        %swap3A_140 = tpu.vector_load %arg15[%swap3A_138, %swap3A_139] {strides = array<i32>} : memref<1x32xi32, #tpu.memory_space<vmem>>, vector<1x16xi32>,
        %swap3A_141 = vector.shape_cast %swap3A_140 : vector<1x16xi32> to vector<16xi32>
        %swap3A_142 = vector.shape_cast %add3A_137 : vector<16xi32> to vector<1x16xi32>
        tpu.vector_store %arg15[%swap3A_138, %swap3A_139], %swap3A_142 {strides = array<i32>} : memref<1x32xi32, #tpu.memory_space<vmem>>, vector<1x16xi32>,
        %add3A_143 = arith.constant 16 : i32
        %add3A_144 = arith.addi %min3A, %add3A_143 : i32
        %iota3A_145 = tpu.iota {dimensions = array<i32: 0>} : vector<16xi32>
        %add3A_146 = vector.broadcast %add3A_144 : i32 to vector<16xi32>
        %add3A_147 = arith.addi %add3A_146, %iota3A_145 : vector<16xi32>
        %swap3A_148 = arith.constant 0 : i32
        %swap3A_149 = arith.index_cast %swap3A_148 : i32 to index
        %swap3A_150 = arith.constant 16 : index
        %swap3A_151 = tpu.vector_load %arg15[%swap3A_149, %swap3A_150] {strides = array<i32>} : memref<1x32xi32, #tpu.memory_space<vmem>>, vector<1x16xi32>,
        %swap3A_152 = vector.shape_cast %swap3A_151 : vector<1x16xi32> to vector<16xi32>
        %swap3A_153 = vector.shape_cast %add3A_147 : vector<16xi32> to vector<1x16xi32>
        tpu.vector_store %arg15[%swap3A_149, %swap3A_150], %swap3A_153 {strides = array<i32>} : memref<1x32xi32, #tpu.memory_space<vmem>>, vector<1x16xi32>,
        %run_scoped3A = arith.constant 0 : i32
        "tpu.region"() ({
          %run_scoped3A_155 = tpu.sem_alloc : memref<!tpu.dma_semaphore, #tpu.memory_space<semaphore_mem>>
          %dma_start3A = arith.constant 0 : i32
          %dma_start3A_156 = tpu.memref_slice %arg15[%run_scoped3A, %dma_start3A] : memref<1x32xi32, #tpu.memory_space<vmem>> -> memref<1x32xi32, #tpu.memory_space<vmem>>
          %dma_start3A_157 = tpu.memref_squeeze %dma_start3A_156 : memref<1x32xi32, #tpu.memory_space<vmem>> -> memref<32xi32, #tpu.memory_space<vmem>>
          %dma_start3A_158 = arith.constant 0 : i32
          %dma_start3A_159 = arith.constant 0 : i32
          %dma_start3A_160 = tpu.memref_slice %arg16[%dma_start3A_158, %dma_start3A_159] : memref<12560x128xf32, #tpu.memory_space<vmem_shared>> -> memref<12560x128xf32, #tpu.memory_space<vmem_shared>>
          tpu.enqueue_indirect_dma source(%dma_start3A_160 : memref<12560x128xf32, #tpu.memory_space<vmem_shared>>) target(%arg14 : memref<32x128xf32, #tpu.memory_space<vmem>>) offsets(%dma_start3A_157 : memref<32xi32, #tpu.memory_space<vmem>>) semaphore(%run_scoped3A_155 : memref<!tpu.dma_semaphore, #tpu.memory_space<semaphore_mem>>)
          %dma_wait3A = arith.constant 0 : i32
          %dma_wait3A_161 = tpu.memref_slice %arg15[%run_scoped3A, %dma_wait3A] : memref<1x32xi32, #tpu.memory_space<vmem>> -> memref<1x32xi32, #tpu.memory_space<vmem>>
          %dma_wait3A_162 = tpu.memref_squeeze %dma_wait3A_161 : memref<1x32xi32, #tpu.memory_space<vmem>> -> memref<32xi32, #tpu.memory_space<vmem>>
          %dma_wait3A_163 = arith.constant 0 : i32
          %dma_wait3A_164 = arith.constant 0 : i32
          %dma_wait3A_165 = tpu.memref_slice %arg16[%dma_wait3A_163, %dma_wait3A_164] : memref<12560x128xf32, #tpu.memory_space<vmem_shared>> -> memref<12560x128xf32, #tpu.memory_space<vmem_shared>>
          tpu.wait_indirect_dma semaphore(%run_scoped3A_155 : memref<!tpu.dma_semaphore, #tpu.memory_space<semaphore_mem>>) src(%dma_wait3A_165 : memref<12560x128xf32, #tpu.memory_space<vmem_shared>>) dst(%arg14 : memref<32x128xf32, #tpu.memory_space<vmem>>)
          tpu.yield
        }) : () -> ()
        %add3A_154 = arith.addi %mul3A_2, %min3A : i32
        "tpu.region"() ({
          %run_scoped3A_155 = tpu.sem_alloc : memref<!tpu.dma_semaphore, #tpu.memory_space<semaphore_mem>>
          %dma_start3A = arith.constant 0 : i32
          %dma_start3A_156 = tpu.memref_slice %arg6[%add3A_154, %dma_start3A] : memref<25000x128xf32, #tpu.memory_space<hbm>> -> memref<32x128xf32, #tpu.memory_space<hbm>>
          %dma_start3A_157 = arith.constant 0 : i32
          %dma_start3A_158 = tpu.memref_slice %arg6[%add3A_154, %dma_start3A_157] : memref<25000x128xf32, #tpu.memory_space<hbm>> -> memref<32x128xf32, #tpu.memory_space<hbm>>
          tpu.enqueue_dma source(%arg14 : memref<32x128xf32, #tpu.memory_space<vmem>>) target(%dma_start3A_158 : memref<32x128xf32, #tpu.memory_space<hbm>>) target_semaphore(%run_scoped3A_155 : memref<!tpu.dma_semaphore, #tpu.memory_space<semaphore_mem>>)
          %dma_wait3A = arith.constant 0 : i32
          %dma_wait3A_159 = tpu.memref_slice %arg6[%add3A_154, %dma_wait3A] : memref<25000x128xf32, #tpu.memory_space<hbm>> -> memref<32x128xf32, #tpu.memory_space<hbm>>
          %dma_wait3A_160 = arith.constant 0 : i32
          %dma_wait3A_161 = tpu.memref_slice %arg6[%add3A_154, %dma_wait3A_160] : memref<25000x128xf32, #tpu.memory_space<hbm>> -> memref<32x128xf32, #tpu.memory_space<hbm>>
          tpu.wait_dma2 semaphore(%run_scoped3A_155 : memref<!tpu.dma_semaphore, #tpu.memory_space<semaphore_mem>>) src(%arg14 : memref<32x128xf32, #tpu.memory_space<vmem>>) dst(%dma_wait3A_161 : memref<32x128xf32, #tpu.memory_space<hbm>>)
          tpu.yield
        }) : () -> ()
      } else {
      }
      %scan3A_129 = arith.constant 0 : i32
      scf.yield %scan3A_129 : i32
    }
    %scan3A_122 = arith.constant 25 : i32
    return
  }
}

#map = affine_map<(d0, d1) -> (0, 0)>
#map1 = affine_map<(d0, d1) -> (0)>
module attributes {stable_mosaic.version = 14 : i64} {
  func.func @k(%arg0: i32, %arg1: i32, %arg2: memref<50000x128xf32, #tpu.memory_space<hbm>>, %arg3: memref<800000x64xf32, #tpu.memory_space<hbm>>, %arg4: memref<800000xi32, #tpu.memory_space<hbm>>, %arg5: memref<800000xi32, #tpu.memory_space<hbm>>, %arg6: memref<25000x128xf32, #tpu.memory_space<hbm>>, %arg7: memref<32x64xf32, #tpu.memory_space<vmem>>, %arg8: memref<32x128xf32, #tpu.memory_space<vmem>>, %arg9: memref<32xi32, #tpu.memory_space<vmem>>, %arg10: memref<32xi32, #tpu.memory_space<vmem>>, %arg11: memref<32x128xf32, #tpu.memory_space<vmem>>, %arg12: memref<1x32xi32, #tpu.memory_space<vmem>>, %arg13: memref<1x32xi32, #tpu.memory_space<vmem>>, %arg14: memref<32x128xf32, #tpu.memory_space<vmem>>, %arg15: memref<1x32xi32, #tpu.memory_space<vmem>>, %arg16: memref<12560x128xf32, #tpu.memory_space<vmem_shared>>, %arg17: memref<!tpu.dma_semaphore, #tpu.memory_space<semaphore_mem>>, %arg18: memref<!tpu.dma_semaphore, #tpu.memory_space<semaphore_mem>>) attributes {dimension_semantics = [#tpu.dimension_semantics<core_parallel>, #tpu.dimension_semantics<subcore_parallel>], iteration_bounds = array<i64: 2, 16>, scalar_prefetch = 0 : i64, scratch_operands = 12 : i64, tpu.core_type = #tpu.core_type<sc_vector_subcore>, window_params = [{transform_indices = #map}, {transform_indices = #map}, {transform_indices = #map1}, {transform_indices = #map1}, {transform_indices = #map}]} {
    %mul3A = arith.constant 25040 : i32
    %mul3A_0 = arith.muli %arg0, %mul3A : i32
    %mul3A_1 = arith.constant 12520 : i32
    %mul3A_2 = arith.muli %arg0, %mul3A_1 : i32
    %eq3A = arith.constant 0 : i32
    %eq3A_3 = arith.cmpi eq, %arg0, %eq3A : i32
    %jit3A = arith.constant 25040 : i32
    %jit3A_4 = arith.constant 24960 : i32
    %select_n3A = arith.select %eq3A_3, %jit3A, %jit3A_4 : i32
    %eq3A_5 = arith.constant 0 : i32
    %eq3A_6 = arith.cmpi eq, %arg0, %eq3A_5 : i32
    %jit3A_7 = arith.constant 12520 : i32
    %jit3A_8 = arith.constant 12480 : i32
    %select_n3A_9 = arith.select %eq3A_6, %jit3A_7, %jit3A_8 : i32
    %scan3A = arith.constant 0 : i32
    %scan3A_10 = arith.constant 0 : i32
    %scan3A_11 = arith.constant 32 : i32
    %scan3A_12 = arith.addi %scan3A_10, %scan3A_11 : i32
    %scan3A_13 = arith.constant 1 : i32
    %scan3A_14 = scf.for %scan3A_123 = %scan3A_10 to %scan3A_12 step %scan3A_13 iter_args(%scan3A_124 = %scan3A) -> (i32)  : i32 {
      %broadcast_in_dim3A = arith.constant 0.000000e+00 : f32
      %broadcast_in_dim3A_125 = vector.broadcast %broadcast_in_dim3A : f32 to vector<16xf32>
      %swap3A = arith.index_cast %scan3A_123 : i32 to index
      %swap3A_126 = arith.constant 0 : index
      %swap3A_127 = tpu.vector_load %arg14[%swap3A, %swap3A_126] {strides = array<i32>} : memref<32x128xf32, #tpu.memory_space<vmem>>, vector<1x16xf32>,
      %swap3A_128 = vector.shape_cast %swap3A_127 : vector<1x16xf32> to vector<16xf32>
      %swap3A_129 = vector.shape_cast %broadcast_in_dim3A_125 : vector<16xf32> to vector<1x16xf32>
      tpu.vector_store %arg14[%swap3A, %swap3A_126], %swap3A_129 {strides = array<i32>} : memref<32x128xf32, #tpu.memory_space<vmem>>, vector<1x16xf32>,
      %broadcast_in_dim3A_130 = arith.constant 0.000000e+00 : f32
      %broadcast_in_dim3A_131 = vector.broadcast %broadcast_in_dim3A_130 : f32 to vector<16xf32>
      %swap3A_132 = arith.index_cast %scan3A_123 : i32 to index
      %swap3A_133 = arith.constant 16 : index
      %swap3A_134 = tpu.vector_load %arg14[%swap3A_132, %swap3A_133] {strides = array<i32>} : memref<32x128xf32, #tpu.memory_space<vmem>>, vector<1x16xf32>,
      %swap3A_135 = vector.shape_cast %swap3A_134 : vector<1x16xf32> to vector<16xf32>
      %swap3A_136 = vector.shape_cast %broadcast_in_dim3A_131 : vector<16xf32> to vector<1x16xf32>
      tpu.vector_store %arg14[%swap3A_132, %swap3A_133], %swap3A_136 {strides = array<i32>} : memref<32x128xf32, #tpu.memory_space<vmem>>, vector<1x16xf32>,
      %broadcast_in_dim3A_137 = arith.constant 0.000000e+00 : f32
      %broadcast_in_dim3A_138 = vector.broadcast %broadcast_in_dim3A_137 : f32 to vector<16xf32>
      %swap3A_139 = arith.index_cast %scan3A_123 : i32 to index
      %swap3A_140 = arith.constant 32 : index
      %swap3A_141 = tpu.vector_load %arg14[%swap3A_139, %swap3A_140] {strides = array<i32>} : memref<32x128xf32, #tpu.memory_space<vmem>>, vector<1x16xf32>,
      %swap3A_142 = vector.shape_cast %swap3A_141 : vector<1x16xf32> to vector<16xf32>
      %swap3A_143 = vector.shape_cast %broadcast_in_dim3A_138 : vector<16xf32> to vector<1x16xf32>
      tpu.vector_store %arg14[%swap3A_139, %swap3A_140], %swap3A_143 {strides = array<i32>} : memref<32x128xf32, #tpu.memory_space<vmem>>, vector<1x16xf32>,
      %broadcast_in_dim3A_144 = arith.constant 0.000000e+00 : f32
      %broadcast_in_dim3A_145 = vector.broadcast %broadcast_in_dim3A_144 : f32 to vector<16xf32>
      %swap3A_146 = arith.index_cast %scan3A_123 : i32 to index
      %swap3A_147 = arith.constant 48 : index
      %swap3A_148 = tpu.vector_load %arg14[%swap3A_146, %swap3A_147] {strides = array<i32>} : memref<32x128xf32, #tpu.memory_space<vmem>>, vector<1x16xf32>,
      %swap3A_149 = vector.shape_cast %swap3A_148 : vector<1x16xf32> to vector<16xf32>
      %swap3A_150 = vector.shape_cast %broadcast_in_dim3A_145 : vector<16xf32> to vector<1x16xf32>
      tpu.vector_store %arg14[%swap3A_146, %swap3A_147], %swap3A_150 {strides = array<i32>} : memref<32x128xf32, #tpu.memory_space<vmem>>, vector<1x16xf32>,
      %broadcast_in_dim3A_151 = arith.constant 0.000000e+00 : f32
      %broadcast_in_dim3A_152 = vector.broadcast %broadcast_in_dim3A_151 : f32 to vector<16xf32>
      %swap3A_153 = arith.index_cast %scan3A_123 : i32 to index
      %swap3A_154 = arith.constant 64 : index
      %swap3A_155 = tpu.vector_load %arg14[%swap3A_153, %swap3A_154] {strides = array<i32>} : memref<32x128xf32, #tpu.memory_space<vmem>>, vector<1x16xf32>,
      %swap3A_156 = vector.shape_cast %swap3A_155 : vector<1x16xf32> to vector<16xf32>
      %swap3A_157 = vector.shape_cast %broadcast_in_dim3A_152 : vector<16xf32> to vector<1x16xf32>
      tpu.vector_store %arg14[%swap3A_153, %swap3A_154], %swap3A_157 {strides = array<i32>} : memref<32x128xf32, #tpu.memory_space<vmem>>, vector<1x16xf32>,
      %broadcast_in_dim3A_158 = arith.constant 0.000000e+00 : f32
      %broadcast_in_dim3A_159 = vector.broadcast %broadcast_in_dim3A_158 : f32 to vector<16xf32>
      %swap3A_160 = arith.index_cast %scan3A_123 : i32 to index
      %swap3A_161 = arith.constant 80 : index
      %swap3A_162 = tpu.vector_load %arg14[%swap3A_160, %swap3A_161] {strides = array<i32>} : memref<32x128xf32, #tpu.memory_space<vmem>>, vector<1x16xf32>,
      %swap3A_163 = vector.shape_cast %swap3A_162 : vector<1x16xf32> to vector<16xf32>
      %swap3A_164 = vector.shape_cast %broadcast_in_dim3A_159 : vector<16xf32> to vector<1x16xf32>
      tpu.vector_store %arg14[%swap3A_160, %swap3A_161], %swap3A_164 {strides = array<i32>} : memref<32x128xf32, #tpu.memory_space<vmem>>, vector<1x16xf32>,
      %broadcast_in_dim3A_165 = arith.constant 0.000000e+00 : f32
      %broadcast_in_dim3A_166 = vector.broadcast %broadcast_in_dim3A_165 : f32 to vector<16xf32>
      %swap3A_167 = arith.index_cast %scan3A_123 : i32 to index
      %swap3A_168 = arith.constant 96 : index
      %swap3A_169 = tpu.vector_load %arg14[%swap3A_167, %swap3A_168] {strides = array<i32>} : memref<32x128xf32, #tpu.memory_space<vmem>>, vector<1x16xf32>,
      %swap3A_170 = vector.shape_cast %swap3A_169 : vector<1x16xf32> to vector<16xf32>
      %swap3A_171 = vector.shape_cast %broadcast_in_dim3A_166 : vector<16xf32> to vector<1x16xf32>
      tpu.vector_store %arg14[%swap3A_167, %swap3A_168], %swap3A_171 {strides = array<i32>} : memref<32x128xf32, #tpu.memory_space<vmem>>, vector<1x16xf32>,
      %broadcast_in_dim3A_172 = arith.constant 0.000000e+00 : f32
      %broadcast_in_dim3A_173 = vector.broadcast %broadcast_in_dim3A_172 : f32 to vector<16xf32>
      %swap3A_174 = arith.index_cast %scan3A_123 : i32 to index
      %swap3A_175 = arith.constant 112 : index
      %swap3A_176 = tpu.vector_load %arg14[%swap3A_174, %swap3A_175] {strides = array<i32>} : memref<32x128xf32, #tpu.memory_space<vmem>>, vector<1x16xf32>,
      %swap3A_177 = vector.shape_cast %swap3A_176 : vector<1x16xf32> to vector<16xf32>
      %swap3A_178 = vector.shape_cast %broadcast_in_dim3A_173 : vector<16xf32> to vector<1x16xf32>
      tpu.vector_store %arg14[%swap3A_174, %swap3A_175], %swap3A_178 {strides = array<i32>} : memref<32x128xf32, #tpu.memory_space<vmem>>, vector<1x16xf32>,
      %scan3A_179 = arith.constant 0 : i32
      scf.yield %scan3A_179 : i32
    }
    %scan3A_15 = arith.constant 32 : i32
    %scan3A_16 = arith.constant 0 : i32
    %scan3A_17 = arith.constant 0 : i32
    %scan3A_18 = arith.constant 32 : i32
    %scan3A_19 = arith.addi %scan3A_17, %scan3A_18 : i32
    %scan3A_20 = arith.constant 1 : i32
    %scan3A_21 = scf.for %scan3A_123 = %scan3A_17 to %scan3A_19 step %scan3A_20 iter_args(%scan3A_124 = %scan3A_16) -> (i32)  : i32 {
      %broadcast_in_dim3A = arith.constant 0.000000e+00 : f32
      %broadcast_in_dim3A_125 = vector.broadcast %broadcast_in_dim3A : f32 to vector<16xf32>
      %swap3A = arith.index_cast %scan3A_123 : i32 to index
      %swap3A_126 = arith.constant 0 : index
      %swap3A_127 = tpu.vector_load %arg11[%swap3A, %swap3A_126] {strides = array<i32>} : memref<32x128xf32, #tpu.memory_space<vmem>>, vector<1x16xf32>,
      %swap3A_128 = vector.shape_cast %swap3A_127 : vector<1x16xf32> to vector<16xf32>
      %swap3A_129 = vector.shape_cast %broadcast_in_dim3A_125 : vector<16xf32> to vector<1x16xf32>
      tpu.vector_store %arg11[%swap3A, %swap3A_126], %swap3A_129 {strides = array<i32>} : memref<32x128xf32, #tpu.memory_space<vmem>>, vector<1x16xf32>,
      %broadcast_in_dim3A_130 = arith.constant 0.000000e+00 : f32
      %broadcast_in_dim3A_131 = vector.broadcast %broadcast_in_dim3A_130 : f32 to vector<16xf32>
      %swap3A_132 = arith.index_cast %scan3A_123 : i32 to index
      %swap3A_133 = arith.constant 16 : index
      %swap3A_134 = tpu.vector_load %arg11[%swap3A_132, %swap3A_133] {strides = array<i32>} : memref<32x128xf32, #tpu.memory_space<vmem>>, vector<1x16xf32>,
      %swap3A_135 = vector.shape_cast %swap3A_134 : vector<1x16xf32> to vector<16xf32>
      %swap3A_136 = vector.shape_cast %broadcast_in_dim3A_131 : vector<16xf32> to vector<1x16xf32>
      tpu.vector_store %arg11[%swap3A_132, %swap3A_133], %swap3A_136 {strides = array<i32>} : memref<32x128xf32, #tpu.memory_space<vmem>>, vector<1x16xf32>,
      %broadcast_in_dim3A_137 = arith.constant 0.000000e+00 : f32
      %broadcast_in_dim3A_138 = vector.broadcast %broadcast_in_dim3A_137 : f32 to vector<16xf32>
      %swap3A_139 = arith.index_cast %scan3A_123 : i32 to index
      %swap3A_140 = arith.constant 32 : index
      %swap3A_141 = tpu.vector_load %arg11[%swap3A_139, %swap3A_140] {strides = array<i32>} : memref<32x128xf32, #tpu.memory_space<vmem>>, vector<1x16xf32>,
      %swap3A_142 = vector.shape_cast %swap3A_141 : vector<1x16xf32> to vector<16xf32>
      %swap3A_143 = vector.shape_cast %broadcast_in_dim3A_138 : vector<16xf32> to vector<1x16xf32>
      tpu.vector_store %arg11[%swap3A_139, %swap3A_140], %swap3A_143 {strides = array<i32>} : memref<32x128xf32, #tpu.memory_space<vmem>>, vector<1x16xf32>,
      %broadcast_in_dim3A_144 = arith.constant 0.000000e+00 : f32
      %broadcast_in_dim3A_145 = vector.broadcast %broadcast_in_dim3A_144 : f32 to vector<16xf32>
      %swap3A_146 = arith.index_cast %scan3A_123 : i32 to index
      %swap3A_147 = arith.constant 48 : index
      %swap3A_148 = tpu.vector_load %arg11[%swap3A_146, %swap3A_147] {strides = array<i32>} : memref<32x128xf32, #tpu.memory_space<vmem>>, vector<1x16xf32>,
      %swap3A_149 = vector.shape_cast %swap3A_148 : vector<1x16xf32> to vector<16xf32>
      %swap3A_150 = vector.shape_cast %broadcast_in_dim3A_145 : vector<16xf32> to vector<1x16xf32>
      tpu.vector_store %arg11[%swap3A_146, %swap3A_147], %swap3A_150 {strides = array<i32>} : memref<32x128xf32, #tpu.memory_space<vmem>>, vector<1x16xf32>,
      %scan3A_151 = arith.constant 0 : i32
      scf.yield %scan3A_151 : i32
    }
    %scan3A_22 = arith.constant 32 : i32
    %scan3A_23 = arith.constant 0 : i32
    %scan3A_24 = arith.constant 0 : i32
    %scan3A_25 = arith.constant 25 : i32
    %scan3A_26 = arith.addi %scan3A_24, %scan3A_25 : i32
    %scan3A_27 = arith.constant 1 : i32
    %scan3A_28 = scf.for %scan3A_123 = %scan3A_24 to %scan3A_26 step %scan3A_27 iter_args(%scan3A_124 = %scan3A_23) -> (i32)  : i32 {
      %mul3A_125 = arith.constant 785 : i32
      %mul3A_126 = arith.muli %arg1, %mul3A_125 : i32
      %mul3A_127 = arith.constant 32 : i32
      %mul3A_128 = arith.muli %scan3A_123, %mul3A_127 : i32
      %add3A_129 = arith.addi %mul3A_126, %mul3A_128 : i32
      %mul3A_130 = arith.constant 785 : i32
      %mul3A_131 = arith.muli %arg1, %mul3A_130 : i32
      %add3A_132 = arith.constant 785 : i32
      %add3A_133 = arith.addi %mul3A_131, %add3A_132 : i32
      %sub3A_134 = arith.constant 32 : i32
      %sub3A_135 = arith.subi %add3A_133, %sub3A_134 : i32
      %min3A = arith.minsi %add3A_129, %sub3A_135 : i32
      %add3A_136 = arith.constant 0 : i32
      %add3A_137 = arith.addi %min3A, %add3A_136 : i32
      %iota3A = tpu.iota {dimensions = array<i32: 0>} : vector<16xi32>
      %add3A_138 = vector.broadcast %add3A_137 : i32 to vector<16xi32>
      %add3A_139 = arith.addi %add3A_138, %iota3A : vector<16xi32>
      %swap3A = arith.constant 0 : i32
      %swap3A_140 = arith.index_cast %swap3A : i32 to index
      %swap3A_141 = arith.constant 0 : index
      %swap3A_142 = tpu.vector_load %arg15[%swap3A_140, %swap3A_141] {strides = array<i32>} : memref<1x32xi32, #tpu.memory_space<vmem>>, vector<1x16xi32>,
      %swap3A_143 = vector.shape_cast %swap3A_142 : vector<1x16xi32> to vector<16xi32>
      %swap3A_144 = vector.shape_cast %add3A_139 : vector<16xi32> to vector<1x16xi32>
      tpu.vector_store %arg15[%swap3A_140, %swap3A_141], %swap3A_144 {strides = array<i32>} : memref<1x32xi32, #tpu.memory_space<vmem>>, vector<1x16xi32>,
      %add3A_145 = arith.constant 16 : i32
      %add3A_146 = arith.addi %min3A, %add3A_145 : i32
      %iota3A_147 = tpu.iota {dimensions = array<i32: 0>} : vector<16xi32>
      %add3A_148 = vector.broadcast %add3A_146 : i32 to vector<16xi32>
      %add3A_149 = arith.addi %add3A_148, %iota3A_147 : vector<16xi32>
      %swap3A_150 = arith.constant 0 : i32
      %swap3A_151 = arith.index_cast %swap3A_150 : i32 to index
      %swap3A_152 = arith.constant 16 : index
      %swap3A_153 = tpu.vector_load %arg15[%swap3A_151, %swap3A_152] {strides = array<i32>} : memref<1x32xi32, #tpu.memory_space<vmem>>, vector<1x16xi32>,
      %swap3A_154 = vector.shape_cast %swap3A_153 : vector<1x16xi32> to vector<16xi32>
      %swap3A_155 = vector.shape_cast %add3A_149 : vector<16xi32> to vector<1x16xi32>
      tpu.vector_store %arg15[%swap3A_151, %swap3A_152], %swap3A_155 {strides = array<i32>} : memref<1x32xi32, #tpu.memory_space<vmem>>, vector<1x16xi32>,
      %run_scoped3A = arith.constant 0 : i32
      "tpu.region"() ({
        %run_scoped3A_157 = tpu.sem_alloc : memref<!tpu.dma_semaphore, #tpu.memory_space<semaphore_mem>>
        %dma_start3A = arith.constant 0 : i32
        %dma_start3A_158 = tpu.memref_slice %arg15[%run_scoped3A, %dma_start3A] : memref<1x32xi32, #tpu.memory_space<vmem>> -> memref<1x32xi32, #tpu.memory_space<vmem>>
        %dma_start3A_159 = tpu.memref_squeeze %dma_start3A_158 : memref<1x32xi32, #tpu.memory_space<vmem>> -> memref<32xi32, #tpu.memory_space<vmem>>
        %dma_start3A_160 = arith.constant 0 : i32
        %dma_start3A_161 = arith.constant 0 : i32
        %dma_start3A_162 = tpu.memref_slice %arg16[%dma_start3A_160, %dma_start3A_161] : memref<12560x128xf32, #tpu.memory_space<vmem_shared>> -> memref<12560x128xf32, #tpu.memory_space<vmem_shared>>
        tpu.enqueue_indirect_dma source(%arg14 : memref<32x128xf32, #tpu.memory_space<vmem>>) target(%dma_start3A_162 : memref<12560x128xf32, #tpu.memory_space<vmem_shared>>) offsets(%dma_start3A_159 : memref<32xi32, #tpu.memory_space<vmem>>) semaphore(%run_scoped3A_157 : memref<!tpu.dma_semaphore, #tpu.memory_space<semaphore_mem>>)
        %dma_wait3A = arith.constant 0 : i32
        %dma_wait3A_163 = tpu.memref_slice %arg15[%run_scoped3A, %dma_wait3A] : memref<1x32xi32, #tpu.memory_space<vmem>> -> memref<1x32xi32, #tpu.memory_space<vmem>>
        %dma_wait3A_164 = tpu.memref_squeeze %dma_wait3A_163 : memref<1x32xi32, #tpu.memory_space<vmem>> -> memref<32xi32, #tpu.memory_space<vmem>>
        %dma_wait3A_165 = arith.constant 0 : i32
        %dma_wait3A_166 = arith.constant 0 : i32
        %dma_wait3A_167 = tpu.memref_slice %arg16[%dma_wait3A_165, %dma_wait3A_166] : memref<12560x128xf32, #tpu.memory_space<vmem_shared>> -> memref<12560x128xf32, #tpu.memory_space<vmem_shared>>
        tpu.wait_indirect_dma semaphore(%run_scoped3A_157 : memref<!tpu.dma_semaphore, #tpu.memory_space<semaphore_mem>>) src(%arg14 : memref<32x128xf32, #tpu.memory_space<vmem>>) dst(%dma_wait3A_167 : memref<12560x128xf32, #tpu.memory_space<vmem_shared>>)
        tpu.yield
      }) : () -> ()
      %scan3A_156 = arith.constant 0 : i32
      scf.yield %scan3A_156 : i32
    }
    %scan3A_29 = arith.constant 25 : i32
    %barrier3A = arith.constant 0 : index
    tpu.barrier barrier_id(%barrier3A)
    %mul3A_30 = arith.constant 25000 : i32
    %mul3A_31 = arith.muli %arg1, %mul3A_30 : i32
    %jit3A_32 = arith.constant 16 : i32
    %div3A = arith.divsi %mul3A_31, %jit3A_32 : i32
    %sign3A = arith.constant 0 : i32
    %sign3A_33 = arith.cmpi sgt, %mul3A_31, %sign3A : i32
    %sign3A_34 = arith.extui %sign3A_33 : i1 to i32
    %sign3A_35 = arith.constant 0 : i32
    %sign3A_36 = arith.cmpi slt, %mul3A_31, %sign3A_35 : i32
    %sign3A_37 = arith.extui %sign3A_36 : i1 to i32
    %sign3A_38 = arith.subi %sign3A_34, %sign3A_37 : i32
    %sign3A_39 = arith.constant 0 : i32
    %sign3A_40 = arith.cmpi sgt, %jit3A_32, %sign3A_39 : i32
    %sign3A_41 = arith.extui %sign3A_40 : i1 to i32
    %sign3A_42 = arith.constant 0 : i32
    %sign3A_43 = arith.cmpi slt, %jit3A_32, %sign3A_42 : i32
    %sign3A_44 = arith.extui %sign3A_43 : i1 to i32
    %sign3A_45 = arith.subi %sign3A_41, %sign3A_44 : i32
    %ne3A = arith.cmpi ne, %sign3A_38, %sign3A_45 : i32
    %rem3A = arith.remsi %mul3A_31, %jit3A_32 : i32
    %ne3A_46 = arith.constant 0 : i32
    %ne3A_47 = arith.cmpi ne, %rem3A, %ne3A_46 : i32
    %and3A = arith.andi %ne3A, %ne3A_47 : i1
    %sub3A = arith.constant 1 : i32
    %sub3A_48 = arith.subi %div3A, %sub3A : i32
    %select_n3A_49 = arith.select %and3A, %sub3A_48, %div3A : i32
    %add3A = arith.constant 1 : i32
    %add3A_50 = arith.addi %arg1, %add3A : i32
    %mul3A_51 = arith.constant 25000 : i32
    %mul3A_52 = arith.muli %add3A_50, %mul3A_51 : i32
    %jit3A_53 = arith.constant 16 : i32
    %div3A_54 = arith.divsi %mul3A_52, %jit3A_53 : i32
    %sign3A_55 = arith.constant 0 : i32
    %sign3A_56 = arith.cmpi sgt, %mul3A_52, %sign3A_55 : i32
    %sign3A_57 = arith.extui %sign3A_56 : i1 to i32
    %sign3A_58 = arith.constant 0 : i32
    %sign3A_59 = arith.cmpi slt, %mul3A_52, %sign3A_58 : i32
    %sign3A_60 = arith.extui %sign3A_59 : i1 to i32
    %sign3A_61 = arith.subi %sign3A_57, %sign3A_60 : i32
    %sign3A_62 = arith.constant 0 : i32
    %sign3A_63 = arith.cmpi sgt, %jit3A_53, %sign3A_62 : i32
    %sign3A_64 = arith.extui %sign3A_63 : i1 to i32
    %sign3A_65 = arith.constant 0 : i32
    %sign3A_66 = arith.cmpi slt, %jit3A_53, %sign3A_65 : i32
    %sign3A_67 = arith.extui %sign3A_66 : i1 to i32
    %sign3A_68 = arith.subi %sign3A_64, %sign3A_67 : i32
    %ne3A_69 = arith.cmpi ne, %sign3A_61, %sign3A_68 : i32
    %rem3A_70 = arith.remsi %mul3A_52, %jit3A_53 : i32
    %ne3A_71 = arith.constant 0 : i32
    %ne3A_72 = arith.cmpi ne, %rem3A_70, %ne3A_71 : i32
    %and3A_73 = arith.andi %ne3A_69, %ne3A_72 : i1
    %sub3A_74 = arith.constant 1 : i32
    %sub3A_75 = arith.subi %div3A_54, %sub3A_74 : i32
    %select_n3A_76 = arith.select %and3A_73, %sub3A_75, %div3A_54 : i32
    %while3A = arith.constant 0 : i32
    %while3A_77 = arith.subi %select_n3A_76, %select_n3A_49 : i32
    %while3A_78 = arith.addi %select_n3A_49, %while3A_77 : i32
    %while3A_79 = arith.constant 1 : i32
    %while3A_80 = arith.divsi %while3A_77, %while3A_79 : i32
    %while3A_81 = arith.muli %while3A_80, %while3A_79 : i32
    %while3A_82 = arith.addi %select_n3A_49, %while3A_81 : i32
    %while3A_83 = arith.constant 1 : i32
    %while3A_84 = scf.for %while3A_123 = %select_n3A_49 to %while3A_82 step %while3A_83 iter_args(%while3A_124 = %while3A) -> (i32)  : i32 {
      %mul3A_125 = arith.constant 32 : i32
      %mul3A_126 = arith.muli %while3A_123, %mul3A_125 : i32
      "tpu.region"() ({
        %run_scoped3A_256 = tpu.sem_alloc : memref<!tpu.dma_semaphore, #tpu.memory_space<semaphore_mem>>
        %dma_start3A_257 = tpu.memref_slice %arg4[%mul3A_126] : memref<800000xi32, #tpu.memory_space<hbm>> -> memref<32xi32, #tpu.memory_space<hbm>>
        %dma_start3A_258 = tpu.memref_slice %arg4[%mul3A_126] : memref<800000xi32, #tpu.memory_space<hbm>> -> memref<32xi32, #tpu.memory_space<hbm>>
        tpu.enqueue_dma source(%dma_start3A_258 : memref<32xi32, #tpu.memory_space<hbm>>) target(%arg9 : memref<32xi32, #tpu.memory_space<vmem>>) target_semaphore(%run_scoped3A_256 : memref<!tpu.dma_semaphore, #tpu.memory_space<semaphore_mem>>)
        %dma_wait3A_259 = tpu.memref_slice %arg4[%mul3A_126] : memref<800000xi32, #tpu.memory_space<hbm>> -> memref<32xi32, #tpu.memory_space<hbm>>
        %dma_wait3A_260 = tpu.memref_slice %arg4[%mul3A_126] : memref<800000xi32, #tpu.memory_space<hbm>> -> memref<32xi32, #tpu.memory_space<hbm>>
        tpu.wait_dma2 semaphore(%run_scoped3A_256 : memref<!tpu.dma_semaphore, #tpu.memory_space<semaphore_mem>>) src(%dma_wait3A_260 : memref<32xi32, #tpu.memory_space<hbm>>) dst(%arg9 : memref<32xi32, #tpu.memory_space<vmem>>)
        tpu.yield
      }) : () -> ()
      %mul3A_127 = arith.constant 32 : i32
      %mul3A_128 = arith.muli %while3A_123, %mul3A_127 : i32
      "tpu.region"() ({
        %run_scoped3A_256 = tpu.sem_alloc : memref<!tpu.dma_semaphore, #tpu.memory_space<semaphore_mem>>
        %dma_start3A_257 = tpu.memref_slice %arg5[%mul3A_128] : memref<800000xi32, #tpu.memory_space<hbm>> -> memref<32xi32, #tpu.memory_space<hbm>>
        %dma_start3A_258 = tpu.memref_slice %arg5[%mul3A_128] : memref<800000xi32, #tpu.memory_space<hbm>> -> memref<32xi32, #tpu.memory_space<hbm>>
        tpu.enqueue_dma source(%dma_start3A_258 : memref<32xi32, #tpu.memory_space<hbm>>) target(%arg10 : memref<32xi32, #tpu.memory_space<vmem>>) target_semaphore(%run_scoped3A_256 : memref<!tpu.dma_semaphore, #tpu.memory_space<semaphore_mem>>)
        %dma_wait3A_259 = tpu.memref_slice %arg5[%mul3A_128] : memref<800000xi32, #tpu.memory_space<hbm>> -> memref<32xi32, #tpu.memory_space<hbm>>
        %dma_wait3A_260 = tpu.memref_slice %arg5[%mul3A_128] : memref<800000xi32, #tpu.memory_space<hbm>> -> memref<32xi32, #tpu.memory_space<hbm>>
        tpu.wait_dma2 semaphore(%run_scoped3A_256 : memref<!tpu.dma_semaphore, #tpu.memory_space<semaphore_mem>>) src(%dma_wait3A_260 : memref<32xi32, #tpu.memory_space<hbm>>) dst(%arg10 : memref<32xi32, #tpu.memory_space<vmem>>)
        tpu.yield
      }) : () -> ()
      %dma_start3A = arith.constant 0 : i32
      %dma_start3A_129 = arith.constant 0 : i32
      %dma_start3A_130 = tpu.memref_slice %arg2[%dma_start3A, %dma_start3A_129] : memref<50000x128xf32, #tpu.memory_space<hbm>> -> memref<50000x128xf32, #tpu.memory_space<hbm>>
      tpu.enqueue_indirect_dma source(%dma_start3A_130 : memref<50000x128xf32, #tpu.memory_space<hbm>>) target(%arg8 : memref<32x128xf32, #tpu.memory_space<vmem>>) offsets(%arg9 : memref<32xi32, #tpu.memory_space<vmem>>) semaphore(%arg17 : memref<!tpu.dma_semaphore, #tpu.memory_space<semaphore_mem>>)
      %mul3A_131 = arith.constant 32 : i32
      %mul3A_132 = arith.muli %while3A_123, %mul3A_131 : i32
      %dma_start3A_133 = arith.constant 0 : i32
      %dma_start3A_134 = tpu.memref_slice %arg3[%mul3A_132, %dma_start3A_133] : memref<800000x64xf32, #tpu.memory_space<hbm>> -> memref<32x64xf32, #tpu.memory_space<hbm>>
      %dma_start3A_135 = arith.constant 0 : i32
      %dma_start3A_136 = tpu.memref_slice %arg3[%mul3A_132, %dma_start3A_135] : memref<800000x64xf32, #tpu.memory_space<hbm>> -> memref<32x64xf32, #tpu.memory_space<hbm>>
      tpu.enqueue_dma source(%dma_start3A_136 : memref<32x64xf32, #tpu.memory_space<hbm>>) target(%arg7 : memref<32x64xf32, #tpu.memory_space<vmem>>) target_semaphore(%arg18 : memref<!tpu.dma_semaphore, #tpu.memory_space<semaphore_mem>>)
      %get3A = arith.constant 0 : index
      %get3A_137 = tpu.vector_load %arg10[%get3A] {strides = array<i32>} : memref<32xi32, #tpu.memory_space<vmem>>, vector<16xi32>,
      %get3A_138 = vector.shape_cast %get3A_137 : vector<16xi32> to vector<16xi32>
      %sub3A_139 = vector.broadcast %mul3A_0 : i32 to vector<16xi32>
      %sub3A_140 = arith.subi %get3A_138, %sub3A_139 : vector<16xi32>
      %and3A_141 = arith.constant 1 : i32
      %and3A_142 = vector.broadcast %and3A_141 : i32 to vector<16xi32>
      %and3A_143 = arith.andi %sub3A_140, %and3A_142 : vector<16xi32>
      %eq3A_144 = arith.constant 0 : i32
      %eq3A_145 = vector.broadcast %eq3A_144 : i32 to vector<16xi32>
      %eq3A_146 = arith.cmpi eq, %and3A_143, %eq3A_145 : vector<16xi32>
      %ge3A = arith.constant 0 : i32
      %ge3A_147 = vector.broadcast %ge3A : i32 to vector<16xi32>
      %ge3A_148 = arith.cmpi sge, %sub3A_140, %ge3A_147 : vector<16xi32>
      %lt3A = vector.broadcast %select_n3A : i32 to vector<16xi32>
      %lt3A_149 = arith.cmpi slt, %sub3A_140, %lt3A : vector<16xi32>
      %and3A_150 = arith.andi %ge3A_148, %lt3A_149 : vector<16xi1>
      %iota3A = tpu.iota {dimensions = array<i32: 0>} : vector<16xi32>
      %add3A_151 = arith.constant 0 : i32
      %add3A_152 = vector.broadcast %add3A_151 : i32 to vector<16xi32>
      %add3A_153 = arith.addi %iota3A, %add3A_152 : vector<16xi32>
      %and3A_154 = arith.constant 15 : i32
      %and3A_155 = vector.broadcast %and3A_154 : i32 to vector<16xi32>
      %and3A_156 = arith.andi %add3A_153, %and3A_155 : vector<16xi32>
      %add3A_157 = arith.constant 12520 : i32
      %add3A_158 = vector.broadcast %add3A_157 : i32 to vector<16xi32>
      %add3A_159 = arith.addi %add3A_158, %and3A_156 : vector<16xi32>
      %and3A_160 = arith.constant 15 : i32
      %and3A_161 = vector.broadcast %and3A_160 : i32 to vector<16xi32>
      %and3A_162 = arith.andi %add3A_153, %and3A_161 : vector<16xi32>
      %add3A_163 = arith.constant 12536 : i32
      %add3A_164 = vector.broadcast %add3A_163 : i32 to vector<16xi32>
      %add3A_165 = arith.addi %add3A_164, %and3A_162 : vector<16xi32>
      %shift_right_arithmetic3A = arith.constant 1 : i32
      %shift_right_arithmetic3A_166 = vector.broadcast %shift_right_arithmetic3A : i32 to vector<16xi32>
      %shift_right_arithmetic3A_167 = arith.shrsi %sub3A_140, %shift_right_arithmetic3A_166 : vector<16xi32>
      %select_n3A_168 = arith.select %and3A_150, %shift_right_arithmetic3A_167, %add3A_159 : vector<16xi1>, vector<16xi32>
      %select_n3A_169 = arith.select %eq3A_146, %select_n3A_168, %add3A_159 : vector<16xi1>, vector<16xi32>
      %swap3A = arith.constant 0 : i32
      %swap3A_170 = arith.index_cast %swap3A : i32 to index
      %swap3A_171 = arith.constant 0 : index
      %swap3A_172 = tpu.vector_load %arg12[%swap3A_170, %swap3A_171] {strides = array<i32>} : memref<1x32xi32, #tpu.memory_space<vmem>>, vector<1x16xi32>,
      %swap3A_173 = vector.shape_cast %swap3A_172 : vector<1x16xi32> to vector<16xi32>
      %swap3A_174 = vector.shape_cast %select_n3A_169 : vector<16xi32> to vector<1x16xi32>
      tpu.vector_store %arg12[%swap3A_170, %swap3A_171], %swap3A_174 {strides = array<i32>} : memref<1x32xi32, #tpu.memory_space<vmem>>, vector<1x16xi32>,
      %shift_right_arithmetic3A_175 = arith.constant 1 : i32
      %shift_right_arithmetic3A_176 = vector.broadcast %shift_right_arithmetic3A_175 : i32 to vector<16xi32>
      %shift_right_arithmetic3A_177 = arith.shrsi %sub3A_140, %shift_right_arithmetic3A_176 : vector<16xi32>
      %select_n3A_178 = arith.select %and3A_150, %shift_right_arithmetic3A_177, %add3A_165 : vector<16xi1>, vector<16xi32>
      %select_n3A_179 = arith.select %eq3A_146, %add3A_165, %select_n3A_178 : vector<16xi1>, vector<16xi32>
      %swap3A_180 = arith.constant 0 : i32
      %swap3A_181 = arith.index_cast %swap3A_180 : i32 to index
      %swap3A_182 = arith.constant 0 : index
      %swap3A_183 = tpu.vector_load %arg13[%swap3A_181, %swap3A_182] {strides = array<i32>} : memref<1x32xi32, #tpu.memory_space<vmem>>, vector<1x16xi32>,
      %swap3A_184 = vector.shape_cast %swap3A_183 : vector<1x16xi32> to vector<16xi32>
      %swap3A_185 = vector.shape_cast %select_n3A_179 : vector<16xi32> to vector<1x16xi32>
      tpu.vector_store %arg13[%swap3A_181, %swap3A_182], %swap3A_185 {strides = array<i32>} : memref<1x32xi32, #tpu.memory_space<vmem>>, vector<1x16xi32>,
      %get3A_186 = arith.constant 16 : index
      %get3A_187 = tpu.vector_load %arg10[%get3A_186] {strides = array<i32>} : memref<32xi32, #tpu.memory_space<vmem>>, vector<16xi32>,
      %get3A_188 = vector.shape_cast %get3A_187 : vector<16xi32> to vector<16xi32>
      %sub3A_189 = vector.broadcast %mul3A_0 : i32 to vector<16xi32>
      %sub3A_190 = arith.subi %get3A_188, %sub3A_189 : vector<16xi32>
      %and3A_191 = arith.constant 1 : i32
      %and3A_192 = vector.broadcast %and3A_191 : i32 to vector<16xi32>
      %and3A_193 = arith.andi %sub3A_190, %and3A_192 : vector<16xi32>
      %eq3A_194 = arith.constant 0 : i32
      %eq3A_195 = vector.broadcast %eq3A_194 : i32 to vector<16xi32>
      %eq3A_196 = arith.cmpi eq, %and3A_193, %eq3A_195 : vector<16xi32>
      %ge3A_197 = arith.constant 0 : i32
      %ge3A_198 = vector.broadcast %ge3A_197 : i32 to vector<16xi32>
      %ge3A_199 = arith.cmpi sge, %sub3A_190, %ge3A_198 : vector<16xi32>
      %lt3A_200 = vector.broadcast %select_n3A : i32 to vector<16xi32>
      %lt3A_201 = arith.cmpi slt, %sub3A_190, %lt3A_200 : vector<16xi32>
      %and3A_202 = arith.andi %ge3A_199, %lt3A_201 : vector<16xi1>
      %iota3A_203 = tpu.iota {dimensions = array<i32: 0>} : vector<16xi32>
      %add3A_204 = arith.constant 16 : i32
      %add3A_205 = vector.broadcast %add3A_204 : i32 to vector<16xi32>
      %add3A_206 = arith.addi %iota3A_203, %add3A_205 : vector<16xi32>
      %and3A_207 = arith.constant 15 : i32
      %and3A_208 = vector.broadcast %and3A_207 : i32 to vector<16xi32>
      %and3A_209 = arith.andi %add3A_206, %and3A_208 : vector<16xi32>
      %add3A_210 = arith.constant 12520 : i32
      %add3A_211 = vector.broadcast %add3A_210 : i32 to vector<16xi32>
      %add3A_212 = arith.addi %add3A_211, %and3A_209 : vector<16xi32>
      %and3A_213 = arith.constant 15 : i32
      %and3A_214 = vector.broadcast %and3A_213 : i32 to vector<16xi32>
      %and3A_215 = arith.andi %add3A_206, %and3A_214 : vector<16xi32>
      %add3A_216 = arith.constant 12536 : i32
      %add3A_217 = vector.broadcast %add3A_216 : i32 to vector<16xi32>
      %add3A_218 = arith.addi %add3A_217, %and3A_215 : vector<16xi32>
      %shift_right_arithmetic3A_219 = arith.constant 1 : i32
      %shift_right_arithmetic3A_220 = vector.broadcast %shift_right_arithmetic3A_219 : i32 to vector<16xi32>
      %shift_right_arithmetic3A_221 = arith.shrsi %sub3A_190, %shift_right_arithmetic3A_220 : vector<16xi32>
      %select_n3A_222 = arith.select %and3A_202, %shift_right_arithmetic3A_221, %add3A_212 : vector<16xi1>, vector<16xi32>
      %select_n3A_223 = arith.select %eq3A_196, %select_n3A_222, %add3A_212 : vector<16xi1>, vector<16xi32>
      %swap3A_224 = arith.constant 0 : i32
      %swap3A_225 = arith.index_cast %swap3A_224 : i32 to index
      %swap3A_226 = arith.constant 16 : index
      %swap3A_227 = tpu.vector_load %arg12[%swap3A_225, %swap3A_226] {strides = array<i32>} : memref<1x32xi32, #tpu.memory_space<vmem>>, vector<1x16xi32>,
      %swap3A_228 = vector.shape_cast %swap3A_227 : vector<1x16xi32> to vector<16xi32>
      %swap3A_229 = vector.shape_cast %select_n3A_223 : vector<16xi32> to vector<1x16xi32>
      tpu.vector_store %arg12[%swap3A_225, %swap3A_226], %swap3A_229 {strides = array<i32>} : memref<1x32xi32, #tpu.memory_space<vmem>>, vector<1x16xi32>,
      %shift_right_arithmetic3A_230 = arith.constant 1 : i32
      %shift_right_arithmetic3A_231 = vector.broadcast %shift_right_arithmetic3A_230 : i32 to vector<16xi32>
      %shift_right_arithmetic3A_232 = arith.shrsi %sub3A_190, %shift_right_arithmetic3A_231 : vector<16xi32>
      %select_n3A_233 = arith.select %and3A_202, %shift_right_arithmetic3A_232, %add3A_218 : vector<16xi1>, vector<16xi32>
      %select_n3A_234 = arith.select %eq3A_196, %add3A_218, %select_n3A_233 : vector<16xi1>, vector<16xi32>
      %swap3A_235 = arith.constant 0 : i32
      %swap3A_236 = arith.index_cast %swap3A_235 : i32 to index
      %swap3A_237 = arith.constant 16 : index
      %swap3A_238 = tpu.vector_load %arg13[%swap3A_236, %swap3A_237] {strides = array<i32>} : memref<1x32xi32, #tpu.memory_space<vmem>>, vector<1x16xi32>,
      %swap3A_239 = vector.shape_cast %swap3A_238 : vector<1x16xi32> to vector<16xi32>
      %swap3A_240 = vector.shape_cast %select_n3A_234 : vector<16xi32> to vector<1x16xi32>
      tpu.vector_store %arg13[%swap3A_236, %swap3A_237], %swap3A_240 {strides = array<i32>} : memref<1x32xi32, #tpu.memory_space<vmem>>, vector<1x16xi32>,
      %dma_wait3A = arith.constant 0 : i32
      %dma_wait3A_241 = tpu.memref_slice %arg3[%mul3A_132, %dma_wait3A] : memref<800000x64xf32, #tpu.memory_space<hbm>> -> memref<32x64xf32, #tpu.memory_space<hbm>>
      %dma_wait3A_242 = arith.constant 0 : i32
      %dma_wait3A_243 = tpu.memref_slice %arg3[%mul3A_132, %dma_wait3A_242] : memref<800000x64xf32, #tpu.memory_space<hbm>> -> memref<32x64xf32, #tpu.memory_space<hbm>>
      tpu.wait_dma2 semaphore(%arg18 : memref<!tpu.dma_semaphore, #tpu.memory_space<semaphore_mem>>) src(%dma_wait3A_243 : memref<32x64xf32, #tpu.memory_space<hbm>>) dst(%arg7 : memref<32x64xf32, #tpu.memory_space<vmem>>)
      %dma_wait3A_244 = arith.constant 0 : i32
      %dma_wait3A_245 = arith.constant 0 : i32
      %dma_wait3A_246 = tpu.memref_slice %arg2[%dma_wait3A_244, %dma_wait3A_245] : memref<50000x128xf32, #tpu.memory_space<hbm>> -> memref<50000x128xf32, #tpu.memory_space<hbm>>
      tpu.wait_indirect_dma semaphore(%arg17 : memref<!tpu.dma_semaphore, #tpu.memory_space<semaphore_mem>>) src(%dma_wait3A_246 : memref<50000x128xf32, #tpu.memory_space<hbm>>) dst(%arg8 : memref<32x128xf32, #tpu.memory_space<vmem>>)
      %scan3A_247 = arith.constant 0 : i32
      %scan3A_248 = arith.constant 0 : i32
      %scan3A_249 = arith.constant 32 : i32
      %scan3A_250 = arith.addi %scan3A_248, %scan3A_249 : i32
      %scan3A_251 = arith.constant 1 : i32
      %scan3A_252 = scf.for %scan3A_256 = %scan3A_248 to %scan3A_250 step %scan3A_251 iter_args(%scan3A_257 = %scan3A_247) -> (i32)  : i32 {
        %get3A_258 = arith.index_cast %scan3A_256 : i32 to index
        %get3A_259 = arith.constant 0 : index
        %get3A_260 = tpu.vector_load %arg8[%get3A_258, %get3A_259] {strides = array<i32>} : memref<32x128xf32, #tpu.memory_space<vmem>>, vector<1x16xf32>,
        %get3A_261 = vector.shape_cast %get3A_260 : vector<1x16xf32> to vector<16xf32>
        %get3A_262 = arith.index_cast %scan3A_256 : i32 to index
        %get3A_263 = arith.constant 0 : index
        %get3A_264 = tpu.vector_load %arg7[%get3A_262, %get3A_263] {strides = array<i32>} : memref<32x64xf32, #tpu.memory_space<vmem>>, vector<1x16xf32>,
        %get3A_265 = vector.shape_cast %get3A_264 : vector<1x16xf32> to vector<16xf32>
        %add3A_266 = arith.addf %get3A_265, %get3A_261 : vector<16xf32>
        %max3A = arith.constant 0.000000e+00 : f32
        %max3A_267 = vector.broadcast %max3A : f32 to vector<16xf32>
        %max3A_268 = arith.maximumf %add3A_266, %max3A_267 : vector<16xf32>
        %swap3A_269 = arith.index_cast %scan3A_256 : i32 to index
        %swap3A_270 = arith.constant 0 : index
        %swap3A_271 = tpu.vector_load %arg8[%swap3A_269, %swap3A_270] {strides = array<i32>} : memref<32x128xf32, #tpu.memory_space<vmem>>, vector<1x16xf32>,
        %swap3A_272 = vector.shape_cast %swap3A_271 : vector<1x16xf32> to vector<16xf32>
        %swap3A_273 = vector.shape_cast %max3A_268 : vector<16xf32> to vector<1x16xf32>
        tpu.vector_store %arg8[%swap3A_269, %swap3A_270], %swap3A_273 {strides = array<i32>} : memref<32x128xf32, #tpu.memory_space<vmem>>, vector<1x16xf32>,
        %swap3A_274 = arith.index_cast %scan3A_256 : i32 to index
        %swap3A_275 = arith.constant 64 : index
        %swap3A_276 = tpu.vector_load %arg11[%swap3A_274, %swap3A_275] {strides = array<i32>} : memref<32x128xf32, #tpu.memory_space<vmem>>, vector<1x16xf32>,
        %swap3A_277 = vector.shape_cast %swap3A_276 : vector<1x16xf32> to vector<16xf32>
        %swap3A_278 = vector.shape_cast %max3A_268 : vector<16xf32> to vector<1x16xf32>
        tpu.vector_store %arg11[%swap3A_274, %swap3A_275], %swap3A_278 {strides = array<i32>} : memref<32x128xf32, #tpu.memory_space<vmem>>, vector<1x16xf32>,
        %get3A_279 = arith.index_cast %scan3A_256 : i32 to index
        %get3A_280 = arith.constant 16 : index
        %get3A_281 = tpu.vector_load %arg8[%get3A_279, %get3A_280] {strides = array<i32>} : memref<32x128xf32, #tpu.memory_space<vmem>>, vector<1x16xf32>,
        %get3A_282 = vector.shape_cast %get3A_281 : vector<1x16xf32> to vector<16xf32>
        %get3A_283 = arith.index_cast %scan3A_256 : i32 to index
        %get3A_284 = arith.constant 16 : index
        %get3A_285 = tpu.vector_load %arg7[%get3A_283, %get3A_284] {strides = array<i32>} : memref<32x64xf32, #tpu.memory_space<vmem>>, vector<1x16xf32>,
        %get3A_286 = vector.shape_cast %get3A_285 : vector<1x16xf32> to vector<16xf32>
        %add3A_287 = arith.addf %get3A_286, %get3A_282 : vector<16xf32>
        %max3A_288 = arith.constant 0.000000e+00 : f32
        %max3A_289 = vector.broadcast %max3A_288 : f32 to vector<16xf32>
        %max3A_290 = arith.maximumf %add3A_287, %max3A_289 : vector<16xf32>
        %swap3A_291 = arith.index_cast %scan3A_256 : i32 to index
        %swap3A_292 = arith.constant 16 : index
        %swap3A_293 = tpu.vector_load %arg8[%swap3A_291, %swap3A_292] {strides = array<i32>} : memref<32x128xf32, #tpu.memory_space<vmem>>, vector<1x16xf32>,
        %swap3A_294 = vector.shape_cast %swap3A_293 : vector<1x16xf32> to vector<16xf32>
        %swap3A_295 = vector.shape_cast %max3A_290 : vector<16xf32> to vector<1x16xf32>
        tpu.vector_store %arg8[%swap3A_291, %swap3A_292], %swap3A_295 {strides = array<i32>} : memref<32x128xf32, #tpu.memory_space<vmem>>, vector<1x16xf32>,
        %swap3A_296 = arith.index_cast %scan3A_256 : i32 to index
        %swap3A_297 = arith.constant 80 : index
        %swap3A_298 = tpu.vector_load %arg11[%swap3A_296, %swap3A_297] {strides = array<i32>} : memref<32x128xf32, #tpu.memory_space<vmem>>, vector<1x16xf32>,
        %swap3A_299 = vector.shape_cast %swap3A_298 : vector<1x16xf32> to vector<16xf32>
        %swap3A_300 = vector.shape_cast %max3A_290 : vector<16xf32> to vector<1x16xf32>
        tpu.vector_store %arg11[%swap3A_296, %swap3A_297], %swap3A_300 {strides = array<i32>} : memref<32x128xf32, #tpu.memory_space<vmem>>, vector<1x16xf32>,
        %get3A_301 = arith.index_cast %scan3A_256 : i32 to index
        %get3A_302 = arith.constant 32 : index
        %get3A_303 = tpu.vector_load %arg8[%get3A_301, %get3A_302] {strides = array<i32>} : memref<32x128xf32, #tpu.memory_space<vmem>>, vector<1x16xf32>,
        %get3A_304 = vector.shape_cast %get3A_303 : vector<1x16xf32> to vector<16xf32>
        %get3A_305 = arith.index_cast %scan3A_256 : i32 to index
        %get3A_306 = arith.constant 32 : index
        %get3A_307 = tpu.vector_load %arg7[%get3A_305, %get3A_306] {strides = array<i32>} : memref<32x64xf32, #tpu.memory_space<vmem>>, vector<1x16xf32>,
        %get3A_308 = vector.shape_cast %get3A_307 : vector<1x16xf32> to vector<16xf32>
        %add3A_309 = arith.addf %get3A_308, %get3A_304 : vector<16xf32>
        %max3A_310 = arith.constant 0.000000e+00 : f32
        %max3A_311 = vector.broadcast %max3A_310 : f32 to vector<16xf32>
        %max3A_312 = arith.maximumf %add3A_309, %max3A_311 : vector<16xf32>
        %swap3A_313 = arith.index_cast %scan3A_256 : i32 to index
        %swap3A_314 = arith.constant 32 : index
        %swap3A_315 = tpu.vector_load %arg8[%swap3A_313, %swap3A_314] {strides = array<i32>} : memref<32x128xf32, #tpu.memory_space<vmem>>, vector<1x16xf32>,
        %swap3A_316 = vector.shape_cast %swap3A_315 : vector<1x16xf32> to vector<16xf32>
        %swap3A_317 = vector.shape_cast %max3A_312 : vector<16xf32> to vector<1x16xf32>
        tpu.vector_store %arg8[%swap3A_313, %swap3A_314], %swap3A_317 {strides = array<i32>} : memref<32x128xf32, #tpu.memory_space<vmem>>, vector<1x16xf32>,
        %swap3A_318 = arith.index_cast %scan3A_256 : i32 to index
        %swap3A_319 = arith.constant 96 : index
        %swap3A_320 = tpu.vector_load %arg11[%swap3A_318, %swap3A_319] {strides = array<i32>} : memref<32x128xf32, #tpu.memory_space<vmem>>, vector<1x16xf32>,
        %swap3A_321 = vector.shape_cast %swap3A_320 : vector<1x16xf32> to vector<16xf32>
        %swap3A_322 = vector.shape_cast %max3A_312 : vector<16xf32> to vector<1x16xf32>
        tpu.vector_store %arg11[%swap3A_318, %swap3A_319], %swap3A_322 {strides = array<i32>} : memref<32x128xf32, #tpu.memory_space<vmem>>, vector<1x16xf32>,
        %get3A_323 = arith.index_cast %scan3A_256 : i32 to index
        %get3A_324 = arith.constant 48 : index
        %get3A_325 = tpu.vector_load %arg8[%get3A_323, %get3A_324] {strides = array<i32>} : memref<32x128xf32, #tpu.memory_space<vmem>>, vector<1x16xf32>,
        %get3A_326 = vector.shape_cast %get3A_325 : vector<1x16xf32> to vector<16xf32>
        %get3A_327 = arith.index_cast %scan3A_256 : i32 to index
        %get3A_328 = arith.constant 48 : index
        %get3A_329 = tpu.vector_load %arg7[%get3A_327, %get3A_328] {strides = array<i32>} : memref<32x64xf32, #tpu.memory_space<vmem>>, vector<1x16xf32>,
        %get3A_330 = vector.shape_cast %get3A_329 : vector<1x16xf32> to vector<16xf32>
        %add3A_331 = arith.addf %get3A_330, %get3A_326 : vector<16xf32>
        %max3A_332 = arith.constant 0.000000e+00 : f32
        %max3A_333 = vector.broadcast %max3A_332 : f32 to vector<16xf32>
        %max3A_334 = arith.maximumf %add3A_331, %max3A_333 : vector<16xf32>
        %swap3A_335 = arith.index_cast %scan3A_256 : i32 to index
        %swap3A_336 = arith.constant 48 : index
        %swap3A_337 = tpu.vector_load %arg8[%swap3A_335, %swap3A_336] {strides = array<i32>} : memref<32x128xf32, #tpu.memory_space<vmem>>, vector<1x16xf32>,
        %swap3A_338 = vector.shape_cast %swap3A_337 : vector<1x16xf32> to vector<16xf32>
        %swap3A_339 = vector.shape_cast %max3A_334 : vector<16xf32> to vector<1x16xf32>
        tpu.vector_store %arg8[%swap3A_335, %swap3A_336], %swap3A_339 {strides = array<i32>} : memref<32x128xf32, #tpu.memory_space<vmem>>, vector<1x16xf32>,
        %swap3A_340 = arith.index_cast %scan3A_256 : i32 to index
        %swap3A_341 = arith.constant 112 : index
        %swap3A_342 = tpu.vector_load %arg11[%swap3A_340, %swap3A_341] {strides = array<i32>} : memref<32x128xf32, #tpu.memory_space<vmem>>, vector<1x16xf32>,
        %swap3A_343 = vector.shape_cast %swap3A_342 : vector<1x16xf32> to vector<16xf32>
        %swap3A_344 = vector.shape_cast %max3A_334 : vector<16xf32> to vector<1x16xf32>
        tpu.vector_store %arg11[%swap3A_340, %swap3A_341], %swap3A_344 {strides = array<i32>} : memref<32x128xf32, #tpu.memory_space<vmem>>, vector<1x16xf32>,
        %scan3A_345 = arith.constant 0 : i32
        scf.yield %scan3A_345 : i32
      }
      %scan3A_253 = arith.constant 32 : i32
      %run_scoped3A = arith.constant 0 : i32
      "tpu.region"() ({
        %run_scoped3A_256 = tpu.sem_alloc : memref<!tpu.dma_semaphore, #tpu.memory_space<semaphore_mem>>
        %dma_start3A_257 = arith.constant 0 : i32
        %dma_start3A_258 = tpu.memref_slice %arg12[%run_scoped3A, %dma_start3A_257] : memref<1x32xi32, #tpu.memory_space<vmem>> -> memref<1x32xi32, #tpu.memory_space<vmem>>
        %dma_start3A_259 = tpu.memref_squeeze %dma_start3A_258 : memref<1x32xi32, #tpu.memory_space<vmem>> -> memref<32xi32, #tpu.memory_space<vmem>>
        %dma_start3A_260 = arith.constant 0 : i32
        %dma_start3A_261 = arith.constant 0 : i32
        %dma_start3A_262 = tpu.memref_slice %arg16[%dma_start3A_260, %dma_start3A_261] : memref<12560x128xf32, #tpu.memory_space<vmem_shared>> -> memref<12560x128xf32, #tpu.memory_space<vmem_shared>>
        tpu.enqueue_indirect_dma source(%arg8 : memref<32x128xf32, #tpu.memory_space<vmem>>) target(%dma_start3A_262 : memref<12560x128xf32, #tpu.memory_space<vmem_shared>>) offsets(%dma_start3A_259 : memref<32xi32, #tpu.memory_space<vmem>>) semaphore(%run_scoped3A_256 : memref<!tpu.dma_semaphore, #tpu.memory_space<semaphore_mem>>) {add = true}
        %dma_wait3A_263 = arith.constant 0 : i32
        %dma_wait3A_264 = tpu.memref_slice %arg12[%run_scoped3A, %dma_wait3A_263] : memref<1x32xi32, #tpu.memory_space<vmem>> -> memref<1x32xi32, #tpu.memory_space<vmem>>
        %dma_wait3A_265 = tpu.memref_squeeze %dma_wait3A_264 : memref<1x32xi32, #tpu.memory_space<vmem>> -> memref<32xi32, #tpu.memory_space<vmem>>
        %dma_wait3A_266 = arith.constant 0 : i32
        %dma_wait3A_267 = arith.constant 0 : i32
        %dma_wait3A_268 = tpu.memref_slice %arg16[%dma_wait3A_266, %dma_wait3A_267] : memref<12560x128xf32, #tpu.memory_space<vmem_shared>> -> memref<12560x128xf32, #tpu.memory_space<vmem_shared>>
        tpu.wait_indirect_dma semaphore(%run_scoped3A_256 : memref<!tpu.dma_semaphore, #tpu.memory_space<semaphore_mem>>) src(%arg8 : memref<32x128xf32, #tpu.memory_space<vmem>>) dst(%dma_wait3A_268 : memref<12560x128xf32, #tpu.memory_space<vmem_shared>>)
        tpu.yield
      }) : () -> ()
      %run_scoped3A_254 = arith.constant 0 : i32
      "tpu.region"() ({
        %run_scoped3A_256 = tpu.sem_alloc : memref<!tpu.dma_semaphore, #tpu.memory_space<semaphore_mem>>
        %dma_start3A_257 = arith.constant 0 : i32
        %dma_start3A_258 = tpu.memref_slice %arg13[%run_scoped3A_254, %dma_start3A_257] : memref<1x32xi32, #tpu.memory_space<vmem>> -> memref<1x32xi32, #tpu.memory_space<vmem>>
        %dma_start3A_259 = tpu.memref_squeeze %dma_start3A_258 : memref<1x32xi32, #tpu.memory_space<vmem>> -> memref<32xi32, #tpu.memory_space<vmem>>
        %dma_start3A_260 = arith.constant 0 : i32
        %dma_start3A_261 = arith.constant 0 : i32
        %dma_start3A_262 = tpu.memref_slice %arg16[%dma_start3A_260, %dma_start3A_261] : memref<12560x128xf32, #tpu.memory_space<vmem_shared>> -> memref<12560x128xf32, #tpu.memory_space<vmem_shared>>
        tpu.enqueue_indirect_dma source(%arg11 : memref<32x128xf32, #tpu.memory_space<vmem>>) target(%dma_start3A_262 : memref<12560x128xf32, #tpu.memory_space<vmem_shared>>) offsets(%dma_start3A_259 : memref<32xi32, #tpu.memory_space<vmem>>) semaphore(%run_scoped3A_256 : memref<!tpu.dma_semaphore, #tpu.memory_space<semaphore_mem>>) {add = true}
        %dma_wait3A_263 = arith.constant 0 : i32
        %dma_wait3A_264 = tpu.memref_slice %arg13[%run_scoped3A_254, %dma_wait3A_263] : memref<1x32xi32, #tpu.memory_space<vmem>> -> memref<1x32xi32, #tpu.memory_space<vmem>>
        %dma_wait3A_265 = tpu.memref_squeeze %dma_wait3A_264 : memref<1x32xi32, #tpu.memory_space<vmem>> -> memref<32xi32, #tpu.memory_space<vmem>>
        %dma_wait3A_266 = arith.constant 0 : i32
        %dma_wait3A_267 = arith.constant 0 : i32
        %dma_wait3A_268 = tpu.memref_slice %arg16[%dma_wait3A_266, %dma_wait3A_267] : memref<12560x128xf32, #tpu.memory_space<vmem_shared>> -> memref<12560x128xf32, #tpu.memory_space<vmem_shared>>
        tpu.wait_indirect_dma semaphore(%run_scoped3A_256 : memref<!tpu.dma_semaphore, #tpu.memory_space<semaphore_mem>>) src(%arg11 : memref<32x128xf32, #tpu.memory_space<vmem>>) dst(%dma_wait3A_268 : memref<12560x128xf32, #tpu.memory_space<vmem_shared>>)
        tpu.yield
      }) : () -> ()
      %while3A_255 = arith.constant 0 : i32
      scf.yield %while3A_255 : i32
    }
    %while3A_85 = arith.constant 1 : i32
    %while3A_86 = scf.for %while3A_123 = %while3A_82 to %while3A_78 step %while3A_85 iter_args(%while3A_124 = %while3A_84) -> (i32)  : i32 {
      %mul3A_125 = arith.constant 32 : i32
      %mul3A_126 = arith.muli %while3A_123, %mul3A_125 : i32
      "tpu.region"() ({
        %run_scoped3A_256 = tpu.sem_alloc : memref<!tpu.dma_semaphore, #tpu.memory_space<semaphore_mem>>
        %dma_start3A_257 = tpu.memref_slice %arg4[%mul3A_126] : memref<800000xi32, #tpu.memory_space<hbm>> -> memref<32xi32, #tpu.memory_space<hbm>>
        %dma_start3A_258 = tpu.memref_slice %arg4[%mul3A_126] : memref<800000xi32, #tpu.memory_space<hbm>> -> memref<32xi32, #tpu.memory_space<hbm>>
        tpu.enqueue_dma source(%dma_start3A_258 : memref<32xi32, #tpu.memory_space<hbm>>) target(%arg9 : memref<32xi32, #tpu.memory_space<vmem>>) target_semaphore(%run_scoped3A_256 : memref<!tpu.dma_semaphore, #tpu.memory_space<semaphore_mem>>)
        %dma_wait3A_259 = tpu.memref_slice %arg4[%mul3A_126] : memref<800000xi32, #tpu.memory_space<hbm>> -> memref<32xi32, #tpu.memory_space<hbm>>
        %dma_wait3A_260 = tpu.memref_slice %arg4[%mul3A_126] : memref<800000xi32, #tpu.memory_space<hbm>> -> memref<32xi32, #tpu.memory_space<hbm>>
        tpu.wait_dma2 semaphore(%run_scoped3A_256 : memref<!tpu.dma_semaphore, #tpu.memory_space<semaphore_mem>>) src(%dma_wait3A_260 : memref<32xi32, #tpu.memory_space<hbm>>) dst(%arg9 : memref<32xi32, #tpu.memory_space<vmem>>)
        tpu.yield
      }) : () -> ()
      %mul3A_127 = arith.constant 32 : i32
      %mul3A_128 = arith.muli %while3A_123, %mul3A_127 : i32
      "tpu.region"() ({
        %run_scoped3A_256 = tpu.sem_alloc : memref<!tpu.dma_semaphore, #tpu.memory_space<semaphore_mem>>
        %dma_start3A_257 = tpu.memref_slice %arg5[%mul3A_128] : memref<800000xi32, #tpu.memory_space<hbm>> -> memref<32xi32, #tpu.memory_space<hbm>>
        %dma_start3A_258 = tpu.memref_slice %arg5[%mul3A_128] : memref<800000xi32, #tpu.memory_space<hbm>> -> memref<32xi32, #tpu.memory_space<hbm>>
        tpu.enqueue_dma source(%dma_start3A_258 : memref<32xi32, #tpu.memory_space<hbm>>) target(%arg10 : memref<32xi32, #tpu.memory_space<vmem>>) target_semaphore(%run_scoped3A_256 : memref<!tpu.dma_semaphore, #tpu.memory_space<semaphore_mem>>)
        %dma_wait3A_259 = tpu.memref_slice %arg5[%mul3A_128] : memref<800000xi32, #tpu.memory_space<hbm>> -> memref<32xi32, #tpu.memory_space<hbm>>
        %dma_wait3A_260 = tpu.memref_slice %arg5[%mul3A_128] : memref<800000xi32, #tpu.memory_space<hbm>> -> memref<32xi32, #tpu.memory_space<hbm>>
        tpu.wait_dma2 semaphore(%run_scoped3A_256 : memref<!tpu.dma_semaphore, #tpu.memory_space<semaphore_mem>>) src(%dma_wait3A_260 : memref<32xi32, #tpu.memory_space<hbm>>) dst(%arg10 : memref<32xi32, #tpu.memory_space<vmem>>)
        tpu.yield
      }) : () -> ()
      %dma_start3A = arith.constant 0 : i32
      %dma_start3A_129 = arith.constant 0 : i32
      %dma_start3A_130 = tpu.memref_slice %arg2[%dma_start3A, %dma_start3A_129] : memref<50000x128xf32, #tpu.memory_space<hbm>> -> memref<50000x128xf32, #tpu.memory_space<hbm>>
      tpu.enqueue_indirect_dma source(%dma_start3A_130 : memref<50000x128xf32, #tpu.memory_space<hbm>>) target(%arg8 : memref<32x128xf32, #tpu.memory_space<vmem>>) offsets(%arg9 : memref<32xi32, #tpu.memory_space<vmem>>) semaphore(%arg17 : memref<!tpu.dma_semaphore, #tpu.memory_space<semaphore_mem>>)
      %mul3A_131 = arith.constant 32 : i32
      %mul3A_132 = arith.muli %while3A_123, %mul3A_131 : i32
      %dma_start3A_133 = arith.constant 0 : i32
      %dma_start3A_134 = tpu.memref_slice %arg3[%mul3A_132, %dma_start3A_133] : memref<800000x64xf32, #tpu.memory_space<hbm>> -> memref<32x64xf32, #tpu.memory_space<hbm>>
      %dma_start3A_135 = arith.constant 0 : i32
      %dma_start3A_136 = tpu.memref_slice %arg3[%mul3A_132, %dma_start3A_135] : memref<800000x64xf32, #tpu.memory_space<hbm>> -> memref<32x64xf32, #tpu.memory_space<hbm>>
      tpu.enqueue_dma source(%dma_start3A_136 : memref<32x64xf32, #tpu.memory_space<hbm>>) target(%arg7 : memref<32x64xf32, #tpu.memory_space<vmem>>) target_semaphore(%arg18 : memref<!tpu.dma_semaphore, #tpu.memory_space<semaphore_mem>>)
      %get3A = arith.constant 0 : index
      %get3A_137 = tpu.vector_load %arg10[%get3A] {strides = array<i32>} : memref<32xi32, #tpu.memory_space<vmem>>, vector<16xi32>,
      %get3A_138 = vector.shape_cast %get3A_137 : vector<16xi32> to vector<16xi32>
      %sub3A_139 = vector.broadcast %mul3A_0 : i32 to vector<16xi32>
      %sub3A_140 = arith.subi %get3A_138, %sub3A_139 : vector<16xi32>
      %and3A_141 = arith.constant 1 : i32
      %and3A_142 = vector.broadcast %and3A_141 : i32 to vector<16xi32>
      %and3A_143 = arith.andi %sub3A_140, %and3A_142 : vector<16xi32>
      %eq3A_144 = arith.constant 0 : i32
      %eq3A_145 = vector.broadcast %eq3A_144 : i32 to vector<16xi32>
      %eq3A_146 = arith.cmpi eq, %and3A_143, %eq3A_145 : vector<16xi32>
      %ge3A = arith.constant 0 : i32
      %ge3A_147 = vector.broadcast %ge3A : i32 to vector<16xi32>
      %ge3A_148 = arith.cmpi sge, %sub3A_140, %ge3A_147 : vector<16xi32>
      %lt3A = vector.broadcast %select_n3A : i32 to vector<16xi32>
      %lt3A_149 = arith.cmpi slt, %sub3A_140, %lt3A : vector<16xi32>
      %and3A_150 = arith.andi %ge3A_148, %lt3A_149 : vector<16xi1>
      %iota3A = tpu.iota {dimensions = array<i32: 0>} : vector<16xi32>
      %add3A_151 = arith.constant 0 : i32
      %add3A_152 = vector.broadcast %add3A_151 : i32 to vector<16xi32>
      %add3A_153 = arith.addi %iota3A, %add3A_152 : vector<16xi32>
      %and3A_154 = arith.constant 15 : i32
      %and3A_155 = vector.broadcast %and3A_154 : i32 to vector<16xi32>
      %and3A_156 = arith.andi %add3A_153, %and3A_155 : vector<16xi32>
      %add3A_157 = arith.constant 12520 : i32
      %add3A_158 = vector.broadcast %add3A_157 : i32 to vector<16xi32>
      %add3A_159 = arith.addi %add3A_158, %and3A_156 : vector<16xi32>
      %and3A_160 = arith.constant 15 : i32
      %and3A_161 = vector.broadcast %and3A_160 : i32 to vector<16xi32>
      %and3A_162 = arith.andi %add3A_153, %and3A_161 : vector<16xi32>
      %add3A_163 = arith.constant 12536 : i32
      %add3A_164 = vector.broadcast %add3A_163 : i32 to vector<16xi32>
      %add3A_165 = arith.addi %add3A_164, %and3A_162 : vector<16xi32>
      %shift_right_arithmetic3A = arith.constant 1 : i32
      %shift_right_arithmetic3A_166 = vector.broadcast %shift_right_arithmetic3A : i32 to vector<16xi32>
      %shift_right_arithmetic3A_167 = arith.shrsi %sub3A_140, %shift_right_arithmetic3A_166 : vector<16xi32>
      %select_n3A_168 = arith.select %and3A_150, %shift_right_arithmetic3A_167, %add3A_159 : vector<16xi1>, vector<16xi32>
      %select_n3A_169 = arith.select %eq3A_146, %select_n3A_168, %add3A_159 : vector<16xi1>, vector<16xi32>
      %swap3A = arith.constant 0 : i32
      %swap3A_170 = arith.index_cast %swap3A : i32 to index
      %swap3A_171 = arith.constant 0 : index
      %swap3A_172 = tpu.vector_load %arg12[%swap3A_170, %swap3A_171] {strides = array<i32>} : memref<1x32xi32, #tpu.memory_space<vmem>>, vector<1x16xi32>,
      %swap3A_173 = vector.shape_cast %swap3A_172 : vector<1x16xi32> to vector<16xi32>
      %swap3A_174 = vector.shape_cast %select_n3A_169 : vector<16xi32> to vector<1x16xi32>
      tpu.vector_store %arg12[%swap3A_170, %swap3A_171], %swap3A_174 {strides = array<i32>} : memref<1x32xi32, #tpu.memory_space<vmem>>, vector<1x16xi32>,
      %shift_right_arithmetic3A_175 = arith.constant 1 : i32
      %shift_right_arithmetic3A_176 = vector.broadcast %shift_right_arithmetic3A_175 : i32 to vector<16xi32>
      %shift_right_arithmetic3A_177 = arith.shrsi %sub3A_140, %shift_right_arithmetic3A_176 : vector<16xi32>
      %select_n3A_178 = arith.select %and3A_150, %shift_right_arithmetic3A_177, %add3A_165 : vector<16xi1>, vector<16xi32>
      %select_n3A_179 = arith.select %eq3A_146, %add3A_165, %select_n3A_178 : vector<16xi1>, vector<16xi32>
      %swap3A_180 = arith.constant 0 : i32
      %swap3A_181 = arith.index_cast %swap3A_180 : i32 to index
      %swap3A_182 = arith.constant 0 : index
      %swap3A_183 = tpu.vector_load %arg13[%swap3A_181, %swap3A_182] {strides = array<i32>} : memref<1x32xi32, #tpu.memory_space<vmem>>, vector<1x16xi32>,
      %swap3A_184 = vector.shape_cast %swap3A_183 : vector<1x16xi32> to vector<16xi32>
      %swap3A_185 = vector.shape_cast %select_n3A_179 : vector<16xi32> to vector<1x16xi32>
      tpu.vector_store %arg13[%swap3A_181, %swap3A_182], %swap3A_185 {strides = array<i32>} : memref<1x32xi32, #tpu.memory_space<vmem>>, vector<1x16xi32>,
      %get3A_186 = arith.constant 16 : index
      %get3A_187 = tpu.vector_load %arg10[%get3A_186] {strides = array<i32>} : memref<32xi32, #tpu.memory_space<vmem>>, vector<16xi32>,
      %get3A_188 = vector.shape_cast %get3A_187 : vector<16xi32> to vector<16xi32>
      %sub3A_189 = vector.broadcast %mul3A_0 : i32 to vector<16xi32>
      %sub3A_190 = arith.subi %get3A_188, %sub3A_189 : vector<16xi32>
      %and3A_191 = arith.constant 1 : i32
      %and3A_192 = vector.broadcast %and3A_191 : i32 to vector<16xi32>
      %and3A_193 = arith.andi %sub3A_190, %and3A_192 : vector<16xi32>
      %eq3A_194 = arith.constant 0 : i32
      %eq3A_195 = vector.broadcast %eq3A_194 : i32 to vector<16xi32>
      %eq3A_196 = arith.cmpi eq, %and3A_193, %eq3A_195 : vector<16xi32>
      %ge3A_197 = arith.constant 0 : i32
      %ge3A_198 = vector.broadcast %ge3A_197 : i32 to vector<16xi32>
      %ge3A_199 = arith.cmpi sge, %sub3A_190, %ge3A_198 : vector<16xi32>
      %lt3A_200 = vector.broadcast %select_n3A : i32 to vector<16xi32>
      %lt3A_201 = arith.cmpi slt, %sub3A_190, %lt3A_200 : vector<16xi32>
      %and3A_202 = arith.andi %ge3A_199, %lt3A_201 : vector<16xi1>
      %iota3A_203 = tpu.iota {dimensions = array<i32: 0>} : vector<16xi32>
      %add3A_204 = arith.constant 16 : i32
      %add3A_205 = vector.broadcast %add3A_204 : i32 to vector<16xi32>
      %add3A_206 = arith.addi %iota3A_203, %add3A_205 : vector<16xi32>
      %and3A_207 = arith.constant 15 : i32
      %and3A_208 = vector.broadcast %and3A_207 : i32 to vector<16xi32>
      %and3A_209 = arith.andi %add3A_206, %and3A_208 : vector<16xi32>
      %add3A_210 = arith.constant 12520 : i32
      %add3A_211 = vector.broadcast %add3A_210 : i32 to vector<16xi32>
      %add3A_212 = arith.addi %add3A_211, %and3A_209 : vector<16xi32>
      %and3A_213 = arith.constant 15 : i32
      %and3A_214 = vector.broadcast %and3A_213 : i32 to vector<16xi32>
      %and3A_215 = arith.andi %add3A_206, %and3A_214 : vector<16xi32>
      %add3A_216 = arith.constant 12536 : i32
      %add3A_217 = vector.broadcast %add3A_216 : i32 to vector<16xi32>
      %add3A_218 = arith.addi %add3A_217, %and3A_215 : vector<16xi32>
      %shift_right_arithmetic3A_219 = arith.constant 1 : i32
      %shift_right_arithmetic3A_220 = vector.broadcast %shift_right_arithmetic3A_219 : i32 to vector<16xi32>
      %shift_right_arithmetic3A_221 = arith.shrsi %sub3A_190, %shift_right_arithmetic3A_220 : vector<16xi32>
      %select_n3A_222 = arith.select %and3A_202, %shift_right_arithmetic3A_221, %add3A_212 : vector<16xi1>, vector<16xi32>
      %select_n3A_223 = arith.select %eq3A_196, %select_n3A_222, %add3A_212 : vector<16xi1>, vector<16xi32>
      %swap3A_224 = arith.constant 0 : i32
      %swap3A_225 = arith.index_cast %swap3A_224 : i32 to index
      %swap3A_226 = arith.constant 16 : index
      %swap3A_227 = tpu.vector_load %arg12[%swap3A_225, %swap3A_226] {strides = array<i32>} : memref<1x32xi32, #tpu.memory_space<vmem>>, vector<1x16xi32>,
      %swap3A_228 = vector.shape_cast %swap3A_227 : vector<1x16xi32> to vector<16xi32>
      %swap3A_229 = vector.shape_cast %select_n3A_223 : vector<16xi32> to vector<1x16xi32>
      tpu.vector_store %arg12[%swap3A_225, %swap3A_226], %swap3A_229 {strides = array<i32>} : memref<1x32xi32, #tpu.memory_space<vmem>>, vector<1x16xi32>,
      %shift_right_arithmetic3A_230 = arith.constant 1 : i32
      %shift_right_arithmetic3A_231 = vector.broadcast %shift_right_arithmetic3A_230 : i32 to vector<16xi32>
      %shift_right_arithmetic3A_232 = arith.shrsi %sub3A_190, %shift_right_arithmetic3A_231 : vector<16xi32>
      %select_n3A_233 = arith.select %and3A_202, %shift_right_arithmetic3A_232, %add3A_218 : vector<16xi1>, vector<16xi32>
      %select_n3A_234 = arith.select %eq3A_196, %add3A_218, %select_n3A_233 : vector<16xi1>, vector<16xi32>
      %swap3A_235 = arith.constant 0 : i32
      %swap3A_236 = arith.index_cast %swap3A_235 : i32 to index
      %swap3A_237 = arith.constant 16 : index
      %swap3A_238 = tpu.vector_load %arg13[%swap3A_236, %swap3A_237] {strides = array<i32>} : memref<1x32xi32, #tpu.memory_space<vmem>>, vector<1x16xi32>,
      %swap3A_239 = vector.shape_cast %swap3A_238 : vector<1x16xi32> to vector<16xi32>
      %swap3A_240 = vector.shape_cast %select_n3A_234 : vector<16xi32> to vector<1x16xi32>
      tpu.vector_store %arg13[%swap3A_236, %swap3A_237], %swap3A_240 {strides = array<i32>} : memref<1x32xi32, #tpu.memory_space<vmem>>, vector<1x16xi32>,
      %dma_wait3A = arith.constant 0 : i32
      %dma_wait3A_241 = tpu.memref_slice %arg3[%mul3A_132, %dma_wait3A] : memref<800000x64xf32, #tpu.memory_space<hbm>> -> memref<32x64xf32, #tpu.memory_space<hbm>>
      %dma_wait3A_242 = arith.constant 0 : i32
      %dma_wait3A_243 = tpu.memref_slice %arg3[%mul3A_132, %dma_wait3A_242] : memref<800000x64xf32, #tpu.memory_space<hbm>> -> memref<32x64xf32, #tpu.memory_space<hbm>>
      tpu.wait_dma2 semaphore(%arg18 : memref<!tpu.dma_semaphore, #tpu.memory_space<semaphore_mem>>) src(%dma_wait3A_243 : memref<32x64xf32, #tpu.memory_space<hbm>>) dst(%arg7 : memref<32x64xf32, #tpu.memory_space<vmem>>)
      %dma_wait3A_244 = arith.constant 0 : i32
      %dma_wait3A_245 = arith.constant 0 : i32
      %dma_wait3A_246 = tpu.memref_slice %arg2[%dma_wait3A_244, %dma_wait3A_245] : memref<50000x128xf32, #tpu.memory_space<hbm>> -> memref<50000x128xf32, #tpu.memory_space<hbm>>
      tpu.wait_indirect_dma semaphore(%arg17 : memref<!tpu.dma_semaphore, #tpu.memory_space<semaphore_mem>>) src(%dma_wait3A_246 : memref<50000x128xf32, #tpu.memory_space<hbm>>) dst(%arg8 : memref<32x128xf32, #tpu.memory_space<vmem>>)
      %scan3A_247 = arith.constant 0 : i32
      %scan3A_248 = arith.constant 0 : i32
      %scan3A_249 = arith.constant 32 : i32
      %scan3A_250 = arith.addi %scan3A_248, %scan3A_249 : i32
      %scan3A_251 = arith.constant 1 : i32
      %scan3A_252 = scf.for %scan3A_256 = %scan3A_248 to %scan3A_250 step %scan3A_251 iter_args(%scan3A_257 = %scan3A_247) -> (i32)  : i32 {
        %get3A_258 = arith.index_cast %scan3A_256 : i32 to index
        %get3A_259 = arith.constant 0 : index
        %get3A_260 = tpu.vector_load %arg8[%get3A_258, %get3A_259] {strides = array<i32>} : memref<32x128xf32, #tpu.memory_space<vmem>>, vector<1x16xf32>,
        %get3A_261 = vector.shape_cast %get3A_260 : vector<1x16xf32> to vector<16xf32>
        %get3A_262 = arith.index_cast %scan3A_256 : i32 to index
        %get3A_263 = arith.constant 0 : index
        %get3A_264 = tpu.vector_load %arg7[%get3A_262, %get3A_263] {strides = array<i32>} : memref<32x64xf32, #tpu.memory_space<vmem>>, vector<1x16xf32>,
        %get3A_265 = vector.shape_cast %get3A_264 : vector<1x16xf32> to vector<16xf32>
        %add3A_266 = arith.addf %get3A_265, %get3A_261 : vector<16xf32>
        %max3A = arith.constant 0.000000e+00 : f32
        %max3A_267 = vector.broadcast %max3A : f32 to vector<16xf32>
        %max3A_268 = arith.maximumf %add3A_266, %max3A_267 : vector<16xf32>
        %swap3A_269 = arith.index_cast %scan3A_256 : i32 to index
        %swap3A_270 = arith.constant 0 : index
        %swap3A_271 = tpu.vector_load %arg8[%swap3A_269, %swap3A_270] {strides = array<i32>} : memref<32x128xf32, #tpu.memory_space<vmem>>, vector<1x16xf32>,
        %swap3A_272 = vector.shape_cast %swap3A_271 : vector<1x16xf32> to vector<16xf32>
        %swap3A_273 = vector.shape_cast %max3A_268 : vector<16xf32> to vector<1x16xf32>
        tpu.vector_store %arg8[%swap3A_269, %swap3A_270], %swap3A_273 {strides = array<i32>} : memref<32x128xf32, #tpu.memory_space<vmem>>, vector<1x16xf32>,
        %swap3A_274 = arith.index_cast %scan3A_256 : i32 to index
        %swap3A_275 = arith.constant 64 : index
        %swap3A_276 = tpu.vector_load %arg11[%swap3A_274, %swap3A_275] {strides = array<i32>} : memref<32x128xf32, #tpu.memory_space<vmem>>, vector<1x16xf32>,
        %swap3A_277 = vector.shape_cast %swap3A_276 : vector<1x16xf32> to vector<16xf32>
        %swap3A_278 = vector.shape_cast %max3A_268 : vector<16xf32> to vector<1x16xf32>
        tpu.vector_store %arg11[%swap3A_274, %swap3A_275], %swap3A_278 {strides = array<i32>} : memref<32x128xf32, #tpu.memory_space<vmem>>, vector<1x16xf32>,
        %get3A_279 = arith.index_cast %scan3A_256 : i32 to index
        %get3A_280 = arith.constant 16 : index
        %get3A_281 = tpu.vector_load %arg8[%get3A_279, %get3A_280] {strides = array<i32>} : memref<32x128xf32, #tpu.memory_space<vmem>>, vector<1x16xf32>,
        %get3A_282 = vector.shape_cast %get3A_281 : vector<1x16xf32> to vector<16xf32>
        %get3A_283 = arith.index_cast %scan3A_256 : i32 to index
        %get3A_284 = arith.constant 16 : index
        %get3A_285 = tpu.vector_load %arg7[%get3A_283, %get3A_284] {strides = array<i32>} : memref<32x64xf32, #tpu.memory_space<vmem>>, vector<1x16xf32>,
        %get3A_286 = vector.shape_cast %get3A_285 : vector<1x16xf32> to vector<16xf32>
        %add3A_287 = arith.addf %get3A_286, %get3A_282 : vector<16xf32>
        %max3A_288 = arith.constant 0.000000e+00 : f32
        %max3A_289 = vector.broadcast %max3A_288 : f32 to vector<16xf32>
        %max3A_290 = arith.maximumf %add3A_287, %max3A_289 : vector<16xf32>
        %swap3A_291 = arith.index_cast %scan3A_256 : i32 to index
        %swap3A_292 = arith.constant 16 : index
        %swap3A_293 = tpu.vector_load %arg8[%swap3A_291, %swap3A_292] {strides = array<i32>} : memref<32x128xf32, #tpu.memory_space<vmem>>, vector<1x16xf32>,
        %swap3A_294 = vector.shape_cast %swap3A_293 : vector<1x16xf32> to vector<16xf32>
        %swap3A_295 = vector.shape_cast %max3A_290 : vector<16xf32> to vector<1x16xf32>
        tpu.vector_store %arg8[%swap3A_291, %swap3A_292], %swap3A_295 {strides = array<i32>} : memref<32x128xf32, #tpu.memory_space<vmem>>, vector<1x16xf32>,
        %swap3A_296 = arith.index_cast %scan3A_256 : i32 to index
        %swap3A_297 = arith.constant 80 : index
        %swap3A_298 = tpu.vector_load %arg11[%swap3A_296, %swap3A_297] {strides = array<i32>} : memref<32x128xf32, #tpu.memory_space<vmem>>, vector<1x16xf32>,
        %swap3A_299 = vector.shape_cast %swap3A_298 : vector<1x16xf32> to vector<16xf32>
        %swap3A_300 = vector.shape_cast %max3A_290 : vector<16xf32> to vector<1x16xf32>
        tpu.vector_store %arg11[%swap3A_296, %swap3A_297], %swap3A_300 {strides = array<i32>} : memref<32x128xf32, #tpu.memory_space<vmem>>, vector<1x16xf32>,
        %get3A_301 = arith.index_cast %scan3A_256 : i32 to index
        %get3A_302 = arith.constant 32 : index
        %get3A_303 = tpu.vector_load %arg8[%get3A_301, %get3A_302] {strides = array<i32>} : memref<32x128xf32, #tpu.memory_space<vmem>>, vector<1x16xf32>,
        %get3A_304 = vector.shape_cast %get3A_303 : vector<1x16xf32> to vector<16xf32>
        %get3A_305 = arith.index_cast %scan3A_256 : i32 to index
        %get3A_306 = arith.constant 32 : index
        %get3A_307 = tpu.vector_load %arg7[%get3A_305, %get3A_306] {strides = array<i32>} : memref<32x64xf32, #tpu.memory_space<vmem>>, vector<1x16xf32>,
        %get3A_308 = vector.shape_cast %get3A_307 : vector<1x16xf32> to vector<16xf32>
        %add3A_309 = arith.addf %get3A_308, %get3A_304 : vector<16xf32>
        %max3A_310 = arith.constant 0.000000e+00 : f32
        %max3A_311 = vector.broadcast %max3A_310 : f32 to vector<16xf32>
        %max3A_312 = arith.maximumf %add3A_309, %max3A_311 : vector<16xf32>
        %swap3A_313 = arith.index_cast %scan3A_256 : i32 to index
        %swap3A_314 = arith.constant 32 : index
        %swap3A_315 = tpu.vector_load %arg8[%swap3A_313, %swap3A_314] {strides = array<i32>} : memref<32x128xf32, #tpu.memory_space<vmem>>, vector<1x16xf32>,
        %swap3A_316 = vector.shape_cast %swap3A_315 : vector<1x16xf32> to vector<16xf32>
        %swap3A_317 = vector.shape_cast %max3A_312 : vector<16xf32> to vector<1x16xf32>
        tpu.vector_store %arg8[%swap3A_313, %swap3A_314], %swap3A_317 {strides = array<i32>} : memref<32x128xf32, #tpu.memory_space<vmem>>, vector<1x16xf32>,
        %swap3A_318 = arith.index_cast %scan3A_256 : i32 to index
        %swap3A_319 = arith.constant 96 : index
        %swap3A_320 = tpu.vector_load %arg11[%swap3A_318, %swap3A_319] {strides = array<i32>} : memref<32x128xf32, #tpu.memory_space<vmem>>, vector<1x16xf32>,
        %swap3A_321 = vector.shape_cast %swap3A_320 : vector<1x16xf32> to vector<16xf32>
        %swap3A_322 = vector.shape_cast %max3A_312 : vector<16xf32> to vector<1x16xf32>
        tpu.vector_store %arg11[%swap3A_318, %swap3A_319], %swap3A_322 {strides = array<i32>} : memref<32x128xf32, #tpu.memory_space<vmem>>, vector<1x16xf32>,
        %get3A_323 = arith.index_cast %scan3A_256 : i32 to index
        %get3A_324 = arith.constant 48 : index
        %get3A_325 = tpu.vector_load %arg8[%get3A_323, %get3A_324] {strides = array<i32>} : memref<32x128xf32, #tpu.memory_space<vmem>>, vector<1x16xf32>,
        %get3A_326 = vector.shape_cast %get3A_325 : vector<1x16xf32> to vector<16xf32>
        %get3A_327 = arith.index_cast %scan3A_256 : i32 to index
        %get3A_328 = arith.constant 48 : index
        %get3A_329 = tpu.vector_load %arg7[%get3A_327, %get3A_328] {strides = array<i32>} : memref<32x64xf32, #tpu.memory_space<vmem>>, vector<1x16xf32>,
        %get3A_330 = vector.shape_cast %get3A_329 : vector<1x16xf32> to vector<16xf32>
        %add3A_331 = arith.addf %get3A_330, %get3A_326 : vector<16xf32>
        %max3A_332 = arith.constant 0.000000e+00 : f32
        %max3A_333 = vector.broadcast %max3A_332 : f32 to vector<16xf32>
        %max3A_334 = arith.maximumf %add3A_331, %max3A_333 : vector<16xf32>
        %swap3A_335 = arith.index_cast %scan3A_256 : i32 to index
        %swap3A_336 = arith.constant 48 : index
        %swap3A_337 = tpu.vector_load %arg8[%swap3A_335, %swap3A_336] {strides = array<i32>} : memref<32x128xf32, #tpu.memory_space<vmem>>, vector<1x16xf32>,
        %swap3A_338 = vector.shape_cast %swap3A_337 : vector<1x16xf32> to vector<16xf32>
        %swap3A_339 = vector.shape_cast %max3A_334 : vector<16xf32> to vector<1x16xf32>
        tpu.vector_store %arg8[%swap3A_335, %swap3A_336], %swap3A_339 {strides = array<i32>} : memref<32x128xf32, #tpu.memory_space<vmem>>, vector<1x16xf32>,
        %swap3A_340 = arith.index_cast %scan3A_256 : i32 to index
        %swap3A_341 = arith.constant 112 : index
        %swap3A_342 = tpu.vector_load %arg11[%swap3A_340, %swap3A_341] {strides = array<i32>} : memref<32x128xf32, #tpu.memory_space<vmem>>, vector<1x16xf32>,
        %swap3A_343 = vector.shape_cast %swap3A_342 : vector<1x16xf32> to vector<16xf32>
        %swap3A_344 = vector.shape_cast %max3A_334 : vector<16xf32> to vector<1x16xf32>
        tpu.vector_store %arg11[%swap3A_340, %swap3A_341], %swap3A_344 {strides = array<i32>} : memref<32x128xf32, #tpu.memory_space<vmem>>, vector<1x16xf32>,
        %scan3A_345 = arith.constant 0 : i32
        scf.yield %scan3A_345 : i32
      }
      %scan3A_253 = arith.constant 32 : i32
      %run_scoped3A = arith.constant 0 : i32
      "tpu.region"() ({
        %run_scoped3A_256 = tpu.sem_alloc : memref<!tpu.dma_semaphore, #tpu.memory_space<semaphore_mem>>
        %dma_start3A_257 = arith.constant 0 : i32
        %dma_start3A_258 = tpu.memref_slice %arg12[%run_scoped3A, %dma_start3A_257] : memref<1x32xi32, #tpu.memory_space<vmem>> -> memref<1x32xi32, #tpu.memory_space<vmem>>
        %dma_start3A_259 = tpu.memref_squeeze %dma_start3A_258 : memref<1x32xi32, #tpu.memory_space<vmem>> -> memref<32xi32, #tpu.memory_space<vmem>>
        %dma_start3A_260 = arith.constant 0 : i32
        %dma_start3A_261 = arith.constant 0 : i32
        %dma_start3A_262 = tpu.memref_slice %arg16[%dma_start3A_260, %dma_start3A_261] : memref<12560x128xf32, #tpu.memory_space<vmem_shared>> -> memref<12560x128xf32, #tpu.memory_space<vmem_shared>>
        tpu.enqueue_indirect_dma source(%arg8 : memref<32x128xf32, #tpu.memory_space<vmem>>) target(%dma_start3A_262 : memref<12560x128xf32, #tpu.memory_space<vmem_shared>>) offsets(%dma_start3A_259 : memref<32xi32, #tpu.memory_space<vmem>>) semaphore(%run_scoped3A_256 : memref<!tpu.dma_semaphore, #tpu.memory_space<semaphore_mem>>) {add = true}
        %dma_wait3A_263 = arith.constant 0 : i32
        %dma_wait3A_264 = tpu.memref_slice %arg12[%run_scoped3A, %dma_wait3A_263] : memref<1x32xi32, #tpu.memory_space<vmem>> -> memref<1x32xi32, #tpu.memory_space<vmem>>
        %dma_wait3A_265 = tpu.memref_squeeze %dma_wait3A_264 : memref<1x32xi32, #tpu.memory_space<vmem>> -> memref<32xi32, #tpu.memory_space<vmem>>
        %dma_wait3A_266 = arith.constant 0 : i32
        %dma_wait3A_267 = arith.constant 0 : i32
        %dma_wait3A_268 = tpu.memref_slice %arg16[%dma_wait3A_266, %dma_wait3A_267] : memref<12560x128xf32, #tpu.memory_space<vmem_shared>> -> memref<12560x128xf32, #tpu.memory_space<vmem_shared>>
        tpu.wait_indirect_dma semaphore(%run_scoped3A_256 : memref<!tpu.dma_semaphore, #tpu.memory_space<semaphore_mem>>) src(%arg8 : memref<32x128xf32, #tpu.memory_space<vmem>>) dst(%dma_wait3A_268 : memref<12560x128xf32, #tpu.memory_space<vmem_shared>>)
        tpu.yield
      }) : () -> ()
      %run_scoped3A_254 = arith.constant 0 : i32
      "tpu.region"() ({
        %run_scoped3A_256 = tpu.sem_alloc : memref<!tpu.dma_semaphore, #tpu.memory_space<semaphore_mem>>
        %dma_start3A_257 = arith.constant 0 : i32
        %dma_start3A_258 = tpu.memref_slice %arg13[%run_scoped3A_254, %dma_start3A_257] : memref<1x32xi32, #tpu.memory_space<vmem>> -> memref<1x32xi32, #tpu.memory_space<vmem>>
        %dma_start3A_259 = tpu.memref_squeeze %dma_start3A_258 : memref<1x32xi32, #tpu.memory_space<vmem>> -> memref<32xi32, #tpu.memory_space<vmem>>
        %dma_start3A_260 = arith.constant 0 : i32
        %dma_start3A_261 = arith.constant 0 : i32
        %dma_start3A_262 = tpu.memref_slice %arg16[%dma_start3A_260, %dma_start3A_261] : memref<12560x128xf32, #tpu.memory_space<vmem_shared>> -> memref<12560x128xf32, #tpu.memory_space<vmem_shared>>
        tpu.enqueue_indirect_dma source(%arg11 : memref<32x128xf32, #tpu.memory_space<vmem>>) target(%dma_start3A_262 : memref<12560x128xf32, #tpu.memory_space<vmem_shared>>) offsets(%dma_start3A_259 : memref<32xi32, #tpu.memory_space<vmem>>) semaphore(%run_scoped3A_256 : memref<!tpu.dma_semaphore, #tpu.memory_space<semaphore_mem>>) {add = true}
        %dma_wait3A_263 = arith.constant 0 : i32
        %dma_wait3A_264 = tpu.memref_slice %arg13[%run_scoped3A_254, %dma_wait3A_263] : memref<1x32xi32, #tpu.memory_space<vmem>> -> memref<1x32xi32, #tpu.memory_space<vmem>>
        %dma_wait3A_265 = tpu.memref_squeeze %dma_wait3A_264 : memref<1x32xi32, #tpu.memory_space<vmem>> -> memref<32xi32, #tpu.memory_space<vmem>>
        %dma_wait3A_266 = arith.constant 0 : i32
        %dma_wait3A_267 = arith.constant 0 : i32
        %dma_wait3A_268 = tpu.memref_slice %arg16[%dma_wait3A_266, %dma_wait3A_267] : memref<12560x128xf32, #tpu.memory_space<vmem_shared>> -> memref<12560x128xf32, #tpu.memory_space<vmem_shared>>
        tpu.wait_indirect_dma semaphore(%run_scoped3A_256 : memref<!tpu.dma_semaphore, #tpu.memory_space<semaphore_mem>>) src(%arg11 : memref<32x128xf32, #tpu.memory_space<vmem>>) dst(%dma_wait3A_268 : memref<12560x128xf32, #tpu.memory_space<vmem_shared>>)
        tpu.yield
      }) : () -> ()
      %while3A_255 = arith.constant 0 : i32
      scf.yield %while3A_255 : i32
    }
    %barrier3A_87 = arith.constant 0 : index
    tpu.barrier barrier_id(%barrier3A_87)
    %add3A_88 = arith.constant 32 : i32
    %add3A_89 = arith.addi %select_n3A_9, %add3A_88 : i32
    %sub3A_90 = arith.constant 1 : i32
    %sub3A_91 = arith.subi %add3A_89, %sub3A_90 : i32
    %jit3A_92 = arith.constant 32 : i32
    %div3A_93 = arith.divsi %sub3A_91, %jit3A_92 : i32
    %sign3A_94 = arith.constant 0 : i32
    %sign3A_95 = arith.cmpi sgt, %sub3A_91, %sign3A_94 : i32
    %sign3A_96 = arith.extui %sign3A_95 : i1 to i32
    %sign3A_97 = arith.constant 0 : i32
    %sign3A_98 = arith.cmpi slt, %sub3A_91, %sign3A_97 : i32
    %sign3A_99 = arith.extui %sign3A_98 : i1 to i32
    %sign3A_100 = arith.subi %sign3A_96, %sign3A_99 : i32
    %sign3A_101 = arith.constant 0 : i32
    %sign3A_102 = arith.cmpi sgt, %jit3A_92, %sign3A_101 : i32
    %sign3A_103 = arith.extui %sign3A_102 : i1 to i32
    %sign3A_104 = arith.constant 0 : i32
    %sign3A_105 = arith.cmpi slt, %jit3A_92, %sign3A_104 : i32
    %sign3A_106 = arith.extui %sign3A_105 : i1 to i32
    %sign3A_107 = arith.subi %sign3A_103, %sign3A_106 : i32
    %ne3A_108 = arith.cmpi ne, %sign3A_100, %sign3A_107 : i32
    %rem3A_109 = arith.remsi %sub3A_91, %jit3A_92 : i32
    %ne3A_110 = arith.constant 0 : i32
    %ne3A_111 = arith.cmpi ne, %rem3A_109, %ne3A_110 : i32
    %and3A_112 = arith.andi %ne3A_108, %ne3A_111 : i1
    %sub3A_113 = arith.constant 1 : i32
    %sub3A_114 = arith.subi %div3A_93, %sub3A_113 : i32
    %select_n3A_115 = arith.select %and3A_112, %sub3A_114, %div3A_93 : i32
    %scan3A_116 = arith.constant 0 : i32
    %scan3A_117 = arith.constant 0 : i32
    %scan3A_118 = arith.constant 25 : i32
    %scan3A_119 = arith.addi %scan3A_117, %scan3A_118 : i32
    %scan3A_120 = arith.constant 1 : i32
    %scan3A_121 = scf.for %scan3A_123 = %scan3A_117 to %scan3A_119 step %scan3A_120 iter_args(%scan3A_124 = %scan3A_116) -> (i32)  : i32 {
      %mul3A_125 = arith.constant 16 : i32
      %mul3A_126 = arith.muli %scan3A_123, %mul3A_125 : i32
      %add3A_127 = arith.addi %arg1, %mul3A_126 : i32
      %lt3A = arith.cmpi slt, %add3A_127, %select_n3A_115 : i32
      %convert_element_type3A = arith.extui %lt3A : i1 to i32
      %cond3A = arith.constant 0 : i32
      %cond3A_128 = arith.cmpi ne, %convert_element_type3A, %cond3A : i32
      scf.if %cond3A_128 {
        %mul3A_130 = arith.constant 32 : i32
        %mul3A_131 = arith.muli %add3A_127, %mul3A_130 : i32
        %sub3A_132 = arith.constant 32 : i32
        %sub3A_133 = arith.subi %select_n3A_9, %sub3A_132 : i32
        %min3A = arith.minsi %mul3A_131, %sub3A_133 : i32
        %add3A_134 = arith.constant 0 : i32
        %add3A_135 = arith.addi %min3A, %add3A_134 : i32
        %iota3A = tpu.iota {dimensions = array<i32: 0>} : vector<16xi32>
        %add3A_136 = vector.broadcast %add3A_135 : i32 to vector<16xi32>
        %add3A_137 = arith.addi %add3A_136, %iota3A : vector<16xi32>
        %swap3A = arith.constant 0 : i32
        %swap3A_138 = arith.index_cast %swap3A : i32 to index
        %swap3A_139 = arith.constant 0 : index
        %swap3A_140 = tpu.vector_load %arg15[%swap3A_138, %swap3A_139] {strides = array<i32>} : memref<1x32xi32, #tpu.memory_space<vmem>>, vector<1x16xi32>,
        %swap3A_141 = vector.shape_cast %swap3A_140 : vector<1x16xi32> to vector<16xi32>
        %swap3A_142 = vector.shape_cast %add3A_137 : vector<16xi32> to vector<1x16xi32>
        tpu.vector_store %arg15[%swap3A_138, %swap3A_139], %swap3A_142 {strides = array<i32>} : memref<1x32xi32, #tpu.memory_space<vmem>>, vector<1x16xi32>,
        %add3A_143 = arith.constant 16 : i32
        %add3A_144 = arith.addi %min3A, %add3A_143 : i32
        %iota3A_145 = tpu.iota {dimensions = array<i32: 0>} : vector<16xi32>
        %add3A_146 = vector.broadcast %add3A_144 : i32 to vector<16xi32>
        %add3A_147 = arith.addi %add3A_146, %iota3A_145 : vector<16xi32>
        %swap3A_148 = arith.constant 0 : i32
        %swap3A_149 = arith.index_cast %swap3A_148 : i32 to index
        %swap3A_150 = arith.constant 16 : index
        %swap3A_151 = tpu.vector_load %arg15[%swap3A_149, %swap3A_150] {strides = array<i32>} : memref<1x32xi32, #tpu.memory_space<vmem>>, vector<1x16xi32>,
        %swap3A_152 = vector.shape_cast %swap3A_151 : vector<1x16xi32> to vector<16xi32>
        %swap3A_153 = vector.shape_cast %add3A_147 : vector<16xi32> to vector<1x16xi32>
        tpu.vector_store %arg15[%swap3A_149, %swap3A_150], %swap3A_153 {strides = array<i32>} : memref<1x32xi32, #tpu.memory_space<vmem>>, vector<1x16xi32>,
        %run_scoped3A = arith.constant 0 : i32
        "tpu.region"() ({
          %run_scoped3A_155 = tpu.sem_alloc : memref<!tpu.dma_semaphore, #tpu.memory_space<semaphore_mem>>
          %dma_start3A = arith.constant 0 : i32
          %dma_start3A_156 = tpu.memref_slice %arg15[%run_scoped3A, %dma_start3A] : memref<1x32xi32, #tpu.memory_space<vmem>> -> memref<1x32xi32, #tpu.memory_space<vmem>>
          %dma_start3A_157 = tpu.memref_squeeze %dma_start3A_156 : memref<1x32xi32, #tpu.memory_space<vmem>> -> memref<32xi32, #tpu.memory_space<vmem>>
          %dma_start3A_158 = arith.constant 0 : i32
          %dma_start3A_159 = arith.constant 0 : i32
          %dma_start3A_160 = tpu.memref_slice %arg16[%dma_start3A_158, %dma_start3A_159] : memref<12560x128xf32, #tpu.memory_space<vmem_shared>> -> memref<12560x128xf32, #tpu.memory_space<vmem_shared>>
          tpu.enqueue_indirect_dma source(%dma_start3A_160 : memref<12560x128xf32, #tpu.memory_space<vmem_shared>>) target(%arg14 : memref<32x128xf32, #tpu.memory_space<vmem>>) offsets(%dma_start3A_157 : memref<32xi32, #tpu.memory_space<vmem>>) semaphore(%run_scoped3A_155 : memref<!tpu.dma_semaphore, #tpu.memory_space<semaphore_mem>>)
          %dma_wait3A = arith.constant 0 : i32
          %dma_wait3A_161 = tpu.memref_slice %arg15[%run_scoped3A, %dma_wait3A] : memref<1x32xi32, #tpu.memory_space<vmem>> -> memref<1x32xi32, #tpu.memory_space<vmem>>
          %dma_wait3A_162 = tpu.memref_squeeze %dma_wait3A_161 : memref<1x32xi32, #tpu.memory_space<vmem>> -> memref<32xi32, #tpu.memory_space<vmem>>
          %dma_wait3A_163 = arith.constant 0 : i32
          %dma_wait3A_164 = arith.constant 0 : i32
          %dma_wait3A_165 = tpu.memref_slice %arg16[%dma_wait3A_163, %dma_wait3A_164] : memref<12560x128xf32, #tpu.memory_space<vmem_shared>> -> memref<12560x128xf32, #tpu.memory_space<vmem_shared>>
          tpu.wait_indirect_dma semaphore(%run_scoped3A_155 : memref<!tpu.dma_semaphore, #tpu.memory_space<semaphore_mem>>) src(%dma_wait3A_165 : memref<12560x128xf32, #tpu.memory_space<vmem_shared>>) dst(%arg14 : memref<32x128xf32, #tpu.memory_space<vmem>>)
          tpu.yield
        }) : () -> ()
        %add3A_154 = arith.addi %mul3A_2, %min3A : i32
        "tpu.region"() ({
          %run_scoped3A_155 = tpu.sem_alloc : memref<!tpu.dma_semaphore, #tpu.memory_space<semaphore_mem>>
          %dma_start3A = arith.constant 0 : i32
          %dma_start3A_156 = tpu.memref_slice %arg6[%add3A_154, %dma_start3A] : memref<25000x128xf32, #tpu.memory_space<hbm>> -> memref<32x128xf32, #tpu.memory_space<hbm>>
          %dma_start3A_157 = arith.constant 0 : i32
          %dma_start3A_158 = tpu.memref_slice %arg6[%add3A_154, %dma_start3A_157] : memref<25000x128xf32, #tpu.memory_space<hbm>> -> memref<32x128xf32, #tpu.memory_space<hbm>>
          tpu.enqueue_dma source(%arg14 : memref<32x128xf32, #tpu.memory_space<vmem>>) target(%dma_start3A_158 : memref<32x128xf32, #tpu.memory_space<hbm>>) target_semaphore(%run_scoped3A_155 : memref<!tpu.dma_semaphore, #tpu.memory_space<semaphore_mem>>)
          %dma_wait3A = arith.constant 0 : i32
          %dma_wait3A_159 = tpu.memref_slice %arg6[%add3A_154, %dma_wait3A] : memref<25000x128xf32, #tpu.memory_space<hbm>> -> memref<32x128xf32, #tpu.memory_space<hbm>>
          %dma_wait3A_160 = arith.constant 0 : i32
          %dma_wait3A_161 = tpu.memref_slice %arg6[%add3A_154, %dma_wait3A_160] : memref<25000x128xf32, #tpu.memory_space<hbm>> -> memref<32x128xf32, #tpu.memory_space<hbm>>
          tpu.wait_dma2 semaphore(%run_scoped3A_155 : memref<!tpu.dma_semaphore, #tpu.memory_space<semaphore_mem>>) src(%arg14 : memref<32x128xf32, #tpu.memory_space<vmem>>) dst(%dma_wait3A_161 : memref<32x128xf32, #tpu.memory_space<hbm>>)
          tpu.yield
        }) : () -> ()
      } else {
      }
      %scan3A_129 = arith.constant 0 : i32
      scf.yield %scan3A_129 : i32
    }
    %scan3A_122 = arith.constant 25 : i32
    return
  }
}

#map = affine_map<(d0, d1) -> (0, 0)>
#map1 = affine_map<(d0, d1) -> (0)>
module attributes {stable_mosaic.version = 14 : i64} {
  func.func @k(%arg0: i32, %arg1: i32, %arg2: memref<50000x128xf32, #tpu.memory_space<hbm>>, %arg3: memref<800000x64xf32, #tpu.memory_space<hbm>>, %arg4: memref<800000xi32, #tpu.memory_space<hbm>>, %arg5: memref<800000xi32, #tpu.memory_space<hbm>>, %arg6: memref<25000x128xf32, #tpu.memory_space<hbm>>, %arg7: memref<32x64xf32, #tpu.memory_space<vmem>>, %arg8: memref<32x128xf32, #tpu.memory_space<vmem>>, %arg9: memref<32xi32, #tpu.memory_space<vmem>>, %arg10: memref<32xi32, #tpu.memory_space<vmem>>, %arg11: memref<32x128xf32, #tpu.memory_space<vmem>>, %arg12: memref<1x32xi32, #tpu.memory_space<vmem>>, %arg13: memref<1x32xi32, #tpu.memory_space<vmem>>, %arg14: memref<32x128xf32, #tpu.memory_space<vmem>>, %arg15: memref<1x32xi32, #tpu.memory_space<vmem>>, %arg16: memref<12560x128xf32, #tpu.memory_space<vmem_shared>>, %arg17: memref<!tpu.dma_semaphore, #tpu.memory_space<semaphore_mem>>, %arg18: memref<!tpu.dma_semaphore, #tpu.memory_space<semaphore_mem>>) attributes {dimension_semantics = [#tpu.dimension_semantics<core_parallel>, #tpu.dimension_semantics<subcore_parallel>], iteration_bounds = array<i64: 2, 16>, scalar_prefetch = 0 : i64, scratch_operands = 12 : i64, tpu.core_type = #tpu.core_type<sc_vector_subcore>, window_params = [{transform_indices = #map}, {transform_indices = #map}, {transform_indices = #map1}, {transform_indices = #map1}, {transform_indices = #map}]} {
    %mul3A = arith.constant 25040 : i32
    %mul3A_0 = arith.muli %arg0, %mul3A : i32
    %mul3A_1 = arith.constant 12520 : i32
    %mul3A_2 = arith.muli %arg0, %mul3A_1 : i32
    %eq3A = arith.constant 0 : i32
    %eq3A_3 = arith.cmpi eq, %arg0, %eq3A : i32
    %jit3A = arith.constant 25040 : i32
    %jit3A_4 = arith.constant 24960 : i32
    %select_n3A = arith.select %eq3A_3, %jit3A, %jit3A_4 : i32
    %eq3A_5 = arith.constant 0 : i32
    %eq3A_6 = arith.cmpi eq, %arg0, %eq3A_5 : i32
    %jit3A_7 = arith.constant 12520 : i32
    %jit3A_8 = arith.constant 12480 : i32
    %select_n3A_9 = arith.select %eq3A_6, %jit3A_7, %jit3A_8 : i32
    %scan3A = arith.constant 0 : i32
    %scan3A_10 = arith.constant 0 : i32
    %scan3A_11 = arith.constant 32 : i32
    %scan3A_12 = arith.addi %scan3A_10, %scan3A_11 : i32
    %scan3A_13 = arith.constant 1 : i32
    %scan3A_14 = scf.for %scan3A_123 = %scan3A_10 to %scan3A_12 step %scan3A_13 iter_args(%scan3A_124 = %scan3A) -> (i32)  : i32 {
      %broadcast_in_dim3A = arith.constant 0.000000e+00 : f32
      %broadcast_in_dim3A_125 = vector.broadcast %broadcast_in_dim3A : f32 to vector<16xf32>
      %swap3A = arith.index_cast %scan3A_123 : i32 to index
      %swap3A_126 = arith.constant 0 : index
      %swap3A_127 = tpu.vector_load %arg14[%swap3A, %swap3A_126] {strides = array<i32>} : memref<32x128xf32, #tpu.memory_space<vmem>>, vector<1x16xf32>,
      %swap3A_128 = vector.shape_cast %swap3A_127 : vector<1x16xf32> to vector<16xf32>
      %swap3A_129 = vector.shape_cast %broadcast_in_dim3A_125 : vector<16xf32> to vector<1x16xf32>
      tpu.vector_store %arg14[%swap3A, %swap3A_126], %swap3A_129 {strides = array<i32>} : memref<32x128xf32, #tpu.memory_space<vmem>>, vector<1x16xf32>,
      %broadcast_in_dim3A_130 = arith.constant 0.000000e+00 : f32
      %broadcast_in_dim3A_131 = vector.broadcast %broadcast_in_dim3A_130 : f32 to vector<16xf32>
      %swap3A_132 = arith.index_cast %scan3A_123 : i32 to index
      %swap3A_133 = arith.constant 16 : index
      %swap3A_134 = tpu.vector_load %arg14[%swap3A_132, %swap3A_133] {strides = array<i32>} : memref<32x128xf32, #tpu.memory_space<vmem>>, vector<1x16xf32>,
      %swap3A_135 = vector.shape_cast %swap3A_134 : vector<1x16xf32> to vector<16xf32>
      %swap3A_136 = vector.shape_cast %broadcast_in_dim3A_131 : vector<16xf32> to vector<1x16xf32>
      tpu.vector_store %arg14[%swap3A_132, %swap3A_133], %swap3A_136 {strides = array<i32>} : memref<32x128xf32, #tpu.memory_space<vmem>>, vector<1x16xf32>,
      %broadcast_in_dim3A_137 = arith.constant 0.000000e+00 : f32
      %broadcast_in_dim3A_138 = vector.broadcast %broadcast_in_dim3A_137 : f32 to vector<16xf32>
      %swap3A_139 = arith.index_cast %scan3A_123 : i32 to index
      %swap3A_140 = arith.constant 32 : index
      %swap3A_141 = tpu.vector_load %arg14[%swap3A_139, %swap3A_140] {strides = array<i32>} : memref<32x128xf32, #tpu.memory_space<vmem>>, vector<1x16xf32>,
      %swap3A_142 = vector.shape_cast %swap3A_141 : vector<1x16xf32> to vector<16xf32>
      %swap3A_143 = vector.shape_cast %broadcast_in_dim3A_138 : vector<16xf32> to vector<1x16xf32>
      tpu.vector_store %arg14[%swap3A_139, %swap3A_140], %swap3A_143 {strides = array<i32>} : memref<32x128xf32, #tpu.memory_space<vmem>>, vector<1x16xf32>,
      %broadcast_in_dim3A_144 = arith.constant 0.000000e+00 : f32
      %broadcast_in_dim3A_145 = vector.broadcast %broadcast_in_dim3A_144 : f32 to vector<16xf32>
      %swap3A_146 = arith.index_cast %scan3A_123 : i32 to index
      %swap3A_147 = arith.constant 48 : index
      %swap3A_148 = tpu.vector_load %arg14[%swap3A_146, %swap3A_147] {strides = array<i32>} : memref<32x128xf32, #tpu.memory_space<vmem>>, vector<1x16xf32>,
      %swap3A_149 = vector.shape_cast %swap3A_148 : vector<1x16xf32> to vector<16xf32>
      %swap3A_150 = vector.shape_cast %broadcast_in_dim3A_145 : vector<16xf32> to vector<1x16xf32>
      tpu.vector_store %arg14[%swap3A_146, %swap3A_147], %swap3A_150 {strides = array<i32>} : memref<32x128xf32, #tpu.memory_space<vmem>>, vector<1x16xf32>,
      %broadcast_in_dim3A_151 = arith.constant 0.000000e+00 : f32
      %broadcast_in_dim3A_152 = vector.broadcast %broadcast_in_dim3A_151 : f32 to vector<16xf32>
      %swap3A_153 = arith.index_cast %scan3A_123 : i32 to index
      %swap3A_154 = arith.constant 64 : index
      %swap3A_155 = tpu.vector_load %arg14[%swap3A_153, %swap3A_154] {strides = array<i32>} : memref<32x128xf32, #tpu.memory_space<vmem>>, vector<1x16xf32>,
      %swap3A_156 = vector.shape_cast %swap3A_155 : vector<1x16xf32> to vector<16xf32>
      %swap3A_157 = vector.shape_cast %broadcast_in_dim3A_152 : vector<16xf32> to vector<1x16xf32>
      tpu.vector_store %arg14[%swap3A_153, %swap3A_154], %swap3A_157 {strides = array<i32>} : memref<32x128xf32, #tpu.memory_space<vmem>>, vector<1x16xf32>,
      %broadcast_in_dim3A_158 = arith.constant 0.000000e+00 : f32
      %broadcast_in_dim3A_159 = vector.broadcast %broadcast_in_dim3A_158 : f32 to vector<16xf32>
      %swap3A_160 = arith.index_cast %scan3A_123 : i32 to index
      %swap3A_161 = arith.constant 80 : index
      %swap3A_162 = tpu.vector_load %arg14[%swap3A_160, %swap3A_161] {strides = array<i32>} : memref<32x128xf32, #tpu.memory_space<vmem>>, vector<1x16xf32>,
      %swap3A_163 = vector.shape_cast %swap3A_162 : vector<1x16xf32> to vector<16xf32>
      %swap3A_164 = vector.shape_cast %broadcast_in_dim3A_159 : vector<16xf32> to vector<1x16xf32>
      tpu.vector_store %arg14[%swap3A_160, %swap3A_161], %swap3A_164 {strides = array<i32>} : memref<32x128xf32, #tpu.memory_space<vmem>>, vector<1x16xf32>,
      %broadcast_in_dim3A_165 = arith.constant 0.000000e+00 : f32
      %broadcast_in_dim3A_166 = vector.broadcast %broadcast_in_dim3A_165 : f32 to vector<16xf32>
      %swap3A_167 = arith.index_cast %scan3A_123 : i32 to index
      %swap3A_168 = arith.constant 96 : index
      %swap3A_169 = tpu.vector_load %arg14[%swap3A_167, %swap3A_168] {strides = array<i32>} : memref<32x128xf32, #tpu.memory_space<vmem>>, vector<1x16xf32>,
      %swap3A_170 = vector.shape_cast %swap3A_169 : vector<1x16xf32> to vector<16xf32>
      %swap3A_171 = vector.shape_cast %broadcast_in_dim3A_166 : vector<16xf32> to vector<1x16xf32>
      tpu.vector_store %arg14[%swap3A_167, %swap3A_168], %swap3A_171 {strides = array<i32>} : memref<32x128xf32, #tpu.memory_space<vmem>>, vector<1x16xf32>,
      %broadcast_in_dim3A_172 = arith.constant 0.000000e+00 : f32
      %broadcast_in_dim3A_173 = vector.broadcast %broadcast_in_dim3A_172 : f32 to vector<16xf32>
      %swap3A_174 = arith.index_cast %scan3A_123 : i32 to index
      %swap3A_175 = arith.constant 112 : index
      %swap3A_176 = tpu.vector_load %arg14[%swap3A_174, %swap3A_175] {strides = array<i32>} : memref<32x128xf32, #tpu.memory_space<vmem>>, vector<1x16xf32>,
      %swap3A_177 = vector.shape_cast %swap3A_176 : vector<1x16xf32> to vector<16xf32>
      %swap3A_178 = vector.shape_cast %broadcast_in_dim3A_173 : vector<16xf32> to vector<1x16xf32>
      tpu.vector_store %arg14[%swap3A_174, %swap3A_175], %swap3A_178 {strides = array<i32>} : memref<32x128xf32, #tpu.memory_space<vmem>>, vector<1x16xf32>,
      %scan3A_179 = arith.constant 0 : i32
      scf.yield %scan3A_179 : i32
    }
    %scan3A_15 = arith.constant 32 : i32
    %scan3A_16 = arith.constant 0 : i32
    %scan3A_17 = arith.constant 0 : i32
    %scan3A_18 = arith.constant 32 : i32
    %scan3A_19 = arith.addi %scan3A_17, %scan3A_18 : i32
    %scan3A_20 = arith.constant 1 : i32
    %scan3A_21 = scf.for %scan3A_123 = %scan3A_17 to %scan3A_19 step %scan3A_20 iter_args(%scan3A_124 = %scan3A_16) -> (i32)  : i32 {
      %broadcast_in_dim3A = arith.constant 0.000000e+00 : f32
      %broadcast_in_dim3A_125 = vector.broadcast %broadcast_in_dim3A : f32 to vector<16xf32>
      %swap3A = arith.index_cast %scan3A_123 : i32 to index
      %swap3A_126 = arith.constant 0 : index
      %swap3A_127 = tpu.vector_load %arg11[%swap3A, %swap3A_126] {strides = array<i32>} : memref<32x128xf32, #tpu.memory_space<vmem>>, vector<1x16xf32>,
      %swap3A_128 = vector.shape_cast %swap3A_127 : vector<1x16xf32> to vector<16xf32>
      %swap3A_129 = vector.shape_cast %broadcast_in_dim3A_125 : vector<16xf32> to vector<1x16xf32>
      tpu.vector_store %arg11[%swap3A, %swap3A_126], %swap3A_129 {strides = array<i32>} : memref<32x128xf32, #tpu.memory_space<vmem>>, vector<1x16xf32>,
      %broadcast_in_dim3A_130 = arith.constant 0.000000e+00 : f32
      %broadcast_in_dim3A_131 = vector.broadcast %broadcast_in_dim3A_130 : f32 to vector<16xf32>
      %swap3A_132 = arith.index_cast %scan3A_123 : i32 to index
      %swap3A_133 = arith.constant 16 : index
      %swap3A_134 = tpu.vector_load %arg11[%swap3A_132, %swap3A_133] {strides = array<i32>} : memref<32x128xf32, #tpu.memory_space<vmem>>, vector<1x16xf32>,
      %swap3A_135 = vector.shape_cast %swap3A_134 : vector<1x16xf32> to vector<16xf32>
      %swap3A_136 = vector.shape_cast %broadcast_in_dim3A_131 : vector<16xf32> to vector<1x16xf32>
      tpu.vector_store %arg11[%swap3A_132, %swap3A_133], %swap3A_136 {strides = array<i32>} : memref<32x128xf32, #tpu.memory_space<vmem>>, vector<1x16xf32>,
      %broadcast_in_dim3A_137 = arith.constant 0.000000e+00 : f32
      %broadcast_in_dim3A_138 = vector.broadcast %broadcast_in_dim3A_137 : f32 to vector<16xf32>
      %swap3A_139 = arith.index_cast %scan3A_123 : i32 to index
      %swap3A_140 = arith.constant 32 : index
      %swap3A_141 = tpu.vector_load %arg11[%swap3A_139, %swap3A_140] {strides = array<i32>} : memref<32x128xf32, #tpu.memory_space<vmem>>, vector<1x16xf32>,
      %swap3A_142 = vector.shape_cast %swap3A_141 : vector<1x16xf32> to vector<16xf32>
      %swap3A_143 = vector.shape_cast %broadcast_in_dim3A_138 : vector<16xf32> to vector<1x16xf32>
      tpu.vector_store %arg11[%swap3A_139, %swap3A_140], %swap3A_143 {strides = array<i32>} : memref<32x128xf32, #tpu.memory_space<vmem>>, vector<1x16xf32>,
      %broadcast_in_dim3A_144 = arith.constant 0.000000e+00 : f32
      %broadcast_in_dim3A_145 = vector.broadcast %broadcast_in_dim3A_144 : f32 to vector<16xf32>
      %swap3A_146 = arith.index_cast %scan3A_123 : i32 to index
      %swap3A_147 = arith.constant 48 : index
      %swap3A_148 = tpu.vector_load %arg11[%swap3A_146, %swap3A_147] {strides = array<i32>} : memref<32x128xf32, #tpu.memory_space<vmem>>, vector<1x16xf32>,
      %swap3A_149 = vector.shape_cast %swap3A_148 : vector<1x16xf32> to vector<16xf32>
      %swap3A_150 = vector.shape_cast %broadcast_in_dim3A_145 : vector<16xf32> to vector<1x16xf32>
      tpu.vector_store %arg11[%swap3A_146, %swap3A_147], %swap3A_150 {strides = array<i32>} : memref<32x128xf32, #tpu.memory_space<vmem>>, vector<1x16xf32>,
      %scan3A_151 = arith.constant 0 : i32
      scf.yield %scan3A_151 : i32
    }
    %scan3A_22 = arith.constant 32 : i32
    %scan3A_23 = arith.constant 0 : i32
    %scan3A_24 = arith.constant 0 : i32
    %scan3A_25 = arith.constant 25 : i32
    %scan3A_26 = arith.addi %scan3A_24, %scan3A_25 : i32
    %scan3A_27 = arith.constant 1 : i32
    %scan3A_28 = scf.for %scan3A_123 = %scan3A_24 to %scan3A_26 step %scan3A_27 iter_args(%scan3A_124 = %scan3A_23) -> (i32)  : i32 {
      %mul3A_125 = arith.constant 785 : i32
      %mul3A_126 = arith.muli %arg1, %mul3A_125 : i32
      %mul3A_127 = arith.constant 32 : i32
      %mul3A_128 = arith.muli %scan3A_123, %mul3A_127 : i32
      %add3A_129 = arith.addi %mul3A_126, %mul3A_128 : i32
      %mul3A_130 = arith.constant 785 : i32
      %mul3A_131 = arith.muli %arg1, %mul3A_130 : i32
      %add3A_132 = arith.constant 785 : i32
      %add3A_133 = arith.addi %mul3A_131, %add3A_132 : i32
      %sub3A_134 = arith.constant 32 : i32
      %sub3A_135 = arith.subi %add3A_133, %sub3A_134 : i32
      %min3A = arith.minsi %add3A_129, %sub3A_135 : i32
      %add3A_136 = arith.constant 0 : i32
      %add3A_137 = arith.addi %min3A, %add3A_136 : i32
      %iota3A = tpu.iota {dimensions = array<i32: 0>} : vector<16xi32>
      %add3A_138 = vector.broadcast %add3A_137 : i32 to vector<16xi32>
      %add3A_139 = arith.addi %add3A_138, %iota3A : vector<16xi32>
      %swap3A = arith.constant 0 : i32
      %swap3A_140 = arith.index_cast %swap3A : i32 to index
      %swap3A_141 = arith.constant 0 : index
      %swap3A_142 = tpu.vector_load %arg15[%swap3A_140, %swap3A_141] {strides = array<i32>} : memref<1x32xi32, #tpu.memory_space<vmem>>, vector<1x16xi32>,
      %swap3A_143 = vector.shape_cast %swap3A_142 : vector<1x16xi32> to vector<16xi32>
      %swap3A_144 = vector.shape_cast %add3A_139 : vector<16xi32> to vector<1x16xi32>
      tpu.vector_store %arg15[%swap3A_140, %swap3A_141], %swap3A_144 {strides = array<i32>} : memref<1x32xi32, #tpu.memory_space<vmem>>, vector<1x16xi32>,
      %add3A_145 = arith.constant 16 : i32
      %add3A_146 = arith.addi %min3A, %add3A_145 : i32
      %iota3A_147 = tpu.iota {dimensions = array<i32: 0>} : vector<16xi32>
      %add3A_148 = vector.broadcast %add3A_146 : i32 to vector<16xi32>
      %add3A_149 = arith.addi %add3A_148, %iota3A_147 : vector<16xi32>
      %swap3A_150 = arith.constant 0 : i32
      %swap3A_151 = arith.index_cast %swap3A_150 : i32 to index
      %swap3A_152 = arith.constant 16 : index
      %swap3A_153 = tpu.vector_load %arg15[%swap3A_151, %swap3A_152] {strides = array<i32>} : memref<1x32xi32, #tpu.memory_space<vmem>>, vector<1x16xi32>,
      %swap3A_154 = vector.shape_cast %swap3A_153 : vector<1x16xi32> to vector<16xi32>
      %swap3A_155 = vector.shape_cast %add3A_149 : vector<16xi32> to vector<1x16xi32>
      tpu.vector_store %arg15[%swap3A_151, %swap3A_152], %swap3A_155 {strides = array<i32>} : memref<1x32xi32, #tpu.memory_space<vmem>>, vector<1x16xi32>,
      %run_scoped3A = arith.constant 0 : i32
      "tpu.region"() ({
        %run_scoped3A_157 = tpu.sem_alloc : memref<!tpu.dma_semaphore, #tpu.memory_space<semaphore_mem>>
        %dma_start3A = arith.constant 0 : i32
        %dma_start3A_158 = tpu.memref_slice %arg15[%run_scoped3A, %dma_start3A] : memref<1x32xi32, #tpu.memory_space<vmem>> -> memref<1x32xi32, #tpu.memory_space<vmem>>
        %dma_start3A_159 = tpu.memref_squeeze %dma_start3A_158 : memref<1x32xi32, #tpu.memory_space<vmem>> -> memref<32xi32, #tpu.memory_space<vmem>>
        %dma_start3A_160 = arith.constant 0 : i32
        %dma_start3A_161 = arith.constant 0 : i32
        %dma_start3A_162 = tpu.memref_slice %arg16[%dma_start3A_160, %dma_start3A_161] : memref<12560x128xf32, #tpu.memory_space<vmem_shared>> -> memref<12560x128xf32, #tpu.memory_space<vmem_shared>>
        tpu.enqueue_indirect_dma source(%arg14 : memref<32x128xf32, #tpu.memory_space<vmem>>) target(%dma_start3A_162 : memref<12560x128xf32, #tpu.memory_space<vmem_shared>>) offsets(%dma_start3A_159 : memref<32xi32, #tpu.memory_space<vmem>>) semaphore(%run_scoped3A_157 : memref<!tpu.dma_semaphore, #tpu.memory_space<semaphore_mem>>)
        %dma_wait3A = arith.constant 0 : i32
        %dma_wait3A_163 = tpu.memref_slice %arg15[%run_scoped3A, %dma_wait3A] : memref<1x32xi32, #tpu.memory_space<vmem>> -> memref<1x32xi32, #tpu.memory_space<vmem>>
        %dma_wait3A_164 = tpu.memref_squeeze %dma_wait3A_163 : memref<1x32xi32, #tpu.memory_space<vmem>> -> memref<32xi32, #tpu.memory_space<vmem>>
        %dma_wait3A_165 = arith.constant 0 : i32
        %dma_wait3A_166 = arith.constant 0 : i32
        %dma_wait3A_167 = tpu.memref_slice %arg16[%dma_wait3A_165, %dma_wait3A_166] : memref<12560x128xf32, #tpu.memory_space<vmem_shared>> -> memref<12560x128xf32, #tpu.memory_space<vmem_shared>>
        tpu.wait_indirect_dma semaphore(%run_scoped3A_157 : memref<!tpu.dma_semaphore, #tpu.memory_space<semaphore_mem>>) src(%arg14 : memref<32x128xf32, #tpu.memory_space<vmem>>) dst(%dma_wait3A_167 : memref<12560x128xf32, #tpu.memory_space<vmem_shared>>)
        tpu.yield
      }) : () -> ()
      %scan3A_156 = arith.constant 0 : i32
      scf.yield %scan3A_156 : i32
    }
    %scan3A_29 = arith.constant 25 : i32
    %barrier3A = arith.constant 0 : index
    tpu.barrier barrier_id(%barrier3A)
    %mul3A_30 = arith.constant 25000 : i32
    %mul3A_31 = arith.muli %arg1, %mul3A_30 : i32
    %jit3A_32 = arith.constant 16 : i32
    %div3A = arith.divsi %mul3A_31, %jit3A_32 : i32
    %sign3A = arith.constant 0 : i32
    %sign3A_33 = arith.cmpi sgt, %mul3A_31, %sign3A : i32
    %sign3A_34 = arith.extui %sign3A_33 : i1 to i32
    %sign3A_35 = arith.constant 0 : i32
    %sign3A_36 = arith.cmpi slt, %mul3A_31, %sign3A_35 : i32
    %sign3A_37 = arith.extui %sign3A_36 : i1 to i32
    %sign3A_38 = arith.subi %sign3A_34, %sign3A_37 : i32
    %sign3A_39 = arith.constant 0 : i32
    %sign3A_40 = arith.cmpi sgt, %jit3A_32, %sign3A_39 : i32
    %sign3A_41 = arith.extui %sign3A_40 : i1 to i32
    %sign3A_42 = arith.constant 0 : i32
    %sign3A_43 = arith.cmpi slt, %jit3A_32, %sign3A_42 : i32
    %sign3A_44 = arith.extui %sign3A_43 : i1 to i32
    %sign3A_45 = arith.subi %sign3A_41, %sign3A_44 : i32
    %ne3A = arith.cmpi ne, %sign3A_38, %sign3A_45 : i32
    %rem3A = arith.remsi %mul3A_31, %jit3A_32 : i32
    %ne3A_46 = arith.constant 0 : i32
    %ne3A_47 = arith.cmpi ne, %rem3A, %ne3A_46 : i32
    %and3A = arith.andi %ne3A, %ne3A_47 : i1
    %sub3A = arith.constant 1 : i32
    %sub3A_48 = arith.subi %div3A, %sub3A : i32
    %select_n3A_49 = arith.select %and3A, %sub3A_48, %div3A : i32
    %add3A = arith.constant 1 : i32
    %add3A_50 = arith.addi %arg1, %add3A : i32
    %mul3A_51 = arith.constant 25000 : i32
    %mul3A_52 = arith.muli %add3A_50, %mul3A_51 : i32
    %jit3A_53 = arith.constant 16 : i32
    %div3A_54 = arith.divsi %mul3A_52, %jit3A_53 : i32
    %sign3A_55 = arith.constant 0 : i32
    %sign3A_56 = arith.cmpi sgt, %mul3A_52, %sign3A_55 : i32
    %sign3A_57 = arith.extui %sign3A_56 : i1 to i32
    %sign3A_58 = arith.constant 0 : i32
    %sign3A_59 = arith.cmpi slt, %mul3A_52, %sign3A_58 : i32
    %sign3A_60 = arith.extui %sign3A_59 : i1 to i32
    %sign3A_61 = arith.subi %sign3A_57, %sign3A_60 : i32
    %sign3A_62 = arith.constant 0 : i32
    %sign3A_63 = arith.cmpi sgt, %jit3A_53, %sign3A_62 : i32
    %sign3A_64 = arith.extui %sign3A_63 : i1 to i32
    %sign3A_65 = arith.constant 0 : i32
    %sign3A_66 = arith.cmpi slt, %jit3A_53, %sign3A_65 : i32
    %sign3A_67 = arith.extui %sign3A_66 : i1 to i32
    %sign3A_68 = arith.subi %sign3A_64, %sign3A_67 : i32
    %ne3A_69 = arith.cmpi ne, %sign3A_61, %sign3A_68 : i32
    %rem3A_70 = arith.remsi %mul3A_52, %jit3A_53 : i32
    %ne3A_71 = arith.constant 0 : i32
    %ne3A_72 = arith.cmpi ne, %rem3A_70, %ne3A_71 : i32
    %and3A_73 = arith.andi %ne3A_69, %ne3A_72 : i1
    %sub3A_74 = arith.constant 1 : i32
    %sub3A_75 = arith.subi %div3A_54, %sub3A_74 : i32
    %select_n3A_76 = arith.select %and3A_73, %sub3A_75, %div3A_54 : i32
    %while3A = arith.constant 0 : i32
    %while3A_77 = arith.subi %select_n3A_76, %select_n3A_49 : i32
    %while3A_78 = arith.addi %select_n3A_49, %while3A_77 : i32
    %while3A_79 = arith.constant 1 : i32
    %while3A_80 = arith.divsi %while3A_77, %while3A_79 : i32
    %while3A_81 = arith.muli %while3A_80, %while3A_79 : i32
    %while3A_82 = arith.addi %select_n3A_49, %while3A_81 : i32
    %while3A_83 = arith.constant 1 : i32
    %while3A_84 = scf.for %while3A_123 = %select_n3A_49 to %while3A_82 step %while3A_83 iter_args(%while3A_124 = %while3A) -> (i32)  : i32 {
      %mul3A_125 = arith.constant 32 : i32
      %mul3A_126 = arith.muli %while3A_123, %mul3A_125 : i32
      "tpu.region"() ({
        %run_scoped3A_256 = tpu.sem_alloc : memref<!tpu.dma_semaphore, #tpu.memory_space<semaphore_mem>>
        %dma_start3A_257 = tpu.memref_slice %arg4[%mul3A_126] : memref<800000xi32, #tpu.memory_space<hbm>> -> memref<32xi32, #tpu.memory_space<hbm>>
        %dma_start3A_258 = tpu.memref_slice %arg4[%mul3A_126] : memref<800000xi32, #tpu.memory_space<hbm>> -> memref<32xi32, #tpu.memory_space<hbm>>
        tpu.enqueue_dma source(%dma_start3A_258 : memref<32xi32, #tpu.memory_space<hbm>>) target(%arg9 : memref<32xi32, #tpu.memory_space<vmem>>) target_semaphore(%run_scoped3A_256 : memref<!tpu.dma_semaphore, #tpu.memory_space<semaphore_mem>>)
        %dma_wait3A_259 = tpu.memref_slice %arg4[%mul3A_126] : memref<800000xi32, #tpu.memory_space<hbm>> -> memref<32xi32, #tpu.memory_space<hbm>>
        %dma_wait3A_260 = tpu.memref_slice %arg4[%mul3A_126] : memref<800000xi32, #tpu.memory_space<hbm>> -> memref<32xi32, #tpu.memory_space<hbm>>
        tpu.wait_dma2 semaphore(%run_scoped3A_256 : memref<!tpu.dma_semaphore, #tpu.memory_space<semaphore_mem>>) src(%dma_wait3A_260 : memref<32xi32, #tpu.memory_space<hbm>>) dst(%arg9 : memref<32xi32, #tpu.memory_space<vmem>>)
        tpu.yield
      }) : () -> ()
      %mul3A_127 = arith.constant 32 : i32
      %mul3A_128 = arith.muli %while3A_123, %mul3A_127 : i32
      "tpu.region"() ({
        %run_scoped3A_256 = tpu.sem_alloc : memref<!tpu.dma_semaphore, #tpu.memory_space<semaphore_mem>>
        %dma_start3A_257 = tpu.memref_slice %arg5[%mul3A_128] : memref<800000xi32, #tpu.memory_space<hbm>> -> memref<32xi32, #tpu.memory_space<hbm>>
        %dma_start3A_258 = tpu.memref_slice %arg5[%mul3A_128] : memref<800000xi32, #tpu.memory_space<hbm>> -> memref<32xi32, #tpu.memory_space<hbm>>
        tpu.enqueue_dma source(%dma_start3A_258 : memref<32xi32, #tpu.memory_space<hbm>>) target(%arg10 : memref<32xi32, #tpu.memory_space<vmem>>) target_semaphore(%run_scoped3A_256 : memref<!tpu.dma_semaphore, #tpu.memory_space<semaphore_mem>>)
        %dma_wait3A_259 = tpu.memref_slice %arg5[%mul3A_128] : memref<800000xi32, #tpu.memory_space<hbm>> -> memref<32xi32, #tpu.memory_space<hbm>>
        %dma_wait3A_260 = tpu.memref_slice %arg5[%mul3A_128] : memref<800000xi32, #tpu.memory_space<hbm>> -> memref<32xi32, #tpu.memory_space<hbm>>
        tpu.wait_dma2 semaphore(%run_scoped3A_256 : memref<!tpu.dma_semaphore, #tpu.memory_space<semaphore_mem>>) src(%dma_wait3A_260 : memref<32xi32, #tpu.memory_space<hbm>>) dst(%arg10 : memref<32xi32, #tpu.memory_space<vmem>>)
        tpu.yield
      }) : () -> ()
      %dma_start3A = arith.constant 0 : i32
      %dma_start3A_129 = arith.constant 0 : i32
      %dma_start3A_130 = tpu.memref_slice %arg2[%dma_start3A, %dma_start3A_129] : memref<50000x128xf32, #tpu.memory_space<hbm>> -> memref<50000x128xf32, #tpu.memory_space<hbm>>
      tpu.enqueue_indirect_dma source(%dma_start3A_130 : memref<50000x128xf32, #tpu.memory_space<hbm>>) target(%arg8 : memref<32x128xf32, #tpu.memory_space<vmem>>) offsets(%arg9 : memref<32xi32, #tpu.memory_space<vmem>>) semaphore(%arg17 : memref<!tpu.dma_semaphore, #tpu.memory_space<semaphore_mem>>)
      %mul3A_131 = arith.constant 32 : i32
      %mul3A_132 = arith.muli %while3A_123, %mul3A_131 : i32
      %dma_start3A_133 = arith.constant 0 : i32
      %dma_start3A_134 = tpu.memref_slice %arg3[%mul3A_132, %dma_start3A_133] : memref<800000x64xf32, #tpu.memory_space<hbm>> -> memref<32x64xf32, #tpu.memory_space<hbm>>
      %dma_start3A_135 = arith.constant 0 : i32
      %dma_start3A_136 = tpu.memref_slice %arg3[%mul3A_132, %dma_start3A_135] : memref<800000x64xf32, #tpu.memory_space<hbm>> -> memref<32x64xf32, #tpu.memory_space<hbm>>
      tpu.enqueue_dma source(%dma_start3A_136 : memref<32x64xf32, #tpu.memory_space<hbm>>) target(%arg7 : memref<32x64xf32, #tpu.memory_space<vmem>>) target_semaphore(%arg18 : memref<!tpu.dma_semaphore, #tpu.memory_space<semaphore_mem>>)
      %get3A = arith.constant 0 : index
      %get3A_137 = tpu.vector_load %arg10[%get3A] {strides = array<i32>} : memref<32xi32, #tpu.memory_space<vmem>>, vector<16xi32>,
      %get3A_138 = vector.shape_cast %get3A_137 : vector<16xi32> to vector<16xi32>
      %sub3A_139 = vector.broadcast %mul3A_0 : i32 to vector<16xi32>
      %sub3A_140 = arith.subi %get3A_138, %sub3A_139 : vector<16xi32>
      %and3A_141 = arith.constant 1 : i32
      %and3A_142 = vector.broadcast %and3A_141 : i32 to vector<16xi32>
      %and3A_143 = arith.andi %sub3A_140, %and3A_142 : vector<16xi32>
      %eq3A_144 = arith.constant 0 : i32
      %eq3A_145 = vector.broadcast %eq3A_144 : i32 to vector<16xi32>
      %eq3A_146 = arith.cmpi eq, %and3A_143, %eq3A_145 : vector<16xi32>
      %ge3A = arith.constant 0 : i32
      %ge3A_147 = vector.broadcast %ge3A : i32 to vector<16xi32>
      %ge3A_148 = arith.cmpi sge, %sub3A_140, %ge3A_147 : vector<16xi32>
      %lt3A = vector.broadcast %select_n3A : i32 to vector<16xi32>
      %lt3A_149 = arith.cmpi slt, %sub3A_140, %lt3A : vector<16xi32>
      %and3A_150 = arith.andi %ge3A_148, %lt3A_149 : vector<16xi1>
      %iota3A = tpu.iota {dimensions = array<i32: 0>} : vector<16xi32>
      %add3A_151 = arith.constant 0 : i32
      %add3A_152 = vector.broadcast %add3A_151 : i32 to vector<16xi32>
      %add3A_153 = arith.addi %iota3A, %add3A_152 : vector<16xi32>
      %and3A_154 = arith.constant 15 : i32
      %and3A_155 = vector.broadcast %and3A_154 : i32 to vector<16xi32>
      %and3A_156 = arith.andi %add3A_153, %and3A_155 : vector<16xi32>
      %add3A_157 = arith.constant 12520 : i32
      %add3A_158 = vector.broadcast %add3A_157 : i32 to vector<16xi32>
      %add3A_159 = arith.addi %add3A_158, %and3A_156 : vector<16xi32>
      %and3A_160 = arith.constant 15 : i32
      %and3A_161 = vector.broadcast %and3A_160 : i32 to vector<16xi32>
      %and3A_162 = arith.andi %add3A_153, %and3A_161 : vector<16xi32>
      %add3A_163 = arith.constant 12536 : i32
      %add3A_164 = vector.broadcast %add3A_163 : i32 to vector<16xi32>
      %add3A_165 = arith.addi %add3A_164, %and3A_162 : vector<16xi32>
      %shift_right_arithmetic3A = arith.constant 1 : i32
      %shift_right_arithmetic3A_166 = vector.broadcast %shift_right_arithmetic3A : i32 to vector<16xi32>
      %shift_right_arithmetic3A_167 = arith.shrsi %sub3A_140, %shift_right_arithmetic3A_166 : vector<16xi32>
      %select_n3A_168 = arith.select %and3A_150, %shift_right_arithmetic3A_167, %add3A_159 : vector<16xi1>, vector<16xi32>
      %select_n3A_169 = arith.select %eq3A_146, %select_n3A_168, %add3A_159 : vector<16xi1>, vector<16xi32>
      %swap3A = arith.constant 0 : i32
      %swap3A_170 = arith.index_cast %swap3A : i32 to index
      %swap3A_171 = arith.constant 0 : index
      %swap3A_172 = tpu.vector_load %arg12[%swap3A_170, %swap3A_171] {strides = array<i32>} : memref<1x32xi32, #tpu.memory_space<vmem>>, vector<1x16xi32>,
      %swap3A_173 = vector.shape_cast %swap3A_172 : vector<1x16xi32> to vector<16xi32>
      %swap3A_174 = vector.shape_cast %select_n3A_169 : vector<16xi32> to vector<1x16xi32>
      tpu.vector_store %arg12[%swap3A_170, %swap3A_171], %swap3A_174 {strides = array<i32>} : memref<1x32xi32, #tpu.memory_space<vmem>>, vector<1x16xi32>,
      %shift_right_arithmetic3A_175 = arith.constant 1 : i32
      %shift_right_arithmetic3A_176 = vector.broadcast %shift_right_arithmetic3A_175 : i32 to vector<16xi32>
      %shift_right_arithmetic3A_177 = arith.shrsi %sub3A_140, %shift_right_arithmetic3A_176 : vector<16xi32>
      %select_n3A_178 = arith.select %and3A_150, %shift_right_arithmetic3A_177, %add3A_165 : vector<16xi1>, vector<16xi32>
      %select_n3A_179 = arith.select %eq3A_146, %add3A_165, %select_n3A_178 : vector<16xi1>, vector<16xi32>
      %swap3A_180 = arith.constant 0 : i32
      %swap3A_181 = arith.index_cast %swap3A_180 : i32 to index
      %swap3A_182 = arith.constant 0 : index
      %swap3A_183 = tpu.vector_load %arg13[%swap3A_181, %swap3A_182] {strides = array<i32>} : memref<1x32xi32, #tpu.memory_space<vmem>>, vector<1x16xi32>,
      %swap3A_184 = vector.shape_cast %swap3A_183 : vector<1x16xi32> to vector<16xi32>
      %swap3A_185 = vector.shape_cast %select_n3A_179 : vector<16xi32> to vector<1x16xi32>
      tpu.vector_store %arg13[%swap3A_181, %swap3A_182], %swap3A_185 {strides = array<i32>} : memref<1x32xi32, #tpu.memory_space<vmem>>, vector<1x16xi32>,
      %get3A_186 = arith.constant 16 : index
      %get3A_187 = tpu.vector_load %arg10[%get3A_186] {strides = array<i32>} : memref<32xi32, #tpu.memory_space<vmem>>, vector<16xi32>,
      %get3A_188 = vector.shape_cast %get3A_187 : vector<16xi32> to vector<16xi32>
      %sub3A_189 = vector.broadcast %mul3A_0 : i32 to vector<16xi32>
      %sub3A_190 = arith.subi %get3A_188, %sub3A_189 : vector<16xi32>
      %and3A_191 = arith.constant 1 : i32
      %and3A_192 = vector.broadcast %and3A_191 : i32 to vector<16xi32>
      %and3A_193 = arith.andi %sub3A_190, %and3A_192 : vector<16xi32>
      %eq3A_194 = arith.constant 0 : i32
      %eq3A_195 = vector.broadcast %eq3A_194 : i32 to vector<16xi32>
      %eq3A_196 = arith.cmpi eq, %and3A_193, %eq3A_195 : vector<16xi32>
      %ge3A_197 = arith.constant 0 : i32
      %ge3A_198 = vector.broadcast %ge3A_197 : i32 to vector<16xi32>
      %ge3A_199 = arith.cmpi sge, %sub3A_190, %ge3A_198 : vector<16xi32>
      %lt3A_200 = vector.broadcast %select_n3A : i32 to vector<16xi32>
      %lt3A_201 = arith.cmpi slt, %sub3A_190, %lt3A_200 : vector<16xi32>
      %and3A_202 = arith.andi %ge3A_199, %lt3A_201 : vector<16xi1>
      %iota3A_203 = tpu.iota {dimensions = array<i32: 0>} : vector<16xi32>
      %add3A_204 = arith.constant 16 : i32
      %add3A_205 = vector.broadcast %add3A_204 : i32 to vector<16xi32>
      %add3A_206 = arith.addi %iota3A_203, %add3A_205 : vector<16xi32>
      %and3A_207 = arith.constant 15 : i32
      %and3A_208 = vector.broadcast %and3A_207 : i32 to vector<16xi32>
      %and3A_209 = arith.andi %add3A_206, %and3A_208 : vector<16xi32>
      %add3A_210 = arith.constant 12520 : i32
      %add3A_211 = vector.broadcast %add3A_210 : i32 to vector<16xi32>
      %add3A_212 = arith.addi %add3A_211, %and3A_209 : vector<16xi32>
      %and3A_213 = arith.constant 15 : i32
      %and3A_214 = vector.broadcast %and3A_213 : i32 to vector<16xi32>
      %and3A_215 = arith.andi %add3A_206, %and3A_214 : vector<16xi32>
      %add3A_216 = arith.constant 12536 : i32
      %add3A_217 = vector.broadcast %add3A_216 : i32 to vector<16xi32>
      %add3A_218 = arith.addi %add3A_217, %and3A_215 : vector<16xi32>
      %shift_right_arithmetic3A_219 = arith.constant 1 : i32
      %shift_right_arithmetic3A_220 = vector.broadcast %shift_right_arithmetic3A_219 : i32 to vector<16xi32>
      %shift_right_arithmetic3A_221 = arith.shrsi %sub3A_190, %shift_right_arithmetic3A_220 : vector<16xi32>
      %select_n3A_222 = arith.select %and3A_202, %shift_right_arithmetic3A_221, %add3A_212 : vector<16xi1>, vector<16xi32>
      %select_n3A_223 = arith.select %eq3A_196, %select_n3A_222, %add3A_212 : vector<16xi1>, vector<16xi32>
      %swap3A_224 = arith.constant 0 : i32
      %swap3A_225 = arith.index_cast %swap3A_224 : i32 to index
      %swap3A_226 = arith.constant 16 : index
      %swap3A_227 = tpu.vector_load %arg12[%swap3A_225, %swap3A_226] {strides = array<i32>} : memref<1x32xi32, #tpu.memory_space<vmem>>, vector<1x16xi32>,
      %swap3A_228 = vector.shape_cast %swap3A_227 : vector<1x16xi32> to vector<16xi32>
      %swap3A_229 = vector.shape_cast %select_n3A_223 : vector<16xi32> to vector<1x16xi32>
      tpu.vector_store %arg12[%swap3A_225, %swap3A_226], %swap3A_229 {strides = array<i32>} : memref<1x32xi32, #tpu.memory_space<vmem>>, vector<1x16xi32>,
      %shift_right_arithmetic3A_230 = arith.constant 1 : i32
      %shift_right_arithmetic3A_231 = vector.broadcast %shift_right_arithmetic3A_230 : i32 to vector<16xi32>
      %shift_right_arithmetic3A_232 = arith.shrsi %sub3A_190, %shift_right_arithmetic3A_231 : vector<16xi32>
      %select_n3A_233 = arith.select %and3A_202, %shift_right_arithmetic3A_232, %add3A_218 : vector<16xi1>, vector<16xi32>
      %select_n3A_234 = arith.select %eq3A_196, %add3A_218, %select_n3A_233 : vector<16xi1>, vector<16xi32>
      %swap3A_235 = arith.constant 0 : i32
      %swap3A_236 = arith.index_cast %swap3A_235 : i32 to index
      %swap3A_237 = arith.constant 16 : index
      %swap3A_238 = tpu.vector_load %arg13[%swap3A_236, %swap3A_237] {strides = array<i32>} : memref<1x32xi32, #tpu.memory_space<vmem>>, vector<1x16xi32>,
      %swap3A_239 = vector.shape_cast %swap3A_238 : vector<1x16xi32> to vector<16xi32>
      %swap3A_240 = vector.shape_cast %select_n3A_234 : vector<16xi32> to vector<1x16xi32>
      tpu.vector_store %arg13[%swap3A_236, %swap3A_237], %swap3A_240 {strides = array<i32>} : memref<1x32xi32, #tpu.memory_space<vmem>>, vector<1x16xi32>,
      %dma_wait3A = arith.constant 0 : i32
      %dma_wait3A_241 = tpu.memref_slice %arg3[%mul3A_132, %dma_wait3A] : memref<800000x64xf32, #tpu.memory_space<hbm>> -> memref<32x64xf32, #tpu.memory_space<hbm>>
      %dma_wait3A_242 = arith.constant 0 : i32
      %dma_wait3A_243 = tpu.memref_slice %arg3[%mul3A_132, %dma_wait3A_242] : memref<800000x64xf32, #tpu.memory_space<hbm>> -> memref<32x64xf32, #tpu.memory_space<hbm>>
      tpu.wait_dma2 semaphore(%arg18 : memref<!tpu.dma_semaphore, #tpu.memory_space<semaphore_mem>>) src(%dma_wait3A_243 : memref<32x64xf32, #tpu.memory_space<hbm>>) dst(%arg7 : memref<32x64xf32, #tpu.memory_space<vmem>>)
      %dma_wait3A_244 = arith.constant 0 : i32
      %dma_wait3A_245 = arith.constant 0 : i32
      %dma_wait3A_246 = tpu.memref_slice %arg2[%dma_wait3A_244, %dma_wait3A_245] : memref<50000x128xf32, #tpu.memory_space<hbm>> -> memref<50000x128xf32, #tpu.memory_space<hbm>>
      tpu.wait_indirect_dma semaphore(%arg17 : memref<!tpu.dma_semaphore, #tpu.memory_space<semaphore_mem>>) src(%dma_wait3A_246 : memref<50000x128xf32, #tpu.memory_space<hbm>>) dst(%arg8 : memref<32x128xf32, #tpu.memory_space<vmem>>)
      %scan3A_247 = arith.constant 0 : i32
      %scan3A_248 = arith.constant 0 : i32
      %scan3A_249 = arith.constant 32 : i32
      %scan3A_250 = arith.addi %scan3A_248, %scan3A_249 : i32
      %scan3A_251 = arith.constant 1 : i32
      %scan3A_252 = scf.for %scan3A_256 = %scan3A_248 to %scan3A_250 step %scan3A_251 iter_args(%scan3A_257 = %scan3A_247) -> (i32)  : i32 {
        %get3A_258 = arith.index_cast %scan3A_256 : i32 to index
        %get3A_259 = arith.constant 0 : index
        %get3A_260 = tpu.vector_load %arg8[%get3A_258, %get3A_259] {strides = array<i32>} : memref<32x128xf32, #tpu.memory_space<vmem>>, vector<1x16xf32>,
        %get3A_261 = vector.shape_cast %get3A_260 : vector<1x16xf32> to vector<16xf32>
        %get3A_262 = arith.index_cast %scan3A_256 : i32 to index
        %get3A_263 = arith.constant 0 : index
        %get3A_264 = tpu.vector_load %arg7[%get3A_262, %get3A_263] {strides = array<i32>} : memref<32x64xf32, #tpu.memory_space<vmem>>, vector<1x16xf32>,
        %get3A_265 = vector.shape_cast %get3A_264 : vector<1x16xf32> to vector<16xf32>
        %add3A_266 = arith.addf %get3A_265, %get3A_261 : vector<16xf32>
        %max3A = arith.constant 0.000000e+00 : f32
        %max3A_267 = vector.broadcast %max3A : f32 to vector<16xf32>
        %max3A_268 = arith.maximumf %add3A_266, %max3A_267 : vector<16xf32>
        %swap3A_269 = arith.index_cast %scan3A_256 : i32 to index
        %swap3A_270 = arith.constant 0 : index
        %swap3A_271 = tpu.vector_load %arg8[%swap3A_269, %swap3A_270] {strides = array<i32>} : memref<32x128xf32, #tpu.memory_space<vmem>>, vector<1x16xf32>,
        %swap3A_272 = vector.shape_cast %swap3A_271 : vector<1x16xf32> to vector<16xf32>
        %swap3A_273 = vector.shape_cast %max3A_268 : vector<16xf32> to vector<1x16xf32>
        tpu.vector_store %arg8[%swap3A_269, %swap3A_270], %swap3A_273 {strides = array<i32>} : memref<32x128xf32, #tpu.memory_space<vmem>>, vector<1x16xf32>,
        %swap3A_274 = arith.index_cast %scan3A_256 : i32 to index
        %swap3A_275 = arith.constant 64 : index
        %swap3A_276 = tpu.vector_load %arg11[%swap3A_274, %swap3A_275] {strides = array<i32>} : memref<32x128xf32, #tpu.memory_space<vmem>>, vector<1x16xf32>,
        %swap3A_277 = vector.shape_cast %swap3A_276 : vector<1x16xf32> to vector<16xf32>
        %swap3A_278 = vector.shape_cast %max3A_268 : vector<16xf32> to vector<1x16xf32>
        tpu.vector_store %arg11[%swap3A_274, %swap3A_275], %swap3A_278 {strides = array<i32>} : memref<32x128xf32, #tpu.memory_space<vmem>>, vector<1x16xf32>,
        %get3A_279 = arith.index_cast %scan3A_256 : i32 to index
        %get3A_280 = arith.constant 16 : index
        %get3A_281 = tpu.vector_load %arg8[%get3A_279, %get3A_280] {strides = array<i32>} : memref<32x128xf32, #tpu.memory_space<vmem>>, vector<1x16xf32>,
        %get3A_282 = vector.shape_cast %get3A_281 : vector<1x16xf32> to vector<16xf32>
        %get3A_283 = arith.index_cast %scan3A_256 : i32 to index
        %get3A_284 = arith.constant 16 : index
        %get3A_285 = tpu.vector_load %arg7[%get3A_283, %get3A_284] {strides = array<i32>} : memref<32x64xf32, #tpu.memory_space<vmem>>, vector<1x16xf32>,
        %get3A_286 = vector.shape_cast %get3A_285 : vector<1x16xf32> to vector<16xf32>
        %add3A_287 = arith.addf %get3A_286, %get3A_282 : vector<16xf32>
        %max3A_288 = arith.constant 0.000000e+00 : f32
        %max3A_289 = vector.broadcast %max3A_288 : f32 to vector<16xf32>
        %max3A_290 = arith.maximumf %add3A_287, %max3A_289 : vector<16xf32>
        %swap3A_291 = arith.index_cast %scan3A_256 : i32 to index
        %swap3A_292 = arith.constant 16 : index
        %swap3A_293 = tpu.vector_load %arg8[%swap3A_291, %swap3A_292] {strides = array<i32>} : memref<32x128xf32, #tpu.memory_space<vmem>>, vector<1x16xf32>,
        %swap3A_294 = vector.shape_cast %swap3A_293 : vector<1x16xf32> to vector<16xf32>
        %swap3A_295 = vector.shape_cast %max3A_290 : vector<16xf32> to vector<1x16xf32>
        tpu.vector_store %arg8[%swap3A_291, %swap3A_292], %swap3A_295 {strides = array<i32>} : memref<32x128xf32, #tpu.memory_space<vmem>>, vector<1x16xf32>,
        %swap3A_296 = arith.index_cast %scan3A_256 : i32 to index
        %swap3A_297 = arith.constant 80 : index
        %swap3A_298 = tpu.vector_load %arg11[%swap3A_296, %swap3A_297] {strides = array<i32>} : memref<32x128xf32, #tpu.memory_space<vmem>>, vector<1x16xf32>,
        %swap3A_299 = vector.shape_cast %swap3A_298 : vector<1x16xf32> to vector<16xf32>
        %swap3A_300 = vector.shape_cast %max3A_290 : vector<16xf32> to vector<1x16xf32>
        tpu.vector_store %arg11[%swap3A_296, %swap3A_297], %swap3A_300 {strides = array<i32>} : memref<32x128xf32, #tpu.memory_space<vmem>>, vector<1x16xf32>,
        %get3A_301 = arith.index_cast %scan3A_256 : i32 to index
        %get3A_302 = arith.constant 32 : index
        %get3A_303 = tpu.vector_load %arg8[%get3A_301, %get3A_302] {strides = array<i32>} : memref<32x128xf32, #tpu.memory_space<vmem>>, vector<1x16xf32>,
        %get3A_304 = vector.shape_cast %get3A_303 : vector<1x16xf32> to vector<16xf32>
        %get3A_305 = arith.index_cast %scan3A_256 : i32 to index
        %get3A_306 = arith.constant 32 : index
        %get3A_307 = tpu.vector_load %arg7[%get3A_305, %get3A_306] {strides = array<i32>} : memref<32x64xf32, #tpu.memory_space<vmem>>, vector<1x16xf32>,
        %get3A_308 = vector.shape_cast %get3A_307 : vector<1x16xf32> to vector<16xf32>
        %add3A_309 = arith.addf %get3A_308, %get3A_304 : vector<16xf32>
        %max3A_310 = arith.constant 0.000000e+00 : f32
        %max3A_311 = vector.broadcast %max3A_310 : f32 to vector<16xf32>
        %max3A_312 = arith.maximumf %add3A_309, %max3A_311 : vector<16xf32>
        %swap3A_313 = arith.index_cast %scan3A_256 : i32 to index
        %swap3A_314 = arith.constant 32 : index
        %swap3A_315 = tpu.vector_load %arg8[%swap3A_313, %swap3A_314] {strides = array<i32>} : memref<32x128xf32, #tpu.memory_space<vmem>>, vector<1x16xf32>,
        %swap3A_316 = vector.shape_cast %swap3A_315 : vector<1x16xf32> to vector<16xf32>
        %swap3A_317 = vector.shape_cast %max3A_312 : vector<16xf32> to vector<1x16xf32>
        tpu.vector_store %arg8[%swap3A_313, %swap3A_314], %swap3A_317 {strides = array<i32>} : memref<32x128xf32, #tpu.memory_space<vmem>>, vector<1x16xf32>,
        %swap3A_318 = arith.index_cast %scan3A_256 : i32 to index
        %swap3A_319 = arith.constant 96 : index
        %swap3A_320 = tpu.vector_load %arg11[%swap3A_318, %swap3A_319] {strides = array<i32>} : memref<32x128xf32, #tpu.memory_space<vmem>>, vector<1x16xf32>,
        %swap3A_321 = vector.shape_cast %swap3A_320 : vector<1x16xf32> to vector<16xf32>
        %swap3A_322 = vector.shape_cast %max3A_312 : vector<16xf32> to vector<1x16xf32>
        tpu.vector_store %arg11[%swap3A_318, %swap3A_319], %swap3A_322 {strides = array<i32>} : memref<32x128xf32, #tpu.memory_space<vmem>>, vector<1x16xf32>,
        %get3A_323 = arith.index_cast %scan3A_256 : i32 to index
        %get3A_324 = arith.constant 48 : index
        %get3A_325 = tpu.vector_load %arg8[%get3A_323, %get3A_324] {strides = array<i32>} : memref<32x128xf32, #tpu.memory_space<vmem>>, vector<1x16xf32>,
        %get3A_326 = vector.shape_cast %get3A_325 : vector<1x16xf32> to vector<16xf32>
        %get3A_327 = arith.index_cast %scan3A_256 : i32 to index
        %get3A_328 = arith.constant 48 : index
        %get3A_329 = tpu.vector_load %arg7[%get3A_327, %get3A_328] {strides = array<i32>} : memref<32x64xf32, #tpu.memory_space<vmem>>, vector<1x16xf32>,
        %get3A_330 = vector.shape_cast %get3A_329 : vector<1x16xf32> to vector<16xf32>
        %add3A_331 = arith.addf %get3A_330, %get3A_326 : vector<16xf32>
        %max3A_332 = arith.constant 0.000000e+00 : f32
        %max3A_333 = vector.broadcast %max3A_332 : f32 to vector<16xf32>
        %max3A_334 = arith.maximumf %add3A_331, %max3A_333 : vector<16xf32>
        %swap3A_335 = arith.index_cast %scan3A_256 : i32 to index
        %swap3A_336 = arith.constant 48 : index
        %swap3A_337 = tpu.vector_load %arg8[%swap3A_335, %swap3A_336] {strides = array<i32>} : memref<32x128xf32, #tpu.memory_space<vmem>>, vector<1x16xf32>,
        %swap3A_338 = vector.shape_cast %swap3A_337 : vector<1x16xf32> to vector<16xf32>
        %swap3A_339 = vector.shape_cast %max3A_334 : vector<16xf32> to vector<1x16xf32>
        tpu.vector_store %arg8[%swap3A_335, %swap3A_336], %swap3A_339 {strides = array<i32>} : memref<32x128xf32, #tpu.memory_space<vmem>>, vector<1x16xf32>,
        %swap3A_340 = arith.index_cast %scan3A_256 : i32 to index
        %swap3A_341 = arith.constant 112 : index
        %swap3A_342 = tpu.vector_load %arg11[%swap3A_340, %swap3A_341] {strides = array<i32>} : memref<32x128xf32, #tpu.memory_space<vmem>>, vector<1x16xf32>,
        %swap3A_343 = vector.shape_cast %swap3A_342 : vector<1x16xf32> to vector<16xf32>
        %swap3A_344 = vector.shape_cast %max3A_334 : vector<16xf32> to vector<1x16xf32>
        tpu.vector_store %arg11[%swap3A_340, %swap3A_341], %swap3A_344 {strides = array<i32>} : memref<32x128xf32, #tpu.memory_space<vmem>>, vector<1x16xf32>,
        %scan3A_345 = arith.constant 0 : i32
        scf.yield %scan3A_345 : i32
      }
      %scan3A_253 = arith.constant 32 : i32
      %run_scoped3A = arith.constant 0 : i32
      "tpu.region"() ({
        %run_scoped3A_256 = tpu.sem_alloc : memref<!tpu.dma_semaphore, #tpu.memory_space<semaphore_mem>>
        %dma_start3A_257 = arith.constant 0 : i32
        %dma_start3A_258 = tpu.memref_slice %arg12[%run_scoped3A, %dma_start3A_257] : memref<1x32xi32, #tpu.memory_space<vmem>> -> memref<1x32xi32, #tpu.memory_space<vmem>>
        %dma_start3A_259 = tpu.memref_squeeze %dma_start3A_258 : memref<1x32xi32, #tpu.memory_space<vmem>> -> memref<32xi32, #tpu.memory_space<vmem>>
        %dma_start3A_260 = arith.constant 0 : i32
        %dma_start3A_261 = arith.constant 0 : i32
        %dma_start3A_262 = tpu.memref_slice %arg16[%dma_start3A_260, %dma_start3A_261] : memref<12560x128xf32, #tpu.memory_space<vmem_shared>> -> memref<12560x128xf32, #tpu.memory_space<vmem_shared>>
        tpu.enqueue_indirect_dma source(%arg8 : memref<32x128xf32, #tpu.memory_space<vmem>>) target(%dma_start3A_262 : memref<12560x128xf32, #tpu.memory_space<vmem_shared>>) offsets(%dma_start3A_259 : memref<32xi32, #tpu.memory_space<vmem>>) semaphore(%run_scoped3A_256 : memref<!tpu.dma_semaphore, #tpu.memory_space<semaphore_mem>>) {add = true}
        %dma_wait3A_263 = arith.constant 0 : i32
        %dma_wait3A_264 = tpu.memref_slice %arg12[%run_scoped3A, %dma_wait3A_263] : memref<1x32xi32, #tpu.memory_space<vmem>> -> memref<1x32xi32, #tpu.memory_space<vmem>>
        %dma_wait3A_265 = tpu.memref_squeeze %dma_wait3A_264 : memref<1x32xi32, #tpu.memory_space<vmem>> -> memref<32xi32, #tpu.memory_space<vmem>>
        %dma_wait3A_266 = arith.constant 0 : i32
        %dma_wait3A_267 = arith.constant 0 : i32
        %dma_wait3A_268 = tpu.memref_slice %arg16[%dma_wait3A_266, %dma_wait3A_267] : memref<12560x128xf32, #tpu.memory_space<vmem_shared>> -> memref<12560x128xf32, #tpu.memory_space<vmem_shared>>
        tpu.wait_indirect_dma semaphore(%run_scoped3A_256 : memref<!tpu.dma_semaphore, #tpu.memory_space<semaphore_mem>>) src(%arg8 : memref<32x128xf32, #tpu.memory_space<vmem>>) dst(%dma_wait3A_268 : memref<12560x128xf32, #tpu.memory_space<vmem_shared>>)
        tpu.yield
      }) : () -> ()
      %run_scoped3A_254 = arith.constant 0 : i32
      "tpu.region"() ({
        %run_scoped3A_256 = tpu.sem_alloc : memref<!tpu.dma_semaphore, #tpu.memory_space<semaphore_mem>>
        %dma_start3A_257 = arith.constant 0 : i32
        %dma_start3A_258 = tpu.memref_slice %arg13[%run_scoped3A_254, %dma_start3A_257] : memref<1x32xi32, #tpu.memory_space<vmem>> -> memref<1x32xi32, #tpu.memory_space<vmem>>
        %dma_start3A_259 = tpu.memref_squeeze %dma_start3A_258 : memref<1x32xi32, #tpu.memory_space<vmem>> -> memref<32xi32, #tpu.memory_space<vmem>>
        %dma_start3A_260 = arith.constant 0 : i32
        %dma_start3A_261 = arith.constant 0 : i32
        %dma_start3A_262 = tpu.memref_slice %arg16[%dma_start3A_260, %dma_start3A_261] : memref<12560x128xf32, #tpu.memory_space<vmem_shared>> -> memref<12560x128xf32, #tpu.memory_space<vmem_shared>>
        tpu.enqueue_indirect_dma source(%arg11 : memref<32x128xf32, #tpu.memory_space<vmem>>) target(%dma_start3A_262 : memref<12560x128xf32, #tpu.memory_space<vmem_shared>>) offsets(%dma_start3A_259 : memref<32xi32, #tpu.memory_space<vmem>>) semaphore(%run_scoped3A_256 : memref<!tpu.dma_semaphore, #tpu.memory_space<semaphore_mem>>) {add = true}
        %dma_wait3A_263 = arith.constant 0 : i32
        %dma_wait3A_264 = tpu.memref_slice %arg13[%run_scoped3A_254, %dma_wait3A_263] : memref<1x32xi32, #tpu.memory_space<vmem>> -> memref<1x32xi32, #tpu.memory_space<vmem>>
        %dma_wait3A_265 = tpu.memref_squeeze %dma_wait3A_264 : memref<1x32xi32, #tpu.memory_space<vmem>> -> memref<32xi32, #tpu.memory_space<vmem>>
        %dma_wait3A_266 = arith.constant 0 : i32
        %dma_wait3A_267 = arith.constant 0 : i32
        %dma_wait3A_268 = tpu.memref_slice %arg16[%dma_wait3A_266, %dma_wait3A_267] : memref<12560x128xf32, #tpu.memory_space<vmem_shared>> -> memref<12560x128xf32, #tpu.memory_space<vmem_shared>>
        tpu.wait_indirect_dma semaphore(%run_scoped3A_256 : memref<!tpu.dma_semaphore, #tpu.memory_space<semaphore_mem>>) src(%arg11 : memref<32x128xf32, #tpu.memory_space<vmem>>) dst(%dma_wait3A_268 : memref<12560x128xf32, #tpu.memory_space<vmem_shared>>)
        tpu.yield
      }) : () -> ()
      %while3A_255 = arith.constant 0 : i32
      scf.yield %while3A_255 : i32
    }
    %while3A_85 = arith.constant 1 : i32
    %while3A_86 = scf.for %while3A_123 = %while3A_82 to %while3A_78 step %while3A_85 iter_args(%while3A_124 = %while3A_84) -> (i32)  : i32 {
      %mul3A_125 = arith.constant 32 : i32
      %mul3A_126 = arith.muli %while3A_123, %mul3A_125 : i32
      "tpu.region"() ({
        %run_scoped3A_256 = tpu.sem_alloc : memref<!tpu.dma_semaphore, #tpu.memory_space<semaphore_mem>>
        %dma_start3A_257 = tpu.memref_slice %arg4[%mul3A_126] : memref<800000xi32, #tpu.memory_space<hbm>> -> memref<32xi32, #tpu.memory_space<hbm>>
        %dma_start3A_258 = tpu.memref_slice %arg4[%mul3A_126] : memref<800000xi32, #tpu.memory_space<hbm>> -> memref<32xi32, #tpu.memory_space<hbm>>
        tpu.enqueue_dma source(%dma_start3A_258 : memref<32xi32, #tpu.memory_space<hbm>>) target(%arg9 : memref<32xi32, #tpu.memory_space<vmem>>) target_semaphore(%run_scoped3A_256 : memref<!tpu.dma_semaphore, #tpu.memory_space<semaphore_mem>>)
        %dma_wait3A_259 = tpu.memref_slice %arg4[%mul3A_126] : memref<800000xi32, #tpu.memory_space<hbm>> -> memref<32xi32, #tpu.memory_space<hbm>>
        %dma_wait3A_260 = tpu.memref_slice %arg4[%mul3A_126] : memref<800000xi32, #tpu.memory_space<hbm>> -> memref<32xi32, #tpu.memory_space<hbm>>
        tpu.wait_dma2 semaphore(%run_scoped3A_256 : memref<!tpu.dma_semaphore, #tpu.memory_space<semaphore_mem>>) src(%dma_wait3A_260 : memref<32xi32, #tpu.memory_space<hbm>>) dst(%arg9 : memref<32xi32, #tpu.memory_space<vmem>>)
        tpu.yield
      }) : () -> ()
      %mul3A_127 = arith.constant 32 : i32
      %mul3A_128 = arith.muli %while3A_123, %mul3A_127 : i32
      "tpu.region"() ({
        %run_scoped3A_256 = tpu.sem_alloc : memref<!tpu.dma_semaphore, #tpu.memory_space<semaphore_mem>>
        %dma_start3A_257 = tpu.memref_slice %arg5[%mul3A_128] : memref<800000xi32, #tpu.memory_space<hbm>> -> memref<32xi32, #tpu.memory_space<hbm>>
        %dma_start3A_258 = tpu.memref_slice %arg5[%mul3A_128] : memref<800000xi32, #tpu.memory_space<hbm>> -> memref<32xi32, #tpu.memory_space<hbm>>
        tpu.enqueue_dma source(%dma_start3A_258 : memref<32xi32, #tpu.memory_space<hbm>>) target(%arg10 : memref<32xi32, #tpu.memory_space<vmem>>) target_semaphore(%run_scoped3A_256 : memref<!tpu.dma_semaphore, #tpu.memory_space<semaphore_mem>>)
        %dma_wait3A_259 = tpu.memref_slice %arg5[%mul3A_128] : memref<800000xi32, #tpu.memory_space<hbm>> -> memref<32xi32, #tpu.memory_space<hbm>>
        %dma_wait3A_260 = tpu.memref_slice %arg5[%mul3A_128] : memref<800000xi32, #tpu.memory_space<hbm>> -> memref<32xi32, #tpu.memory_space<hbm>>
        tpu.wait_dma2 semaphore(%run_scoped3A_256 : memref<!tpu.dma_semaphore, #tpu.memory_space<semaphore_mem>>) src(%dma_wait3A_260 : memref<32xi32, #tpu.memory_space<hbm>>) dst(%arg10 : memref<32xi32, #tpu.memory_space<vmem>>)
        tpu.yield
      }) : () -> ()
      %dma_start3A = arith.constant 0 : i32
      %dma_start3A_129 = arith.constant 0 : i32
      %dma_start3A_130 = tpu.memref_slice %arg2[%dma_start3A, %dma_start3A_129] : memref<50000x128xf32, #tpu.memory_space<hbm>> -> memref<50000x128xf32, #tpu.memory_space<hbm>>
      tpu.enqueue_indirect_dma source(%dma_start3A_130 : memref<50000x128xf32, #tpu.memory_space<hbm>>) target(%arg8 : memref<32x128xf32, #tpu.memory_space<vmem>>) offsets(%arg9 : memref<32xi32, #tpu.memory_space<vmem>>) semaphore(%arg17 : memref<!tpu.dma_semaphore, #tpu.memory_space<semaphore_mem>>)
      %mul3A_131 = arith.constant 32 : i32
      %mul3A_132 = arith.muli %while3A_123, %mul3A_131 : i32
      %dma_start3A_133 = arith.constant 0 : i32
      %dma_start3A_134 = tpu.memref_slice %arg3[%mul3A_132, %dma_start3A_133] : memref<800000x64xf32, #tpu.memory_space<hbm>> -> memref<32x64xf32, #tpu.memory_space<hbm>>
      %dma_start3A_135 = arith.constant 0 : i32
      %dma_start3A_136 = tpu.memref_slice %arg3[%mul3A_132, %dma_start3A_135] : memref<800000x64xf32, #tpu.memory_space<hbm>> -> memref<32x64xf32, #tpu.memory_space<hbm>>
      tpu.enqueue_dma source(%dma_start3A_136 : memref<32x64xf32, #tpu.memory_space<hbm>>) target(%arg7 : memref<32x64xf32, #tpu.memory_space<vmem>>) target_semaphore(%arg18 : memref<!tpu.dma_semaphore, #tpu.memory_space<semaphore_mem>>)
      %get3A = arith.constant 0 : index
      %get3A_137 = tpu.vector_load %arg10[%get3A] {strides = array<i32>} : memref<32xi32, #tpu.memory_space<vmem>>, vector<16xi32>,
      %get3A_138 = vector.shape_cast %get3A_137 : vector<16xi32> to vector<16xi32>
      %sub3A_139 = vector.broadcast %mul3A_0 : i32 to vector<16xi32>
      %sub3A_140 = arith.subi %get3A_138, %sub3A_139 : vector<16xi32>
      %and3A_141 = arith.constant 1 : i32
      %and3A_142 = vector.broadcast %and3A_141 : i32 to vector<16xi32>
      %and3A_143 = arith.andi %sub3A_140, %and3A_142 : vector<16xi32>
      %eq3A_144 = arith.constant 0 : i32
      %eq3A_145 = vector.broadcast %eq3A_144 : i32 to vector<16xi32>
      %eq3A_146 = arith.cmpi eq, %and3A_143, %eq3A_145 : vector<16xi32>
      %ge3A = arith.constant 0 : i32
      %ge3A_147 = vector.broadcast %ge3A : i32 to vector<16xi32>
      %ge3A_148 = arith.cmpi sge, %sub3A_140, %ge3A_147 : vector<16xi32>
      %lt3A = vector.broadcast %select_n3A : i32 to vector<16xi32>
      %lt3A_149 = arith.cmpi slt, %sub3A_140, %lt3A : vector<16xi32>
      %and3A_150 = arith.andi %ge3A_148, %lt3A_149 : vector<16xi1>
      %iota3A = tpu.iota {dimensions = array<i32: 0>} : vector<16xi32>
      %add3A_151 = arith.constant 0 : i32
      %add3A_152 = vector.broadcast %add3A_151 : i32 to vector<16xi32>
      %add3A_153 = arith.addi %iota3A, %add3A_152 : vector<16xi32>
      %and3A_154 = arith.constant 15 : i32
      %and3A_155 = vector.broadcast %and3A_154 : i32 to vector<16xi32>
      %and3A_156 = arith.andi %add3A_153, %and3A_155 : vector<16xi32>
      %add3A_157 = arith.constant 12520 : i32
      %add3A_158 = vector.broadcast %add3A_157 : i32 to vector<16xi32>
      %add3A_159 = arith.addi %add3A_158, %and3A_156 : vector<16xi32>
      %and3A_160 = arith.constant 15 : i32
      %and3A_161 = vector.broadcast %and3A_160 : i32 to vector<16xi32>
      %and3A_162 = arith.andi %add3A_153, %and3A_161 : vector<16xi32>
      %add3A_163 = arith.constant 12536 : i32
      %add3A_164 = vector.broadcast %add3A_163 : i32 to vector<16xi32>
      %add3A_165 = arith.addi %add3A_164, %and3A_162 : vector<16xi32>
      %shift_right_arithmetic3A = arith.constant 1 : i32
      %shift_right_arithmetic3A_166 = vector.broadcast %shift_right_arithmetic3A : i32 to vector<16xi32>
      %shift_right_arithmetic3A_167 = arith.shrsi %sub3A_140, %shift_right_arithmetic3A_166 : vector<16xi32>
      %select_n3A_168 = arith.select %and3A_150, %shift_right_arithmetic3A_167, %add3A_159 : vector<16xi1>, vector<16xi32>
      %select_n3A_169 = arith.select %eq3A_146, %select_n3A_168, %add3A_159 : vector<16xi1>, vector<16xi32>
      %swap3A = arith.constant 0 : i32
      %swap3A_170 = arith.index_cast %swap3A : i32 to index
      %swap3A_171 = arith.constant 0 : index
      %swap3A_172 = tpu.vector_load %arg12[%swap3A_170, %swap3A_171] {strides = array<i32>} : memref<1x32xi32, #tpu.memory_space<vmem>>, vector<1x16xi32>,
      %swap3A_173 = vector.shape_cast %swap3A_172 : vector<1x16xi32> to vector<16xi32>
      %swap3A_174 = vector.shape_cast %select_n3A_169 : vector<16xi32> to vector<1x16xi32>
      tpu.vector_store %arg12[%swap3A_170, %swap3A_171], %swap3A_174 {strides = array<i32>} : memref<1x32xi32, #tpu.memory_space<vmem>>, vector<1x16xi32>,
      %shift_right_arithmetic3A_175 = arith.constant 1 : i32
      %shift_right_arithmetic3A_176 = vector.broadcast %shift_right_arithmetic3A_175 : i32 to vector<16xi32>
      %shift_right_arithmetic3A_177 = arith.shrsi %sub3A_140, %shift_right_arithmetic3A_176 : vector<16xi32>
      %select_n3A_178 = arith.select %and3A_150, %shift_right_arithmetic3A_177, %add3A_165 : vector<16xi1>, vector<16xi32>
      %select_n3A_179 = arith.select %eq3A_146, %add3A_165, %select_n3A_178 : vector<16xi1>, vector<16xi32>
      %swap3A_180 = arith.constant 0 : i32
      %swap3A_181 = arith.index_cast %swap3A_180 : i32 to index
      %swap3A_182 = arith.constant 0 : index
      %swap3A_183 = tpu.vector_load %arg13[%swap3A_181, %swap3A_182] {strides = array<i32>} : memref<1x32xi32, #tpu.memory_space<vmem>>, vector<1x16xi32>,
      %swap3A_184 = vector.shape_cast %swap3A_183 : vector<1x16xi32> to vector<16xi32>
      %swap3A_185 = vector.shape_cast %select_n3A_179 : vector<16xi32> to vector<1x16xi32>
      tpu.vector_store %arg13[%swap3A_181, %swap3A_182], %swap3A_185 {strides = array<i32>} : memref<1x32xi32, #tpu.memory_space<vmem>>, vector<1x16xi32>,
      %get3A_186 = arith.constant 16 : index
      %get3A_187 = tpu.vector_load %arg10[%get3A_186] {strides = array<i32>} : memref<32xi32, #tpu.memory_space<vmem>>, vector<16xi32>,
      %get3A_188 = vector.shape_cast %get3A_187 : vector<16xi32> to vector<16xi32>
      %sub3A_189 = vector.broadcast %mul3A_0 : i32 to vector<16xi32>
      %sub3A_190 = arith.subi %get3A_188, %sub3A_189 : vector<16xi32>
      %and3A_191 = arith.constant 1 : i32
      %and3A_192 = vector.broadcast %and3A_191 : i32 to vector<16xi32>
      %and3A_193 = arith.andi %sub3A_190, %and3A_192 : vector<16xi32>
      %eq3A_194 = arith.constant 0 : i32
      %eq3A_195 = vector.broadcast %eq3A_194 : i32 to vector<16xi32>
      %eq3A_196 = arith.cmpi eq, %and3A_193, %eq3A_195 : vector<16xi32>
      %ge3A_197 = arith.constant 0 : i32
      %ge3A_198 = vector.broadcast %ge3A_197 : i32 to vector<16xi32>
      %ge3A_199 = arith.cmpi sge, %sub3A_190, %ge3A_198 : vector<16xi32>
      %lt3A_200 = vector.broadcast %select_n3A : i32 to vector<16xi32>
      %lt3A_201 = arith.cmpi slt, %sub3A_190, %lt3A_200 : vector<16xi32>
      %and3A_202 = arith.andi %ge3A_199, %lt3A_201 : vector<16xi1>
      %iota3A_203 = tpu.iota {dimensions = array<i32: 0>} : vector<16xi32>
      %add3A_204 = arith.constant 16 : i32
      %add3A_205 = vector.broadcast %add3A_204 : i32 to vector<16xi32>
      %add3A_206 = arith.addi %iota3A_203, %add3A_205 : vector<16xi32>
      %and3A_207 = arith.constant 15 : i32
      %and3A_208 = vector.broadcast %and3A_207 : i32 to vector<16xi32>
      %and3A_209 = arith.andi %add3A_206, %and3A_208 : vector<16xi32>
      %add3A_210 = arith.constant 12520 : i32
      %add3A_211 = vector.broadcast %add3A_210 : i32 to vector<16xi32>
      %add3A_212 = arith.addi %add3A_211, %and3A_209 : vector<16xi32>
      %and3A_213 = arith.constant 15 : i32
      %and3A_214 = vector.broadcast %and3A_213 : i32 to vector<16xi32>
      %and3A_215 = arith.andi %add3A_206, %and3A_214 : vector<16xi32>
      %add3A_216 = arith.constant 12536 : i32
      %add3A_217 = vector.broadcast %add3A_216 : i32 to vector<16xi32>
      %add3A_218 = arith.addi %add3A_217, %and3A_215 : vector<16xi32>
      %shift_right_arithmetic3A_219 = arith.constant 1 : i32
      %shift_right_arithmetic3A_220 = vector.broadcast %shift_right_arithmetic3A_219 : i32 to vector<16xi32>
      %shift_right_arithmetic3A_221 = arith.shrsi %sub3A_190, %shift_right_arithmetic3A_220 : vector<16xi32>
      %select_n3A_222 = arith.select %and3A_202, %shift_right_arithmetic3A_221, %add3A_212 : vector<16xi1>, vector<16xi32>
      %select_n3A_223 = arith.select %eq3A_196, %select_n3A_222, %add3A_212 : vector<16xi1>, vector<16xi32>
      %swap3A_224 = arith.constant 0 : i32
      %swap3A_225 = arith.index_cast %swap3A_224 : i32 to index
      %swap3A_226 = arith.constant 16 : index
      %swap3A_227 = tpu.vector_load %arg12[%swap3A_225, %swap3A_226] {strides = array<i32>} : memref<1x32xi32, #tpu.memory_space<vmem>>, vector<1x16xi32>,
      %swap3A_228 = vector.shape_cast %swap3A_227 : vector<1x16xi32> to vector<16xi32>
      %swap3A_229 = vector.shape_cast %select_n3A_223 : vector<16xi32> to vector<1x16xi32>
      tpu.vector_store %arg12[%swap3A_225, %swap3A_226], %swap3A_229 {strides = array<i32>} : memref<1x32xi32, #tpu.memory_space<vmem>>, vector<1x16xi32>,
      %shift_right_arithmetic3A_230 = arith.constant 1 : i32
      %shift_right_arithmetic3A_231 = vector.broadcast %shift_right_arithmetic3A_230 : i32 to vector<16xi32>
      %shift_right_arithmetic3A_232 = arith.shrsi %sub3A_190, %shift_right_arithmetic3A_231 : vector<16xi32>
      %select_n3A_233 = arith.select %and3A_202, %shift_right_arithmetic3A_232, %add3A_218 : vector<16xi1>, vector<16xi32>
      %select_n3A_234 = arith.select %eq3A_196, %add3A_218, %select_n3A_233 : vector<16xi1>, vector<16xi32>
      %swap3A_235 = arith.constant 0 : i32
      %swap3A_236 = arith.index_cast %swap3A_235 : i32 to index
      %swap3A_237 = arith.constant 16 : index
      %swap3A_238 = tpu.vector_load %arg13[%swap3A_236, %swap3A_237] {strides = array<i32>} : memref<1x32xi32, #tpu.memory_space<vmem>>, vector<1x16xi32>,
      %swap3A_239 = vector.shape_cast %swap3A_238 : vector<1x16xi32> to vector<16xi32>
      %swap3A_240 = vector.shape_cast %select_n3A_234 : vector<16xi32> to vector<1x16xi32>
      tpu.vector_store %arg13[%swap3A_236, %swap3A_237], %swap3A_240 {strides = array<i32>} : memref<1x32xi32, #tpu.memory_space<vmem>>, vector<1x16xi32>,
      %dma_wait3A = arith.constant 0 : i32
      %dma_wait3A_241 = tpu.memref_slice %arg3[%mul3A_132, %dma_wait3A] : memref<800000x64xf32, #tpu.memory_space<hbm>> -> memref<32x64xf32, #tpu.memory_space<hbm>>
      %dma_wait3A_242 = arith.constant 0 : i32
      %dma_wait3A_243 = tpu.memref_slice %arg3[%mul3A_132, %dma_wait3A_242] : memref<800000x64xf32, #tpu.memory_space<hbm>> -> memref<32x64xf32, #tpu.memory_space<hbm>>
      tpu.wait_dma2 semaphore(%arg18 : memref<!tpu.dma_semaphore, #tpu.memory_space<semaphore_mem>>) src(%dma_wait3A_243 : memref<32x64xf32, #tpu.memory_space<hbm>>) dst(%arg7 : memref<32x64xf32, #tpu.memory_space<vmem>>)
      %dma_wait3A_244 = arith.constant 0 : i32
      %dma_wait3A_245 = arith.constant 0 : i32
      %dma_wait3A_246 = tpu.memref_slice %arg2[%dma_wait3A_244, %dma_wait3A_245] : memref<50000x128xf32, #tpu.memory_space<hbm>> -> memref<50000x128xf32, #tpu.memory_space<hbm>>
      tpu.wait_indirect_dma semaphore(%arg17 : memref<!tpu.dma_semaphore, #tpu.memory_space<semaphore_mem>>) src(%dma_wait3A_246 : memref<50000x128xf32, #tpu.memory_space<hbm>>) dst(%arg8 : memref<32x128xf32, #tpu.memory_space<vmem>>)
      %scan3A_247 = arith.constant 0 : i32
      %scan3A_248 = arith.constant 0 : i32
      %scan3A_249 = arith.constant 32 : i32
      %scan3A_250 = arith.addi %scan3A_248, %scan3A_249 : i32
      %scan3A_251 = arith.constant 1 : i32
      %scan3A_252 = scf.for %scan3A_256 = %scan3A_248 to %scan3A_250 step %scan3A_251 iter_args(%scan3A_257 = %scan3A_247) -> (i32)  : i32 {
        %get3A_258 = arith.index_cast %scan3A_256 : i32 to index
        %get3A_259 = arith.constant 0 : index
        %get3A_260 = tpu.vector_load %arg8[%get3A_258, %get3A_259] {strides = array<i32>} : memref<32x128xf32, #tpu.memory_space<vmem>>, vector<1x16xf32>,
        %get3A_261 = vector.shape_cast %get3A_260 : vector<1x16xf32> to vector<16xf32>
        %get3A_262 = arith.index_cast %scan3A_256 : i32 to index
        %get3A_263 = arith.constant 0 : index
        %get3A_264 = tpu.vector_load %arg7[%get3A_262, %get3A_263] {strides = array<i32>} : memref<32x64xf32, #tpu.memory_space<vmem>>, vector<1x16xf32>,
        %get3A_265 = vector.shape_cast %get3A_264 : vector<1x16xf32> to vector<16xf32>
        %add3A_266 = arith.addf %get3A_265, %get3A_261 : vector<16xf32>
        %max3A = arith.constant 0.000000e+00 : f32
        %max3A_267 = vector.broadcast %max3A : f32 to vector<16xf32>
        %max3A_268 = arith.maximumf %add3A_266, %max3A_267 : vector<16xf32>
        %swap3A_269 = arith.index_cast %scan3A_256 : i32 to index
        %swap3A_270 = arith.constant 0 : index
        %swap3A_271 = tpu.vector_load %arg8[%swap3A_269, %swap3A_270] {strides = array<i32>} : memref<32x128xf32, #tpu.memory_space<vmem>>, vector<1x16xf32>,
        %swap3A_272 = vector.shape_cast %swap3A_271 : vector<1x16xf32> to vector<16xf32>
        %swap3A_273 = vector.shape_cast %max3A_268 : vector<16xf32> to vector<1x16xf32>
        tpu.vector_store %arg8[%swap3A_269, %swap3A_270], %swap3A_273 {strides = array<i32>} : memref<32x128xf32, #tpu.memory_space<vmem>>, vector<1x16xf32>,
        %swap3A_274 = arith.index_cast %scan3A_256 : i32 to index
        %swap3A_275 = arith.constant 64 : index
        %swap3A_276 = tpu.vector_load %arg11[%swap3A_274, %swap3A_275] {strides = array<i32>} : memref<32x128xf32, #tpu.memory_space<vmem>>, vector<1x16xf32>,
        %swap3A_277 = vector.shape_cast %swap3A_276 : vector<1x16xf32> to vector<16xf32>
        %swap3A_278 = vector.shape_cast %max3A_268 : vector<16xf32> to vector<1x16xf32>
        tpu.vector_store %arg11[%swap3A_274, %swap3A_275], %swap3A_278 {strides = array<i32>} : memref<32x128xf32, #tpu.memory_space<vmem>>, vector<1x16xf32>,
        %get3A_279 = arith.index_cast %scan3A_256 : i32 to index
        %get3A_280 = arith.constant 16 : index
        %get3A_281 = tpu.vector_load %arg8[%get3A_279, %get3A_280] {strides = array<i32>} : memref<32x128xf32, #tpu.memory_space<vmem>>, vector<1x16xf32>,
        %get3A_282 = vector.shape_cast %get3A_281 : vector<1x16xf32> to vector<16xf32>
        %get3A_283 = arith.index_cast %scan3A_256 : i32 to index
        %get3A_284 = arith.constant 16 : index
        %get3A_285 = tpu.vector_load %arg7[%get3A_283, %get3A_284] {strides = array<i32>} : memref<32x64xf32, #tpu.memory_space<vmem>>, vector<1x16xf32>,
        %get3A_286 = vector.shape_cast %get3A_285 : vector<1x16xf32> to vector<16xf32>
        %add3A_287 = arith.addf %get3A_286, %get3A_282 : vector<16xf32>
        %max3A_288 = arith.constant 0.000000e+00 : f32
        %max3A_289 = vector.broadcast %max3A_288 : f32 to vector<16xf32>
        %max3A_290 = arith.maximumf %add3A_287, %max3A_289 : vector<16xf32>
        %swap3A_291 = arith.index_cast %scan3A_256 : i32 to index
        %swap3A_292 = arith.constant 16 : index
        %swap3A_293 = tpu.vector_load %arg8[%swap3A_291, %swap3A_292] {strides = array<i32>} : memref<32x128xf32, #tpu.memory_space<vmem>>, vector<1x16xf32>,
        %swap3A_294 = vector.shape_cast %swap3A_293 : vector<1x16xf32> to vector<16xf32>
        %swap3A_295 = vector.shape_cast %max3A_290 : vector<16xf32> to vector<1x16xf32>
        tpu.vector_store %arg8[%swap3A_291, %swap3A_292], %swap3A_295 {strides = array<i32>} : memref<32x128xf32, #tpu.memory_space<vmem>>, vector<1x16xf32>,
        %swap3A_296 = arith.index_cast %scan3A_256 : i32 to index
        %swap3A_297 = arith.constant 80 : index
        %swap3A_298 = tpu.vector_load %arg11[%swap3A_296, %swap3A_297] {strides = array<i32>} : memref<32x128xf32, #tpu.memory_space<vmem>>, vector<1x16xf32>,
        %swap3A_299 = vector.shape_cast %swap3A_298 : vector<1x16xf32> to vector<16xf32>
        %swap3A_300 = vector.shape_cast %max3A_290 : vector<16xf32> to vector<1x16xf32>
        tpu.vector_store %arg11[%swap3A_296, %swap3A_297], %swap3A_300 {strides = array<i32>} : memref<32x128xf32, #tpu.memory_space<vmem>>, vector<1x16xf32>,
        %get3A_301 = arith.index_cast %scan3A_256 : i32 to index
        %get3A_302 = arith.constant 32 : index
        %get3A_303 = tpu.vector_load %arg8[%get3A_301, %get3A_302] {strides = array<i32>} : memref<32x128xf32, #tpu.memory_space<vmem>>, vector<1x16xf32>,
        %get3A_304 = vector.shape_cast %get3A_303 : vector<1x16xf32> to vector<16xf32>
        %get3A_305 = arith.index_cast %scan3A_256 : i32 to index
        %get3A_306 = arith.constant 32 : index
        %get3A_307 = tpu.vector_load %arg7[%get3A_305, %get3A_306] {strides = array<i32>} : memref<32x64xf32, #tpu.memory_space<vmem>>, vector<1x16xf32>,
        %get3A_308 = vector.shape_cast %get3A_307 : vector<1x16xf32> to vector<16xf32>
        %add3A_309 = arith.addf %get3A_308, %get3A_304 : vector<16xf32>
        %max3A_310 = arith.constant 0.000000e+00 : f32
        %max3A_311 = vector.broadcast %max3A_310 : f32 to vector<16xf32>
        %max3A_312 = arith.maximumf %add3A_309, %max3A_311 : vector<16xf32>
        %swap3A_313 = arith.index_cast %scan3A_256 : i32 to index
        %swap3A_314 = arith.constant 32 : index
        %swap3A_315 = tpu.vector_load %arg8[%swap3A_313, %swap3A_314] {strides = array<i32>} : memref<32x128xf32, #tpu.memory_space<vmem>>, vector<1x16xf32>,
        %swap3A_316 = vector.shape_cast %swap3A_315 : vector<1x16xf32> to vector<16xf32>
        %swap3A_317 = vector.shape_cast %max3A_312 : vector<16xf32> to vector<1x16xf32>
        tpu.vector_store %arg8[%swap3A_313, %swap3A_314], %swap3A_317 {strides = array<i32>} : memref<32x128xf32, #tpu.memory_space<vmem>>, vector<1x16xf32>,
        %swap3A_318 = arith.index_cast %scan3A_256 : i32 to index
        %swap3A_319 = arith.constant 96 : index
        %swap3A_320 = tpu.vector_load %arg11[%swap3A_318, %swap3A_319] {strides = array<i32>} : memref<32x128xf32, #tpu.memory_space<vmem>>, vector<1x16xf32>,
        %swap3A_321 = vector.shape_cast %swap3A_320 : vector<1x16xf32> to vector<16xf32>
        %swap3A_322 = vector.shape_cast %max3A_312 : vector<16xf32> to vector<1x16xf32>
        tpu.vector_store %arg11[%swap3A_318, %swap3A_319], %swap3A_322 {strides = array<i32>} : memref<32x128xf32, #tpu.memory_space<vmem>>, vector<1x16xf32>,
        %get3A_323 = arith.index_cast %scan3A_256 : i32 to index
        %get3A_324 = arith.constant 48 : index
        %get3A_325 = tpu.vector_load %arg8[%get3A_323, %get3A_324] {strides = array<i32>} : memref<32x128xf32, #tpu.memory_space<vmem>>, vector<1x16xf32>,
        %get3A_326 = vector.shape_cast %get3A_325 : vector<1x16xf32> to vector<16xf32>
        %get3A_327 = arith.index_cast %scan3A_256 : i32 to index
        %get3A_328 = arith.constant 48 : index
        %get3A_329 = tpu.vector_load %arg7[%get3A_327, %get3A_328] {strides = array<i32>} : memref<32x64xf32, #tpu.memory_space<vmem>>, vector<1x16xf32>,
        %get3A_330 = vector.shape_cast %get3A_329 : vector<1x16xf32> to vector<16xf32>
        %add3A_331 = arith.addf %get3A_330, %get3A_326 : vector<16xf32>
        %max3A_332 = arith.constant 0.000000e+00 : f32
        %max3A_333 = vector.broadcast %max3A_332 : f32 to vector<16xf32>
        %max3A_334 = arith.maximumf %add3A_331, %max3A_333 : vector<16xf32>
        %swap3A_335 = arith.index_cast %scan3A_256 : i32 to index
        %swap3A_336 = arith.constant 48 : index
        %swap3A_337 = tpu.vector_load %arg8[%swap3A_335, %swap3A_336] {strides = array<i32>} : memref<32x128xf32, #tpu.memory_space<vmem>>, vector<1x16xf32>,
        %swap3A_338 = vector.shape_cast %swap3A_337 : vector<1x16xf32> to vector<16xf32>
        %swap3A_339 = vector.shape_cast %max3A_334 : vector<16xf32> to vector<1x16xf32>
        tpu.vector_store %arg8[%swap3A_335, %swap3A_336], %swap3A_339 {strides = array<i32>} : memref<32x128xf32, #tpu.memory_space<vmem>>, vector<1x16xf32>,
        %swap3A_340 = arith.index_cast %scan3A_256 : i32 to index
        %swap3A_341 = arith.constant 112 : index
        %swap3A_342 = tpu.vector_load %arg11[%swap3A_340, %swap3A_341] {strides = array<i32>} : memref<32x128xf32, #tpu.memory_space<vmem>>, vector<1x16xf32>,
        %swap3A_343 = vector.shape_cast %swap3A_342 : vector<1x16xf32> to vector<16xf32>
        %swap3A_344 = vector.shape_cast %max3A_334 : vector<16xf32> to vector<1x16xf32>
        tpu.vector_store %arg11[%swap3A_340, %swap3A_341], %swap3A_344 {strides = array<i32>} : memref<32x128xf32, #tpu.memory_space<vmem>>, vector<1x16xf32>,
        %scan3A_345 = arith.constant 0 : i32
        scf.yield %scan3A_345 : i32
      }
      %scan3A_253 = arith.constant 32 : i32
      %run_scoped3A = arith.constant 0 : i32
      "tpu.region"() ({
        %run_scoped3A_256 = tpu.sem_alloc : memref<!tpu.dma_semaphore, #tpu.memory_space<semaphore_mem>>
        %dma_start3A_257 = arith.constant 0 : i32
        %dma_start3A_258 = tpu.memref_slice %arg12[%run_scoped3A, %dma_start3A_257] : memref<1x32xi32, #tpu.memory_space<vmem>> -> memref<1x32xi32, #tpu.memory_space<vmem>>
        %dma_start3A_259 = tpu.memref_squeeze %dma_start3A_258 : memref<1x32xi32, #tpu.memory_space<vmem>> -> memref<32xi32, #tpu.memory_space<vmem>>
        %dma_start3A_260 = arith.constant 0 : i32
        %dma_start3A_261 = arith.constant 0 : i32
        %dma_start3A_262 = tpu.memref_slice %arg16[%dma_start3A_260, %dma_start3A_261] : memref<12560x128xf32, #tpu.memory_space<vmem_shared>> -> memref<12560x128xf32, #tpu.memory_space<vmem_shared>>
        tpu.enqueue_indirect_dma source(%arg8 : memref<32x128xf32, #tpu.memory_space<vmem>>) target(%dma_start3A_262 : memref<12560x128xf32, #tpu.memory_space<vmem_shared>>) offsets(%dma_start3A_259 : memref<32xi32, #tpu.memory_space<vmem>>) semaphore(%run_scoped3A_256 : memref<!tpu.dma_semaphore, #tpu.memory_space<semaphore_mem>>) {add = true}
        %dma_wait3A_263 = arith.constant 0 : i32
        %dma_wait3A_264 = tpu.memref_slice %arg12[%run_scoped3A, %dma_wait3A_263] : memref<1x32xi32, #tpu.memory_space<vmem>> -> memref<1x32xi32, #tpu.memory_space<vmem>>
        %dma_wait3A_265 = tpu.memref_squeeze %dma_wait3A_264 : memref<1x32xi32, #tpu.memory_space<vmem>> -> memref<32xi32, #tpu.memory_space<vmem>>
        %dma_wait3A_266 = arith.constant 0 : i32
        %dma_wait3A_267 = arith.constant 0 : i32
        %dma_wait3A_268 = tpu.memref_slice %arg16[%dma_wait3A_266, %dma_wait3A_267] : memref<12560x128xf32, #tpu.memory_space<vmem_shared>> -> memref<12560x128xf32, #tpu.memory_space<vmem_shared>>
        tpu.wait_indirect_dma semaphore(%run_scoped3A_256 : memref<!tpu.dma_semaphore, #tpu.memory_space<semaphore_mem>>) src(%arg8 : memref<32x128xf32, #tpu.memory_space<vmem>>) dst(%dma_wait3A_268 : memref<12560x128xf32, #tpu.memory_space<vmem_shared>>)
        tpu.yield
      }) : () -> ()
      %run_scoped3A_254 = arith.constant 0 : i32
      "tpu.region"() ({
        %run_scoped3A_256 = tpu.sem_alloc : memref<!tpu.dma_semaphore, #tpu.memory_space<semaphore_mem>>
        %dma_start3A_257 = arith.constant 0 : i32
        %dma_start3A_258 = tpu.memref_slice %arg13[%run_scoped3A_254, %dma_start3A_257] : memref<1x32xi32, #tpu.memory_space<vmem>> -> memref<1x32xi32, #tpu.memory_space<vmem>>
        %dma_start3A_259 = tpu.memref_squeeze %dma_start3A_258 : memref<1x32xi32, #tpu.memory_space<vmem>> -> memref<32xi32, #tpu.memory_space<vmem>>
        %dma_start3A_260 = arith.constant 0 : i32
        %dma_start3A_261 = arith.constant 0 : i32
        %dma_start3A_262 = tpu.memref_slice %arg16[%dma_start3A_260, %dma_start3A_261] : memref<12560x128xf32, #tpu.memory_space<vmem_shared>> -> memref<12560x128xf32, #tpu.memory_space<vmem_shared>>
        tpu.enqueue_indirect_dma source(%arg11 : memref<32x128xf32, #tpu.memory_space<vmem>>) target(%dma_start3A_262 : memref<12560x128xf32, #tpu.memory_space<vmem_shared>>) offsets(%dma_start3A_259 : memref<32xi32, #tpu.memory_space<vmem>>) semaphore(%run_scoped3A_256 : memref<!tpu.dma_semaphore, #tpu.memory_space<semaphore_mem>>) {add = true}
        %dma_wait3A_263 = arith.constant 0 : i32
        %dma_wait3A_264 = tpu.memref_slice %arg13[%run_scoped3A_254, %dma_wait3A_263] : memref<1x32xi32, #tpu.memory_space<vmem>> -> memref<1x32xi32, #tpu.memory_space<vmem>>
        %dma_wait3A_265 = tpu.memref_squeeze %dma_wait3A_264 : memref<1x32xi32, #tpu.memory_space<vmem>> -> memref<32xi32, #tpu.memory_space<vmem>>
        %dma_wait3A_266 = arith.constant 0 : i32
        %dma_wait3A_267 = arith.constant 0 : i32
        %dma_wait3A_268 = tpu.memref_slice %arg16[%dma_wait3A_266, %dma_wait3A_267] : memref<12560x128xf32, #tpu.memory_space<vmem_shared>> -> memref<12560x128xf32, #tpu.memory_space<vmem_shared>>
        tpu.wait_indirect_dma semaphore(%run_scoped3A_256 : memref<!tpu.dma_semaphore, #tpu.memory_space<semaphore_mem>>) src(%arg11 : memref<32x128xf32, #tpu.memory_space<vmem>>) dst(%dma_wait3A_268 : memref<12560x128xf32, #tpu.memory_space<vmem_shared>>)
        tpu.yield
      }) : () -> ()
      %while3A_255 = arith.constant 0 : i32
      scf.yield %while3A_255 : i32
    }
    %barrier3A_87 = arith.constant 0 : index
    tpu.barrier barrier_id(%barrier3A_87)
    %add3A_88 = arith.constant 32 : i32
    %add3A_89 = arith.addi %select_n3A_9, %add3A_88 : i32
    %sub3A_90 = arith.constant 1 : i32
    %sub3A_91 = arith.subi %add3A_89, %sub3A_90 : i32
    %jit3A_92 = arith.constant 32 : i32
    %div3A_93 = arith.divsi %sub3A_91, %jit3A_92 : i32
    %sign3A_94 = arith.constant 0 : i32
    %sign3A_95 = arith.cmpi sgt, %sub3A_91, %sign3A_94 : i32
    %sign3A_96 = arith.extui %sign3A_95 : i1 to i32
    %sign3A_97 = arith.constant 0 : i32
    %sign3A_98 = arith.cmpi slt, %sub3A_91, %sign3A_97 : i32
    %sign3A_99 = arith.extui %sign3A_98 : i1 to i32
    %sign3A_100 = arith.subi %sign3A_96, %sign3A_99 : i32
    %sign3A_101 = arith.constant 0 : i32
    %sign3A_102 = arith.cmpi sgt, %jit3A_92, %sign3A_101 : i32
    %sign3A_103 = arith.extui %sign3A_102 : i1 to i32
    %sign3A_104 = arith.constant 0 : i32
    %sign3A_105 = arith.cmpi slt, %jit3A_92, %sign3A_104 : i32
    %sign3A_106 = arith.extui %sign3A_105 : i1 to i32
    %sign3A_107 = arith.subi %sign3A_103, %sign3A_106 : i32
    %ne3A_108 = arith.cmpi ne, %sign3A_100, %sign3A_107 : i32
    %rem3A_109 = arith.remsi %sub3A_91, %jit3A_92 : i32
    %ne3A_110 = arith.constant 0 : i32
    %ne3A_111 = arith.cmpi ne, %rem3A_109, %ne3A_110 : i32
    %and3A_112 = arith.andi %ne3A_108, %ne3A_111 : i1
    %sub3A_113 = arith.constant 1 : i32
    %sub3A_114 = arith.subi %div3A_93, %sub3A_113 : i32
    %select_n3A_115 = arith.select %and3A_112, %sub3A_114, %div3A_93 : i32
    %scan3A_116 = arith.constant 0 : i32
    %scan3A_117 = arith.constant 0 : i32
    %scan3A_118 = arith.constant 25 : i32
    %scan3A_119 = arith.addi %scan3A_117, %scan3A_118 : i32
    %scan3A_120 = arith.constant 1 : i32
    %scan3A_121 = scf.for %scan3A_123 = %scan3A_117 to %scan3A_119 step %scan3A_120 iter_args(%scan3A_124 = %scan3A_116) -> (i32)  : i32 {
      %mul3A_125 = arith.constant 16 : i32
      %mul3A_126 = arith.muli %scan3A_123, %mul3A_125 : i32
      %add3A_127 = arith.addi %arg1, %mul3A_126 : i32
      %lt3A = arith.cmpi slt, %add3A_127, %select_n3A_115 : i32
      %convert_element_type3A = arith.extui %lt3A : i1 to i32
      %cond3A = arith.constant 0 : i32
      %cond3A_128 = arith.cmpi ne, %convert_element_type3A, %cond3A : i32
      scf.if %cond3A_128 {
        %mul3A_130 = arith.constant 32 : i32
        %mul3A_131 = arith.muli %add3A_127, %mul3A_130 : i32
        %sub3A_132 = arith.constant 32 : i32
        %sub3A_133 = arith.subi %select_n3A_9, %sub3A_132 : i32
        %min3A = arith.minsi %mul3A_131, %sub3A_133 : i32
        %add3A_134 = arith.constant 0 : i32
        %add3A_135 = arith.addi %min3A, %add3A_134 : i32
        %iota3A = tpu.iota {dimensions = array<i32: 0>} : vector<16xi32>
        %add3A_136 = vector.broadcast %add3A_135 : i32 to vector<16xi32>
        %add3A_137 = arith.addi %add3A_136, %iota3A : vector<16xi32>
        %swap3A = arith.constant 0 : i32
        %swap3A_138 = arith.index_cast %swap3A : i32 to index
        %swap3A_139 = arith.constant 0 : index
        %swap3A_140 = tpu.vector_load %arg15[%swap3A_138, %swap3A_139] {strides = array<i32>} : memref<1x32xi32, #tpu.memory_space<vmem>>, vector<1x16xi32>,
        %swap3A_141 = vector.shape_cast %swap3A_140 : vector<1x16xi32> to vector<16xi32>
        %swap3A_142 = vector.shape_cast %add3A_137 : vector<16xi32> to vector<1x16xi32>
        tpu.vector_store %arg15[%swap3A_138, %swap3A_139], %swap3A_142 {strides = array<i32>} : memref<1x32xi32, #tpu.memory_space<vmem>>, vector<1x16xi32>,
        %add3A_143 = arith.constant 16 : i32
        %add3A_144 = arith.addi %min3A, %add3A_143 : i32
        %iota3A_145 = tpu.iota {dimensions = array<i32: 0>} : vector<16xi32>
        %add3A_146 = vector.broadcast %add3A_144 : i32 to vector<16xi32>
        %add3A_147 = arith.addi %add3A_146, %iota3A_145 : vector<16xi32>
        %swap3A_148 = arith.constant 0 : i32
        %swap3A_149 = arith.index_cast %swap3A_148 : i32 to index
        %swap3A_150 = arith.constant 16 : index
        %swap3A_151 = tpu.vector_load %arg15[%swap3A_149, %swap3A_150] {strides = array<i32>} : memref<1x32xi32, #tpu.memory_space<vmem>>, vector<1x16xi32>,
        %swap3A_152 = vector.shape_cast %swap3A_151 : vector<1x16xi32> to vector<16xi32>
        %swap3A_153 = vector.shape_cast %add3A_147 : vector<16xi32> to vector<1x16xi32>
        tpu.vector_store %arg15[%swap3A_149, %swap3A_150], %swap3A_153 {strides = array<i32>} : memref<1x32xi32, #tpu.memory_space<vmem>>, vector<1x16xi32>,
        %run_scoped3A = arith.constant 0 : i32
        "tpu.region"() ({
          %run_scoped3A_155 = tpu.sem_alloc : memref<!tpu.dma_semaphore, #tpu.memory_space<semaphore_mem>>
          %dma_start3A = arith.constant 0 : i32
          %dma_start3A_156 = tpu.memref_slice %arg15[%run_scoped3A, %dma_start3A] : memref<1x32xi32, #tpu.memory_space<vmem>> -> memref<1x32xi32, #tpu.memory_space<vmem>>
          %dma_start3A_157 = tpu.memref_squeeze %dma_start3A_156 : memref<1x32xi32, #tpu.memory_space<vmem>> -> memref<32xi32, #tpu.memory_space<vmem>>
          %dma_start3A_158 = arith.constant 0 : i32
          %dma_start3A_159 = arith.constant 0 : i32
          %dma_start3A_160 = tpu.memref_slice %arg16[%dma_start3A_158, %dma_start3A_159] : memref<12560x128xf32, #tpu.memory_space<vmem_shared>> -> memref<12560x128xf32, #tpu.memory_space<vmem_shared>>
          tpu.enqueue_indirect_dma source(%dma_start3A_160 : memref<12560x128xf32, #tpu.memory_space<vmem_shared>>) target(%arg14 : memref<32x128xf32, #tpu.memory_space<vmem>>) offsets(%dma_start3A_157 : memref<32xi32, #tpu.memory_space<vmem>>) semaphore(%run_scoped3A_155 : memref<!tpu.dma_semaphore, #tpu.memory_space<semaphore_mem>>)
          %dma_wait3A = arith.constant 0 : i32
          %dma_wait3A_161 = tpu.memref_slice %arg15[%run_scoped3A, %dma_wait3A] : memref<1x32xi32, #tpu.memory_space<vmem>> -> memref<1x32xi32, #tpu.memory_space<vmem>>
          %dma_wait3A_162 = tpu.memref_squeeze %dma_wait3A_161 : memref<1x32xi32, #tpu.memory_space<vmem>> -> memref<32xi32, #tpu.memory_space<vmem>>
          %dma_wait3A_163 = arith.constant 0 : i32
          %dma_wait3A_164 = arith.constant 0 : i32
          %dma_wait3A_165 = tpu.memref_slice %arg16[%dma_wait3A_163, %dma_wait3A_164] : memref<12560x128xf32, #tpu.memory_space<vmem_shared>> -> memref<12560x128xf32, #tpu.memory_space<vmem_shared>>
          tpu.wait_indirect_dma semaphore(%run_scoped3A_155 : memref<!tpu.dma_semaphore, #tpu.memory_space<semaphore_mem>>) src(%dma_wait3A_165 : memref<12560x128xf32, #tpu.memory_space<vmem_shared>>) dst(%arg14 : memref<32x128xf32, #tpu.memory_space<vmem>>)
          tpu.yield
        }) : () -> ()
        %add3A_154 = arith.addi %mul3A_2, %min3A : i32
        "tpu.region"() ({
          %run_scoped3A_155 = tpu.sem_alloc : memref<!tpu.dma_semaphore, #tpu.memory_space<semaphore_mem>>
          %dma_start3A = arith.constant 0 : i32
          %dma_start3A_156 = tpu.memref_slice %arg6[%add3A_154, %dma_start3A] : memref<25000x128xf32, #tpu.memory_space<hbm>> -> memref<32x128xf32, #tpu.memory_space<hbm>>
          %dma_start3A_157 = arith.constant 0 : i32
          %dma_start3A_158 = tpu.memref_slice %arg6[%add3A_154, %dma_start3A_157] : memref<25000x128xf32, #tpu.memory_space<hbm>> -> memref<32x128xf32, #tpu.memory_space<hbm>>
          tpu.enqueue_dma source(%arg14 : memref<32x128xf32, #tpu.memory_space<vmem>>) target(%dma_start3A_158 : memref<32x128xf32, #tpu.memory_space<hbm>>) target_semaphore(%run_scoped3A_155 : memref<!tpu.dma_semaphore, #tpu.memory_space<semaphore_mem>>)
          %dma_wait3A = arith.constant 0 : i32
          %dma_wait3A_159 = tpu.memref_slice %arg6[%add3A_154, %dma_wait3A] : memref<25000x128xf32, #tpu.memory_space<hbm>> -> memref<32x128xf32, #tpu.memory_space<hbm>>
          %dma_wait3A_160 = arith.constant 0 : i32
          %dma_wait3A_161 = tpu.memref_slice %arg6[%add3A_154, %dma_wait3A_160] : memref<25000x128xf32, #tpu.memory_space<hbm>> -> memref<32x128xf32, #tpu.memory_space<hbm>>
          tpu.wait_dma2 semaphore(%run_scoped3A_155 : memref<!tpu.dma_semaphore, #tpu.memory_space<semaphore_mem>>) src(%arg14 : memref<32x128xf32, #tpu.memory_space<vmem>>) dst(%dma_wait3A_161 : memref<32x128xf32, #tpu.memory_space<hbm>>)
          tpu.yield
        }) : () -> ()
      } else {
      }
      %scan3A_129 = arith.constant 0 : i32
      scf.yield %scan3A_129 : i32
    }
    %scan3A_122 = arith.constant 25 : i32
    return
  }
}

module attributes {stable_mosaic.version = 14 : i64} {
  func.func @body(%arg0: i32, %arg1: memref<1x1000x1xi32, #tpu.memory_space<vmem>>, %arg2: memref<1000x4xf32, #tpu.memory_space<vmem>>, %arg3: memref<4x128xf32, #tpu.memory_space<vmem>>, %arg4: memref<64x1xf32, #tpu.memory_space<vmem>>, %arg5: memref<1000x128xf32, #tpu.memory_space<vmem>>) attributes {dimension_semantics = [#tpu.dimension_semantics<arbitrary>], iteration_bounds = array<i64: 50>, scalar_prefetch = 0 : i64, scratch_operands = 0 : i64, tpu.core_type = #tpu.core_type<tc>, window_params = [{transform_indices = @transform_0, window_bounds = array<i64: 1, 1000, 1>}, {transform_indices = @transform_1, window_bounds = array<i64: 1000, 4>}, {pipeline_mode = #tpu.pipeline_mode<synchronous>, transform_indices = @transform_2, window_bounds = array<i64: 4, 128>}, {pipeline_mode = #tpu.pipeline_mode<synchronous>, transform_indices = @transform_3, window_bounds = array<i64: 64, 1>}, {transform_indices = @transform_4, window_bounds = array<i64: 1000, 128>}]} {
    %eq3A = arith.constant 0 : i32
    %eq3A_0 = arith.cmpi eq, %arg0, %eq3A : i32
    %convert_element_type3A = arith.extui %eq3A_0 : i1 to i32
    %cond3A = arith.constant 0 : i32
    %cond3A_1 = arith.cmpi ne, %convert_element_type3A, %cond3A : i32
    scf.if %cond3A_1 {
      %broadcast_in_dim3A_29 = arith.constant 0.000000e+00 : f32
      %broadcast_in_dim3A_30 = vector.broadcast %broadcast_in_dim3A_29 : f32 to vector<64x1xf32>
      %swap3A_31 = arith.constant 0 : index
      %swap3A_32 = arith.constant 0 : index
      %swap3A_33 = vector.load %arg4[%swap3A_31, %swap3A_32] : memref<64x1xf32, #tpu.memory_space<vmem>>, vector<64x1xf32>
      tpu.vector_store %arg4[%swap3A_31, %swap3A_32], %broadcast_in_dim3A_30 {strides = array<i32>} : memref<64x1xf32, #tpu.memory_space<vmem>>, vector<64x1xf32>,
    } else {
    }
    %get3A = arith.constant 0 : index
    %get3A_2 = arith.constant 0 : index
    %get3A_3 = arith.constant 0 : index
    %get3A_4 = vector.load %arg1[%get3A, %get3A_2, %get3A_3] : memref<1x1000x1xi32, #tpu.memory_space<vmem>>, vector<1x1000x1xi32>
    %get3A_5 = vector.shape_cast %get3A_4 : vector<1x1000x1xi32> to vector<1000x1xi32>
    %iota3A = tpu.iota {dimensions = array<i32: 1>} : vector<1x64xi32>
    %eq3A_6 = vector.broadcast %get3A_5 : vector<1000x1xi32> to vector<1000x64xi32>
    %eq3A_7 = vector.broadcast %iota3A : vector<1x64xi32> to vector<1000x64xi32>
    %eq3A_8 = arith.cmpi eq, %eq3A_6, %eq3A_7 : vector<1000x64xi32>
    %convert_element_type3A_9 = arith.extui %eq3A_8 : vector<1000x64xi1> to vector<1000x64xi32>
    %convert_element_type3A_10 = arith.sitofp %convert_element_type3A_9 : vector<1000x64xi32> to vector<1000x64xf32>
    %broadcast_in_dim3A = arith.constant 1.000000e+00 : f32
    %broadcast_in_dim3A_11 = vector.broadcast %broadcast_in_dim3A : f32 to vector<1000x1xf32>
    %get3A_12 = arith.constant 0 : index
    %get3A_13 = arith.constant 0 : index
    %get3A_14 = vector.load %arg4[%get3A_12, %get3A_13] : memref<64x1xf32, #tpu.memory_space<vmem>>, vector<64x1xf32>
    %dot_general3A = arith.constant dense<0.000000e+00> : vector<64x1xf32>
    %dot_general3A_15 = tpu.matmul %convert_element_type3A_10, %broadcast_in_dim3A_11, %dot_general3A {dimension_numbers = #tpu.dot_dimension_numbers<[0], [0], [1], [1], [0, 1, 1, 1], [], []>, precision = #tpu.contract_precision<fp32>, transpose_lhs_hint = false} : vector<1000x64xf32>, vector<1000x1xf32>, vector<64x1xf32> -> vector<64x1xf32>
    %add3A = arith.addf %get3A_14, %dot_general3A_15 : vector<64x1xf32>
    %swap3A = arith.constant 0 : index
    %swap3A_16 = arith.constant 0 : index
    %swap3A_17 = vector.load %arg4[%swap3A, %swap3A_16] : memref<64x1xf32, #tpu.memory_space<vmem>>, vector<64x1xf32>
    tpu.vector_store %arg4[%swap3A, %swap3A_16], %add3A {strides = array<i32>} : memref<64x1xf32, #tpu.memory_space<vmem>>, vector<64x1xf32>,
    %get3A_18 = arith.constant 0 : index
    %get3A_19 = arith.constant 0 : index
    %get3A_20 = vector.load %arg2[%get3A_18, %get3A_19] : memref<1000x4xf32, #tpu.memory_space<vmem>>, vector<1000x4xf32>
    %get3A_21 = arith.constant 0 : index
    %get3A_22 = arith.constant 0 : index
    %get3A_23 = vector.load %arg3[%get3A_21, %get3A_22] : memref<4x128xf32, #tpu.memory_space<vmem>>, vector<4x128xf32>
    %dot_general3A_24 = arith.constant dense<0.000000e+00> : vector<1000x128xf32>
    %dot_general3A_25 = tpu.matmul %get3A_20, %get3A_23, %dot_general3A_24 {dimension_numbers = #tpu.dot_dimension_numbers<[1], [0], [0], [1], [0, 0, 1, 1], [], []>, transpose_lhs_hint = false} : vector<1000x4xf32>, vector<4x128xf32>, vector<1000x128xf32> -> vector<1000x128xf32>
    %swap3A_26 = arith.constant 0 : index
    %swap3A_27 = arith.constant 0 : index
    %swap3A_28 = vector.load %arg5[%swap3A_26, %swap3A_27] : memref<1000x128xf32, #tpu.memory_space<vmem>>, vector<1000x128xf32>
    tpu.vector_store %arg5[%swap3A_26, %swap3A_27], %dot_general3A_25 {strides = array<i32>} : memref<1000x128xf32, #tpu.memory_space<vmem>>, vector<1000x128xf32>,
    return
  }
  func.func @transform_0(%arg0: i32) -> (i32, i32, i32) {
    %c0_i32 = arith.constant 0 : i32
    %c0_i32_0 = arith.constant 0 : i32
    %c0_i32_1 = arith.constant 0 : i32
    return %arg0, %c0_i32, %c0_i32_0 : i32, i32, i32
  }
  func.func @transform_1(%arg0: i32) -> (i32, i32) {
    %c0_i32 = arith.constant 0 : i32
    %c0_i32_0 = arith.constant 0 : i32
    return %arg0, %c0_i32 : i32, i32
  }
  func.func @transform_2(%arg0: i32) -> (i32, i32) {
    %c0_i32 = arith.constant 0 : i32
    %c0_i32_0 = arith.constant 0 : i32
    %c0_i32_1 = arith.constant 0 : i32
    return %c0_i32, %c0_i32_0 : i32, i32
  }
  func.func @transform_3(%arg0: i32) -> (i32, i32) {
    %c0_i32 = arith.constant 0 : i32
    %c0_i32_0 = arith.constant 0 : i32
    %c0_i32_1 = arith.constant 0 : i32
    return %c0_i32, %c0_i32_0 : i32, i32
  }
  func.func @transform_4(%arg0: i32) -> (i32, i32) {
    %c0_i32 = arith.constant 0 : i32
    %c0_i32_0 = arith.constant 0 : i32
    return %arg0, %c0_i32 : i32, i32
  }
}

module attributes {stable_mosaic.version = 14 : i64} {
  func.func @body(%arg0: i32, %arg1: memref<1280x7xf32, #tpu.memory_space<vmem>>, %arg2: memref<1x1x1280xi32, #tpu.memory_space<vmem>>, %arg3: memref<64x1xi32, #tpu.memory_space<vmem>>, %arg4: memref<64x1xi32, #tpu.memory_space<vmem>>, %arg5: memref<21x64xf32, #tpu.memory_space<vmem>>, %arg6: memref<3x64xf32, #tpu.memory_space<vmem>>, %arg7: memref<1280x64xf32, #tpu.memory_space<vmem>>, %arg8: memref<1280x64xf32, #tpu.memory_space<vmem>>, %arg9: memref<1280x64xf32, #tpu.memory_space<vmem>>, %arg10: memref<64x7xf32, #tpu.memory_space<vmem>>, %arg11: memref<64x1xf32, #tpu.memory_space<vmem>>) attributes {dimension_semantics = [#tpu.dimension_semantics<arbitrary>], iteration_bounds = array<i64: 625>, scalar_prefetch = 0 : i64, scratch_operands = 0 : i64, tpu.core_type = #tpu.core_type<tc>, window_params = [{transform_indices = @transform_0, window_bounds = array<i64: 1280, 7>}, {transform_indices = @transform_1, window_bounds = array<i64: 1, 1, 1280>}, {pipeline_mode = #tpu.pipeline_mode<synchronous>, transform_indices = @transform_2, window_bounds = array<i64: 64, 1>}, {pipeline_mode = #tpu.pipeline_mode<synchronous>, transform_indices = @transform_3, window_bounds = array<i64: 64, 1>}, {pipeline_mode = #tpu.pipeline_mode<synchronous>, transform_indices = @transform_4, window_bounds = array<i64: 21, 64>}, {pipeline_mode = #tpu.pipeline_mode<synchronous>, transform_indices = @transform_5, window_bounds = array<i64: 3, 64>}, {transform_indices = @transform_6, window_bounds = array<i64: 1280, 64>}, {transform_indices = @transform_7, window_bounds = array<i64: 1280, 64>}, {transform_indices = @transform_8, window_bounds = array<i64: 1280, 64>}, {pipeline_mode = #tpu.pipeline_mode<synchronous>, transform_indices = @transform_9, window_bounds = array<i64: 64, 7>}, {pipeline_mode = #tpu.pipeline_mode<synchronous>, transform_indices = @transform_10, window_bounds = array<i64: 64, 1>}]} {
    %eq3A = arith.constant 0 : i32
    %eq3A_0 = arith.cmpi eq, %arg0, %eq3A : i32
    %convert_element_type3A = arith.extui %eq3A_0 : i1 to i32
    %cond3A = arith.constant 0 : i32
    %cond3A_1 = arith.cmpi ne, %convert_element_type3A, %cond3A : i32
    scf.if %cond3A_1 {
      %broadcast_in_dim3A_74 = arith.constant 0.000000e+00 : f32
      %broadcast_in_dim3A_75 = vector.broadcast %broadcast_in_dim3A_74 : f32 to vector<64x7xf32>
      %swap3A_76 = arith.constant 0 : index
      %swap3A_77 = arith.constant 0 : index
      %swap3A_78 = vector.load %arg10[%swap3A_76, %swap3A_77] : memref<64x7xf32, #tpu.memory_space<vmem>>, vector<64x7xf32>
      tpu.vector_store %arg10[%swap3A_76, %swap3A_77], %broadcast_in_dim3A_75 {strides = array<i32>} : memref<64x7xf32, #tpu.memory_space<vmem>>, vector<64x7xf32>,
      %broadcast_in_dim3A_79 = arith.constant 0.000000e+00 : f32
      %broadcast_in_dim3A_80 = vector.broadcast %broadcast_in_dim3A_79 : f32 to vector<64x1xf32>
      %swap3A_81 = arith.constant 0 : index
      %swap3A_82 = arith.constant 0 : index
      %swap3A_83 = vector.load %arg11[%swap3A_81, %swap3A_82] : memref<64x1xf32, #tpu.memory_space<vmem>>, vector<64x1xf32>
      tpu.vector_store %arg11[%swap3A_81, %swap3A_82], %broadcast_in_dim3A_80 {strides = array<i32>} : memref<64x1xf32, #tpu.memory_space<vmem>>, vector<64x1xf32>,
    } else {
    }
    %get3A = arith.constant 0 : index
    %get3A_2 = arith.constant 0 : index
    %get3A_3 = vector.load %arg1[%get3A, %get3A_2] : memref<1280x7xf32, #tpu.memory_space<vmem>>, vector<1280x7xf32>
    %get3A_4 = arith.constant 0 : index
    %get3A_5 = arith.constant 0 : index
    %get3A_6 = vector.load %arg5[%get3A_4, %get3A_5] : memref<21x64xf32, #tpu.memory_space<vmem>>, vector<7x64xf32>
    %dot_general3A = arith.constant dense<0.000000e+00> : vector<1280x64xf32>
    %dot_general3A_7 = tpu.matmul %get3A_3, %get3A_6, %dot_general3A {dimension_numbers = #tpu.dot_dimension_numbers<[1], [0], [0], [1], [0, 0, 1, 1], [], []>, transpose_lhs_hint = false} : vector<1280x7xf32>, vector<7x64xf32>, vector<1280x64xf32> -> vector<1280x64xf32>
    %get3A_8 = arith.constant 0 : index
    %get3A_9 = arith.constant 0 : index
    %get3A_10 = vector.load %arg6[%get3A_8, %get3A_9] : memref<3x64xf32, #tpu.memory_space<vmem>>, vector<1x64xf32>
    %add3A = vector.broadcast %get3A_10 : vector<1x64xf32> to vector<1280x64xf32>
    %add3A_11 = arith.addf %dot_general3A_7, %add3A : vector<1280x64xf32>
    %swap3A = arith.constant 0 : index
    %swap3A_12 = arith.constant 0 : index
    %swap3A_13 = vector.load %arg7[%swap3A, %swap3A_12] : memref<1280x64xf32, #tpu.memory_space<vmem>>, vector<1280x64xf32>
    tpu.vector_store %arg7[%swap3A, %swap3A_12], %add3A_11 {strides = array<i32>} : memref<1280x64xf32, #tpu.memory_space<vmem>>, vector<1280x64xf32>,
    %get3A_14 = arith.constant 7 : index
    %get3A_15 = arith.constant 0 : index
    %get3A_16 = vector.load %arg5[%get3A_14, %get3A_15] : memref<21x64xf32, #tpu.memory_space<vmem>>, vector<7x64xf32>
    %dot_general3A_17 = arith.constant dense<0.000000e+00> : vector<1280x64xf32>
    %dot_general3A_18 = tpu.matmul %get3A_3, %get3A_16, %dot_general3A_17 {dimension_numbers = #tpu.dot_dimension_numbers<[1], [0], [0], [1], [0, 0, 1, 1], [], []>, transpose_lhs_hint = false} : vector<1280x7xf32>, vector<7x64xf32>, vector<1280x64xf32> -> vector<1280x64xf32>
    %get3A_19 = arith.constant 1 : index
    %get3A_20 = arith.constant 0 : index
    %get3A_21 = vector.load %arg6[%get3A_19, %get3A_20] : memref<3x64xf32, #tpu.memory_space<vmem>>, vector<1x64xf32>
    %add3A_22 = vector.broadcast %get3A_21 : vector<1x64xf32> to vector<1280x64xf32>
    %add3A_23 = arith.addf %dot_general3A_18, %add3A_22 : vector<1280x64xf32>
    %swap3A_24 = arith.constant 0 : index
    %swap3A_25 = arith.constant 0 : index
    %swap3A_26 = vector.load %arg8[%swap3A_24, %swap3A_25] : memref<1280x64xf32, #tpu.memory_space<vmem>>, vector<1280x64xf32>
    tpu.vector_store %arg8[%swap3A_24, %swap3A_25], %add3A_23 {strides = array<i32>} : memref<1280x64xf32, #tpu.memory_space<vmem>>, vector<1280x64xf32>,
    %get3A_27 = arith.constant 14 : index
    %get3A_28 = arith.constant 0 : index
    %get3A_29 = vector.load %arg5[%get3A_27, %get3A_28] : memref<21x64xf32, #tpu.memory_space<vmem>>, vector<7x64xf32>
    %dot_general3A_30 = arith.constant dense<0.000000e+00> : vector<1280x64xf32>
    %dot_general3A_31 = tpu.matmul %get3A_3, %get3A_29, %dot_general3A_30 {dimension_numbers = #tpu.dot_dimension_numbers<[1], [0], [0], [1], [0, 0, 1, 1], [], []>, transpose_lhs_hint = false} : vector<1280x7xf32>, vector<7x64xf32>, vector<1280x64xf32> -> vector<1280x64xf32>
    %get3A_32 = arith.constant 2 : index
    %get3A_33 = arith.constant 0 : index
    %get3A_34 = vector.load %arg6[%get3A_32, %get3A_33] : memref<3x64xf32, #tpu.memory_space<vmem>>, vector<1x64xf32>
    %add3A_35 = vector.broadcast %get3A_34 : vector<1x64xf32> to vector<1280x64xf32>
    %add3A_36 = arith.addf %dot_general3A_31, %add3A_35 : vector<1280x64xf32>
    %swap3A_37 = arith.constant 0 : index
    %swap3A_38 = arith.constant 0 : index
    %swap3A_39 = vector.load %arg9[%swap3A_37, %swap3A_38] : memref<1280x64xf32, #tpu.memory_space<vmem>>, vector<1280x64xf32>
    tpu.vector_store %arg9[%swap3A_37, %swap3A_38], %add3A_36 {strides = array<i32>} : memref<1280x64xf32, #tpu.memory_space<vmem>>, vector<1280x64xf32>,
    %get3A_40 = arith.constant 0 : index
    %get3A_41 = arith.constant 0 : index
    %get3A_42 = arith.constant 0 : index
    %get3A_43 = vector.load %arg2[%get3A_40, %get3A_41, %get3A_42] : memref<1x1x1280xi32, #tpu.memory_space<vmem>>, vector<1x1x1280xi32>
    %get3A_44 = vector.shape_cast %get3A_43 : vector<1x1x1280xi32> to vector<1x1280xi32>
    %get3A_45 = arith.constant 0 : index
    %get3A_46 = arith.constant 0 : index
    %get3A_47 = vector.load %arg3[%get3A_45, %get3A_46] : memref<64x1xi32, #tpu.memory_space<vmem>>, vector<64x1xi32>
    %ge3A = vector.broadcast %get3A_44 : vector<1x1280xi32> to vector<64x1280xi32>
    %ge3A_48 = vector.broadcast %get3A_47 : vector<64x1xi32> to vector<64x1280xi32>
    %ge3A_49 = arith.cmpi sge, %ge3A, %ge3A_48 : vector<64x1280xi32>
    %get3A_50 = arith.constant 0 : index
    %get3A_51 = arith.constant 0 : index
    %get3A_52 = vector.load %arg4[%get3A_50, %get3A_51] : memref<64x1xi32, #tpu.memory_space<vmem>>, vector<64x1xi32>
    %lt3A = vector.broadcast %get3A_44 : vector<1x1280xi32> to vector<64x1280xi32>
    %lt3A_53 = vector.broadcast %get3A_52 : vector<64x1xi32> to vector<64x1280xi32>
    %lt3A_54 = arith.cmpi slt, %lt3A, %lt3A_53 : vector<64x1280xi32>
    %and3A = arith.andi %ge3A_49, %lt3A_54 : vector<64x1280xi1>
    %convert_element_type3A_55 = arith.extui %and3A : vector<64x1280xi1> to vector<64x1280xi32>
    %convert_element_type3A_56 = arith.sitofp %convert_element_type3A_55 : vector<64x1280xi32> to vector<64x1280xf32>
    %get3A_57 = arith.constant 0 : index
    %get3A_58 = arith.constant 0 : index
    %get3A_59 = vector.load %arg10[%get3A_57, %get3A_58] : memref<64x7xf32, #tpu.memory_space<vmem>>, vector<64x7xf32>
    %dot_general3A_60 = arith.constant dense<0.000000e+00> : vector<64x7xf32>
    %dot_general3A_61 = tpu.matmul %convert_element_type3A_56, %get3A_3, %dot_general3A_60 {dimension_numbers = #tpu.dot_dimension_numbers<[1], [0], [0], [1], [0, 0, 1, 1], [], []>, precision = #tpu.contract_precision<fp32>, transpose_lhs_hint = false} : vector<64x1280xf32>, vector<1280x7xf32>, vector<64x7xf32> -> vector<64x7xf32>
    %add3A_62 = arith.addf %get3A_59, %dot_general3A_61 : vector<64x7xf32>
    %swap3A_63 = arith.constant 0 : index
    %swap3A_64 = arith.constant 0 : index
    %swap3A_65 = vector.load %arg10[%swap3A_63, %swap3A_64] : memref<64x7xf32, #tpu.memory_space<vmem>>, vector<64x7xf32>
    tpu.vector_store %arg10[%swap3A_63, %swap3A_64], %add3A_62 {strides = array<i32>} : memref<64x7xf32, #tpu.memory_space<vmem>>, vector<64x7xf32>,
    %get3A_66 = arith.constant 0 : index
    %get3A_67 = arith.constant 0 : index
    %get3A_68 = vector.load %arg11[%get3A_66, %get3A_67] : memref<64x1xf32, #tpu.memory_space<vmem>>, vector<64x1xf32>
    %reduce_sum3A = arith.constant dense<0.000000e+00> : vector<64xf32>
    %reduce_sum3A_69 = vector.multi_reduction <add>, %convert_element_type3A_56, %reduce_sum3A [1] : vector<64x1280xf32> to vector<64xf32>
    %broadcast_in_dim3A = vector.shape_cast %reduce_sum3A_69 : vector<64xf32> to vector<64x1xf32>
    %add3A_70 = arith.addf %get3A_68, %broadcast_in_dim3A : vector<64x1xf32>
    %swap3A_71 = arith.constant 0 : index
    %swap3A_72 = arith.constant 0 : index
    %swap3A_73 = vector.load %arg11[%swap3A_71, %swap3A_72] : memref<64x1xf32, #tpu.memory_space<vmem>>, vector<64x1xf32>
    tpu.vector_store %arg11[%swap3A_71, %swap3A_72], %add3A_70 {strides = array<i32>} : memref<64x1xf32, #tpu.memory_space<vmem>>, vector<64x1xf32>,
    return
  }
  func.func @transform_0(%arg0: i32) -> (i32, i32) {
    %c0_i32 = arith.constant 0 : i32
    %c0_i32_0 = arith.constant 0 : i32
    return %arg0, %c0_i32 : i32, i32
  }
  func.func @transform_1(%arg0: i32) -> (i32, i32, i32) {
    %c0_i32 = arith.constant 0 : i32
    %c0_i32_0 = arith.constant 0 : i32
    %c0_i32_1 = arith.constant 0 : i32
    return %arg0, %c0_i32, %c0_i32_0 : i32, i32, i32
  }
  func.func @transform_2(%arg0: i32) -> (i32, i32) {
    %c0_i32 = arith.constant 0 : i32
    %c0_i32_0 = arith.constant 0 : i32
    %c0_i32_1 = arith.constant 0 : i32
    return %c0_i32, %c0_i32_0 : i32, i32
  }
  func.func @transform_3(%arg0: i32) -> (i32, i32) {
    %c0_i32 = arith.constant 0 : i32
    %c0_i32_0 = arith.constant 0 : i32
    %c0_i32_1 = arith.constant 0 : i32
    return %c0_i32, %c0_i32_0 : i32, i32
  }
  func.func @transform_4(%arg0: i32) -> (i32, i32) {
    %c0_i32 = arith.constant 0 : i32
    %c0_i32_0 = arith.constant 0 : i32
    %c0_i32_1 = arith.constant 0 : i32
    return %c0_i32, %c0_i32_0 : i32, i32
  }
  func.func @transform_5(%arg0: i32) -> (i32, i32) {
    %c0_i32 = arith.constant 0 : i32
    %c0_i32_0 = arith.constant 0 : i32
    %c0_i32_1 = arith.constant 0 : i32
    return %c0_i32, %c0_i32_0 : i32, i32
  }
  func.func @transform_6(%arg0: i32) -> (i32, i32) {
    %c0_i32 = arith.constant 0 : i32
    %c0_i32_0 = arith.constant 0 : i32
    return %arg0, %c0_i32 : i32, i32
  }
  func.func @transform_7(%arg0: i32) -> (i32, i32) {
    %c0_i32 = arith.constant 0 : i32
    %c0_i32_0 = arith.constant 0 : i32
    return %arg0, %c0_i32 : i32, i32
  }
  func.func @transform_8(%arg0: i32) -> (i32, i32) {
    %c0_i32 = arith.constant 0 : i32
    %c0_i32_0 = arith.constant 0 : i32
    return %arg0, %c0_i32 : i32, i32
  }
  func.func @transform_9(%arg0: i32) -> (i32, i32) {
    %c0_i32 = arith.constant 0 : i32
    %c0_i32_0 = arith.constant 0 : i32
    %c0_i32_1 = arith.constant 0 : i32
    return %c0_i32, %c0_i32_0 : i32, i32
  }
  func.func @transform_10(%arg0: i32) -> (i32, i32) {
    %c0_i32 = arith.constant 0 : i32
    %c0_i32_0 = arith.constant 0 : i32
    %c0_i32_1 = arith.constant 0 : i32
    return %c0_i32, %c0_i32_0 : i32, i32
  }
}

module attributes {stable_mosaic.version = 14 : i64} {
  func.func @body(%arg0: i32, %arg1: memref<1000x4xf32, #tpu.memory_space<vmem>>, %arg2: memref<1000x64xf32, #tpu.memory_space<vmem>>, %arg3: memref<4x64xf32, #tpu.memory_space<vmem>>, %arg4: memref<64x64xf32, #tpu.memory_space<vmem>>, %arg5: memref<1x64xf32, #tpu.memory_space<vmem>>, %arg6: memref<64x128xf32, #tpu.memory_space<vmem>>, %arg7: memref<1000x64xf32, #tpu.memory_space<vmem>>, %arg8: memref<1000x128xf32, #tpu.memory_space<vmem>>) attributes {dimension_semantics = [#tpu.dimension_semantics<arbitrary>], iteration_bounds = array<i64: 50>, scalar_prefetch = 0 : i64, scratch_operands = 0 : i64, tpu.core_type = #tpu.core_type<tc>, window_params = [{transform_indices = @transform_0, window_bounds = array<i64: 1000, 4>}, {transform_indices = @transform_1, window_bounds = array<i64: 1000, 64>}, {pipeline_mode = #tpu.pipeline_mode<synchronous>, transform_indices = @transform_2, window_bounds = array<i64: 4, 64>}, {pipeline_mode = #tpu.pipeline_mode<synchronous>, transform_indices = @transform_3, window_bounds = array<i64: 64, 64>}, {pipeline_mode = #tpu.pipeline_mode<synchronous>, transform_indices = @transform_4, window_bounds = array<i64: 1, 64>}, {pipeline_mode = #tpu.pipeline_mode<synchronous>, transform_indices = @transform_5, window_bounds = array<i64: 64, 128>}, {transform_indices = @transform_6, window_bounds = array<i64: 1000, 64>}, {transform_indices = @transform_7, window_bounds = array<i64: 1000, 128>}]} {
    %get3A = arith.constant 0 : index
    %get3A_0 = arith.constant 0 : index
    %get3A_1 = vector.load %arg1[%get3A, %get3A_0] : memref<1000x4xf32, #tpu.memory_space<vmem>>, vector<1000x4xf32>
    %get3A_2 = arith.constant 0 : index
    %get3A_3 = arith.constant 0 : index
    %get3A_4 = vector.load %arg3[%get3A_2, %get3A_3] : memref<4x64xf32, #tpu.memory_space<vmem>>, vector<4x64xf32>
    %dot_general3A = arith.constant dense<0.000000e+00> : vector<1000x64xf32>
    %dot_general3A_5 = tpu.matmul %get3A_1, %get3A_4, %dot_general3A {dimension_numbers = #tpu.dot_dimension_numbers<[1], [0], [0], [1], [0, 0, 1, 1], [], []>, transpose_lhs_hint = false} : vector<1000x4xf32>, vector<4x64xf32>, vector<1000x64xf32> -> vector<1000x64xf32>
    %get3A_6 = arith.constant 0 : index
    %get3A_7 = arith.constant 0 : index
    %get3A_8 = vector.load %arg2[%get3A_6, %get3A_7] : memref<1000x64xf32, #tpu.memory_space<vmem>>, vector<1000x64xf32>
    %get3A_9 = arith.constant 0 : index
    %get3A_10 = arith.constant 0 : index
    %get3A_11 = vector.load %arg4[%get3A_9, %get3A_10] : memref<64x64xf32, #tpu.memory_space<vmem>>, vector<64x64xf32>
    %dot_general3A_12 = arith.constant dense<0.000000e+00> : vector<1000x64xf32>
    %dot_general3A_13 = tpu.matmul %get3A_8, %get3A_11, %dot_general3A_12 {dimension_numbers = #tpu.dot_dimension_numbers<[1], [0], [0], [1], [0, 0, 1, 1], [], []>, transpose_lhs_hint = false} : vector<1000x64xf32>, vector<64x64xf32>, vector<1000x64xf32> -> vector<1000x64xf32>
    %add3A = arith.addf %dot_general3A_5, %dot_general3A_13 : vector<1000x64xf32>
    %get3A_14 = arith.constant 0 : index
    %get3A_15 = arith.constant 0 : index
    %get3A_16 = vector.load %arg5[%get3A_14, %get3A_15] : memref<1x64xf32, #tpu.memory_space<vmem>>, vector<1x64xf32>
    %add3A_17 = vector.broadcast %get3A_16 : vector<1x64xf32> to vector<1000x64xf32>
    %add3A_18 = arith.addf %add3A, %add3A_17 : vector<1000x64xf32>
    %max3A = arith.constant 0.000000e+00 : f32
    %max3A_19 = vector.broadcast %max3A : f32 to vector<1000x64xf32>
    %max3A_20 = arith.maximumf %add3A_18, %max3A_19 : vector<1000x64xf32>
    %swap3A = arith.constant 0 : index
    %swap3A_21 = arith.constant 0 : index
    %swap3A_22 = vector.load %arg7[%swap3A, %swap3A_21] : memref<1000x64xf32, #tpu.memory_space<vmem>>, vector<1000x64xf32>
    tpu.vector_store %arg7[%swap3A, %swap3A_21], %max3A_20 {strides = array<i32>} : memref<1000x64xf32, #tpu.memory_space<vmem>>, vector<1000x64xf32>,
    %get3A_23 = arith.constant 0 : index
    %get3A_24 = arith.constant 0 : index
    %get3A_25 = vector.load %arg6[%get3A_23, %get3A_24] : memref<64x128xf32, #tpu.memory_space<vmem>>, vector<64x128xf32>
    %dot_general3A_26 = arith.constant dense<0.000000e+00> : vector<1000x128xf32>
    %dot_general3A_27 = tpu.matmul %max3A_20, %get3A_25, %dot_general3A_26 {dimension_numbers = #tpu.dot_dimension_numbers<[1], [0], [0], [1], [0, 0, 1, 1], [], []>, transpose_lhs_hint = false} : vector<1000x64xf32>, vector<64x128xf32>, vector<1000x128xf32> -> vector<1000x128xf32>
    %swap3A_28 = arith.constant 0 : index
    %swap3A_29 = arith.constant 0 : index
    %swap3A_30 = vector.load %arg8[%swap3A_28, %swap3A_29] : memref<1000x128xf32, #tpu.memory_space<vmem>>, vector<1000x128xf32>
    tpu.vector_store %arg8[%swap3A_28, %swap3A_29], %dot_general3A_27 {strides = array<i32>} : memref<1000x128xf32, #tpu.memory_space<vmem>>, vector<1000x128xf32>,
    return
  }
  func.func @transform_0(%arg0: i32) -> (i32, i32) {
    %c0_i32 = arith.constant 0 : i32
    %c0_i32_0 = arith.constant 0 : i32
    return %arg0, %c0_i32 : i32, i32
  }
  func.func @transform_1(%arg0: i32) -> (i32, i32) {
    %c0_i32 = arith.constant 0 : i32
    %c0_i32_0 = arith.constant 0 : i32
    return %arg0, %c0_i32 : i32, i32
  }
  func.func @transform_2(%arg0: i32) -> (i32, i32) {
    %c0_i32 = arith.constant 0 : i32
    %c0_i32_0 = arith.constant 0 : i32
    %c0_i32_1 = arith.constant 0 : i32
    return %c0_i32, %c0_i32_0 : i32, i32
  }
  func.func @transform_3(%arg0: i32) -> (i32, i32) {
    %c0_i32 = arith.constant 0 : i32
    %c0_i32_0 = arith.constant 0 : i32
    %c0_i32_1 = arith.constant 0 : i32
    return %c0_i32, %c0_i32_0 : i32, i32
  }
  func.func @transform_4(%arg0: i32) -> (i32, i32) {
    %c0_i32 = arith.constant 0 : i32
    %c0_i32_0 = arith.constant 0 : i32
    %c0_i32_1 = arith.constant 0 : i32
    return %c0_i32, %c0_i32_0 : i32, i32
  }
  func.func @transform_5(%arg0: i32) -> (i32, i32) {
    %c0_i32 = arith.constant 0 : i32
    %c0_i32_0 = arith.constant 0 : i32
    %c0_i32_1 = arith.constant 0 : i32
    return %c0_i32, %c0_i32_0 : i32, i32
  }
  func.func @transform_6(%arg0: i32) -> (i32, i32) {
    %c0_i32 = arith.constant 0 : i32
    %c0_i32_0 = arith.constant 0 : i32
    return %arg0, %c0_i32 : i32, i32
  }
  func.func @transform_7(%arg0: i32) -> (i32, i32) {
    %c0_i32 = arith.constant 0 : i32
    %c0_i32_0 = arith.constant 0 : i32
    return %arg0, %c0_i32 : i32, i32
  }
}

module attributes {stable_mosaic.version = 14 : i64} {
  func.func @body(%arg0: i32, %arg1: memref<1000x64xf32, #tpu.memory_space<vmem>>, %arg2: memref<1000x64xf32, #tpu.memory_space<vmem>>, %arg3: memref<64x64xf32, #tpu.memory_space<vmem>>, %arg4: memref<64x64xf32, #tpu.memory_space<vmem>>, %arg5: memref<1x64xf32, #tpu.memory_space<vmem>>, %arg6: memref<64x128xf32, #tpu.memory_space<vmem>>, %arg7: memref<1000x64xf32, #tpu.memory_space<vmem>>, %arg8: memref<1000x128xf32, #tpu.memory_space<vmem>>) attributes {dimension_semantics = [#tpu.dimension_semantics<arbitrary>], iteration_bounds = array<i64: 50>, scalar_prefetch = 0 : i64, scratch_operands = 0 : i64, tpu.core_type = #tpu.core_type<tc>, window_params = [{transform_indices = @transform_0, window_bounds = array<i64: 1000, 64>}, {transform_indices = @transform_1, window_bounds = array<i64: 1000, 64>}, {pipeline_mode = #tpu.pipeline_mode<synchronous>, transform_indices = @transform_2, window_bounds = array<i64: 64, 64>}, {pipeline_mode = #tpu.pipeline_mode<synchronous>, transform_indices = @transform_3, window_bounds = array<i64: 64, 64>}, {pipeline_mode = #tpu.pipeline_mode<synchronous>, transform_indices = @transform_4, window_bounds = array<i64: 1, 64>}, {pipeline_mode = #tpu.pipeline_mode<synchronous>, transform_indices = @transform_5, window_bounds = array<i64: 64, 128>}, {transform_indices = @transform_6, window_bounds = array<i64: 1000, 64>}, {transform_indices = @transform_7, window_bounds = array<i64: 1000, 128>}]} {
    %get3A = arith.constant 0 : index
    %get3A_0 = arith.constant 0 : index
    %get3A_1 = vector.load %arg1[%get3A, %get3A_0] : memref<1000x64xf32, #tpu.memory_space<vmem>>, vector<1000x64xf32>
    %get3A_2 = arith.constant 0 : index
    %get3A_3 = arith.constant 0 : index
    %get3A_4 = vector.load %arg3[%get3A_2, %get3A_3] : memref<64x64xf32, #tpu.memory_space<vmem>>, vector<64x64xf32>
    %dot_general3A = arith.constant dense<0.000000e+00> : vector<1000x64xf32>
    %dot_general3A_5 = tpu.matmul %get3A_1, %get3A_4, %dot_general3A {dimension_numbers = #tpu.dot_dimension_numbers<[1], [0], [0], [1], [0, 0, 1, 1], [], []>, transpose_lhs_hint = false} : vector<1000x64xf32>, vector<64x64xf32>, vector<1000x64xf32> -> vector<1000x64xf32>
    %get3A_6 = arith.constant 0 : index
    %get3A_7 = arith.constant 0 : index
    %get3A_8 = vector.load %arg2[%get3A_6, %get3A_7] : memref<1000x64xf32, #tpu.memory_space<vmem>>, vector<1000x64xf32>
    %get3A_9 = arith.constant 0 : index
    %get3A_10 = arith.constant 0 : index
    %get3A_11 = vector.load %arg4[%get3A_9, %get3A_10] : memref<64x64xf32, #tpu.memory_space<vmem>>, vector<64x64xf32>
    %dot_general3A_12 = arith.constant dense<0.000000e+00> : vector<1000x64xf32>
    %dot_general3A_13 = tpu.matmul %get3A_8, %get3A_11, %dot_general3A_12 {dimension_numbers = #tpu.dot_dimension_numbers<[1], [0], [0], [1], [0, 0, 1, 1], [], []>, transpose_lhs_hint = false} : vector<1000x64xf32>, vector<64x64xf32>, vector<1000x64xf32> -> vector<1000x64xf32>
    %add3A = arith.addf %dot_general3A_5, %dot_general3A_13 : vector<1000x64xf32>
    %get3A_14 = arith.constant 0 : index
    %get3A_15 = arith.constant 0 : index
    %get3A_16 = vector.load %arg5[%get3A_14, %get3A_15] : memref<1x64xf32, #tpu.memory_space<vmem>>, vector<1x64xf32>
    %add3A_17 = vector.broadcast %get3A_16 : vector<1x64xf32> to vector<1000x64xf32>
    %add3A_18 = arith.addf %add3A, %add3A_17 : vector<1000x64xf32>
    %max3A = arith.constant 0.000000e+00 : f32
    %max3A_19 = vector.broadcast %max3A : f32 to vector<1000x64xf32>
    %max3A_20 = arith.maximumf %add3A_18, %max3A_19 : vector<1000x64xf32>
    %swap3A = arith.constant 0 : index
    %swap3A_21 = arith.constant 0 : index
    %swap3A_22 = vector.load %arg7[%swap3A, %swap3A_21] : memref<1000x64xf32, #tpu.memory_space<vmem>>, vector<1000x64xf32>
    tpu.vector_store %arg7[%swap3A, %swap3A_21], %max3A_20 {strides = array<i32>} : memref<1000x64xf32, #tpu.memory_space<vmem>>, vector<1000x64xf32>,
    %get3A_23 = arith.constant 0 : index
    %get3A_24 = arith.constant 0 : index
    %get3A_25 = vector.load %arg6[%get3A_23, %get3A_24] : memref<64x128xf32, #tpu.memory_space<vmem>>, vector<64x128xf32>
    %dot_general3A_26 = arith.constant dense<0.000000e+00> : vector<1000x128xf32>
    %dot_general3A_27 = tpu.matmul %max3A_20, %get3A_25, %dot_general3A_26 {dimension_numbers = #tpu.dot_dimension_numbers<[1], [0], [0], [1], [0, 0, 1, 1], [], []>, transpose_lhs_hint = false} : vector<1000x64xf32>, vector<64x128xf32>, vector<1000x128xf32> -> vector<1000x128xf32>
    %swap3A_28 = arith.constant 0 : index
    %swap3A_29 = arith.constant 0 : index
    %swap3A_30 = vector.load %arg8[%swap3A_28, %swap3A_29] : memref<1000x128xf32, #tpu.memory_space<vmem>>, vector<1000x128xf32>
    tpu.vector_store %arg8[%swap3A_28, %swap3A_29], %dot_general3A_27 {strides = array<i32>} : memref<1000x128xf32, #tpu.memory_space<vmem>>, vector<1000x128xf32>,
    return
  }
  func.func @transform_0(%arg0: i32) -> (i32, i32) {
    %c0_i32 = arith.constant 0 : i32
    %c0_i32_0 = arith.constant 0 : i32
    return %arg0, %c0_i32 : i32, i32
  }
  func.func @transform_1(%arg0: i32) -> (i32, i32) {
    %c0_i32 = arith.constant 0 : i32
    %c0_i32_0 = arith.constant 0 : i32
    return %arg0, %c0_i32 : i32, i32
  }
  func.func @transform_2(%arg0: i32) -> (i32, i32) {
    %c0_i32 = arith.constant 0 : i32
    %c0_i32_0 = arith.constant 0 : i32
    %c0_i32_1 = arith.constant 0 : i32
    return %c0_i32, %c0_i32_0 : i32, i32
  }
  func.func @transform_3(%arg0: i32) -> (i32, i32) {
    %c0_i32 = arith.constant 0 : i32
    %c0_i32_0 = arith.constant 0 : i32
    %c0_i32_1 = arith.constant 0 : i32
    return %c0_i32, %c0_i32_0 : i32, i32
  }
  func.func @transform_4(%arg0: i32) -> (i32, i32) {
    %c0_i32 = arith.constant 0 : i32
    %c0_i32_0 = arith.constant 0 : i32
    %c0_i32_1 = arith.constant 0 : i32
    return %c0_i32, %c0_i32_0 : i32, i32
  }
  func.func @transform_5(%arg0: i32) -> (i32, i32) {
    %c0_i32 = arith.constant 0 : i32
    %c0_i32_0 = arith.constant 0 : i32
    %c0_i32_1 = arith.constant 0 : i32
    return %c0_i32, %c0_i32_0 : i32, i32
  }
  func.func @transform_6(%arg0: i32) -> (i32, i32) {
    %c0_i32 = arith.constant 0 : i32
    %c0_i32_0 = arith.constant 0 : i32
    return %arg0, %c0_i32 : i32, i32
  }
  func.func @transform_7(%arg0: i32) -> (i32, i32) {
    %c0_i32 = arith.constant 0 : i32
    %c0_i32_0 = arith.constant 0 : i32
    return %arg0, %c0_i32 : i32, i32
  }
}

module attributes {stable_mosaic.version = 14 : i64} {
  func.func @body(%arg0: i32, %arg1: memref<1000x64xf32, #tpu.memory_space<vmem>>, %arg2: memref<1000x64xf32, #tpu.memory_space<vmem>>, %arg3: memref<64x64xf32, #tpu.memory_space<vmem>>, %arg4: memref<64x64xf32, #tpu.memory_space<vmem>>, %arg5: memref<1x64xf32, #tpu.memory_space<vmem>>, %arg6: memref<1x1000x1xi32, #tpu.memory_space<vmem>>, %arg7: memref<1x1x1000xi32, #tpu.memory_space<smem>>, %arg8: memref<64x64xf32, #tpu.memory_space<vmem>>, %arg9: memref<64x64xf32, #tpu.memory_space<vmem>>) attributes {dimension_semantics = [#tpu.dimension_semantics<arbitrary>], iteration_bounds = array<i64: 50>, scalar_prefetch = 0 : i64, scratch_operands = 0 : i64, tpu.core_type = #tpu.core_type<tc>, window_params = [{transform_indices = @transform_0, window_bounds = array<i64: 1000, 64>}, {transform_indices = @transform_1, window_bounds = array<i64: 1000, 64>}, {pipeline_mode = #tpu.pipeline_mode<synchronous>, transform_indices = @transform_2, window_bounds = array<i64: 64, 64>}, {pipeline_mode = #tpu.pipeline_mode<synchronous>, transform_indices = @transform_3, window_bounds = array<i64: 64, 64>}, {pipeline_mode = #tpu.pipeline_mode<synchronous>, transform_indices = @transform_4, window_bounds = array<i64: 1, 64>}, {transform_indices = @transform_5, window_bounds = array<i64: 1, 1000, 1>}, {transform_indices = @transform_6, window_bounds = array<i64: 1, 1, 1000>}, {pipeline_mode = #tpu.pipeline_mode<synchronous>, transform_indices = @transform_7, window_bounds = array<i64: 64, 64>}, {pipeline_mode = #tpu.pipeline_mode<synchronous>, transform_indices = @transform_8, window_bounds = array<i64: 64, 64>}]} {
    %eq3A = arith.constant 0 : i32
    %eq3A_0 = arith.cmpi eq, %arg0, %eq3A : i32
    %convert_element_type3A = arith.extui %eq3A_0 : i1 to i32
    %cond3A = arith.constant 0 : i32
    %cond3A_1 = arith.cmpi ne, %convert_element_type3A, %cond3A : i32
    scf.if %cond3A_1 {
      %broadcast_in_dim3A = arith.constant 0.000000e+00 : f32
      %broadcast_in_dim3A_61 = vector.broadcast %broadcast_in_dim3A : f32 to vector<64x64xf32>
      %swap3A_62 = arith.constant 0 : index
      %swap3A_63 = arith.constant 0 : index
      %swap3A_64 = vector.load %arg8[%swap3A_62, %swap3A_63] : memref<64x64xf32, #tpu.memory_space<vmem>>, vector<64x64xf32>
      tpu.vector_store %arg8[%swap3A_62, %swap3A_63], %broadcast_in_dim3A_61 {strides = array<i32>} : memref<64x64xf32, #tpu.memory_space<vmem>>, vector<64x64xf32>,
      %broadcast_in_dim3A_65 = arith.constant -1.000000e+30 : f32
      %broadcast_in_dim3A_66 = vector.broadcast %broadcast_in_dim3A_65 : f32 to vector<64x64xf32>
      %swap3A_67 = arith.constant 0 : index
      %swap3A_68 = arith.constant 0 : index
      %swap3A_69 = vector.load %arg9[%swap3A_67, %swap3A_68] : memref<64x64xf32, #tpu.memory_space<vmem>>, vector<64x64xf32>
      tpu.vector_store %arg9[%swap3A_67, %swap3A_68], %broadcast_in_dim3A_66 {strides = array<i32>} : memref<64x64xf32, #tpu.memory_space<vmem>>, vector<64x64xf32>,
    } else {
    }
    %get3A = arith.constant 0 : index
    %get3A_2 = arith.constant 0 : index
    %get3A_3 = vector.load %arg1[%get3A, %get3A_2] : memref<1000x64xf32, #tpu.memory_space<vmem>>, vector<1000x64xf32>
    %get3A_4 = arith.constant 0 : index
    %get3A_5 = arith.constant 0 : index
    %get3A_6 = vector.load %arg3[%get3A_4, %get3A_5] : memref<64x64xf32, #tpu.memory_space<vmem>>, vector<64x64xf32>
    %dot_general3A = arith.constant dense<0.000000e+00> : vector<1000x64xf32>
    %dot_general3A_7 = tpu.matmul %get3A_3, %get3A_6, %dot_general3A {dimension_numbers = #tpu.dot_dimension_numbers<[1], [0], [0], [1], [0, 0, 1, 1], [], []>, transpose_lhs_hint = false} : vector<1000x64xf32>, vector<64x64xf32>, vector<1000x64xf32> -> vector<1000x64xf32>
    %get3A_8 = arith.constant 0 : index
    %get3A_9 = arith.constant 0 : index
    %get3A_10 = vector.load %arg2[%get3A_8, %get3A_9] : memref<1000x64xf32, #tpu.memory_space<vmem>>, vector<1000x64xf32>
    %get3A_11 = arith.constant 0 : index
    %get3A_12 = arith.constant 0 : index
    %get3A_13 = vector.load %arg4[%get3A_11, %get3A_12] : memref<64x64xf32, #tpu.memory_space<vmem>>, vector<64x64xf32>
    %dot_general3A_14 = arith.constant dense<0.000000e+00> : vector<1000x64xf32>
    %dot_general3A_15 = tpu.matmul %get3A_10, %get3A_13, %dot_general3A_14 {dimension_numbers = #tpu.dot_dimension_numbers<[1], [0], [0], [1], [0, 0, 1, 1], [], []>, transpose_lhs_hint = false} : vector<1000x64xf32>, vector<64x64xf32>, vector<1000x64xf32> -> vector<1000x64xf32>
    %add3A = arith.addf %dot_general3A_7, %dot_general3A_15 : vector<1000x64xf32>
    %get3A_16 = arith.constant 0 : index
    %get3A_17 = arith.constant 0 : index
    %get3A_18 = vector.load %arg5[%get3A_16, %get3A_17] : memref<1x64xf32, #tpu.memory_space<vmem>>, vector<1x64xf32>
    %add3A_19 = vector.broadcast %get3A_18 : vector<1x64xf32> to vector<1000x64xf32>
    %add3A_20 = arith.addf %add3A, %add3A_19 : vector<1000x64xf32>
    %max3A = arith.constant 0.000000e+00 : f32
    %max3A_21 = vector.broadcast %max3A : f32 to vector<1000x64xf32>
    %max3A_22 = arith.maximumf %add3A_20, %max3A_21 : vector<1000x64xf32>
    %get3A_23 = arith.constant 0 : index
    %get3A_24 = arith.constant 0 : index
    %get3A_25 = arith.constant 0 : index
    %get3A_26 = vector.load %arg6[%get3A_23, %get3A_24, %get3A_25] : memref<1x1000x1xi32, #tpu.memory_space<vmem>>, vector<1x1000x1xi32>
    %get3A_27 = vector.shape_cast %get3A_26 : vector<1x1000x1xi32> to vector<1000x1xi32>
    %iota3A = tpu.iota {dimensions = array<i32: 1>} : vector<1x64xi32>
    %eq3A_28 = vector.broadcast %get3A_27 : vector<1000x1xi32> to vector<1000x64xi32>
    %eq3A_29 = vector.broadcast %iota3A : vector<1x64xi32> to vector<1000x64xi32>
    %eq3A_30 = arith.cmpi eq, %eq3A_28, %eq3A_29 : vector<1000x64xi32>
    %convert_element_type3A_31 = arith.extui %eq3A_30 : vector<1000x64xi1> to vector<1000x64xi32>
    %convert_element_type3A_32 = arith.sitofp %convert_element_type3A_31 : vector<1000x64xi32> to vector<1000x64xf32>
    %get3A_33 = arith.constant 0 : index
    %get3A_34 = arith.constant 0 : index
    %get3A_35 = vector.load %arg8[%get3A_33, %get3A_34] : memref<64x64xf32, #tpu.memory_space<vmem>>, vector<64x64xf32>
    %dot_general3A_36 = arith.constant dense<0.000000e+00> : vector<64x64xf32>
    %dot_general3A_37 = tpu.matmul %convert_element_type3A_32, %max3A_22, %dot_general3A_36 {dimension_numbers = #tpu.dot_dimension_numbers<[0], [0], [1], [1], [0, 1, 1, 1], [], []>, precision = #tpu.contract_precision<fp32>, transpose_lhs_hint = false} : vector<1000x64xf32>, vector<1000x64xf32>, vector<64x64xf32> -> vector<64x64xf32>
    %add3A_38 = arith.addf %get3A_35, %dot_general3A_37 : vector<64x64xf32>
    %swap3A = arith.constant 0 : index
    %swap3A_39 = arith.constant 0 : index
    %swap3A_40 = vector.load %arg8[%swap3A, %swap3A_39] : memref<64x64xf32, #tpu.memory_space<vmem>>, vector<64x64xf32>
    tpu.vector_store %arg8[%swap3A, %swap3A_39], %add3A_38 {strides = array<i32>} : memref<64x64xf32, #tpu.memory_space<vmem>>, vector<64x64xf32>,
    %get3A_41 = arith.constant 0 : index
    %get3A_42 = arith.constant 0 : index
    %get3A_43 = arith.constant 0 : index
    %get3A_44 = memref.load %arg7[%get3A_41, %get3A_42, %get3A_43] : memref<1x1x1000xi32, #tpu.memory_space<smem>>
    %get3A_45 = arith.constant 0 : index
    %get3A_46 = arith.constant 0 : index
    %get3A_47 = arith.constant 999 : index
    %get3A_48 = memref.load %arg7[%get3A_45, %get3A_46, %get3A_47] : memref<1x1x1000xi32, #tpu.memory_space<smem>>
    %add3A_49 = arith.constant 1 : i32
    %add3A_50 = arith.addi %get3A_48, %add3A_49 : i32
    %while3A = arith.constant 0 : i32
    %while3A_51 = arith.subi %add3A_50, %get3A_44 : i32
    %while3A_52 = arith.addi %get3A_44, %while3A_51 : i32
    %while3A_53 = arith.constant 1 : i32
    %while3A_54 = arith.divsi %while3A_51, %while3A_53 : i32
    %while3A_55 = arith.muli %while3A_54, %while3A_53 : i32
    %while3A_56 = arith.addi %get3A_44, %while3A_55 : i32
    %while3A_57 = arith.constant 1 : i32
    %while3A_58 = scf.for %while3A_61 = %get3A_44 to %while3A_56 step %while3A_57 iter_args(%while3A_62 = %while3A) -> (i32)  : i32 {
      %eq3A_63 = vector.broadcast %while3A_61 : i32 to vector<1000x1xi32>
      %eq3A_64 = arith.cmpi eq, %get3A_27, %eq3A_63 : vector<1000x1xi32>
      %jit3A = arith.constant -1.000000e+30 : f32
      %broadcast_in_dim3A = vector.shape_cast %eq3A_64 : vector<1000x1xi1> to vector<1000x1xi1>
      %broadcast_in_dim3A_65 = vector.broadcast %broadcast_in_dim3A : vector<1000x1xi1> to vector<1000x64xi1>
      %broadcast_in_dim3A_66 = vector.broadcast %jit3A : f32 to vector<1000x64xf32>
      %select_n3A = arith.select %broadcast_in_dim3A_65, %max3A_22, %broadcast_in_dim3A_66 : vector<1000x64xi1>, vector<1000x64xf32>
      %reduce_max3A = arith.constant dense<0xFF800000> : vector<64xf32>
      %reduce_max3A_67 = vector.multi_reduction <maximumf>, %select_n3A, %reduce_max3A [0] : vector<1000x64xf32> to vector<64xf32>
      %broadcast_in_dim3A_68 = vector.shape_cast %reduce_max3A_67 : vector<64xf32> to vector<1x64xf32>
      %get3A_69 = arith.index_cast %while3A_61 : i32 to index
      %get3A_70 = arith.constant 0 : index
      %get3A_71 = vector.load %arg9[%get3A_69, %get3A_70] : memref<64x64xf32, #tpu.memory_space<vmem>>, vector<1x64xf32>
      %max3A_72 = arith.maximumf %get3A_71, %broadcast_in_dim3A_68 : vector<1x64xf32>
      %swap3A_73 = arith.index_cast %while3A_61 : i32 to index
      %swap3A_74 = arith.constant 0 : index
      %swap3A_75 = vector.load %arg9[%swap3A_73, %swap3A_74] : memref<64x64xf32, #tpu.memory_space<vmem>>, vector<1x64xf32>
      tpu.vector_store %arg9[%swap3A_73, %swap3A_74], %max3A_72 {strides = array<i32>} : memref<64x64xf32, #tpu.memory_space<vmem>>, vector<1x64xf32>,
      %while3A_76 = arith.constant 0 : i32
      scf.yield %while3A_76 : i32
    }
    %while3A_59 = arith.constant 1 : i32
    %while3A_60 = scf.for %while3A_61 = %while3A_56 to %while3A_52 step %while3A_59 iter_args(%while3A_62 = %while3A_58) -> (i32)  : i32 {
      %eq3A_63 = vector.broadcast %while3A_61 : i32 to vector<1000x1xi32>
      %eq3A_64 = arith.cmpi eq, %get3A_27, %eq3A_63 : vector<1000x1xi32>
      %jit3A = arith.constant -1.000000e+30 : f32
      %broadcast_in_dim3A = vector.shape_cast %eq3A_64 : vector<1000x1xi1> to vector<1000x1xi1>
      %broadcast_in_dim3A_65 = vector.broadcast %broadcast_in_dim3A : vector<1000x1xi1> to vector<1000x64xi1>
      %broadcast_in_dim3A_66 = vector.broadcast %jit3A : f32 to vector<1000x64xf32>
      %select_n3A = arith.select %broadcast_in_dim3A_65, %max3A_22, %broadcast_in_dim3A_66 : vector<1000x64xi1>, vector<1000x64xf32>
      %reduce_max3A = arith.constant dense<0xFF800000> : vector<64xf32>
      %reduce_max3A_67 = vector.multi_reduction <maximumf>, %select_n3A, %reduce_max3A [0] : vector<1000x64xf32> to vector<64xf32>
      %broadcast_in_dim3A_68 = vector.shape_cast %reduce_max3A_67 : vector<64xf32> to vector<1x64xf32>
      %get3A_69 = arith.index_cast %while3A_61 : i32 to index
      %get3A_70 = arith.constant 0 : index
      %get3A_71 = vector.load %arg9[%get3A_69, %get3A_70] : memref<64x64xf32, #tpu.memory_space<vmem>>, vector<1x64xf32>
      %max3A_72 = arith.maximumf %get3A_71, %broadcast_in_dim3A_68 : vector<1x64xf32>
      %swap3A_73 = arith.index_cast %while3A_61 : i32 to index
      %swap3A_74 = arith.constant 0 : index
      %swap3A_75 = vector.load %arg9[%swap3A_73, %swap3A_74] : memref<64x64xf32, #tpu.memory_space<vmem>>, vector<1x64xf32>
      tpu.vector_store %arg9[%swap3A_73, %swap3A_74], %max3A_72 {strides = array<i32>} : memref<64x64xf32, #tpu.memory_space<vmem>>, vector<1x64xf32>,
      %while3A_76 = arith.constant 0 : i32
      scf.yield %while3A_76 : i32
    }
    return
  }
  func.func @transform_0(%arg0: i32) -> (i32, i32) {
    %c0_i32 = arith.constant 0 : i32
    %c0_i32_0 = arith.constant 0 : i32
    return %arg0, %c0_i32 : i32, i32
  }
  func.func @transform_1(%arg0: i32) -> (i32, i32) {
    %c0_i32 = arith.constant 0 : i32
    %c0_i32_0 = arith.constant 0 : i32
    return %arg0, %c0_i32 : i32, i32
  }
  func.func @transform_2(%arg0: i32) -> (i32, i32) {
    %c0_i32 = arith.constant 0 : i32
    %c0_i32_0 = arith.constant 0 : i32
    %c0_i32_1 = arith.constant 0 : i32
    return %c0_i32, %c0_i32_0 : i32, i32
  }
  func.func @transform_3(%arg0: i32) -> (i32, i32) {
    %c0_i32 = arith.constant 0 : i32
    %c0_i32_0 = arith.constant 0 : i32
    %c0_i32_1 = arith.constant 0 : i32
    return %c0_i32, %c0_i32_0 : i32, i32
  }
  func.func @transform_4(%arg0: i32) -> (i32, i32) {
    %c0_i32 = arith.constant 0 : i32
    %c0_i32_0 = arith.constant 0 : i32
    %c0_i32_1 = arith.constant 0 : i32
    return %c0_i32, %c0_i32_0 : i32, i32
  }
  func.func @transform_5(%arg0: i32) -> (i32, i32, i32) {
    %c0_i32 = arith.constant 0 : i32
    %c0_i32_0 = arith.constant 0 : i32
    %c0_i32_1 = arith.constant 0 : i32
    return %arg0, %c0_i32, %c0_i32_0 : i32, i32, i32
  }
  func.func @transform_6(%arg0: i32) -> (i32, i32, i32) {
    %c0_i32 = arith.constant 0 : i32
    %c0_i32_0 = arith.constant 0 : i32
    %c0_i32_1 = arith.constant 0 : i32
    return %arg0, %c0_i32, %c0_i32_0 : i32, i32, i32
  }
  func.func @transform_7(%arg0: i32) -> (i32, i32) {
    %c0_i32 = arith.constant 0 : i32
    %c0_i32_0 = arith.constant 0 : i32
    %c0_i32_1 = arith.constant 0 : i32
    return %c0_i32, %c0_i32_0 : i32, i32
  }
  func.func @transform_8(%arg0: i32) -> (i32, i32) {
    %c0_i32 = arith.constant 0 : i32
    %c0_i32_0 = arith.constant 0 : i32
    %c0_i32_1 = arith.constant 0 : i32
    return %c0_i32, %c0_i32_0 : i32, i32
  }
}

module attributes {stable_mosaic.version = 14 : i64} {
  func.func @body(%arg0: memref<64x64xf32, #tpu.memory_space<vmem>>, %arg1: memref<64x64xf32, #tpu.memory_space<vmem>>, %arg2: memref<64x1xf32, #tpu.memory_space<vmem>>, %arg3: memref<64x7xf32, #tpu.memory_space<vmem>>, %arg4: memref<64x1xf32, #tpu.memory_space<vmem>>, %arg5: memref<512x2xf32, #tpu.memory_space<vmem>>, %arg6: memref<512x2xf32, #tpu.memory_space<vmem>>, %arg7: memref<128x64xf32, #tpu.memory_space<vmem>>, %arg8: memref<1x64xf32, #tpu.memory_space<vmem>>, %arg9: memref<64x32xf32, #tpu.memory_space<vmem>>, %arg10: memref<1x32xf32, #tpu.memory_space<vmem>>, %arg11: memref<32x2xf32, #tpu.memory_space<vmem>>, %arg12: memref<1x2xf32, #tpu.memory_space<vmem>>, %arg13: memref<32x2xf32, #tpu.memory_space<vmem>>, %arg14: memref<1x2xf32, #tpu.memory_space<vmem>>, %arg15: memref<7x64xf32, #tpu.memory_space<vmem>>, %arg16: memref<1x64xf32, #tpu.memory_space<vmem>>, %arg17: memref<64x32xf32, #tpu.memory_space<vmem>>, %arg18: memref<1x32xf32, #tpu.memory_space<vmem>>, %arg19: memref<32x2xf32, #tpu.memory_space<vmem>>, %arg20: memref<1x2xf32, #tpu.memory_space<vmem>>, %arg21: memref<32x2xf32, #tpu.memory_space<vmem>>, %arg22: memref<1x2xf32, #tpu.memory_space<vmem>>, %arg23: memref<2x32xf32, #tpu.memory_space<vmem>>, %arg24: memref<1x32xf32, #tpu.memory_space<vmem>>, %arg25: memref<32x32xf32, #tpu.memory_space<vmem>>, %arg26: memref<1x32xf32, #tpu.memory_space<vmem>>, %arg27: memref<32x16xf32, #tpu.memory_space<vmem>>, %arg28: memref<1x16xf32, #tpu.memory_space<vmem>>, %arg29: memref<2x32xf32, #tpu.memory_space<vmem>>, %arg30: memref<1x32xf32, #tpu.memory_space<vmem>>, %arg31: memref<32x32xf32, #tpu.memory_space<vmem>>, %arg32: memref<1x32xf32, #tpu.memory_space<vmem>>, %arg33: memref<32x16xf32, #tpu.memory_space<vmem>>, %arg34: memref<1x16xf32, #tpu.memory_space<vmem>>, %arg35: memref<32x32xf32, #tpu.memory_space<vmem>>, %arg36: memref<1x32xf32, #tpu.memory_space<vmem>>, %arg37: memref<32x4xf32, #tpu.memory_space<vmem>>, %arg38: memref<1x4xf32, #tpu.memory_space<vmem>>, %arg39: memref<32x4xf32, #tpu.memory_space<vmem>>, %arg40: memref<1x4xf32, #tpu.memory_space<vmem>>, %arg41: memref<64x8xf32, #tpu.memory_space<vmem>>, %arg42: memref<64x8xf32, #tpu.memory_space<vmem>>) attributes {dimension_semantics = [], scalar_prefetch = 0 : i64, scratch_operands = 0 : i64, tpu.core_type = #tpu.core_type<tc>} {
    %get3A = arith.constant 0 : index
    %get3A_0 = arith.constant 0 : index
    %get3A_1 = vector.load %arg7[%get3A, %get3A_0] : memref<128x64xf32, #tpu.memory_space<vmem>>, vector<128x64xf32>
    %get3A_2 = arith.constant 0 : index
    %get3A_3 = arith.constant 0 : index
    %get3A_4 = vector.load %arg8[%get3A_2, %get3A_3] : memref<1x64xf32, #tpu.memory_space<vmem>>, vector<1x64xf32>
    %get3A_5 = arith.constant 0 : index
    %get3A_6 = arith.constant 0 : index
    %get3A_7 = vector.load %arg9[%get3A_5, %get3A_6] : memref<64x32xf32, #tpu.memory_space<vmem>>, vector<64x32xf32>
    %get3A_8 = arith.constant 0 : index
    %get3A_9 = arith.constant 0 : index
    %get3A_10 = vector.load %arg10[%get3A_8, %get3A_9] : memref<1x32xf32, #tpu.memory_space<vmem>>, vector<1x32xf32>
    %get3A_11 = arith.constant 0 : index
    %get3A_12 = arith.constant 0 : index
    %get3A_13 = vector.load %arg11[%get3A_11, %get3A_12] : memref<32x2xf32, #tpu.memory_space<vmem>>, vector<32x2xf32>
    %get3A_14 = arith.constant 0 : index
    %get3A_15 = arith.constant 0 : index
    %get3A_16 = vector.load %arg12[%get3A_14, %get3A_15] : memref<1x2xf32, #tpu.memory_space<vmem>>, vector<1x2xf32>
    %get3A_17 = arith.constant 0 : index
    %get3A_18 = arith.constant 0 : index
    %get3A_19 = vector.load %arg13[%get3A_17, %get3A_18] : memref<32x2xf32, #tpu.memory_space<vmem>>, vector<32x2xf32>
    %get3A_20 = arith.constant 0 : index
    %get3A_21 = arith.constant 0 : index
    %get3A_22 = vector.load %arg14[%get3A_20, %get3A_21] : memref<1x2xf32, #tpu.memory_space<vmem>>, vector<1x2xf32>
    %get3A_23 = arith.constant 0 : index
    %get3A_24 = arith.constant 0 : index
    %get3A_25 = vector.load %arg15[%get3A_23, %get3A_24] : memref<7x64xf32, #tpu.memory_space<vmem>>, vector<7x64xf32>
    %get3A_26 = arith.constant 0 : index
    %get3A_27 = arith.constant 0 : index
    %get3A_28 = vector.load %arg16[%get3A_26, %get3A_27] : memref<1x64xf32, #tpu.memory_space<vmem>>, vector<1x64xf32>
    %get3A_29 = arith.constant 0 : index
    %get3A_30 = arith.constant 0 : index
    %get3A_31 = vector.load %arg17[%get3A_29, %get3A_30] : memref<64x32xf32, #tpu.memory_space<vmem>>, vector<64x32xf32>
    %get3A_32 = arith.constant 0 : index
    %get3A_33 = arith.constant 0 : index
    %get3A_34 = vector.load %arg18[%get3A_32, %get3A_33] : memref<1x32xf32, #tpu.memory_space<vmem>>, vector<1x32xf32>
    %get3A_35 = arith.constant 0 : index
    %get3A_36 = arith.constant 0 : index
    %get3A_37 = vector.load %arg19[%get3A_35, %get3A_36] : memref<32x2xf32, #tpu.memory_space<vmem>>, vector<32x2xf32>
    %get3A_38 = arith.constant 0 : index
    %get3A_39 = arith.constant 0 : index
    %get3A_40 = vector.load %arg20[%get3A_38, %get3A_39] : memref<1x2xf32, #tpu.memory_space<vmem>>, vector<1x2xf32>
    %get3A_41 = arith.constant 0 : index
    %get3A_42 = arith.constant 0 : index
    %get3A_43 = vector.load %arg21[%get3A_41, %get3A_42] : memref<32x2xf32, #tpu.memory_space<vmem>>, vector<32x2xf32>
    %get3A_44 = arith.constant 0 : index
    %get3A_45 = arith.constant 0 : index
    %get3A_46 = vector.load %arg22[%get3A_44, %get3A_45] : memref<1x2xf32, #tpu.memory_space<vmem>>, vector<1x2xf32>
    %get3A_47 = arith.constant 0 : index
    %get3A_48 = arith.constant 0 : index
    %get3A_49 = vector.load %arg23[%get3A_47, %get3A_48] : memref<2x32xf32, #tpu.memory_space<vmem>>, vector<2x32xf32>
    %get3A_50 = arith.constant 0 : index
    %get3A_51 = arith.constant 0 : index
    %get3A_52 = vector.load %arg24[%get3A_50, %get3A_51] : memref<1x32xf32, #tpu.memory_space<vmem>>, vector<1x32xf32>
    %get3A_53 = arith.constant 0 : index
    %get3A_54 = arith.constant 0 : index
    %get3A_55 = vector.load %arg25[%get3A_53, %get3A_54] : memref<32x32xf32, #tpu.memory_space<vmem>>, vector<32x32xf32>
    %get3A_56 = arith.constant 0 : index
    %get3A_57 = arith.constant 0 : index
    %get3A_58 = vector.load %arg26[%get3A_56, %get3A_57] : memref<1x32xf32, #tpu.memory_space<vmem>>, vector<1x32xf32>
    %get3A_59 = arith.constant 0 : index
    %get3A_60 = arith.constant 0 : index
    %get3A_61 = vector.load %arg27[%get3A_59, %get3A_60] : memref<32x16xf32, #tpu.memory_space<vmem>>, vector<32x16xf32>
    %get3A_62 = arith.constant 0 : index
    %get3A_63 = arith.constant 0 : index
    %get3A_64 = vector.load %arg28[%get3A_62, %get3A_63] : memref<1x16xf32, #tpu.memory_space<vmem>>, vector<1x16xf32>
    %get3A_65 = arith.constant 0 : index
    %get3A_66 = arith.constant 0 : index
    %get3A_67 = vector.load %arg29[%get3A_65, %get3A_66] : memref<2x32xf32, #tpu.memory_space<vmem>>, vector<2x32xf32>
    %get3A_68 = arith.constant 0 : index
    %get3A_69 = arith.constant 0 : index
    %get3A_70 = vector.load %arg30[%get3A_68, %get3A_69] : memref<1x32xf32, #tpu.memory_space<vmem>>, vector<1x32xf32>
    %get3A_71 = arith.constant 0 : index
    %get3A_72 = arith.constant 0 : index
    %get3A_73 = vector.load %arg31[%get3A_71, %get3A_72] : memref<32x32xf32, #tpu.memory_space<vmem>>, vector<32x32xf32>
    %get3A_74 = arith.constant 0 : index
    %get3A_75 = arith.constant 0 : index
    %get3A_76 = vector.load %arg32[%get3A_74, %get3A_75] : memref<1x32xf32, #tpu.memory_space<vmem>>, vector<1x32xf32>
    %get3A_77 = arith.constant 0 : index
    %get3A_78 = arith.constant 0 : index
    %get3A_79 = vector.load %arg33[%get3A_77, %get3A_78] : memref<32x16xf32, #tpu.memory_space<vmem>>, vector<32x16xf32>
    %get3A_80 = arith.constant 0 : index
    %get3A_81 = arith.constant 0 : index
    %get3A_82 = vector.load %arg34[%get3A_80, %get3A_81] : memref<1x16xf32, #tpu.memory_space<vmem>>, vector<1x16xf32>
    %get3A_83 = arith.constant 0 : index
    %get3A_84 = arith.constant 0 : index
    %get3A_85 = vector.load %arg35[%get3A_83, %get3A_84] : memref<32x32xf32, #tpu.memory_space<vmem>>, vector<32x32xf32>
    %get3A_86 = arith.constant 0 : index
    %get3A_87 = arith.constant 0 : index
    %get3A_88 = vector.load %arg36[%get3A_86, %get3A_87] : memref<1x32xf32, #tpu.memory_space<vmem>>, vector<1x32xf32>
    %get3A_89 = arith.constant 0 : index
    %get3A_90 = arith.constant 0 : index
    %get3A_91 = vector.load %arg37[%get3A_89, %get3A_90] : memref<32x4xf32, #tpu.memory_space<vmem>>, vector<32x4xf32>
    %get3A_92 = arith.constant 0 : index
    %get3A_93 = arith.constant 0 : index
    %get3A_94 = vector.load %arg38[%get3A_92, %get3A_93] : memref<1x4xf32, #tpu.memory_space<vmem>>, vector<1x4xf32>
    %get3A_95 = arith.constant 0 : index
    %get3A_96 = arith.constant 0 : index
    %get3A_97 = vector.load %arg39[%get3A_95, %get3A_96] : memref<32x4xf32, #tpu.memory_space<vmem>>, vector<32x4xf32>
    %get3A_98 = arith.constant 0 : index
    %get3A_99 = arith.constant 0 : index
    %get3A_100 = vector.load %arg40[%get3A_98, %get3A_99] : memref<1x4xf32, #tpu.memory_space<vmem>>, vector<1x4xf32>
    %get3A_101 = arith.constant 0 : index
    %get3A_102 = arith.constant 0 : index
    %get3A_103 = vector.load %arg2[%get3A_101, %get3A_102] : memref<64x1xf32, #tpu.memory_space<vmem>>, vector<64x1xf32>
    %get3A_104 = arith.constant 0 : index
    %get3A_105 = arith.constant 0 : index
    %get3A_106 = vector.load %arg0[%get3A_104, %get3A_105] : memref<64x64xf32, #tpu.memory_space<vmem>>, vector<64x64xf32>
    %max3A = arith.constant 1.000000e+00 : f32
    %max3A_107 = vector.broadcast %max3A : f32 to vector<64x1xf32>
    %max3A_108 = arith.maximumf %get3A_103, %max3A_107 : vector<64x1xf32>
    %div3A = vector.broadcast %max3A_108 : vector<64x1xf32> to vector<64x64xf32>
    %div3A_109 = arith.divf %get3A_106, %div3A : vector<64x64xf32>
    %gt3A = arith.constant 0.000000e+00 : f32
    %gt3A_110 = vector.broadcast %gt3A : f32 to vector<64x1xf32>
    %gt3A_111 = arith.cmpf ogt, %get3A_103, %gt3A_110 : vector<64x1xf32>
    %get3A_112 = arith.constant 0 : index
    %get3A_113 = arith.constant 0 : index
    %get3A_114 = vector.load %arg1[%get3A_112, %get3A_113] : memref<64x64xf32, #tpu.memory_space<vmem>>, vector<64x64xf32>
    %jit3A = arith.constant 0.000000e+00 : f32
    %broadcast_in_dim3A = vector.shape_cast %gt3A_111 : vector<64x1xi1> to vector<64x1xi1>
    %broadcast_in_dim3A_115 = vector.broadcast %broadcast_in_dim3A : vector<64x1xi1> to vector<64x64xi1>
    %broadcast_in_dim3A_116 = vector.broadcast %jit3A : f32 to vector<64x64xf32>
    %select_n3A = arith.select %broadcast_in_dim3A_115, %get3A_114, %broadcast_in_dim3A_116 : vector<64x64xi1>, vector<64x64xf32>
    %concatenate3A = tpu.concatenate %div3A_109, %select_n3A in 1 : vector<64x64xf32>, vector<64x64xf32> -> vector<64x128xf32>
    %dot_general3A = arith.constant dense<0.000000e+00> : vector<64x64xf32>
    %dot_general3A_117 = tpu.matmul %concatenate3A, %get3A_1, %dot_general3A {dimension_numbers = #tpu.dot_dimension_numbers<[1], [0], [0], [1], [0, 0, 1, 1], [], []>, transpose_lhs_hint = false} : vector<64x128xf32>, vector<128x64xf32>, vector<64x64xf32> -> vector<64x64xf32>
    %add3A = vector.broadcast %get3A_4 : vector<1x64xf32> to vector<64x64xf32>
    %add3A_118 = arith.addf %dot_general3A_117, %add3A : vector<64x64xf32>
    %max3A_119 = arith.constant 0.000000e+00 : f32
    %max3A_120 = vector.broadcast %max3A_119 : f32 to vector<64x64xf32>
    %max3A_121 = arith.maximumf %add3A_118, %max3A_120 : vector<64x64xf32>
    %dot_general3A_122 = arith.constant dense<0.000000e+00> : vector<64x32xf32>
    %dot_general3A_123 = tpu.matmul %max3A_121, %get3A_7, %dot_general3A_122 {dimension_numbers = #tpu.dot_dimension_numbers<[1], [0], [0], [1], [0, 0, 1, 1], [], []>, transpose_lhs_hint = false} : vector<64x64xf32>, vector<64x32xf32>, vector<64x32xf32> -> vector<64x32xf32>
    %add3A_124 = vector.broadcast %get3A_10 : vector<1x32xf32> to vector<64x32xf32>
    %add3A_125 = arith.addf %dot_general3A_123, %add3A_124 : vector<64x32xf32>
    %max3A_126 = arith.constant 0.000000e+00 : f32
    %max3A_127 = vector.broadcast %max3A_126 : f32 to vector<64x32xf32>
    %max3A_128 = arith.maximumf %add3A_125, %max3A_127 : vector<64x32xf32>
    %dot_general3A_129 = arith.constant dense<0.000000e+00> : vector<64x2xf32>
    %dot_general3A_130 = tpu.matmul %max3A_128, %get3A_13, %dot_general3A_129 {dimension_numbers = #tpu.dot_dimension_numbers<[1], [0], [0], [1], [0, 0, 1, 1], [], []>, transpose_lhs_hint = false} : vector<64x32xf32>, vector<32x2xf32>, vector<64x2xf32> -> vector<64x2xf32>
    %add3A_131 = vector.broadcast %get3A_16 : vector<1x2xf32> to vector<64x2xf32>
    %add3A_132 = arith.addf %dot_general3A_130, %add3A_131 : vector<64x2xf32>
    %dot_general3A_133 = arith.constant dense<0.000000e+00> : vector<64x2xf32>
    %dot_general3A_134 = tpu.matmul %max3A_128, %get3A_19, %dot_general3A_133 {dimension_numbers = #tpu.dot_dimension_numbers<[1], [0], [0], [1], [0, 0, 1, 1], [], []>, transpose_lhs_hint = false} : vector<64x32xf32>, vector<32x2xf32>, vector<64x2xf32> -> vector<64x2xf32>
    %add3A_135 = vector.broadcast %get3A_22 : vector<1x2xf32> to vector<64x2xf32>
    %add3A_136 = arith.addf %dot_general3A_134, %add3A_135 : vector<64x2xf32>
    %get3A_137 = arith.constant 0 : index
    %get3A_138 = arith.constant 0 : index
    %get3A_139 = vector.load %arg3[%get3A_137, %get3A_138] : memref<64x7xf32, #tpu.memory_space<vmem>>, vector<64x7xf32>
    %get3A_140 = arith.constant 0 : index
    %get3A_141 = arith.constant 0 : index
    %get3A_142 = vector.load %arg4[%get3A_140, %get3A_141] : memref<64x1xf32, #tpu.memory_space<vmem>>, vector<64x1xf32>
    %max3A_143 = arith.constant 1.000000e+00 : f32
    %max3A_144 = vector.broadcast %max3A_143 : f32 to vector<64x1xf32>
    %max3A_145 = arith.maximumf %get3A_142, %max3A_144 : vector<64x1xf32>
    %div3A_146 = vector.broadcast %max3A_145 : vector<64x1xf32> to vector<64x7xf32>
    %div3A_147 = arith.divf %get3A_139, %div3A_146 : vector<64x7xf32>
    %dot_general3A_148 = arith.constant dense<0.000000e+00> : vector<64x64xf32>
    %dot_general3A_149 = tpu.matmul %div3A_147, %get3A_25, %dot_general3A_148 {dimension_numbers = #tpu.dot_dimension_numbers<[1], [0], [0], [1], [0, 0, 1, 1], [], []>, transpose_lhs_hint = false} : vector<64x7xf32>, vector<7x64xf32>, vector<64x64xf32> -> vector<64x64xf32>
    %add3A_150 = vector.broadcast %get3A_28 : vector<1x64xf32> to vector<64x64xf32>
    %add3A_151 = arith.addf %dot_general3A_149, %add3A_150 : vector<64x64xf32>
    %max3A_152 = arith.constant 0.000000e+00 : f32
    %max3A_153 = vector.broadcast %max3A_152 : f32 to vector<64x64xf32>
    %max3A_154 = arith.maximumf %add3A_151, %max3A_153 : vector<64x64xf32>
    %dot_general3A_155 = arith.constant dense<0.000000e+00> : vector<64x32xf32>
    %dot_general3A_156 = tpu.matmul %max3A_154, %get3A_31, %dot_general3A_155 {dimension_numbers = #tpu.dot_dimension_numbers<[1], [0], [0], [1], [0, 0, 1, 1], [], []>, transpose_lhs_hint = false} : vector<64x64xf32>, vector<64x32xf32>, vector<64x32xf32> -> vector<64x32xf32>
    %add3A_157 = vector.broadcast %get3A_34 : vector<1x32xf32> to vector<64x32xf32>
    %add3A_158 = arith.addf %dot_general3A_156, %add3A_157 : vector<64x32xf32>
    %max3A_159 = arith.constant 0.000000e+00 : f32
    %max3A_160 = vector.broadcast %max3A_159 : f32 to vector<64x32xf32>
    %max3A_161 = arith.maximumf %add3A_158, %max3A_160 : vector<64x32xf32>
    %dot_general3A_162 = arith.constant dense<0.000000e+00> : vector<64x2xf32>
    %dot_general3A_163 = tpu.matmul %max3A_161, %get3A_37, %dot_general3A_162 {dimension_numbers = #tpu.dot_dimension_numbers<[1], [0], [0], [1], [0, 0, 1, 1], [], []>, transpose_lhs_hint = false} : vector<64x32xf32>, vector<32x2xf32>, vector<64x2xf32> -> vector<64x2xf32>
    %add3A_164 = vector.broadcast %get3A_40 : vector<1x2xf32> to vector<64x2xf32>
    %add3A_165 = arith.addf %dot_general3A_163, %add3A_164 : vector<64x2xf32>
    %dot_general3A_166 = arith.constant dense<0.000000e+00> : vector<64x2xf32>
    %dot_general3A_167 = tpu.matmul %max3A_161, %get3A_43, %dot_general3A_166 {dimension_numbers = #tpu.dot_dimension_numbers<[1], [0], [0], [1], [0, 0, 1, 1], [], []>, transpose_lhs_hint = false} : vector<64x32xf32>, vector<32x2xf32>, vector<64x2xf32> -> vector<64x2xf32>
    %add3A_168 = vector.broadcast %get3A_46 : vector<1x2xf32> to vector<64x2xf32>
    %add3A_169 = arith.addf %dot_general3A_167, %add3A_168 : vector<64x2xf32>
    %get3A_170 = arith.constant 0 : index
    %get3A_171 = arith.constant 0 : index
    %get3A_172 = vector.load %arg5[%get3A_170, %get3A_171] : memref<512x2xf32, #tpu.memory_space<vmem>>, vector<512x2xf32>
    %dot_general3A_173 = arith.constant dense<0.000000e+00> : vector<512x32xf32>
    %dot_general3A_174 = tpu.matmul %get3A_172, %get3A_49, %dot_general3A_173 {dimension_numbers = #tpu.dot_dimension_numbers<[1], [0], [0], [1], [0, 0, 1, 1], [], []>, transpose_lhs_hint = false} : vector<512x2xf32>, vector<2x32xf32>, vector<512x32xf32> -> vector<512x32xf32>
    %add3A_175 = vector.broadcast %get3A_52 : vector<1x32xf32> to vector<512x32xf32>
    %add3A_176 = arith.addf %dot_general3A_174, %add3A_175 : vector<512x32xf32>
    %max3A_177 = arith.constant 0.000000e+00 : f32
    %max3A_178 = vector.broadcast %max3A_177 : f32 to vector<512x32xf32>
    %max3A_179 = arith.maximumf %add3A_176, %max3A_178 : vector<512x32xf32>
    %dot_general3A_180 = arith.constant dense<0.000000e+00> : vector<512x32xf32>
    %dot_general3A_181 = tpu.matmul %max3A_179, %get3A_55, %dot_general3A_180 {dimension_numbers = #tpu.dot_dimension_numbers<[1], [0], [0], [1], [0, 0, 1, 1], [], []>, transpose_lhs_hint = false} : vector<512x32xf32>, vector<32x32xf32>, vector<512x32xf32> -> vector<512x32xf32>
    %add3A_182 = vector.broadcast %get3A_58 : vector<1x32xf32> to vector<512x32xf32>
    %add3A_183 = arith.addf %dot_general3A_181, %add3A_182 : vector<512x32xf32>
    %max3A_184 = arith.constant 0.000000e+00 : f32
    %max3A_185 = vector.broadcast %max3A_184 : f32 to vector<512x32xf32>
    %max3A_186 = arith.maximumf %add3A_183, %max3A_185 : vector<512x32xf32>
    %slice3A = vector.extract_strided_slice %max3A_186 {offsets = [0, 0], sizes = [64, 32], strides = [1, 1]} : vector<512x32xf32> to vector<64x32xf32>
    %slice3A_187 = vector.extract_strided_slice %max3A_186 {offsets = [64, 0], sizes = [64, 32], strides = [1, 1]} : vector<512x32xf32> to vector<64x32xf32>
    %add3A_188 = arith.addf %slice3A, %slice3A_187 : vector<64x32xf32>
    %slice3A_189 = vector.extract_strided_slice %max3A_186 {offsets = [128, 0], sizes = [64, 32], strides = [1, 1]} : vector<512x32xf32> to vector<64x32xf32>
    %add3A_190 = arith.addf %add3A_188, %slice3A_189 : vector<64x32xf32>
    %slice3A_191 = vector.extract_strided_slice %max3A_186 {offsets = [192, 0], sizes = [64, 32], strides = [1, 1]} : vector<512x32xf32> to vector<64x32xf32>
    %add3A_192 = arith.addf %add3A_190, %slice3A_191 : vector<64x32xf32>
    %slice3A_193 = vector.extract_strided_slice %max3A_186 {offsets = [256, 0], sizes = [64, 32], strides = [1, 1]} : vector<512x32xf32> to vector<64x32xf32>
    %add3A_194 = arith.addf %add3A_192, %slice3A_193 : vector<64x32xf32>
    %slice3A_195 = vector.extract_strided_slice %max3A_186 {offsets = [320, 0], sizes = [64, 32], strides = [1, 1]} : vector<512x32xf32> to vector<64x32xf32>
    %add3A_196 = arith.addf %add3A_194, %slice3A_195 : vector<64x32xf32>
    %slice3A_197 = vector.extract_strided_slice %max3A_186 {offsets = [384, 0], sizes = [64, 32], strides = [1, 1]} : vector<512x32xf32> to vector<64x32xf32>
    %add3A_198 = arith.addf %add3A_196, %slice3A_197 : vector<64x32xf32>
    %slice3A_199 = vector.extract_strided_slice %max3A_186 {offsets = [448, 0], sizes = [64, 32], strides = [1, 1]} : vector<512x32xf32> to vector<64x32xf32>
    %add3A_200 = arith.addf %add3A_198, %slice3A_199 : vector<64x32xf32>
    %dot_general3A_201 = arith.constant dense<0.000000e+00> : vector<64x16xf32>
    %dot_general3A_202 = tpu.matmul %add3A_200, %get3A_61, %dot_general3A_201 {dimension_numbers = #tpu.dot_dimension_numbers<[1], [0], [0], [1], [0, 0, 1, 1], [], []>, transpose_lhs_hint = false} : vector<64x32xf32>, vector<32x16xf32>, vector<64x16xf32> -> vector<64x16xf32>
    %add3A_203 = vector.broadcast %get3A_64 : vector<1x16xf32> to vector<64x16xf32>
    %add3A_204 = arith.addf %dot_general3A_202, %add3A_203 : vector<64x16xf32>
    %get3A_205 = arith.constant 0 : index
    %get3A_206 = arith.constant 0 : index
    %get3A_207 = vector.load %arg6[%get3A_205, %get3A_206] : memref<512x2xf32, #tpu.memory_space<vmem>>, vector<512x2xf32>
    %dot_general3A_208 = arith.constant dense<0.000000e+00> : vector<512x32xf32>
    %dot_general3A_209 = tpu.matmul %get3A_207, %get3A_67, %dot_general3A_208 {dimension_numbers = #tpu.dot_dimension_numbers<[1], [0], [0], [1], [0, 0, 1, 1], [], []>, transpose_lhs_hint = false} : vector<512x2xf32>, vector<2x32xf32>, vector<512x32xf32> -> vector<512x32xf32>
    %add3A_210 = vector.broadcast %get3A_70 : vector<1x32xf32> to vector<512x32xf32>
    %add3A_211 = arith.addf %dot_general3A_209, %add3A_210 : vector<512x32xf32>
    %max3A_212 = arith.constant 0.000000e+00 : f32
    %max3A_213 = vector.broadcast %max3A_212 : f32 to vector<512x32xf32>
    %max3A_214 = arith.maximumf %add3A_211, %max3A_213 : vector<512x32xf32>
    %dot_general3A_215 = arith.constant dense<0.000000e+00> : vector<512x32xf32>
    %dot_general3A_216 = tpu.matmul %max3A_214, %get3A_73, %dot_general3A_215 {dimension_numbers = #tpu.dot_dimension_numbers<[1], [0], [0], [1], [0, 0, 1, 1], [], []>, transpose_lhs_hint = false} : vector<512x32xf32>, vector<32x32xf32>, vector<512x32xf32> -> vector<512x32xf32>
    %add3A_217 = vector.broadcast %get3A_76 : vector<1x32xf32> to vector<512x32xf32>
    %add3A_218 = arith.addf %dot_general3A_216, %add3A_217 : vector<512x32xf32>
    %max3A_219 = arith.constant 0.000000e+00 : f32
    %max3A_220 = vector.broadcast %max3A_219 : f32 to vector<512x32xf32>
    %max3A_221 = arith.maximumf %add3A_218, %max3A_220 : vector<512x32xf32>
    %slice3A_222 = vector.extract_strided_slice %max3A_221 {offsets = [0, 0], sizes = [64, 32], strides = [1, 1]} : vector<512x32xf32> to vector<64x32xf32>
    %slice3A_223 = vector.extract_strided_slice %max3A_221 {offsets = [64, 0], sizes = [64, 32], strides = [1, 1]} : vector<512x32xf32> to vector<64x32xf32>
    %add3A_224 = arith.addf %slice3A_222, %slice3A_223 : vector<64x32xf32>
    %slice3A_225 = vector.extract_strided_slice %max3A_221 {offsets = [128, 0], sizes = [64, 32], strides = [1, 1]} : vector<512x32xf32> to vector<64x32xf32>
    %add3A_226 = arith.addf %add3A_224, %slice3A_225 : vector<64x32xf32>
    %slice3A_227 = vector.extract_strided_slice %max3A_221 {offsets = [192, 0], sizes = [64, 32], strides = [1, 1]} : vector<512x32xf32> to vector<64x32xf32>
    %add3A_228 = arith.addf %add3A_226, %slice3A_227 : vector<64x32xf32>
    %slice3A_229 = vector.extract_strided_slice %max3A_221 {offsets = [256, 0], sizes = [64, 32], strides = [1, 1]} : vector<512x32xf32> to vector<64x32xf32>
    %add3A_230 = arith.addf %add3A_228, %slice3A_229 : vector<64x32xf32>
    %slice3A_231 = vector.extract_strided_slice %max3A_221 {offsets = [320, 0], sizes = [64, 32], strides = [1, 1]} : vector<512x32xf32> to vector<64x32xf32>
    %add3A_232 = arith.addf %add3A_230, %slice3A_231 : vector<64x32xf32>
    %slice3A_233 = vector.extract_strided_slice %max3A_221 {offsets = [384, 0], sizes = [64, 32], strides = [1, 1]} : vector<512x32xf32> to vector<64x32xf32>
    %add3A_234 = arith.addf %add3A_232, %slice3A_233 : vector<64x32xf32>
    %slice3A_235 = vector.extract_strided_slice %max3A_221 {offsets = [448, 0], sizes = [64, 32], strides = [1, 1]} : vector<512x32xf32> to vector<64x32xf32>
    %add3A_236 = arith.addf %add3A_234, %slice3A_235 : vector<64x32xf32>
    %dot_general3A_237 = arith.constant dense<0.000000e+00> : vector<64x16xf32>
    %dot_general3A_238 = tpu.matmul %add3A_236, %get3A_79, %dot_general3A_237 {dimension_numbers = #tpu.dot_dimension_numbers<[1], [0], [0], [1], [0, 0, 1, 1], [], []>, transpose_lhs_hint = false} : vector<64x32xf32>, vector<32x16xf32>, vector<64x16xf32> -> vector<64x16xf32>
    %add3A_239 = vector.broadcast %get3A_82 : vector<1x16xf32> to vector<64x16xf32>
    %add3A_240 = arith.addf %dot_general3A_238, %add3A_239 : vector<64x16xf32>
    %concatenate3A_241 = tpu.concatenate %add3A_204, %add3A_240 in 1 : vector<64x16xf32>, vector<64x16xf32> -> vector<64x32xf32>
    %dot_general3A_242 = arith.constant dense<0.000000e+00> : vector<64x32xf32>
    %dot_general3A_243 = tpu.matmul %concatenate3A_241, %get3A_85, %dot_general3A_242 {dimension_numbers = #tpu.dot_dimension_numbers<[1], [0], [0], [1], [0, 0, 1, 1], [], []>, transpose_lhs_hint = false} : vector<64x32xf32>, vector<32x32xf32>, vector<64x32xf32> -> vector<64x32xf32>
    %add3A_244 = vector.broadcast %get3A_88 : vector<1x32xf32> to vector<64x32xf32>
    %add3A_245 = arith.addf %dot_general3A_243, %add3A_244 : vector<64x32xf32>
    %max3A_246 = arith.constant 0.000000e+00 : f32
    %max3A_247 = vector.broadcast %max3A_246 : f32 to vector<64x32xf32>
    %max3A_248 = arith.maximumf %add3A_245, %max3A_247 : vector<64x32xf32>
    %dot_general3A_249 = arith.constant dense<0.000000e+00> : vector<64x4xf32>
    %dot_general3A_250 = tpu.matmul %max3A_248, %get3A_91, %dot_general3A_249 {dimension_numbers = #tpu.dot_dimension_numbers<[1], [0], [0], [1], [0, 0, 1, 1], [], []>, transpose_lhs_hint = false} : vector<64x32xf32>, vector<32x4xf32>, vector<64x4xf32> -> vector<64x4xf32>
    %add3A_251 = vector.broadcast %get3A_94 : vector<1x4xf32> to vector<64x4xf32>
    %add3A_252 = arith.addf %dot_general3A_250, %add3A_251 : vector<64x4xf32>
    %dot_general3A_253 = arith.constant dense<0.000000e+00> : vector<64x4xf32>
    %dot_general3A_254 = tpu.matmul %max3A_248, %get3A_97, %dot_general3A_253 {dimension_numbers = #tpu.dot_dimension_numbers<[1], [0], [0], [1], [0, 0, 1, 1], [], []>, transpose_lhs_hint = false} : vector<64x32xf32>, vector<32x4xf32>, vector<64x4xf32> -> vector<64x4xf32>
    %add3A_255 = vector.broadcast %get3A_100 : vector<1x4xf32> to vector<64x4xf32>
    %add3A_256 = arith.addf %dot_general3A_254, %add3A_255 : vector<64x4xf32>
    %concatenate3A_257 = tpu.concatenate %add3A_132, %add3A_165, %add3A_252 in 1 : vector<64x2xf32>, vector<64x2xf32>, vector<64x4xf32> -> vector<64x8xf32>
    %swap3A = arith.constant 0 : index
    %swap3A_258 = arith.constant 0 : index
    %swap3A_259 = vector.load %arg41[%swap3A, %swap3A_258] : memref<64x8xf32, #tpu.memory_space<vmem>>, vector<64x8xf32>
    tpu.vector_store %arg41[%swap3A, %swap3A_258], %concatenate3A_257 {strides = array<i32>} : memref<64x8xf32, #tpu.memory_space<vmem>>, vector<64x8xf32>,
    %concatenate3A_260 = tpu.concatenate %add3A_136, %add3A_169, %add3A_256 in 1 : vector<64x2xf32>, vector<64x2xf32>, vector<64x4xf32> -> vector<64x8xf32>
    %swap3A_261 = arith.constant 0 : index
    %swap3A_262 = arith.constant 0 : index
    %swap3A_263 = vector.load %arg42[%swap3A_261, %swap3A_262] : memref<64x8xf32, #tpu.memory_space<vmem>>, vector<64x8xf32>
    tpu.vector_store %arg42[%swap3A_261, %swap3A_262], %concatenate3A_260 {strides = array<i32>} : memref<64x8xf32, #tpu.memory_space<vmem>>, vector<64x8xf32>,
    return
  }
}

</mosaic_0001>

<sc_bundles>
// kernel: kernel.11.cloned.1.call-start
scs
__scs_entry_jumppad:
0x0: {  	(pc) =	sbr.rel $0x88, $3  }
0x1: {  	(tag) =	ssettag $0x0;
	lr =	simm.s32 $0x1  }
0x2: {  	[smem:$0x3F6D] =	sst lr;
	_ =	strace $0xD0000000  }
0x3: {  	_ = 	snop  }
0x4: {  	_ = 	snop  }
0x5: {  	_ = 	snop  }
0x6: {  	_ = 	snop  }
0x7: {  	_ = 	snop  }
__scs_overlays_trampoline_lowered:
0x8: {  	[smem:$0x3F7C] =	sst s0  }
0x9: {  	[smem:$0x3F7D] =	sst s1  }
0xa: {  	[smem:$0x3F7E] =	sst s2  }
0xb: {  	[smem:$0x3F7F] =	sst s3  }
0xc: {  	[smem:$0x3F80] =	sst s4  }
0xd: {  	[smem:$0x3F81] =	sst s5  }
0xe: {  	[smem:$0x3F82] =	sst s6  }
0xf: {  	[smem:$0x3F83] =	sst s7  }
0x10: {  	[smem:$0x3F84] =	sst s8  }
0x11: {  	[smem:$0x3F85] =	sst s9;
	s0 =	simm.s32 @!p0 $0x0  }
0x12: {  	s1 =	sld [smem:$0x3F6B];
	s0 =	simm.s32 @p0 $0x1  }
0x13: {  	[smem:$0x3F86] =	sst s0;
	s0 =	simm.s32 @!p1 $0x0  }
0x14: {  	s2 =	sld [smem:$0x3F6A];
	s0 =	simm.s32 @p1 $0x1  }
0x15: {  	[smem:$0x3F87] =	sst s0;
	s0 =	simm.s32 @!p2 $0x0  }
0x16: {  	s3 =	sld [smem:$0x3FDB];
	s0 =	simm.s32 @p2 $0x1  }
0x17: {  	s4 =	simm.s32 $0x1BF5;
	[smem:$0x3F89] =	sst s0  }
0x18: {  	s0 =	sld [smem:$0x3F6C];
	_ =	swait.ge [sflag:s4], $0x0  }
0x19: {  	s7 =	sld [smem:$0x3F6D]  }
0x1a: {  	s8 =	sadd.s32 $0xFFFFE003, lr  }
0x1b: {  	s9 =	sadd.s32 $0xFFFFFEF7, lr;
	s5 =	simm.s32 $0xFFFFFFFF;
	p2 =	slt.u32 s8, $0xFFFFF086  }
0x1c: {  	p1 =	slt.u32 s9, $0xF7A;
	s5 =	simm.s32 @!p2 $0x0  }
0x1d: {  	s5 =	simm.s32 @p1 $0x1;
	p0 =	seq.s32 s7, s2  }
0x1e: {  	s7 =	smul.u32 @!p0 $0xF7A, s2;
	p2 =	seq.s32 @!p0 s5, $0x0  }
0x1f: {  	s9 =	smul.u32 $0xF7A, s1;
	s8 =	simm.s32 @!p0 $0x1BF5;
	p2 =	por !p2, p0  }
0x20: {  	[sflag:s8] =	ssyncset.s32 @!p0 $0xFFFFF086;
	s6 =	sadd.s32 @!p0 s3, s7;
	s7 =	simm.s32 @!p0 $0x108  }
0x21: {  	s3 =	sadd.s32 s3, s9;
	s6 =	sadd.s32 @!p0 $0x88, s6;
	s7 =	simm.s32 @p2 $0x1082  }
0x22: {  	[simem:s7], [sflag:s8] =	dma.local @!p0 [hbm:s6], $0xF7A  }
0x23: {  	s9 =	sor.u32 $0xD0000000, s2;
	s6 =	simm.s32 $0x108;
	_ =	swait.ge @!p0 [sflag:s8], $0x0  }
0x24: {  	s3 =	sadd.s32 $0x88, s3;
	s6 =	simm.s32 @!p1 $0x1082;
	[sflag:s4] =	ssyncset.s32 $0xFFFFF086  }
0x25: {  	[simem:s6], [sflag:s4] =	dma.local [hbm:s3], $0xF7A  }
0x26: {  	[smem:$0x3F6D] =	sst s1;
	(tag) =	ssettag s2;
	_ =	strace s9  }
0x27: {  	s1 =	sld [smem:$0x3F7D]  }
0x28: {  	s2 =	sld [smem:$0x3F7E]  }
0x29: {  	s4 =	sld [smem:$0x3F80]  }
0x2a: {  	p0 =	seq.s32 s5, $0x0;
	s5 =	sld [smem:$0x3F81]  }
0x2b: {  	s6 =	sld [smem:$0x3F82]  }
0x2c: {  	s7 =	sld [smem:$0x3F83]  }
0x2d: {  	s3 =	simm.s32 $0x108;
	s8 =	sld [smem:$0x3F84]  }
0x2e: {  	s3 =	simm.s32 @!p0 $0x1082;
	s9 =	sld [smem:$0x3F85]  }
0x2f: {  	lr =	sadd.s32 s0, s3;
	s0 =	sld [smem:$0x3F7C]  }
0x30: {  	s3 =	sld [smem:$0x3F7F]  }
0x31: {  	[smem:$0x3F88] =	sst s10  }
0x32: {  	s10 =	sld [smem:$0x3F86];
	_ =	sdelay $0x3  }
0x33: {  	p0 =	seq.s32 s10, $0x1;
	s10 =	sld [smem:$0x3F88];
	_ =	sdelay $0x3  }
0x34: {  	[smem:$0x3F88] =	sst s10  }
0x35: {  	s10 =	sld [smem:$0x3F87];
	_ =	sdelay $0x3  }
0x36: {  	p1 =	seq.s32 s10, $0x1;
	s10 =	sld [smem:$0x3F88];
	_ =	sdelay $0x3  }
0x37: {  	[smem:$0x3F88] =	sst s10  }
0x38: {  	s10 =	sld [smem:$0x3F89]  }
0x39: {  	_ = 	snop;
	(pc) =	sbr.ind lr, $3  }
0x3a: {  	_ = 	snop  }
0x3b: {  	_ = 	snop  }
0x3c: {  	p2 =	seq.s32 s10, $0x1;
	s10 =	sld [smem:$0x3F88]  }
0x3d: {  	_ =	shalt  }
0x3e: {  	_ =	shalt  }
0x3f: {  	_ =	shalt  }
0x40: {  	_ =	shalt  }
0x41: {  	_ =	shalt  }
0x42: {  	_ =	shalt  }
0x43: {  	_ =	shalt  }
0x44: {  	_ =	shalt  }
0x45: {  	_ =	shalt  }
0x46: {  	_ =	shalt  }
0x47: {  	_ =	shalt  }
0x48: {  	_ =	shalt  }
0x49: {  	_ =	shalt  }
0x4a: {  	_ =	shalt  }
0x4b: {  	_ =	shalt  }
0x4c: {  	_ =	shalt  }
0x4d: {  	_ =	shalt  }
0x4e: {  	_ =	shalt  }
0x4f: {  	_ =	shalt  }
0x50: {  	_ =	shalt  }
0x51: {  	_ =	shalt  }
0x52: {  	_ =	shalt  }
0x53: {  	_ =	shalt  }
0x54: {  	_ =	shalt  }
0x55: {  	_ =	shalt  }
0x56: {  	_ =	shalt  }
0x57: {  	_ =	shalt  }
0x58: {  	_ =	shalt  }
0x59: {  	_ =	shalt  }
0x5a: {  	_ =	shalt  }
0x5b: {  	_ =	shalt  }
0x5c: {  	_ =	shalt  }
0x5d: {  	_ =	shalt  }
0x5e: {  	_ =	shalt  }
0x5f: {  	_ =	shalt  }
0x60: {  	_ =	shalt  }
0x61: {  	_ =	shalt  }
0x62: {  	_ =	shalt  }
0x63: {  	_ =	shalt  }
0x64: {  	_ =	shalt  }
0x65: {  	_ =	shalt  }
0x66: {  	_ =	shalt  }
0x67: {  	_ =	shalt  }
0x68: {  	_ =	shalt  }
0x69: {  	_ =	shalt  }
0x6a: {  	_ =	shalt  }
0x6b: {  	_ =	shalt  }
0x6c: {  	_ =	shalt  }
0x6d: {  	_ =	shalt  }
0x6e: {  	_ =	shalt  }
0x6f: {  	_ =	shalt  }
0x70: {  	_ =	shalt  }
0x71: {  	_ =	shalt  }
0x72: {  	_ =	shalt  }
0x73: {  	_ =	shalt  }
0x74: {  	_ =	shalt  }
0x75: {  	_ =	shalt  }
0x76: {  	_ =	shalt  }
0x77: {  	_ =	shalt  }
0x78: {  	_ =	shalt  }
0x79: {  	_ =	shalt  }
0x7a: {  	_ =	shalt  }
0x7b: {  	_ =	shalt  }
0x7c: {  	_ =	shalt  }
0x7d: {  	_ =	shalt  }
0x7e: {  	_ =	shalt  }
0x7f: {  	_ =	shalt  }
0x80: {  	_ =	shalt  }
0x81: {  	_ =	shalt  }
0x82: {  	_ =	shalt  }
0x83: {  	_ =	shalt  }
0x84: {  	_ =	shalt  }
0x85: {  	_ =	shalt  }
0x86: {  	_ =	shalt  }
0x87: {  	_ =	shalt  }
.Lfunc_end0:
.L_simem_size_0:
called_computation_lowered:
.L_overlay_start_0:
0x88: {  	s2 =	sld [smem:$0x3FD9]  }
0x89: {  	s3 =	sld [smem:$0x3FFE];
	_ =	sdelay $0x1  }
0x8a: {  	s1 =	srdreg.scid  }
0x8b: {  	s0 =	sand.u32 $0x1, s1  }
0x8c: {  	s16 =	sshll.u32 s0, $0xA;
	s2 =	sadd.s32 s3, s2  }
0x8d: {  	s2 =	sadd.s32 s2, s16  }
0x8e: {  	[smem:$0x3F94] =	sst s2  }
0x8f: {  	_ = 	snop  }
0x90: {  	(tm) =	ssettm $0x1  }
0x91: {  	s17 =	sld [smem:$0x3FFB];
	_ =	sdelay $0x3  }
0x92: {  	_ =	strace s17  }
0x93: {  	s2 =	sld [smem:$0x3FFC];
	_ =	sdelay $0x3  }
0x94: {  	_ =	strace s2  }
0x95: {  	s2 =	sld [smem:$0x3FFD];
	_ =	sdelay $0x3  }
0x96: {  	_ =	strace s2  }
0x97: {  	_ =	strace $0x8FFFFFFF  }
0x98: {  	s18 =	sld [smem:$0x3FDB];
	_ =	sdelay $0x1  }
0x99: {  	s19 =	simm.s32 $_scs_section_size  }
0x9a: {  	s4 =	simm.s32 $_size__tile_overlayer_lowered;
	s5 =	simm.s32 $_tile_overlayer_lowered  }
0x9b: {  	s22 =	simm.s32 $0x1BFF;
	s21 =	sshll.u32 s5, $0x1;
	s2 =	sadd.s32 s19, s18  }
0x9c: {  	s6 =	simm.s32 $0x0;
	s20 =	sshll.u32 s4, $0x1;
	s4 =	sadd.s32 s21, s2  }
0x9d: {  	[timem:s6], [sflag:s22] =	dma.local [hbm:s4], s20  }
0x9e: {  	_ =	swait.ge [sflag:s22], s20  }
0x9f: {  	s3 =	ssub.s32 $0x0, s20;
	[sflag:s22] =	ssyncset.done $0x0  }
0xa0: {  	[sflag:s22] =	ssyncadd.s32 s3;
	_ =	sdelay $0x1  }
0xa1: {  	s23 =	simm.s32 $0x1B8B  }
0xa2: {  	_ =	swait.ge [sflag:s23], $0x1  }
0xa3: {  	[sflag:s23] =	ssyncset.done $0x0  }
0xa4: {  	s25 =	simm.s32 $0x1B8E;
	s24 =	sld [smem:$0x3FFE];
	[sflag:s23] =	ssyncadd.s32 $0xFFFFFFFF  }
0xa5: {  	s26 =	simm.s32 $execute0_lowered;
	[smem:$0x3FD2] =	sst s25  }
0xa6: {  	s4 =	sshll.u32 s26, $0x1;
	_ =	strace $0x80000046;
	[dreg:$0x1] =	wrdreg $0xFFFFFFFF  }
0xa7: {  	s28 =	simm.s32 $_size_execute0_lowered;
	s2 =	sadd.s32 s2, s4;
	[dreg:$0x0] =	wrdreg $0x0  }
0xa8: {  	s4 =	sshll.u32 s28, $0x1;
	[dreg:$0x2] =	wrdreg s2  }
0xa9: {  	[dreg:$0x3] =	wrdreg s4  }
0xaa: {  	[dreg:$0x4] =	wrdreg $0xC0  }
0xab: {  	_ =	task [dreg:s6], $0x5FFFF  }
0xac: {  	[dreg:$0x1] =	wrdreg $0xFFFFFFFF  }
0xad: {  	[dreg:$0x0] =	wrdreg $0x60  }
0xae: {  	[dreg:$0x2] =	wrdreg s24  }
0xaf: {  	[dreg:$0x3] =	wrdreg $0x42800  }
0xb0: {  	[dreg:$0x4] =	wrdreg $0x9  }
0xb1: {  	_ =	task.clear_ibuf [dreg:s6], $0x5FFFF;
	_ =	strace $0x90000046  }
0xb2: {  	s29 =	simm.s32 $0x9;
	_ =	strace $0x80000048  }
0xb3: {  	_ =	swait.ge [sflag:s29], $0x1  }
0xb4: {  	[sflag:s29] =	ssyncadd.s32 $0xFFFFFFFF  }
0xb5: {  	_ =	strace $0x90000048  }
0xb6: {  	_ =	sfence  }
0xb7: {  	s30 =	sld [smem:$0x0];
	_ =	sdelay $0x2  }
0xb8: {  	s31 =	sshll.u32 s1, $0xD;
	s1 =	sshrl.u32 s1, $0x2  }
0xb9: {  	s3 =	sand.u32 $0x4000, s31;
	s1 =	sadd.s32 s1, s30  }
0xba: {  	s0 =	sor.u32 s3, s0;
	s1 =	sshll.u32 s1, $0x11  }
0xbb: {  	s0 =	sor.u32 s1, s0  }
0xbc: {  	s0 =	sadd.s32 $0x8F2B, s0  }
0xbd: {  	[sflag:s0] =	ssyncadd.remote.s32 $0x1  }
0xbe: {  	_ =	sfence.sel $0xFFFF  }
0xbf: {  	[dreg:$0x0] =	wrdreg $0xFFFFFFFF;
	(pc) =	sbr.abs _section_cstart, $3  }
0xc0: {  	[dreg:$0x1] =	wrdreg $0xFFFFFFFF  }
0xc1: {  	_ =	task.clear_ibuf [dreg:s6], $0x2FFFF;
	_ =	strace $0x9FFFFFFF  }
0xc2: {  	(tm) =	ssettm $0x7FFFFFFF  }
0xc3: {  	_ =	shalt  }
tec
execute0_lowered:
.L_overlay_start_1:
0x0: {  	(tag) =	ssettag $0x1  }
0x1: {  	s0 =	rddreg [dreg:$0x0]  }
0x2: {  	s1 =	rddreg [dreg:$0x1];
	s2 =	simm.s32 $0x0  }
0x3: {  	s6 =	srdreg.scid;
	s14 =	simm.s32 $0x30E8;
	s18 =	simm.s32 $0x4200  }
0x4: {  	s19 =	simm.s32 $0x3200;
	s20 =	simm.s32 $0x3;
	s21 =	simm.s32 $0x2000  }
0x5: {  	s28 =	simm.s32 $0x3180;
	s29 =	simm.s32 $0x2100;
	[smem:$0x7FF] =	sst s2  }
0x6: {  	s25 =	simm.s32 $0x1;
	s3 =	sadd.s32 $0xDF7200, s0;
	s4 =	sadd.s32 $0xEBAC00, s0  }
0x7: {  	s5 =	sadd.s32 $0xDDEA00, s0;
	s7 =	sadd.s32 $0xDC6200, s0;
	s26 =	sand.u32 $0x1, s6  }
0x8: {  	s8 =	sadd.s32 $0x191A00, s0;
	s6 =	stileid.u32;
	s15 =	smul.u32 $0x61D0, s26  }
0x9: {  	s0 =	simm.s32 $0x61D0;
	_ =	strace $0x80000047;
	s9 =	smul.u32 $0x30E8, s26  }
0xa: {  	s10 =	ssub.s32 $0x2, s26;
	p0 =	seq.s32 s26, $0x0;
	s12 =	smul.u32 $0x61A8, s6  }
0xb: {  	s31 =	sshll.u32 s6, $0x5;
	s26 =	simm.s32 $0x3100;
	s11 =	sshrl.u32 s10, $0x1  }
0xc: {  	s0 =	simm.s32 @!p0 $0x6180;
	s14 =	simm.s32 @!p0 $0x30C0;
	[dreg:$0x6] =	wrdreg s31  }
0xd: {  	s16 =	ssub.s32 s10, s11;
	s10 =	smul.u32 $0x311, s6;
	s13 =	sadd.s32 $0x61A8, s12  }
0xe: {  	s17 =	sadd.s32 $0x18, s14;
	s30 =	sshrl.u32 s12, $0x4;
	s14 =	sadd.s32 $0xFFFFFFE0, s14  }
0xf: {  	s12 =	sshrl.u32 s13, $0x4;
	s16 =	smax.u32 s16, $0x1;
	[dreg:$0x4] =	wrdreg s30  }
0x10: {  	v1 =	vlaneseq.u32;
	v5 =	vimm.f32 $0.0e+00;
	s13 =	sshrl.u32 s17, $0x5;
	s17 =	simm.s32 $0x20;
	[dreg:$0x5] =	wrdreg s16  }
0x11: {  	v6 =	vadd.s32 $0x30E8, v1;
	v7 =	vadd.s32 $0x30F8, v1;
	v0 =	vmov s15;
	s23 =	sadd.s32 $0x2F1, s10;
	s24 =	sadd.s32 $0x301, s10;
	p0 =	sge.u32 s30, s12  }
0x12: {  	v2 =	vmov s0;
	s16 =	simm.s32 $0x2080;
	v3 =	vadd.s32 s23, v1;
	v4 =	vadd.s32 s24, v1;
	s23 =	simm.s32 $0x1000;
	s24 =	simm.s32 $0x2  }
.LBB2_1:
0x13: {  	s0 =	simm.s32 $0x0;
	s15 =	simm.s32 $0x200  }
.LBB2_2:
0x14: {  	p1 =	sne.s32 s15, $0x3E00;
	[tilespmem:s0+$0x3270] =	vst v5  }
0x15: {  	[tilespmem:s0+$0x3200] =	vst v5  }
0x16: {  	[tilespmem:s0+$0x3210] =	vst v5  }
.Ltmp0:
0x17: {  	[tilespmem:s0+$0x3220] =	vst v5;
	(pc) =	sbr.rel @p1 .LBB2_2-.Ltmp0, $4  }
0x18: {  	[tilespmem:s0+$0x3230] =	vst v5  }
0x19: {  	[tilespmem:s0+$0x3240] =	vst v5  }
0x1a: {  	[tilespmem:s0+$0x3250] =	vst v5  }
0x1b: {  	[tilespmem:s0+$0x3260] =	vst v5;
	s0 =	sshra.s32 s15, $0x2;
	s15 =	sadd.s32 $0x200, s15  }
0x1c: {  	[tilespmem:s0+$0x3270] =	vst v5  }
0x1d: {  	[tilespmem:s0+$0x3200] =	vst v5  }
0x1e: {  	[tilespmem:s0+$0x3210] =	vst v5  }
0x1f: {  	[tilespmem:s0+$0x3220] =	vst v5  }
0x20: {  	[tilespmem:s0+$0x3230] =	vst v5  }
0x21: {  	[tilespmem:s0+$0x3240] =	vst v5  }
0x22: {  	[tilespmem:s0+$0x3250] =	vst v5  }
0x23: {  	[tilespmem:s0+$0x3260] =	vst v5;
	s15 =	simm.s32 $0x200;
	s0 =	simm.s32 $0x0  }
.LBB2_4:
0x24: {  	p1 =	sne.s32 s15, $0x3E00;
	[tilespmem:s0+$0x2130] =	vst v5;
	s30 =	smov.u32 s15;
	s15 =	sadd.s32 $0x200, s15  }
.Ltmp1:
0x25: {  	[tilespmem:s0+$0x2120] =	vst v5;
	(pc) =	sbr.rel @p1 .LBB2_4-.Ltmp1, $3  }
0x26: {  	[tilespmem:s0+$0x2100] =	vst v5  }
0x27: {  	[tilespmem:s0+$0x2110] =	vst v5;
	_ =	sdelay $0x1  }
0x28: {  	s0 =	sshra.s32 s30, $0x2  }
0x29: {  	[tilespmem:s0+$0x2130] =	vst v5  }
0x2a: {  	[tilespmem:s0+$0x2120] =	vst v5  }
0x2b: {  	[tilespmem:s0+$0x2100] =	vst v5;
	s15 =	sadd.s32 $0x0, s10  }
0x2c: {  	[tilespmem:s0+$0x2110] =	vst v5;
	v8 =	vadd.s32 s15, v1;
	s31 =	sadd.s32 $0x10, s15  }
0x2d: {  	[tilespmem:$0x4200] =	vst v8;
	v8 =	vadd.s32 s31, v1  }
0x2e: {  	[tilespmem:$0x4210] =	vst v8  }
0x2f: {  	[spmem:s1] =	stream.indirect.scatter [tilespmem:s19], [sflag:$0x3], $0x80, s18, s17, $0xb8;
	[tilespmem:$0x1CB00] =	vst v63  }
0x30: {  	s0 =	simm.s32 $0x20;
	_ =	swait.ge [sflag:s20], $0x1000  }
.LBB2_6:
0x31: {  	s15 =	sadd.s32 s0, s10;
	[sflag:s20] =	ssyncset.done $0x0;
	p1 =	sne.s32 s0, $0x2E0  }
.Ltmp2:
0x32: {  	v8 =	vadd.s32 s15, v1;
	s15 =	sadd.s32 $0x10, s15;
	[sflag:s20] =	ssyncadd.s32 $0xFFFFF000;
	(pc) =	sbr.rel @p1 .LBB2_6-.Ltmp2, $4  }
0x33: {  	s0 =	sadd.s32 $0x20, s0;
	[tilespmem:$0x4200] =	vst v8;
	v8 =	vadd.s32 s15, v1  }
0x34: {  	[tilespmem:$0x4210] =	vst v8  }
0x35: {  	[spmem:s1] =	stream.indirect.scatter [tilespmem:s19], [sflag:$0x3], $0x80, s18, s17, $0xb8;
	[tilespmem:$0x1CB00] =	vst v63  }
0x36: {  	_ =	swait.ge [sflag:s20], $0x1000  }
0x37: {  	[sflag:s20] =	ssyncset.done $0x0  }
0x38: {  	[sflag:s20] =	ssyncadd.s32 $0xFFFFF000  }
0x39: {  	[tilespmem:$0x4200] =	vst v3  }
0x3a: {  	[tilespmem:$0x4210] =	vst v4  }
0x3b: {  	[spmem:s1] =	stream.indirect.scatter [tilespmem:s19], [sflag:$0x3], $0x80, s18, s17, $0xb8;
	[tilespmem:$0x1CB00] =	vst v63  }
.Ltmp3:
0x3c: {  	_ =	swait.ge [sflag:s20], $0x1000;
	(pc) =	sbr.rel @p0 .LBB2_11-.Ltmp3, $4  }
0x3d: {  	[sflag:s20] =	ssyncset.done $0x0  }
0x3e: {  	[sflag:s20] =	ssyncadd.s32 $0xFFFFF000  }
0x3f: {  	[bflag:$0x0] =	sbarrier.arrive $0xFFFF  }
0x40: {  	s30 =	rddreg [dreg:$0x4]  }
.LBB2_8:
0x41: {  	s0 =	sshll.u32 s30, $0x2  }
0x42: {  	s31 =	simm.s32 $0x0;
	s15 =	sadd.s32 s5, s0  }
0x43: {  	[tilespmem:s21], [sflag:$0x3] =	stream.linear.gather [hbm4b:s15+s31], $0x20, $0x38;
	[tilespmem:$0x1CB00] =	vst v63  }
0x44: {  	_ =	swait.ge [sflag:s20], $0x20  }
0x45: {  	[sflag:s20] =	ssyncset.done $0x0  }
0x46: {  	s0 =	sadd.s32 s7, s0;
	[sflag:s20] =	ssyncadd.s32 $0xFFFFFFE0  }
0x47: {  	[tilespmem:s16], [sflag:$0x3] =	stream.linear.gather [hbm4b:s0+s31], $0x20, $0x38;
	[tilespmem:$0x1CB00] =	vst v63  }
0x48: {  	_ =	swait.ge [sflag:s20], $0x20  }
0x49: {  	[sflag:s20] =	ssyncset.done $0x0  }
0x4a: {  	s22 =	sshll.u32 s30, $0x9;
	[sflag:s20] =	ssyncadd.s32 $0xFFFFFFE0  }
0x4b: {  	[tilespmem:s23], [sflag:$0x1] =	stream.indirect.gather [hbm4b:s3+s17], $0x80, s21, s17, $0xb8;
	[tilespmem:$0x1CB00] =	vst v63  }
0x4c: {  	s0 =	sadd.s32 s4, s22  }
0x4d: {  	[tilespmem:s31], [sflag:$0x2] =	stream.linear.gather [hbm4b:s0+s31], $0x1000, $0x38;
	[tilespmem:$0x1CB00] =	vst v63  }
0x4e: {  	v8 =	vld [tilespmem:$0x2080]  }
0x4f: {  	v9 =	vld [tilespmem:$0x2090];
	_ =	sdelay $0x4  }
0x50: {  	v10 =	vsub.s32 v8, v0;
	v8 =	vand.u32 $0x1, v8;
	v11 =	vsub.s32 v9, v0  }
0x51: {  	v9 =	vand.u32 $0x1, v9;
	vm0 =	vgt.s32 v10, $0xFFFFFFFF;
	vm1 =	vlt.s32 v10, v2  }
0x52: {  	vm2 =	veq.s32 v8, $0x0;
	v8 =	vshra.s32 v10, $0x1;
	vm13 =	vgt.s32 v11, $0xFFFFFFFF  }
0x53: {  	vm14 =	vlt.s32 v11, v2;
	vm15 =	veq.s32 v9, $0x0;
	vm0 =	vmand vm0, vm1  }
0x54: {  	v9 =	vshra.s32 v11, $0x1;
	vm1 =	vmand vm2, vm0;
	vm0 =	vmneg vm0  }
0x55: {  	v10 =	vsel vm1, v8, v6;
	vm0 =	vmor vm2, vm0;
	vm1 =	vmand vm13, vm14  }
0x56: {  	v8 =	vsel vm0, v7, v8;
	[tilespmem:$0x3100] =	vst v10;
	vm2 =	vmand vm15, vm1;
	vm1 =	vmneg vm1  }
0x57: {  	[tilespmem:$0x3180] =	vst v8;
	v8 =	vsel vm2, v9, v6;
	vm0 =	vmor vm15, vm1  }
0x58: {  	[tilespmem:$0x3110] =	vst v8;
	v8 =	vsel vm0, v7, v9  }
0x59: {  	[tilespmem:$0x3190] =	vst v8  }
0x5a: {  	_ =	swait.ge [sflag:s24], $0x1000  }
0x5b: {  	[sflag:s24] =	ssyncset.done $0x0  }
0x5c: {  	[sflag:s24] =	ssyncadd.s32 $0xFFFFF000  }
0x5d: {  	_ =	swait.ge [sflag:s25], $0x1000  }
0x5e: {  	[sflag:s25] =	ssyncset.done $0x0  }
0x5f: {  	s0 =	simm.s32 $0x0;
	[sflag:s25] =	ssyncadd.s32 $0xFFFFF000  }
0x60: {  	v8 =	vld [tilespmem:s0+$0x0]  }
0x61: {  	v9 =	vld [tilespmem:s0+$0x10]  }
0x62: {  	v13 =	vld [tilespmem:s0+$0x20]  }
0x63: {  	v14 =	vld [tilespmem:s0+$0x30]  }
0x64: {  	v11 =	vld [tilespmem:s0+$0x1000]  }
0x65: {  	v12 =	vld [tilespmem:s0+$0x1010]  }
0x66: {  	v15 =	vld [tilespmem:s0+$0x1020]  }
0x67: {  	v16 =	vld [tilespmem:s0+$0x1030]  }
0x68: {  	s31 =	simm.s32 $0x80  }
0x69: {  	v10 =	vld [tilespmem:s31+$0x0];
	v17 =	vadd.f32 v8, v11  }
0x6a: {  	v11 =	vld [tilespmem:s31+$0x10];
	v18 =	vadd.f32 v9, v12  }
0x6b: {  	v8 =	vld [tilespmem:s31+$0x20];
	v12 =	vmax.f32 v17, $0.0e+00;
	v17 =	vadd.f32 v13, v15  }
0x6c: {  	v9 =	vld [tilespmem:s31+$0x30];
	v14 =	vadd.f32 v14, v16;
	v13 =	vmax.f32 v18, $0.0e+00;
	[tilespmem:s0+$0x1000] =	vst v12  }
0x6d: {  	v15 =	vld [tilespmem:s31+$0x1000];
	[tilespmem:s0+$0x1010] =	vst v13;
	v16 =	vmax.f32 v17, $0.0e+00  }
0x6e: {  	v18 =	vmax.f32 v14, $0.0e+00;
	v17 =	vld [tilespmem:s31+$0x1010];
	[tilespmem:s0+$0x1020] =	vst v16  }
0x6f: {  	s15 =	simm.s32 $0x400;
	v14 =	vld [tilespmem:s31+$0x1020];
	[tilespmem:s0+$0x1030] =	vst v18  }
.LBB2_9:
0x70: {  	p1 =	sne.s32 s15, $0x3E00;
	v19 =	vld [tilespmem:s31+$0x1030];
	[tilespmem:s0+$0x2140] =	vst v12  }
0x71: {  	s11 =	sshra.s32 s15, $0x2;
	[tilespmem:s0+$0x2150] =	vst v13  }
0x72: {  	v12 =	vadd.f32 v10, v15;
	v10 =	vld [tilespmem:s11+$0x0];
	[tilespmem:s0+$0x2160] =	vst v16  }
0x73: {  	v13 =	vadd.f32 v11, v17;
	v11 =	vld [tilespmem:s11+$0x10];
	[tilespmem:s0+$0x2170] =	vst v18;
	s0 =	smov.u32 s31;
	s31 =	smov.u32 s11  }
.Ltmp4:
0x74: {  	v12 =	vmax.f32 v12, $0.0e+00;
	v14 =	vadd.f32 v8, v14;
	v8 =	vld [tilespmem:s31+$0x20];
	(pc) =	sbr.rel @p1 .LBB2_9-.Ltmp4, $4  }
0x75: {  	[tilespmem:s0+$0x1000] =	vst v12;
	v13 =	vmax.f32 v13, $0.0e+00;
	v18 =	vadd.f32 v9, v19;
	v9 =	vld [tilespmem:s31+$0x30]  }
0x76: {  	v15 =	vld [tilespmem:s31+$0x1000];
	[tilespmem:s0+$0x1010] =	vst v13;
	v16 =	vmax.f32 v14, $0.0e+00  }
0x77: {  	v17 =	vld [tilespmem:s31+$0x1010];
	[tilespmem:s0+$0x1020] =	vst v16;
	v18 =	vmax.f32 v18, $0.0e+00  }
0x78: {  	s15 =	sadd.s32 $0x200, s15;
	v14 =	vld [tilespmem:s31+$0x1020];
	[tilespmem:s0+$0x1030] =	vst v18  }
0x79: {  	_ = 	snop  }
0x7a: {  	v19 =	vld [tilespmem:s31+$0x1030];
	[tilespmem:s0+$0x2140] =	vst v12  }
0x7b: {  	[tilespmem:s0+$0x2150] =	vst v13;
	v10 =	vadd.f32 v10, v15  }
0x7c: {  	[tilespmem:s0+$0x2160] =	vst v16  }
0x7d: {  	[tilespmem:s0+$0x2170] =	vst v18;
	v11 =	vadd.f32 v11, v17;
	v10 =	vmax.f32 v10, $0.0e+00  }
0x7e: {  	[tilespmem:s31+$0x1000] =	vst v10  }
0x7f: {  	v8 =	vadd.f32 v8, v14;
	v11 =	vmax.f32 v11, $0.0e+00;
	[tilespmem:s31+$0x2140] =	vst v10  }
0x80: {  	[tilespmem:s31+$0x1010] =	vst v11  }
0x81: {  	v9 =	vadd.f32 v9, v19;
	v8 =	vmax.f32 v8, $0.0e+00;
	[tilespmem:s31+$0x2150] =	vst v11  }
0x82: {  	[tilespmem:s31+$0x1020] =	vst v8  }
0x83: {  	v9 =	vmax.f32 v9, $0.0e+00;
	[tilespmem:s31+$0x2160] =	vst v8  }
0x84: {  	[tilespmem:s31+$0x1030] =	vst v9  }
0x85: {  	[tilespmem:s31+$0x2170] =	vst v9  }
0x86: {  	[spmem:s1] =	stream.indirect.scatter.add.f32 [tilespmem:s23], [sflag:$0x3], $0x80, s26, s17, $0xb8;
	[tilespmem:$0x1CB00] =	vst v63  }
0x87: {  	s30 =	sadd.s32 $0x1, s30;
	_ =	swait.ge [sflag:s20], $0x1000  }
0x88: {  	p1 =	sne.s32 s30, s12;
	[sflag:s20] =	ssyncset.done $0x0  }
.Ltmp5:
0x89: {  	[sflag:s20] =	ssyncadd.s32 $0xFFFFF000;
	(pc) =	sbr.rel @p1 .LBB2_8-.Ltmp5, $4  }
0x8a: {  	[spmem:s1] =	stream.indirect.scatter.add.f32 [tilespmem:s29], [sflag:$0x3], $0x80, s28, s17, $0xb8;
	[tilespmem:$0x1CB00] =	vst v63  }
0x8b: {  	_ =	swait.ge [sflag:s20], $0x1000  }
0x8c: {  	[sflag:s20] =	ssyncset.done $0x0  }
0x8d: {  	[sflag:s20] =	ssyncadd.s32 $0xFFFFF000  }
.LBB2_11:
0x8e: {  	[dreg:$0x3] =	wrdreg s2;
	s0 =	sadd.s32 $0x0, s6  }
0x8f: {  	s2 =	rddreg [dreg:$0x6];
	p1 =	sge.u32 s0, s13  }
0x90: {  	p2 =	slt.s32 @!p1 s2, s14  }
0x91: {  	s0 =	smov.u32 s2;
	p2 =	por !p2, p1;
	p1 =	por p1, p1  }
0x92: {  	s0 =	smov.u32 @p2 s14;
	v8 =	vlaneseq.u32 @!p1  }
0x93: {  	[bflag:$0x0] =	sbarrier.arrive $0xFFFF;
	v9 =	vadd.s32 @!p1 s0, v8;
	s11 =	sor.u32 @!p1 $0x10, s0  }
0x94: {  	s15 =	simm.s32 @!p1 $0x20;
	s30 =	simm.s32 @!p1 $0x4200;
	[tilespmem:$0x4200] =	vst @!p1 v9;
	v8 =	vadd.s32 @!p1 s11, v8  }
0x95: {  	s31 =	simm.s32 @!p1 $0x3200;
	s0 =	sadd.s32 @!p1 s9, s0;
	s11 =	simm.s32 @!p1 $0x4;
	[tilespmem:$0x4210] =	vst @!p1 v8  }
0x96: {  	[tilespmem:s31], [sflag:$0x4] =	stream.indirect.gather @!p1 [spmem:s1], $0x80, s30, s15, $0xb8;
	[tilespmem:$0x1CB00] =	vst v63  }
0x97: {  	s0 =	sshll.u32 @!p1 s0, $0x4;
	_ =	swait.ge @!p1 [sflag:s11], $0x1000  }
0x98: {  	s0 =	sadd.s32 @!p1 s8, s0;
	s15 =	simm.s32 @!p1 $0x3;
	[sflag:s11] =	ssyncset.done @!p1 $0x0  }
0x99: {  	s30 =	sadd.s32 $0x10, s6;
	[sflag:s11] =	ssyncadd.s32 @!p1 $0xFFFFF000;
	s11 =	simm.s32 @!p1 $0x0  }
0x9a: {  	[hbm4b:s0+s11] =	stream.linear.scatter @!p1 [tilespmem:s31], [sflag:$0x3], $0x1000, $0x38;
	[tilespmem:$0x1CB00] =	vst v63  }
0x9b: {  	p3 =	sge.u32 s30, s13;
	s0 =	sadd.s32 $0x200, s2;
	_ =	swait.ge @!p1 [sflag:s15], $0x1000  }
0x9c: {  	s30 =	simm.s32 $0x20;
	p4 =	slt.s32 @!p3 s0, s14;
	[sflag:s15] =	ssyncset.done @!p1 $0x0  }
.LBB2_12:
0x9d: {  	p4 =	por !p4, p3;
	[sflag:s15] =	ssyncadd.s32 @!p1 $0xFFFFF000;
	s11 =	smov.u32 s30  }
0x9e: {  	s30 =	sadd.s32 $0x10, s30;
	p1 =	por p3, p3;
	s15 =	smov.u32 s0  }
0x9f: {  	p2 =	sne.s32 s30, $0x190;
	s15 =	smov.u32 @p4 s14;
	v8 =	vlaneseq.u32 @!p1  }
0xa0: {  	v9 =	vadd.s32 @!p1 s15, v8;
	s31 =	sor.u32 @!p1 $0x10, s15;
	s15 =	sadd.s32 @!p1 s9, s15  }
0xa1: {  	[tilespmem:$0x4200] =	vst @!p1 v9;
	v8 =	vadd.s32 @!p1 s31, v8;
	s31 =	simm.s32 @!p1 $0x4;
	s15 =	sshll.u32 @!p1 s15, $0x4  }
0xa2: {  	s16 =	simm.s32 @!p1 $0x20;
	s2 =	simm.s32 @!p1 $0x4200;
	s22 =	simm.s32 @!p1 $0x3200;
	[tilespmem:$0x4210] =	vst @!p1 v8  }
0xa3: {  	[tilespmem:s22], [sflag:$0x4] =	stream.indirect.gather @!p1 [spmem:s1], $0x80, s2, s16, $0xb8;
	[tilespmem:$0x1CB00] =	vst v63  }
0xa4: {  	s2 =	sadd.s32 @!p1 s8, s15;
	_ =	swait.ge @!p1 [sflag:s31], $0x1000  }
.Ltmp6:
0xa5: {  	s15 =	simm.s32 @!p1 $0x3;
	[sflag:s31] =	ssyncset.done @!p1 $0x0;
	(pc) =	sbr.rel @p2 .LBB2_12-.Ltmp6, $4  }
0xa6: {  	s11 =	sadd.s32 s11, s6;
	s16 =	simm.s32 @!p1 $0x0;
	[sflag:s31] =	ssyncadd.s32 @!p1 $0xFFFFF000  }
0xa7: {  	[hbm4b:s2+s16] =	stream.linear.scatter @!p1 [tilespmem:s22], [sflag:$0x3], $0x1000, $0x38;
	[tilespmem:$0x1CB00] =	vst v63  }
0xa8: {  	s0 =	sadd.s32 $0x200, s0;
	p3 =	sge.u32 s11, s13;
	_ =	swait.ge @!p1 [sflag:s15], $0x1000  }
0xa9: {  	p4 =	slt.s32 @!p3 s0, s14;
	[sflag:s15] =	ssyncset.done @!p1 $0x0  }
0xaa: {  	p4 =	por !p4, p3;
	p2 =	por p3, p3  }
0xab: {  	s0 =	smov.u32 @p4 s14;
	v8 =	vlaneseq.u32 @!p2  }
0xac: {  	[sflag:s15] =	ssyncadd.s32 @!p1 $0xFFFFF000;
	v9 =	vadd.s32 @!p2 s0, v8;
	s2 =	sor.u32 @!p2 $0x10, s0  }
0xad: {  	s11 =	simm.s32 @!p2 $0x20;
	s15 =	simm.s32 @!p2 $0x4200;
	[tilespmem:$0x4200] =	vst @!p2 v9;
	v8 =	vadd.s32 @!p2 s2, v8  }
0xae: {  	s16 =	simm.s32 @!p2 $0x3200;
	s0 =	sadd.s32 @!p2 s9, s0;
	s2 =	simm.s32 @!p2 $0x4;
	[tilespmem:$0x4210] =	vst @!p2 v8  }
0xaf: {  	[tilespmem:s16], [sflag:$0x4] =	stream.indirect.gather @!p2 [spmem:s1], $0x80, s15, s11, $0xb8;
	[tilespmem:$0x1CB00] =	vst v63  }
0xb0: {  	s0 =	sshll.u32 @!p2 s0, $0x4;
	_ =	swait.ge @!p2 [sflag:s2], $0x1000  }
0xb1: {  	s0 =	sadd.s32 @!p2 s8, s0;
	[sflag:s2] =	ssyncset.done @!p2 $0x0  }
0xb2: {  	s11 =	simm.s32 @!p2 $0x3;
	[sflag:s2] =	ssyncadd.s32 @!p2 $0xFFFFF000;
	s2 =	simm.s32 @!p2 $0x0  }
0xb3: {  	[hbm4b:s0+s2] =	stream.linear.scatter @!p2 [tilespmem:s16], [sflag:$0x3], $0x1000, $0x38;
	[tilespmem:$0x1CB00] =	vst v63  }
0xb4: {  	_ =	swait.ge @!p2 [sflag:s11], $0x1000  }
0xb5: {  	s30 =	rddreg [dreg:$0x3]  }
0xb6: {  	s31 =	rddreg [dreg:$0x5];
	s2 =	sadd.s32 $0x1, s30  }
0xb7: {  	p1 =	sne.s32 s2, s31  }
.Ltmp7:
0xb8: {  	_ = 	snop;
	(pc) =	sbr.rel @p1 .LBB2_1-.Ltmp7, $3  }
0xb9: {  	_ =	sdelay $0x1  }
0xba: {  	[sflag:s11] =	ssyncset.done @!p2 $0x0  }
0xbb: {  	s16 =	simm.s32 $0x2080;
	[sflag:s11] =	ssyncadd.s32 @!p2 $0xFFFFF000  }
0xbc: {  	_ =	sfence.sel $0x180000  }
0xbd: {  	[bflag:$0x0] =	sbarrier.arrive $0xFFFF  }
0xbe: {  	_ =	strace $0x90000047  }
0xbf: {  	[bflag:$0x2] =	sbarrier.arrive $0xFFFF  }
0xc0: {  	p0 =	sne.s32 s6, $0x0;
	s0 =	rddreg [dreg:$0x2]  }
0xc1: {  	s0 =	sadd.s32 @!p0 $0x100000, s0  }
0xc2: {  	[sflag:s0] =	ssyncadd.tile.s32 @!p0 $0x1;
	_ =	shalt  }
.Lfunc_end2:
_tile_overlayer_lowered:
.L_overlay_start_2:
0xc3: {  	(tag) =	ssettag $0x2  }
0xc4: {  	s0 =	rddreg [dreg:$0x0];
	s2 =	stileid.u32  }
0xc5: {  	s1 =	rddreg [dreg:$0x1];
	p0 =	sne.s32 s2, $0x0  }
0xc6: {  	s3 =	rddreg [dreg:$0x2];
	[bflag:$0x3] =	sbarrier.arrive $0xFFFF;
	s2 =	simm.s32 @!p0 $0x1C03  }
0xc7: {  	[timem:s3], [sflag:s2] =	dma.local @!p0 [hbm:s0], s1  }
0xc8: {  	s0 =	simm.s32 @!p0 $0x3  }
0xc9: {  	_ =	swait.ge @!p0 [sflag:s0], s1  }
0xca: {  	s1 =	ssub.s32 @!p0 $0x0, s1;
	[sflag:s0] =	ssyncset.done @!p0 $0x0  }
0xcb: {  	[sflag:s0] =	ssyncadd.s32 @!p0 s1  }
0xcc: {  	[bflag:$0x3] =	sbarrier.arrive $0xFFFF  }
0xcd: {  	_ =	shalt  }

// kernel: kernel.14.cloned.1.call-start
scs
__scs_entry_jumppad:
0x0: {  	(pc) =	sbr.rel $0x88, $3  }
0x1: {  	(tag) =	ssettag $0x0;
	lr =	simm.s32 $0x1  }
0x2: {  	[smem:$0x3F6D] =	sst lr;
	_ =	strace $0xD0000000  }
0x3: {  	_ = 	snop  }
0x4: {  	_ = 	snop  }
0x5: {  	_ = 	snop  }
0x6: {  	_ = 	snop  }
0x7: {  	_ = 	snop  }
__scs_overlays_trampoline_lowered:
0x8: {  	[smem:$0x3F7C] =	sst s0  }
0x9: {  	[smem:$0x3F7D] =	sst s1  }
0xa: {  	[smem:$0x3F7E] =	sst s2  }
0xb: {  	[smem:$0x3F7F] =	sst s3  }
0xc: {  	[smem:$0x3F80] =	sst s4  }
0xd: {  	[smem:$0x3F81] =	sst s5  }
0xe: {  	[smem:$0x3F82] =	sst s6  }
0xf: {  	[smem:$0x3F83] =	sst s7  }
0x10: {  	[smem:$0x3F84] =	sst s8  }
0x11: {  	[smem:$0x3F85] =	sst s9;
	s0 =	simm.s32 @!p0 $0x0  }
0x12: {  	s1 =	sld [smem:$0x3F6B];
	s0 =	simm.s32 @p0 $0x1  }
0x13: {  	[smem:$0x3F86] =	sst s0;
	s0 =	simm.s32 @!p1 $0x0  }
0x14: {  	s2 =	sld [smem:$0x3F6A];
	s0 =	simm.s32 @p1 $0x1  }
0x15: {  	[smem:$0x3F87] =	sst s0;
	s0 =	simm.s32 @!p2 $0x0  }
0x16: {  	s3 =	sld [smem:$0x3FDB];
	s0 =	simm.s32 @p2 $0x1  }
0x17: {  	s4 =	simm.s32 $0x1BF5;
	[smem:$0x3F89] =	sst s0  }
0x18: {  	s0 =	sld [smem:$0x3F6C];
	_ =	swait.ge [sflag:s4], $0x0  }
0x19: {  	s7 =	sld [smem:$0x3F6D]  }
0x1a: {  	s8 =	sadd.s32 $0xFFFFE003, lr  }
0x1b: {  	s9 =	sadd.s32 $0xFFFFFEF7, lr;
	s5 =	simm.s32 $0xFFFFFFFF;
	p2 =	slt.u32 s8, $0xFFFFF086  }
0x1c: {  	p1 =	slt.u32 s9, $0xF7A;
	s5 =	simm.s32 @!p2 $0x0  }
0x1d: {  	s5 =	simm.s32 @p1 $0x1;
	p0 =	seq.s32 s7, s2  }
0x1e: {  	s7 =	smul.u32 @!p0 $0xF7A, s2;
	p2 =	seq.s32 @!p0 s5, $0x0  }
0x1f: {  	s9 =	smul.u32 $0xF7A, s1;
	s8 =	simm.s32 @!p0 $0x1BF5;
	p2 =	por !p2, p0  }
0x20: {  	[sflag:s8] =	ssyncset.s32 @!p0 $0xFFFFF086;
	s6 =	sadd.s32 @!p0 s3, s7;
	s7 =	simm.s32 @!p0 $0x108  }
0x21: {  	s3 =	sadd.s32 s3, s9;
	s6 =	sadd.s32 @!p0 $0x88, s6;
	s7 =	simm.s32 @p2 $0x1082  }
0x22: {  	[simem:s7], [sflag:s8] =	dma.local @!p0 [hbm:s6], $0xF7A  }
0x23: {  	s9 =	sor.u32 $0xD0000000, s2;
	s6 =	simm.s32 $0x108;
	_ =	swait.ge @!p0 [sflag:s8], $0x0  }
0x24: {  	s3 =	sadd.s32 $0x88, s3;
	s6 =	simm.s32 @!p1 $0x1082;
	[sflag:s4] =	ssyncset.s32 $0xFFFFF086  }
0x25: {  	[simem:s6], [sflag:s4] =	dma.local [hbm:s3], $0xF7A  }
0x26: {  	[smem:$0x3F6D] =	sst s1;
	(tag) =	ssettag s2;
	_ =	strace s9  }
0x27: {  	s1 =	sld [smem:$0x3F7D]  }
0x28: {  	s2 =	sld [smem:$0x3F7E]  }
0x29: {  	s4 =	sld [smem:$0x3F80]  }
0x2a: {  	p0 =	seq.s32 s5, $0x0;
	s5 =	sld [smem:$0x3F81]  }
0x2b: {  	s6 =	sld [smem:$0x3F82]  }
0x2c: {  	s7 =	sld [smem:$0x3F83]  }
0x2d: {  	s3 =	simm.s32 $0x108;
	s8 =	sld [smem:$0x3F84]  }
0x2e: {  	s3 =	simm.s32 @!p0 $0x1082;
	s9 =	sld [smem:$0x3F85]  }
0x2f: {  	lr =	sadd.s32 s0, s3;
	s0 =	sld [smem:$0x3F7C]  }
0x30: {  	s3 =	sld [smem:$0x3F7F]  }
0x31: {  	[smem:$0x3F88] =	sst s10  }
0x32: {  	s10 =	sld [smem:$0x3F86];
	_ =	sdelay $0x3  }
0x33: {  	p0 =	seq.s32 s10, $0x1;
	s10 =	sld [smem:$0x3F88];
	_ =	sdelay $0x3  }
0x34: {  	[smem:$0x3F88] =	sst s10  }
0x35: {  	s10 =	sld [smem:$0x3F87];
	_ =	sdelay $0x3  }
0x36: {  	p1 =	seq.s32 s10, $0x1;
	s10 =	sld [smem:$0x3F88];
	_ =	sdelay $0x3  }
0x37: {  	[smem:$0x3F88] =	sst s10  }
0x38: {  	s10 =	sld [smem:$0x3F89]  }
0x39: {  	_ = 	snop;
	(pc) =	sbr.ind lr, $3  }
0x3a: {  	_ = 	snop  }
0x3b: {  	_ = 	snop  }
0x3c: {  	p2 =	seq.s32 s10, $0x1;
	s10 =	sld [smem:$0x3F88]  }
0x3d: {  	_ =	shalt  }
0x3e: {  	_ =	shalt  }
0x3f: {  	_ =	shalt  }
0x40: {  	_ =	shalt  }
0x41: {  	_ =	shalt  }
0x42: {  	_ =	shalt  }
0x43: {  	_ =	shalt  }
0x44: {  	_ =	shalt  }
0x45: {  	_ =	shalt  }
0x46: {  	_ =	shalt  }
0x47: {  	_ =	shalt  }
0x48: {  	_ =	shalt  }
0x49: {  	_ =	shalt  }
0x4a: {  	_ =	shalt  }
0x4b: {  	_ =	shalt  }
0x4c: {  	_ =	shalt  }
0x4d: {  	_ =	shalt  }
0x4e: {  	_ =	shalt  }
0x4f: {  	_ =	shalt  }
0x50: {  	_ =	shalt  }
0x51: {  	_ =	shalt  }
0x52: {  	_ =	shalt  }
0x53: {  	_ =	shalt  }
0x54: {  	_ =	shalt  }
0x55: {  	_ =	shalt  }
0x56: {  	_ =	shalt  }
0x57: {  	_ =	shalt  }
0x58: {  	_ =	shalt  }
0x59: {  	_ =	shalt  }
0x5a: {  	_ =	shalt  }
0x5b: {  	_ =	shalt  }
0x5c: {  	_ =	shalt  }
0x5d: {  	_ =	shalt  }
0x5e: {  	_ =	shalt  }
0x5f: {  	_ =	shalt  }
0x60: {  	_ =	shalt  }
0x61: {  	_ =	shalt  }
0x62: {  	_ =	shalt  }
0x63: {  	_ =	shalt  }
0x64: {  	_ =	shalt  }
0x65: {  	_ =	shalt  }
0x66: {  	_ =	shalt  }
0x67: {  	_ =	shalt  }
0x68: {  	_ =	shalt  }
0x69: {  	_ =	shalt  }
0x6a: {  	_ =	shalt  }
0x6b: {  	_ =	shalt  }
0x6c: {  	_ =	shalt  }
0x6d: {  	_ =	shalt  }
0x6e: {  	_ =	shalt  }
0x6f: {  	_ =	shalt  }
0x70: {  	_ =	shalt  }
0x71: {  	_ =	shalt  }
0x72: {  	_ =	shalt  }
0x73: {  	_ =	shalt  }
0x74: {  	_ =	shalt  }
0x75: {  	_ =	shalt  }
0x76: {  	_ =	shalt  }
0x77: {  	_ =	shalt  }
0x78: {  	_ =	shalt  }
0x79: {  	_ =	shalt  }
0x7a: {  	_ =	shalt  }
0x7b: {  	_ =	shalt  }
0x7c: {  	_ =	shalt  }
0x7d: {  	_ =	shalt  }
0x7e: {  	_ =	shalt  }
0x7f: {  	_ =	shalt  }
0x80: {  	_ =	shalt  }
0x81: {  	_ =	shalt  }
0x82: {  	_ =	shalt  }
0x83: {  	_ =	shalt  }
0x84: {  	_ =	shalt  }
0x85: {  	_ =	shalt  }
0x86: {  	_ =	shalt  }
0x87: {  	_ =	shalt  }
.Lfunc_end0:
.L_simem_size_0:
called_computation.1_lowered:
.L_overlay_start_0:
0x88: {  	s2 =	sld [smem:$0x3FD9]  }
0x89: {  	s3 =	sld [smem:$0x3FFE];
	_ =	sdelay $0x1  }
0x8a: {  	s1 =	srdreg.scid  }
0x8b: {  	s0 =	sand.u32 $0x1, s1  }
0x8c: {  	s16 =	sshll.u32 s0, $0xA;
	s2 =	sadd.s32 s3, s2  }
0x8d: {  	s2 =	sadd.s32 s2, s16  }
0x8e: {  	[smem:$0x3F94] =	sst s2  }
0x8f: {  	_ = 	snop  }
0x90: {  	(tm) =	ssettm $0x1  }
0x91: {  	s17 =	sld [smem:$0x3FFB];
	_ =	sdelay $0x3  }
0x92: {  	_ =	strace s17  }
0x93: {  	s2 =	sld [smem:$0x3FFC];
	_ =	sdelay $0x3  }
0x94: {  	_ =	strace s2  }
0x95: {  	s2 =	sld [smem:$0x3FFD];
	_ =	sdelay $0x3  }
0x96: {  	_ =	strace s2  }
0x97: {  	_ =	strace $0x8FFFFFFF  }
0x98: {  	s18 =	sld [smem:$0x3FDB];
	_ =	sdelay $0x1  }
0x99: {  	s19 =	simm.s32 $_scs_section_size  }
0x9a: {  	s4 =	simm.s32 $_size__tile_overlayer_lowered;
	s5 =	simm.s32 $_tile_overlayer_lowered  }
0x9b: {  	s22 =	simm.s32 $0x1BFF;
	s21 =	sshll.u32 s5, $0x1;
	s2 =	sadd.s32 s19, s18  }
0x9c: {  	s6 =	simm.s32 $0x0;
	s20 =	sshll.u32 s4, $0x1;
	s4 =	sadd.s32 s21, s2  }
0x9d: {  	[timem:s6], [sflag:s22] =	dma.local [hbm:s4], s20  }
0x9e: {  	_ =	swait.ge [sflag:s22], s20  }
0x9f: {  	s3 =	ssub.s32 $0x0, s20;
	[sflag:s22] =	ssyncset.done $0x0  }
0xa0: {  	[sflag:s22] =	ssyncadd.s32 s3;
	_ =	sdelay $0x1  }
0xa1: {  	s23 =	simm.s32 $0x1B8B  }
0xa2: {  	_ =	swait.ge [sflag:s23], $0x1  }
0xa3: {  	[sflag:s23] =	ssyncset.done $0x0  }
0xa4: {  	s25 =	simm.s32 $0x1B8E;
	s24 =	sld [smem:$0x3FFE];
	[sflag:s23] =	ssyncadd.s32 $0xFFFFFFFF  }
0xa5: {  	s26 =	simm.s32 $execute0_lowered;
	[smem:$0x3FD2] =	sst s25  }
0xa6: {  	s4 =	sshll.u32 s26, $0x1;
	_ =	strace $0x80000049;
	[dreg:$0x1] =	wrdreg $0xFFFFFFFF  }
0xa7: {  	s28 =	simm.s32 $_size_execute0_lowered;
	s2 =	sadd.s32 s2, s4;
	[dreg:$0x0] =	wrdreg $0x0  }
0xa8: {  	s4 =	sshll.u32 s28, $0x1;
	[dreg:$0x2] =	wrdreg s2  }
0xa9: {  	[dreg:$0x3] =	wrdreg s4  }
0xaa: {  	[dreg:$0x4] =	wrdreg $0xC0  }
0xab: {  	_ =	task [dreg:s6], $0x5FFFF  }
0xac: {  	[dreg:$0x1] =	wrdreg $0xFFFFFFFF  }
0xad: {  	[dreg:$0x0] =	wrdreg $0x60  }
0xae: {  	[dreg:$0x2] =	wrdreg s24  }
0xaf: {  	[dreg:$0x3] =	wrdreg $0x42800  }
0xb0: {  	[dreg:$0x4] =	wrdreg $0x9  }
0xb1: {  	_ =	task.clear_ibuf [dreg:s6], $0x5FFFF;
	_ =	strace $0x90000049  }
0xb2: {  	s29 =	simm.s32 $0x9;
	_ =	strace $0x8000004B  }
0xb3: {  	_ =	swait.ge [sflag:s29], $0x1  }
0xb4: {  	[sflag:s29] =	ssyncadd.s32 $0xFFFFFFFF  }
0xb5: {  	_ =	strace $0x9000004B  }
0xb6: {  	_ =	sfence  }
0xb7: {  	s30 =	sld [smem:$0x0];
	_ =	sdelay $0x2  }
0xb8: {  	s31 =	sshll.u32 s1, $0xD;
	s1 =	sshrl.u32 s1, $0x2  }
0xb9: {  	s3 =	sand.u32 $0x4000, s31;
	s1 =	sadd.s32 s1, s30  }
0xba: {  	s0 =	sor.u32 s3, s0;
	s1 =	sshll.u32 s1, $0x11  }
0xbb: {  	s0 =	sor.u32 s1, s0  }
0xbc: {  	s0 =	sadd.s32 $0x8F2B, s0  }
0xbd: {  	[sflag:s0] =	ssyncadd.remote.s32 $0x1  }
0xbe: {  	_ =	sfence.sel $0xFFFF  }
0xbf: {  	[dreg:$0x0] =	wrdreg $0xFFFFFFFF;
	(pc) =	sbr.abs _section_cstart, $3  }
0xc0: {  	[dreg:$0x1] =	wrdreg $0xFFFFFFFF  }
0xc1: {  	_ =	task.clear_ibuf [dreg:s6], $0x2FFFF;
	_ =	strace $0x9FFFFFFF  }
0xc2: {  	(tm) =	ssettm $0x7FFFFFFF  }
0xc3: {  	_ =	shalt  }
tec
execute0_lowered:
.L_overlay_start_1:
0x0: {  	(tag) =	ssettag $0x1  }
0x1: {  	s0 =	rddreg [dreg:$0x0]  }
0x2: {  	s1 =	rddreg [dreg:$0x1];
	s2 =	simm.s32 $0x0  }
0x3: {  	s6 =	srdreg.scid;
	s14 =	simm.s32 $0x30E8;
	s18 =	simm.s32 $0x4200  }
0x4: {  	s19 =	simm.s32 $0x3200;
	s20 =	simm.s32 $0x3;
	s21 =	simm.s32 $0x2000  }
0x5: {  	s28 =	simm.s32 $0x3180;
	s29 =	simm.s32 $0x2100;
	[smem:$0x7FF] =	sst s2  }
0x6: {  	s25 =	simm.s32 $0x1;
	s3 =	sadd.s32 $0x191A00, s0;
	s4 =	sadd.s32 $0x1AEFC00, s0  }
0x7: {  	s5 =	sadd.s32 $0xDDEA00, s0;
	s7 =	sadd.s32 $0xDC6200, s0;
	s26 =	sand.u32 $0x1, s6  }
0x8: {  	s8 =	sadd.s32 $0xA600, s0;
	s6 =	stileid.u32;
	s15 =	smul.u32 $0x61D0, s26  }
0x9: {  	s0 =	simm.s32 $0x61D0;
	_ =	strace $0x8000004A;
	s9 =	smul.u32 $0x30E8, s26  }
0xa: {  	s10 =	ssub.s32 $0x2, s26;
	p0 =	seq.s32 s26, $0x0;
	s12 =	smul.u32 $0x61A8, s6  }
0xb: {  	s31 =	sshll.u32 s6, $0x5;
	s26 =	simm.s32 $0x3100;
	s11 =	sshrl.u32 s10, $0x1  }
0xc: {  	s0 =	simm.s32 @!p0 $0x6180;
	s14 =	simm.s32 @!p0 $0x30C0;
	[dreg:$0x6] =	wrdreg s31  }
0xd: {  	s16 =	ssub.s32 s10, s11;
	s10 =	smul.u32 $0x311, s6;
	s13 =	sadd.s32 $0x61A8, s12  }
0xe: {  	s17 =	sadd.s32 $0x18, s14;
	s30 =	sshrl.u32 s12, $0x4;
	s14 =	sadd.s32 $0xFFFFFFE0, s14  }
0xf: {  	s12 =	sshrl.u32 s13, $0x4;
	s16 =	smax.u32 s16, $0x1;
	[dreg:$0x4] =	wrdreg s30  }
0x10: {  	v1 =	vlaneseq.u32;
	v5 =	vimm.f32 $0.0e+00;
	s13 =	sshrl.u32 s17, $0x5;
	s17 =	simm.s32 $0x20;
	[dreg:$0x5] =	wrdreg s16  }
0x11: {  	v6 =	vadd.s32 $0x30E8, v1;
	v7 =	vadd.s32 $0x30F8, v1;
	v0 =	vmov s15;
	s23 =	sadd.s32 $0x2F1, s10;
	s24 =	sadd.s32 $0x301, s10;
	p0 =	sge.u32 s30, s12  }
0x12: {  	v2 =	vmov s0;
	s16 =	simm.s32 $0x2080;
	v3 =	vadd.s32 s23, v1;
	v4 =	vadd.s32 s24, v1;
	s23 =	simm.s32 $0x1000;
	s24 =	simm.s32 $0x2  }
.LBB2_1:
0x13: {  	s0 =	simm.s32 $0x0;
	s15 =	simm.s32 $0x200  }
.LBB2_2:
0x14: {  	p1 =	sne.s32 s15, $0x3E00;
	[tilespmem:s0+$0x3270] =	vst v5  }
0x15: {  	[tilespmem:s0+$0x3200] =	vst v5  }
0x16: {  	[tilespmem:s0+$0x3210] =	vst v5  }
.Ltmp0:
0x17: {  	[tilespmem:s0+$0x3220] =	vst v5;
	(pc) =	sbr.rel @p1 .LBB2_2-.Ltmp0, $4  }
0x18: {  	[tilespmem:s0+$0x3230] =	vst v5  }
0x19: {  	[tilespmem:s0+$0x3240] =	vst v5  }
0x1a: {  	[tilespmem:s0+$0x3250] =	vst v5  }
0x1b: {  	[tilespmem:s0+$0x3260] =	vst v5;
	s0 =	sshra.s32 s15, $0x2;
	s15 =	sadd.s32 $0x200, s15  }
0x1c: {  	[tilespmem:s0+$0x3270] =	vst v5  }
0x1d: {  	[tilespmem:s0+$0x3200] =	vst v5  }
0x1e: {  	[tilespmem:s0+$0x3210] =	vst v5  }
0x1f: {  	[tilespmem:s0+$0x3220] =	vst v5  }
0x20: {  	[tilespmem:s0+$0x3230] =	vst v5  }
0x21: {  	[tilespmem:s0+$0x3240] =	vst v5  }
0x22: {  	[tilespmem:s0+$0x3250] =	vst v5  }
0x23: {  	[tilespmem:s0+$0x3260] =	vst v5;
	s15 =	simm.s32 $0x200;
	s0 =	simm.s32 $0x0  }
.LBB2_4:
0x24: {  	p1 =	sne.s32 s15, $0x3E00;
	[tilespmem:s0+$0x2130] =	vst v5;
	s30 =	smov.u32 s15;
	s15 =	sadd.s32 $0x200, s15  }
.Ltmp1:
0x25: {  	[tilespmem:s0+$0x2120] =	vst v5;
	(pc) =	sbr.rel @p1 .LBB2_4-.Ltmp1, $3  }
0x26: {  	[tilespmem:s0+$0x2100] =	vst v5  }
0x27: {  	[tilespmem:s0+$0x2110] =	vst v5;
	_ =	sdelay $0x1  }
0x28: {  	s0 =	sshra.s32 s30, $0x2  }
0x29: {  	[tilespmem:s0+$0x2130] =	vst v5  }
0x2a: {  	[tilespmem:s0+$0x2120] =	vst v5  }
0x2b: {  	[tilespmem:s0+$0x2100] =	vst v5;
	s15 =	sadd.s32 $0x0, s10  }
0x2c: {  	[tilespmem:s0+$0x2110] =	vst v5;
	v8 =	vadd.s32 s15, v1;
	s31 =	sadd.s32 $0x10, s15  }
0x2d: {  	[tilespmem:$0x4200] =	vst v8;
	v8 =	vadd.s32 s31, v1  }
0x2e: {  	[tilespmem:$0x4210] =	vst v8  }
0x2f: {  	[spmem:s1] =	stream.indirect.scatter [tilespmem:s19], [sflag:$0x3], $0x80, s18, s17, $0xb8;
	[tilespmem:$0x1CB00] =	vst v63  }
0x30: {  	s0 =	simm.s32 $0x20;
	_ =	swait.ge [sflag:s20], $0x1000  }
.LBB2_6:
0x31: {  	s15 =	sadd.s32 s0, s10;
	[sflag:s20] =	ssyncset.done $0x0;
	p1 =	sne.s32 s0, $0x2E0  }
.Ltmp2:
0x32: {  	v8 =	vadd.s32 s15, v1;
	s15 =	sadd.s32 $0x10, s15;
	[sflag:s20] =	ssyncadd.s32 $0xFFFFF000;
	(pc) =	sbr.rel @p1 .LBB2_6-.Ltmp2, $4  }
0x33: {  	s0 =	sadd.s32 $0x20, s0;
	[tilespmem:$0x4200] =	vst v8;
	v8 =	vadd.s32 s15, v1  }
0x34: {  	[tilespmem:$0x4210] =	vst v8  }
0x35: {  	[spmem:s1] =	stream.indirect.scatter [tilespmem:s19], [sflag:$0x3], $0x80, s18, s17, $0xb8;
	[tilespmem:$0x1CB00] =	vst v63  }
0x36: {  	_ =	swait.ge [sflag:s20], $0x1000  }
0x37: {  	[sflag:s20] =	ssyncset.done $0x0  }
0x38: {  	[sflag:s20] =	ssyncadd.s32 $0xFFFFF000  }
0x39: {  	[tilespmem:$0x4200] =	vst v3  }
0x3a: {  	[tilespmem:$0x4210] =	vst v4  }
0x3b: {  	[spmem:s1] =	stream.indirect.scatter [tilespmem:s19], [sflag:$0x3], $0x80, s18, s17, $0xb8;
	[tilespmem:$0x1CB00] =	vst v63  }
.Ltmp3:
0x3c: {  	_ =	swait.ge [sflag:s20], $0x1000;
	(pc) =	sbr.rel @p0 .LBB2_11-.Ltmp3, $4  }
0x3d: {  	[sflag:s20] =	ssyncset.done $0x0  }
0x3e: {  	[sflag:s20] =	ssyncadd.s32 $0xFFFFF000  }
0x3f: {  	[bflag:$0x0] =	sbarrier.arrive $0xFFFF  }
0x40: {  	s30 =	rddreg [dreg:$0x4]  }
.LBB2_8:
0x41: {  	s0 =	sshll.u32 s30, $0x2  }
0x42: {  	s31 =	simm.s32 $0x0;
	s15 =	sadd.s32 s5, s0  }
0x43: {  	[tilespmem:s21], [sflag:$0x3] =	stream.linear.gather [hbm4b:s15+s31], $0x20, $0x38;
	[tilespmem:$0x1CB00] =	vst v63  }
0x44: {  	_ =	swait.ge [sflag:s20], $0x20  }
0x45: {  	[sflag:s20] =	ssyncset.done $0x0  }
0x46: {  	s0 =	sadd.s32 s7, s0;
	[sflag:s20] =	ssyncadd.s32 $0xFFFFFFE0  }
0x47: {  	[tilespmem:s16], [sflag:$0x3] =	stream.linear.gather [hbm4b:s0+s31], $0x20, $0x38;
	[tilespmem:$0x1CB00] =	vst v63  }
0x48: {  	_ =	swait.ge [sflag:s20], $0x20  }
0x49: {  	[sflag:s20] =	ssyncset.done $0x0  }
0x4a: {  	s22 =	sshll.u32 s30, $0x9;
	[sflag:s20] =	ssyncadd.s32 $0xFFFFFFE0  }
0x4b: {  	[tilespmem:s23], [sflag:$0x1] =	stream.indirect.gather [hbm4b:s3+s17], $0x80, s21, s17, $0xb8;
	[tilespmem:$0x1CB00] =	vst v63  }
0x4c: {  	s0 =	sadd.s32 s4, s22  }
0x4d: {  	[tilespmem:s31], [sflag:$0x2] =	stream.linear.gather [hbm4b:s0+s31], $0x1000, $0x38;
	[tilespmem:$0x1CB00] =	vst v63  }
0x4e: {  	v8 =	vld [tilespmem:$0x2080]  }
0x4f: {  	v9 =	vld [tilespmem:$0x2090];
	_ =	sdelay $0x4  }
0x50: {  	v10 =	vsub.s32 v8, v0;
	v8 =	vand.u32 $0x1, v8;
	v11 =	vsub.s32 v9, v0  }
0x51: {  	v9 =	vand.u32 $0x1, v9;
	vm0 =	vgt.s32 v10, $0xFFFFFFFF;
	vm1 =	vlt.s32 v10, v2  }
0x52: {  	vm2 =	veq.s32 v8, $0x0;
	v8 =	vshra.s32 v10, $0x1;
	vm13 =	vgt.s32 v11, $0xFFFFFFFF  }
0x53: {  	vm14 =	vlt.s32 v11, v2;
	vm15 =	veq.s32 v9, $0x0;
	vm0 =	vmand vm0, vm1  }
0x54: {  	v9 =	vshra.s32 v11, $0x1;
	vm1 =	vmand vm2, vm0;
	vm0 =	vmneg vm0  }
0x55: {  	v10 =	vsel vm1, v8, v6;
	vm0 =	vmor vm2, vm0;
	vm1 =	vmand vm13, vm14  }
0x56: {  	v8 =	vsel vm0, v7, v8;
	[tilespmem:$0x3100] =	vst v10;
	vm2 =	vmand vm15, vm1;
	vm1 =	vmneg vm1  }
0x57: {  	[tilespmem:$0x3180] =	vst v8;
	v8 =	vsel vm2, v9, v6;
	vm0 =	vmor vm15, vm1  }
0x58: {  	[tilespmem:$0x3110] =	vst v8;
	v8 =	vsel vm0, v7, v9  }
0x59: {  	[tilespmem:$0x3190] =	vst v8  }
0x5a: {  	_ =	swait.ge [sflag:s24], $0x1000  }
0x5b: {  	[sflag:s24] =	ssyncset.done $0x0  }
0x5c: {  	[sflag:s24] =	ssyncadd.s32 $0xFFFFF000  }
0x5d: {  	_ =	swait.ge [sflag:s25], $0x1000  }
0x5e: {  	[sflag:s25] =	ssyncset.done $0x0  }
0x5f: {  	s0 =	simm.s32 $0x0;
	[sflag:s25] =	ssyncadd.s32 $0xFFFFF000  }
0x60: {  	v8 =	vld [tilespmem:s0+$0x0]  }
0x61: {  	v9 =	vld [tilespmem:s0+$0x10]  }
0x62: {  	v13 =	vld [tilespmem:s0+$0x20]  }
0x63: {  	v14 =	vld [tilespmem:s0+$0x30]  }
0x64: {  	v11 =	vld [tilespmem:s0+$0x1000]  }
0x65: {  	v12 =	vld [tilespmem:s0+$0x1010]  }
0x66: {  	v15 =	vld [tilespmem:s0+$0x1020]  }
0x67: {  	v16 =	vld [tilespmem:s0+$0x1030]  }
0x68: {  	s31 =	simm.s32 $0x80  }
0x69: {  	v10 =	vld [tilespmem:s31+$0x0];
	v17 =	vadd.f32 v8, v11  }
0x6a: {  	v11 =	vld [tilespmem:s31+$0x10];
	v18 =	vadd.f32 v9, v12  }
0x6b: {  	v8 =	vld [tilespmem:s31+$0x20];
	v12 =	vmax.f32 v17, $0.0e+00;
	v17 =	vadd.f32 v13, v15  }
0x6c: {  	v9 =	vld [tilespmem:s31+$0x30];
	v14 =	vadd.f32 v14, v16;
	v13 =	vmax.f32 v18, $0.0e+00;
	[tilespmem:s0+$0x1000] =	vst v12  }
0x6d: {  	v15 =	vld [tilespmem:s31+$0x1000];
	[tilespmem:s0+$0x1010] =	vst v13;
	v16 =	vmax.f32 v17, $0.0e+00  }
0x6e: {  	v18 =	vmax.f32 v14, $0.0e+00;
	v17 =	vld [tilespmem:s31+$0x1010];
	[tilespmem:s0+$0x1020] =	vst v16  }
0x6f: {  	s15 =	simm.s32 $0x400;
	v14 =	vld [tilespmem:s31+$0x1020];
	[tilespmem:s0+$0x1030] =	vst v18  }
.LBB2_9:
0x70: {  	p1 =	sne.s32 s15, $0x3E00;
	v19 =	vld [tilespmem:s31+$0x1030];
	[tilespmem:s0+$0x2140] =	vst v12  }
0x71: {  	s11 =	sshra.s32 s15, $0x2;
	[tilespmem:s0+$0x2150] =	vst v13  }
0x72: {  	v12 =	vadd.f32 v10, v15;
	v10 =	vld [tilespmem:s11+$0x0];
	[tilespmem:s0+$0x2160] =	vst v16  }
0x73: {  	v13 =	vadd.f32 v11, v17;
	v11 =	vld [tilespmem:s11+$0x10];
	[tilespmem:s0+$0x2170] =	vst v18;
	s0 =	smov.u32 s31;
	s31 =	smov.u32 s11  }
.Ltmp4:
0x74: {  	v12 =	vmax.f32 v12, $0.0e+00;
	v14 =	vadd.f32 v8, v14;
	v8 =	vld [tilespmem:s31+$0x20];
	(pc) =	sbr.rel @p1 .LBB2_9-.Ltmp4, $4  }
0x75: {  	[tilespmem:s0+$0x1000] =	vst v12;
	v13 =	vmax.f32 v13, $0.0e+00;
	v18 =	vadd.f32 v9, v19;
	v9 =	vld [tilespmem:s31+$0x30]  }
0x76: {  	v15 =	vld [tilespmem:s31+$0x1000];
	[tilespmem:s0+$0x1010] =	vst v13;
	v16 =	vmax.f32 v14, $0.0e+00  }
0x77: {  	v17 =	vld [tilespmem:s31+$0x1010];
	[tilespmem:s0+$0x1020] =	vst v16;
	v18 =	vmax.f32 v18, $0.0e+00  }
0x78: {  	s15 =	sadd.s32 $0x200, s15;
	v14 =	vld [tilespmem:s31+$0x1020];
	[tilespmem:s0+$0x1030] =	vst v18  }
0x79: {  	_ = 	snop  }
0x7a: {  	v19 =	vld [tilespmem:s31+$0x1030];
	[tilespmem:s0+$0x2140] =	vst v12  }
0x7b: {  	[tilespmem:s0+$0x2150] =	vst v13;
	v10 =	vadd.f32 v10, v15  }
0x7c: {  	[tilespmem:s0+$0x2160] =	vst v16  }
0x7d: {  	[tilespmem:s0+$0x2170] =	vst v18;
	v11 =	vadd.f32 v11, v17;
	v10 =	vmax.f32 v10, $0.0e+00  }
0x7e: {  	[tilespmem:s31+$0x1000] =	vst v10  }
0x7f: {  	v8 =	vadd.f32 v8, v14;
	v11 =	vmax.f32 v11, $0.0e+00;
	[tilespmem:s31+$0x2140] =	vst v10  }
0x80: {  	[tilespmem:s31+$0x1010] =	vst v11  }
0x81: {  	v9 =	vadd.f32 v9, v19;
	v8 =	vmax.f32 v8, $0.0e+00;
	[tilespmem:s31+$0x2150] =	vst v11  }
0x82: {  	[tilespmem:s31+$0x1020] =	vst v8  }
0x83: {  	v9 =	vmax.f32 v9, $0.0e+00;
	[tilespmem:s31+$0x2160] =	vst v8  }
0x84: {  	[tilespmem:s31+$0x1030] =	vst v9  }
0x85: {  	[tilespmem:s31+$0x2170] =	vst v9  }
0x86: {  	[spmem:s1] =	stream.indirect.scatter.add.f32 [tilespmem:s23], [sflag:$0x3], $0x80, s26, s17, $0xb8;
	[tilespmem:$0x1CB00] =	vst v63  }
0x87: {  	s30 =	sadd.s32 $0x1, s30;
	_ =	swait.ge [sflag:s20], $0x1000  }
0x88: {  	p1 =	sne.s32 s30, s12;
	[sflag:s20] =	ssyncset.done $0x0  }
.Ltmp5:
0x89: {  	[sflag:s20] =	ssyncadd.s32 $0xFFFFF000;
	(pc) =	sbr.rel @p1 .LBB2_8-.Ltmp5, $4  }
0x8a: {  	[spmem:s1] =	stream.indirect.scatter.add.f32 [tilespmem:s29], [sflag:$0x3], $0x80, s28, s17, $0xb8;
	[tilespmem:$0x1CB00] =	vst v63  }
0x8b: {  	_ =	swait.ge [sflag:s20], $0x1000  }
0x8c: {  	[sflag:s20] =	ssyncset.done $0x0  }
0x8d: {  	[sflag:s20] =	ssyncadd.s32 $0xFFFFF000  }
.LBB2_11:
0x8e: {  	[dreg:$0x3] =	wrdreg s2;
	s0 =	sadd.s32 $0x0, s6  }
0x8f: {  	s2 =	rddreg [dreg:$0x6];
	p1 =	sge.u32 s0, s13  }
0x90: {  	p2 =	slt.s32 @!p1 s2, s14  }
0x91: {  	s0 =	smov.u32 s2;
	p2 =	por !p2, p1;
	p1 =	por p1, p1  }
0x92: {  	s0 =	smov.u32 @p2 s14;
	v8 =	vlaneseq.u32 @!p1  }
0x93: {  	[bflag:$0x0] =	sbarrier.arrive $0xFFFF;
	v9 =	vadd.s32 @!p1 s0, v8;
	s11 =	sor.u32 @!p1 $0x10, s0  }
0x94: {  	s15 =	simm.s32 @!p1 $0x20;
	s30 =	simm.s32 @!p1 $0x4200;
	[tilespmem:$0x4200] =	vst @!p1 v9;
	v8 =	vadd.s32 @!p1 s11, v8  }
0x95: {  	s31 =	simm.s32 @!p1 $0x3200;
	s0 =	sadd.s32 @!p1 s9, s0;
	s11 =	simm.s32 @!p1 $0x4;
	[tilespmem:$0x4210] =	vst @!p1 v8  }
0x96: {  	[tilespmem:s31], [sflag:$0x4] =	stream.indirect.gather @!p1 [spmem:s1], $0x80, s30, s15, $0xb8;
	[tilespmem:$0x1CB00] =	vst v63  }
0x97: {  	s0 =	sshll.u32 @!p1 s0, $0x4;
	_ =	swait.ge @!p1 [sflag:s11], $0x1000  }
0x98: {  	s0 =	sadd.s32 @!p1 s8, s0;
	s15 =	simm.s32 @!p1 $0x3;
	[sflag:s11] =	ssyncset.done @!p1 $0x0  }
0x99: {  	s30 =	sadd.s32 $0x10, s6;
	[sflag:s11] =	ssyncadd.s32 @!p1 $0xFFFFF000;
	s11 =	simm.s32 @!p1 $0x0  }
0x9a: {  	[hbm4b:s0+s11] =	stream.linear.scatter @!p1 [tilespmem:s31], [sflag:$0x3], $0x1000, $0x38;
	[tilespmem:$0x1CB00] =	vst v63  }
0x9b: {  	p3 =	sge.u32 s30, s13;
	s0 =	sadd.s32 $0x200, s2;
	_ =	swait.ge @!p1 [sflag:s15], $0x1000  }
0x9c: {  	s30 =	simm.s32 $0x20;
	p4 =	slt.s32 @!p3 s0, s14;
	[sflag:s15] =	ssyncset.done @!p1 $0x0  }
.LBB2_12:
0x9d: {  	p4 =	por !p4, p3;
	[sflag:s15] =	ssyncadd.s32 @!p1 $0xFFFFF000;
	s11 =	smov.u32 s30  }
0x9e: {  	s30 =	sadd.s32 $0x10, s30;
	p1 =	por p3, p3;
	s15 =	smov.u32 s0  }
0x9f: {  	p2 =	sne.s32 s30, $0x190;
	s15 =	smov.u32 @p4 s14;
	v8 =	vlaneseq.u32 @!p1  }
0xa0: {  	v9 =	vadd.s32 @!p1 s15, v8;
	s31 =	sor.u32 @!p1 $0x10, s15;
	s15 =	sadd.s32 @!p1 s9, s15  }
0xa1: {  	[tilespmem:$0x4200] =	vst @!p1 v9;
	v8 =	vadd.s32 @!p1 s31, v8;
	s31 =	simm.s32 @!p1 $0x4;
	s15 =	sshll.u32 @!p1 s15, $0x4  }
0xa2: {  	s16 =	simm.s32 @!p1 $0x20;
	s2 =	simm.s32 @!p1 $0x4200;
	s22 =	simm.s32 @!p1 $0x3200;
	[tilespmem:$0x4210] =	vst @!p1 v8  }
0xa3: {  	[tilespmem:s22], [sflag:$0x4] =	stream.indirect.gather @!p1 [spmem:s1], $0x80, s2, s16, $0xb8;
	[tilespmem:$0x1CB00] =	vst v63  }
0xa4: {  	s2 =	sadd.s32 @!p1 s8, s15;
	_ =	swait.ge @!p1 [sflag:s31], $0x1000  }
.Ltmp6:
0xa5: {  	s15 =	simm.s32 @!p1 $0x3;
	[sflag:s31] =	ssyncset.done @!p1 $0x0;
	(pc) =	sbr.rel @p2 .LBB2_12-.Ltmp6, $4  }
0xa6: {  	s11 =	sadd.s32 s11, s6;
	s16 =	simm.s32 @!p1 $0x0;
	[sflag:s31] =	ssyncadd.s32 @!p1 $0xFFFFF000  }
0xa7: {  	[hbm4b:s2+s16] =	stream.linear.scatter @!p1 [tilespmem:s22], [sflag:$0x3], $0x1000, $0x38;
	[tilespmem:$0x1CB00] =	vst v63  }
0xa8: {  	s0 =	sadd.s32 $0x200, s0;
	p3 =	sge.u32 s11, s13;
	_ =	swait.ge @!p1 [sflag:s15], $0x1000  }
0xa9: {  	p4 =	slt.s32 @!p3 s0, s14;
	[sflag:s15] =	ssyncset.done @!p1 $0x0  }
0xaa: {  	p4 =	por !p4, p3;
	p2 =	por p3, p3  }
0xab: {  	s0 =	smov.u32 @p4 s14;
	v8 =	vlaneseq.u32 @!p2  }
0xac: {  	[sflag:s15] =	ssyncadd.s32 @!p1 $0xFFFFF000;
	v9 =	vadd.s32 @!p2 s0, v8;
	s2 =	sor.u32 @!p2 $0x10, s0  }
0xad: {  	s11 =	simm.s32 @!p2 $0x20;
	s15 =	simm.s32 @!p2 $0x4200;
	[tilespmem:$0x4200] =	vst @!p2 v9;
	v8 =	vadd.s32 @!p2 s2, v8  }
0xae: {  	s16 =	simm.s32 @!p2 $0x3200;
	s0 =	sadd.s32 @!p2 s9, s0;
	s2 =	simm.s32 @!p2 $0x4;
	[tilespmem:$0x4210] =	vst @!p2 v8  }
0xaf: {  	[tilespmem:s16], [sflag:$0x4] =	stream.indirect.gather @!p2 [spmem:s1], $0x80, s15, s11, $0xb8;
	[tilespmem:$0x1CB00] =	vst v63  }
0xb0: {  	s0 =	sshll.u32 @!p2 s0, $0x4;
	_ =	swait.ge @!p2 [sflag:s2], $0x1000  }
0xb1: {  	s0 =	sadd.s32 @!p2 s8, s0;
	[sflag:s2] =	ssyncset.done @!p2 $0x0  }
0xb2: {  	s11 =	simm.s32 @!p2 $0x3;
	[sflag:s2] =	ssyncadd.s32 @!p2 $0xFFFFF000;
	s2 =	simm.s32 @!p2 $0x0  }
0xb3: {  	[hbm4b:s0+s2] =	stream.linear.scatter @!p2 [tilespmem:s16], [sflag:$0x3], $0x1000, $0x38;
	[tilespmem:$0x1CB00] =	vst v63  }
0xb4: {  	_ =	swait.ge @!p2 [sflag:s11], $0x1000  }
0xb5: {  	s30 =	rddreg [dreg:$0x3]  }
0xb6: {  	s31 =	rddreg [dreg:$0x5];
	s2 =	sadd.s32 $0x1, s30  }
0xb7: {  	p1 =	sne.s32 s2, s31  }
.Ltmp7:
0xb8: {  	_ = 	snop;
	(pc) =	sbr.rel @p1 .LBB2_1-.Ltmp7, $3  }
0xb9: {  	_ =	sdelay $0x1  }
0xba: {  	[sflag:s11] =	ssyncset.done @!p2 $0x0  }
0xbb: {  	s16 =	simm.s32 $0x2080;
	[sflag:s11] =	ssyncadd.s32 @!p2 $0xFFFFF000  }
0xbc: {  	_ =	sfence.sel $0x180000  }
0xbd: {  	[bflag:$0x0] =	sbarrier.arrive $0xFFFF  }
0xbe: {  	_ =	strace $0x9000004A  }
0xbf: {  	[bflag:$0x2] =	sbarrier.arrive $0xFFFF  }
0xc0: {  	p0 =	sne.s32 s6, $0x0;
	s0 =	rddreg [dreg:$0x2]  }
0xc1: {  	s0 =	sadd.s32 @!p0 $0x100000, s0  }
0xc2: {  	[sflag:s0] =	ssyncadd.tile.s32 @!p0 $0x1;
	_ =	shalt  }
.Lfunc_end2:
_tile_overlayer_lowered:
.L_overlay_start_2:
0xc3: {  	(tag) =	ssettag $0x2  }
0xc4: {  	s0 =	rddreg [dreg:$0x0];
	s2 =	stileid.u32  }
0xc5: {  	s1 =	rddreg [dreg:$0x1];
	p0 =	sne.s32 s2, $0x0  }
0xc6: {  	s3 =	rddreg [dreg:$0x2];
	[bflag:$0x3] =	sbarrier.arrive $0xFFFF;
	s2 =	simm.s32 @!p0 $0x1C03  }
0xc7: {  	[timem:s3], [sflag:s2] =	dma.local @!p0 [hbm:s0], s1  }
0xc8: {  	s0 =	simm.s32 @!p0 $0x3  }
0xc9: {  	_ =	swait.ge @!p0 [sflag:s0], s1  }
0xca: {  	s1 =	ssub.s32 @!p0 $0x0, s1;
	[sflag:s0] =	ssyncset.done @!p0 $0x0  }
0xcb: {  	[sflag:s0] =	ssyncadd.s32 @!p0 s1  }
0xcc: {  	[bflag:$0x3] =	sbarrier.arrive $0xFFFF  }
0xcd: {  	_ =	shalt  }

// kernel: kernel.17.cloned.1.call-start
scs
__scs_entry_jumppad:
0x0: {  	(pc) =	sbr.rel $0x88, $3  }
0x1: {  	(tag) =	ssettag $0x0;
	lr =	simm.s32 $0x1  }
0x2: {  	[smem:$0x3F6D] =	sst lr;
	_ =	strace $0xD0000000  }
0x3: {  	_ = 	snop  }
0x4: {  	_ = 	snop  }
0x5: {  	_ = 	snop  }
0x6: {  	_ = 	snop  }
0x7: {  	_ = 	snop  }
__scs_overlays_trampoline_lowered:
0x8: {  	[smem:$0x3F7C] =	sst s0  }
0x9: {  	[smem:$0x3F7D] =	sst s1  }
0xa: {  	[smem:$0x3F7E] =	sst s2  }
0xb: {  	[smem:$0x3F7F] =	sst s3  }
0xc: {  	[smem:$0x3F80] =	sst s4  }
0xd: {  	[smem:$0x3F81] =	sst s5  }
0xe: {  	[smem:$0x3F82] =	sst s6  }
0xf: {  	[smem:$0x3F83] =	sst s7  }
0x10: {  	[smem:$0x3F84] =	sst s8  }
0x11: {  	[smem:$0x3F85] =	sst s9;
	s0 =	simm.s32 @!p0 $0x0  }
0x12: {  	s1 =	sld [smem:$0x3F6B];
	s0 =	simm.s32 @p0 $0x1  }
0x13: {  	[smem:$0x3F86] =	sst s0;
	s0 =	simm.s32 @!p1 $0x0  }
0x14: {  	s2 =	sld [smem:$0x3F6A];
	s0 =	simm.s32 @p1 $0x1  }
0x15: {  	[smem:$0x3F87] =	sst s0;
	s0 =	simm.s32 @!p2 $0x0  }
0x16: {  	s3 =	sld [smem:$0x3FDB];
	s0 =	simm.s32 @p2 $0x1  }
0x17: {  	s4 =	simm.s32 $0x1BF5;
	[smem:$0x3F89] =	sst s0  }
0x18: {  	s0 =	sld [smem:$0x3F6C];
	_ =	swait.ge [sflag:s4], $0x0  }
0x19: {  	s7 =	sld [smem:$0x3F6D]  }
0x1a: {  	s8 =	sadd.s32 $0xFFFFE003, lr  }
0x1b: {  	s9 =	sadd.s32 $0xFFFFFEF7, lr;
	s5 =	simm.s32 $0xFFFFFFFF;
	p2 =	slt.u32 s8, $0xFFFFF086  }
0x1c: {  	p1 =	slt.u32 s9, $0xF7A;
	s5 =	simm.s32 @!p2 $0x0  }
0x1d: {  	s5 =	simm.s32 @p1 $0x1;
	p0 =	seq.s32 s7, s2  }
0x1e: {  	s7 =	smul.u32 @!p0 $0xF7A, s2;
	p2 =	seq.s32 @!p0 s5, $0x0  }
0x1f: {  	s9 =	smul.u32 $0xF7A, s1;
	s8 =	simm.s32 @!p0 $0x1BF5;
	p2 =	por !p2, p0  }
0x20: {  	[sflag:s8] =	ssyncset.s32 @!p0 $0xFFFFF086;
	s6 =	sadd.s32 @!p0 s3, s7;
	s7 =	simm.s32 @!p0 $0x108  }
0x21: {  	s3 =	sadd.s32 s3, s9;
	s6 =	sadd.s32 @!p0 $0x88, s6;
	s7 =	simm.s32 @p2 $0x1082  }
0x22: {  	[simem:s7], [sflag:s8] =	dma.local @!p0 [hbm:s6], $0xF7A  }
0x23: {  	s9 =	sor.u32 $0xD0000000, s2;
	s6 =	simm.s32 $0x108;
	_ =	swait.ge @!p0 [sflag:s8], $0x0  }
0x24: {  	s3 =	sadd.s32 $0x88, s3;
	s6 =	simm.s32 @!p1 $0x1082;
	[sflag:s4] =	ssyncset.s32 $0xFFFFF086  }
0x25: {  	[simem:s6], [sflag:s4] =	dma.local [hbm:s3], $0xF7A  }
0x26: {  	[smem:$0x3F6D] =	sst s1;
	(tag) =	ssettag s2;
	_ =	strace s9  }
0x27: {  	s1 =	sld [smem:$0x3F7D]  }
0x28: {  	s2 =	sld [smem:$0x3F7E]  }
0x29: {  	s4 =	sld [smem:$0x3F80]  }
0x2a: {  	p0 =	seq.s32 s5, $0x0;
	s5 =	sld [smem:$0x3F81]  }
0x2b: {  	s6 =	sld [smem:$0x3F82]  }
0x2c: {  	s7 =	sld [smem:$0x3F83]  }
0x2d: {  	s3 =	simm.s32 $0x108;
	s8 =	sld [smem:$0x3F84]  }
0x2e: {  	s3 =	simm.s32 @!p0 $0x1082;
	s9 =	sld [smem:$0x3F85]  }
0x2f: {  	lr =	sadd.s32 s0, s3;
	s0 =	sld [smem:$0x3F7C]  }
0x30: {  	s3 =	sld [smem:$0x3F7F]  }
0x31: {  	[smem:$0x3F88] =	sst s10  }
0x32: {  	s10 =	sld [smem:$0x3F86];
	_ =	sdelay $0x3  }
0x33: {  	p0 =	seq.s32 s10, $0x1;
	s10 =	sld [smem:$0x3F88];
	_ =	sdelay $0x3  }
0x34: {  	[smem:$0x3F88] =	sst s10  }
0x35: {  	s10 =	sld [smem:$0x3F87];
	_ =	sdelay $0x3  }
0x36: {  	p1 =	seq.s32 s10, $0x1;
	s10 =	sld [smem:$0x3F88];
	_ =	sdelay $0x3  }
0x37: {  	[smem:$0x3F88] =	sst s10  }
0x38: {  	s10 =	sld [smem:$0x3F89]  }
0x39: {  	_ = 	snop;
	(pc) =	sbr.ind lr, $3  }
0x3a: {  	_ = 	snop  }
0x3b: {  	_ = 	snop  }
0x3c: {  	p2 =	seq.s32 s10, $0x1;
	s10 =	sld [smem:$0x3F88]  }
0x3d: {  	_ =	shalt  }
0x3e: {  	_ =	shalt  }
0x3f: {  	_ =	shalt  }
0x40: {  	_ =	shalt  }
0x41: {  	_ =	shalt  }
0x42: {  	_ =	shalt  }
0x43: {  	_ =	shalt  }
0x44: {  	_ =	shalt  }
0x45: {  	_ =	shalt  }
0x46: {  	_ =	shalt  }
0x47: {  	_ =	shalt  }
0x48: {  	_ =	shalt  }
0x49: {  	_ =	shalt  }
0x4a: {  	_ =	shalt  }
0x4b: {  	_ =	shalt  }
0x4c: {  	_ =	shalt  }
0x4d: {  	_ =	shalt  }
0x4e: {  	_ =	shalt  }
0x4f: {  	_ =	shalt  }
0x50: {  	_ =	shalt  }
0x51: {  	_ =	shalt  }
0x52: {  	_ =	shalt  }
0x53: {  	_ =	shalt  }
0x54: {  	_ =	shalt  }
0x55: {  	_ =	shalt  }
0x56: {  	_ =	shalt  }
0x57: {  	_ =	shalt  }
0x58: {  	_ =	shalt  }
0x59: {  	_ =	shalt  }
0x5a: {  	_ =	shalt  }
0x5b: {  	_ =	shalt  }
0x5c: {  	_ =	shalt  }
0x5d: {  	_ =	shalt  }
0x5e: {  	_ =	shalt  }
0x5f: {  	_ =	shalt  }
0x60: {  	_ =	shalt  }
0x61: {  	_ =	shalt  }
0x62: {  	_ =	shalt  }
0x63: {  	_ =	shalt  }
0x64: {  	_ =	shalt  }
0x65: {  	_ =	shalt  }
0x66: {  	_ =	shalt  }
0x67: {  	_ =	shalt  }
0x68: {  	_ =	shalt  }
0x69: {  	_ =	shalt  }
0x6a: {  	_ =	shalt  }
0x6b: {  	_ =	shalt  }
0x6c: {  	_ =	shalt  }
0x6d: {  	_ =	shalt  }
0x6e: {  	_ =	shalt  }
0x6f: {  	_ =	shalt  }
0x70: {  	_ =	shalt  }
0x71: {  	_ =	shalt  }
0x72: {  	_ =	shalt  }
0x73: {  	_ =	shalt  }
0x74: {  	_ =	shalt  }
0x75: {  	_ =	shalt  }
0x76: {  	_ =	shalt  }
0x77: {  	_ =	shalt  }
0x78: {  	_ =	shalt  }
0x79: {  	_ =	shalt  }
0x7a: {  	_ =	shalt  }
0x7b: {  	_ =	shalt  }
0x7c: {  	_ =	shalt  }
0x7d: {  	_ =	shalt  }
0x7e: {  	_ =	shalt  }
0x7f: {  	_ =	shalt  }
0x80: {  	_ =	shalt  }
0x81: {  	_ =	shalt  }
0x82: {  	_ =	shalt  }
0x83: {  	_ =	shalt  }
0x84: {  	_ =	shalt  }
0x85: {  	_ =	shalt  }
0x86: {  	_ =	shalt  }
0x87: {  	_ =	shalt  }
.Lfunc_end0:
.L_simem_size_0:
called_computation.2_lowered:
.L_overlay_start_0:
0x88: {  	s2 =	sld [smem:$0x3FD9]  }
0x89: {  	s3 =	sld [smem:$0x3FFE];
	_ =	sdelay $0x1  }
0x8a: {  	s1 =	srdreg.scid  }
0x8b: {  	s0 =	sand.u32 $0x1, s1  }
0x8c: {  	s16 =	sshll.u32 s0, $0xA;
	s2 =	sadd.s32 s3, s2  }
0x8d: {  	s2 =	sadd.s32 s2, s16  }
0x8e: {  	[smem:$0x3F94] =	sst s2  }
0x8f: {  	_ = 	snop  }
0x90: {  	(tm) =	ssettm $0x1  }
0x91: {  	s17 =	sld [smem:$0x3FFB];
	_ =	sdelay $0x3  }
0x92: {  	_ =	strace s17  }
0x93: {  	s2 =	sld [smem:$0x3FFC];
	_ =	sdelay $0x3  }
0x94: {  	_ =	strace s2  }
0x95: {  	s2 =	sld [smem:$0x3FFD];
	_ =	sdelay $0x3  }
0x96: {  	_ =	strace s2  }
0x97: {  	_ =	strace $0x8FFFFFFF  }
0x98: {  	s18 =	sld [smem:$0x3FDB];
	_ =	sdelay $0x1  }
0x99: {  	s19 =	simm.s32 $_scs_section_size  }
0x9a: {  	s4 =	simm.s32 $_size__tile_overlayer_lowered;
	s5 =	simm.s32 $_tile_overlayer_lowered  }
0x9b: {  	s22 =	simm.s32 $0x1BFF;
	s21 =	sshll.u32 s5, $0x1;
	s2 =	sadd.s32 s19, s18  }
0x9c: {  	s6 =	simm.s32 $0x0;
	s20 =	sshll.u32 s4, $0x1;
	s4 =	sadd.s32 s21, s2  }
0x9d: {  	[timem:s6], [sflag:s22] =	dma.local [hbm:s4], s20  }
0x9e: {  	_ =	swait.ge [sflag:s22], s20  }
0x9f: {  	s3 =	ssub.s32 $0x0, s20;
	[sflag:s22] =	ssyncset.done $0x0  }
0xa0: {  	[sflag:s22] =	ssyncadd.s32 s3;
	_ =	sdelay $0x1  }
0xa1: {  	s23 =	simm.s32 $0x1B8B  }
0xa2: {  	_ =	swait.ge [sflag:s23], $0x1  }
0xa3: {  	[sflag:s23] =	ssyncset.done $0x0  }
0xa4: {  	s25 =	simm.s32 $0x1B8E;
	s24 =	sld [smem:$0x3FFE];
	[sflag:s23] =	ssyncadd.s32 $0xFFFFFFFF  }
0xa5: {  	s26 =	simm.s32 $execute0_lowered;
	[smem:$0x3FD2] =	sst s25  }
0xa6: {  	s4 =	sshll.u32 s26, $0x1;
	_ =	strace $0x8000004C;
	[dreg:$0x1] =	wrdreg $0xFFFFFFFF  }
0xa7: {  	s28 =	simm.s32 $_size_execute0_lowered;
	s2 =	sadd.s32 s2, s4;
	[dreg:$0x0] =	wrdreg $0x0  }
0xa8: {  	s4 =	sshll.u32 s28, $0x1;
	[dreg:$0x2] =	wrdreg s2  }
0xa9: {  	[dreg:$0x3] =	wrdreg s4  }
0xaa: {  	[dreg:$0x4] =	wrdreg $0xC0  }
0xab: {  	_ =	task [dreg:s6], $0x5FFFF  }
0xac: {  	[dreg:$0x1] =	wrdreg $0xFFFFFFFF  }
0xad: {  	[dreg:$0x0] =	wrdreg $0x60  }
0xae: {  	[dreg:$0x2] =	wrdreg s24  }
0xaf: {  	[dreg:$0x3] =	wrdreg $0x42800  }
0xb0: {  	[dreg:$0x4] =	wrdreg $0x9  }
0xb1: {  	_ =	task.clear_ibuf [dreg:s6], $0x5FFFF;
	_ =	strace $0x9000004C  }
0xb2: {  	s29 =	simm.s32 $0x9;
	_ =	strace $0x8000004E  }
0xb3: {  	_ =	swait.ge [sflag:s29], $0x1  }
0xb4: {  	[sflag:s29] =	ssyncadd.s32 $0xFFFFFFFF  }
0xb5: {  	_ =	strace $0x9000004E  }
0xb6: {  	_ =	sfence  }
0xb7: {  	s30 =	sld [smem:$0x0];
	_ =	sdelay $0x2  }
0xb8: {  	s31 =	sshll.u32 s1, $0xD;
	s1 =	sshrl.u32 s1, $0x2  }
0xb9: {  	s3 =	sand.u32 $0x4000, s31;
	s1 =	sadd.s32 s1, s30  }
0xba: {  	s0 =	sor.u32 s3, s0;
	s1 =	sshll.u32 s1, $0x11  }
0xbb: {  	s0 =	sor.u32 s1, s0  }
0xbc: {  	s0 =	sadd.s32 $0x8F2B, s0  }
0xbd: {  	[sflag:s0] =	ssyncadd.remote.s32 $0x1  }
0xbe: {  	_ =	sfence.sel $0xFFFF  }
0xbf: {  	[dreg:$0x0] =	wrdreg $0xFFFFFFFF;
	(pc) =	sbr.abs _section_cstart, $3  }
0xc0: {  	[dreg:$0x1] =	wrdreg $0xFFFFFFFF  }
0xc1: {  	_ =	task.clear_ibuf [dreg:s6], $0x2FFFF;
	_ =	strace $0x9FFFFFFF  }
0xc2: {  	(tm) =	ssettm $0x7FFFFFFF  }
0xc3: {  	_ =	shalt  }
tec
execute0_lowered:
.L_overlay_start_1:
0x0: {  	(tag) =	ssettag $0x1  }
0x1: {  	s0 =	rddreg [dreg:$0x0]  }
0x2: {  	s1 =	rddreg [dreg:$0x1];
	s2 =	simm.s32 $0x0  }
0x3: {  	s6 =	srdreg.scid;
	s14 =	simm.s32 $0x30E8;
	s18 =	simm.s32 $0x4200  }
0x4: {  	s19 =	simm.s32 $0x3200;
	s20 =	simm.s32 $0x3;
	s21 =	simm.s32 $0x2000  }
0x5: {  	s25 =	simm.s32 $0x1;
	s28 =	simm.s32 $0x3180;
	s29 =	simm.s32 $0x2100  }
0x6: {  	[smem:$0x7FF] =	sst s2;
	s3 =	sadd.s32 $0xA600, s0;
	s4 =	sadd.s32 $0x2724C00, s0  }
0x7: {  	s5 =	sadd.s32 $0xDDEA00, s0;
	s7 =	sadd.s32 $0xDC6200, s0;
	s26 =	sand.u32 $0x1, s6  }
0x8: {  	s8 =	sadd.s32 $0x191A00, s0;
	s6 =	stileid.u32;
	s15 =	smul.u32 $0x61D0, s26  }
0x9: {  	s0 =	simm.s32 $0x61D0;
	_ =	strace $0x8000004D;
	s9 =	smul.u32 $0x30E8, s26  }
0xa: {  	s10 =	ssub.s32 $0x2, s26;
	p0 =	seq.s32 s26, $0x0;
	s12 =	smul.u32 $0x61A8, s6  }
0xb: {  	s31 =	sshll.u32 s6, $0x5;
	s26 =	simm.s32 $0x3100;
	s11 =	sshrl.u32 s10, $0x1  }
0xc: {  	s0 =	simm.s32 @!p0 $0x6180;
	s14 =	simm.s32 @!p0 $0x30C0;
	[dreg:$0x6] =	wrdreg s31  }
0xd: {  	s16 =	ssub.s32 s10, s11;
	s10 =	smul.u32 $0x311, s6;
	s13 =	sadd.s32 $0x61A8, s12  }
0xe: {  	s17 =	sadd.s32 $0x18, s14;
	s30 =	sshrl.u32 s12, $0x4;
	s14 =	sadd.s32 $0xFFFFFFE0, s14  }
0xf: {  	s12 =	sshrl.u32 s13, $0x4;
	s16 =	smax.u32 s16, $0x1;
	[dreg:$0x4] =	wrdreg s30  }
0x10: {  	v1 =	vlaneseq.u32;
	v5 =	vimm.f32 $0.0e+00;
	s13 =	sshrl.u32 s17, $0x5;
	s17 =	simm.s32 $0x20;
	[dreg:$0x5] =	wrdreg s16  }
0x11: {  	v6 =	vadd.s32 $0x30E8, v1;
	v7 =	vadd.s32 $0x30F8, v1;
	v0 =	vmov s15;
	s23 =	sadd.s32 $0x2F1, s10;
	s24 =	sadd.s32 $0x301, s10;
	p0 =	sge.u32 s30, s12  }
0x12: {  	v2 =	vmov s0;
	s16 =	simm.s32 $0x2080;
	v3 =	vadd.s32 s23, v1;
	v4 =	vadd.s32 s24, v1;
	s23 =	simm.s32 $0x1000;
	s24 =	simm.s32 $0x2  }
.LBB2_1:
0x13: {  	s0 =	simm.s32 $0x0;
	s15 =	simm.s32 $0x200  }
.LBB2_2:
0x14: {  	p1 =	sne.s32 s15, $0x3E00;
	[tilespmem:s0+$0x3270] =	vst v5  }
0x15: {  	[tilespmem:s0+$0x3200] =	vst v5  }
0x16: {  	[tilespmem:s0+$0x3210] =	vst v5  }
.Ltmp0:
0x17: {  	[tilespmem:s0+$0x3220] =	vst v5;
	(pc) =	sbr.rel @p1 .LBB2_2-.Ltmp0, $4  }
0x18: {  	[tilespmem:s0+$0x3230] =	vst v5  }
0x19: {  	[tilespmem:s0+$0x3240] =	vst v5  }
0x1a: {  	[tilespmem:s0+$0x3250] =	vst v5  }
0x1b: {  	[tilespmem:s0+$0x3260] =	vst v5;
	s0 =	sshra.s32 s15, $0x2;
	s15 =	sadd.s32 $0x200, s15  }
0x1c: {  	[tilespmem:s0+$0x3270] =	vst v5  }
0x1d: {  	[tilespmem:s0+$0x3200] =	vst v5  }
0x1e: {  	[tilespmem:s0+$0x3210] =	vst v5  }
0x1f: {  	[tilespmem:s0+$0x3220] =	vst v5  }
0x20: {  	[tilespmem:s0+$0x3230] =	vst v5  }
0x21: {  	[tilespmem:s0+$0x3240] =	vst v5  }
0x22: {  	[tilespmem:s0+$0x3250] =	vst v5  }
0x23: {  	[tilespmem:s0+$0x3260] =	vst v5;
	s15 =	simm.s32 $0x200;
	s0 =	simm.s32 $0x0  }
.LBB2_4:
0x24: {  	p1 =	sne.s32 s15, $0x3E00;
	[tilespmem:s0+$0x2130] =	vst v5;
	s30 =	smov.u32 s15;
	s15 =	sadd.s32 $0x200, s15  }
.Ltmp1:
0x25: {  	[tilespmem:s0+$0x2120] =	vst v5;
	(pc) =	sbr.rel @p1 .LBB2_4-.Ltmp1, $3  }
0x26: {  	[tilespmem:s0+$0x2100] =	vst v5  }
0x27: {  	[tilespmem:s0+$0x2110] =	vst v5;
	_ =	sdelay $0x1  }
0x28: {  	s0 =	sshra.s32 s30, $0x2  }
0x29: {  	[tilespmem:s0+$0x2130] =	vst v5  }
0x2a: {  	[tilespmem:s0+$0x2120] =	vst v5  }
0x2b: {  	[tilespmem:s0+$0x2100] =	vst v5;
	s15 =	sadd.s32 $0x0, s10  }
0x2c: {  	[tilespmem:s0+$0x2110] =	vst v5;
	v8 =	vadd.s32 s15, v1;
	s31 =	sadd.s32 $0x10, s15  }
0x2d: {  	[tilespmem:$0x4200] =	vst v8;
	v8 =	vadd.s32 s31, v1  }
0x2e: {  	[tilespmem:$0x4210] =	vst v8  }
0x2f: {  	[spmem:s1] =	stream.indirect.scatter [tilespmem:s19], [sflag:$0x3], $0x80, s18, s17, $0xb8;
	[tilespmem:$0x1CB00] =	vst v63  }
0x30: {  	s0 =	simm.s32 $0x20;
	_ =	swait.ge [sflag:s20], $0x1000  }
.LBB2_6:
0x31: {  	s15 =	sadd.s32 s0, s10;
	[sflag:s20] =	ssyncset.done $0x0;
	p1 =	sne.s32 s0, $0x2E0  }
.Ltmp2:
0x32: {  	v8 =	vadd.s32 s15, v1;
	s15 =	sadd.s32 $0x10, s15;
	[sflag:s20] =	ssyncadd.s32 $0xFFFFF000;
	(pc) =	sbr.rel @p1 .LBB2_6-.Ltmp2, $4  }
0x33: {  	s0 =	sadd.s32 $0x20, s0;
	[tilespmem:$0x4200] =	vst v8;
	v8 =	vadd.s32 s15, v1  }
0x34: {  	[tilespmem:$0x4210] =	vst v8  }
0x35: {  	[spmem:s1] =	stream.indirect.scatter [tilespmem:s19], [sflag:$0x3], $0x80, s18, s17, $0xb8;
	[tilespmem:$0x1CB00] =	vst v63  }
0x36: {  	_ =	swait.ge [sflag:s20], $0x1000  }
0x37: {  	[sflag:s20] =	ssyncset.done $0x0  }
0x38: {  	[sflag:s20] =	ssyncadd.s32 $0xFFFFF000  }
0x39: {  	[tilespmem:$0x4200] =	vst v3  }
0x3a: {  	[tilespmem:$0x4210] =	vst v4  }
0x3b: {  	[spmem:s1] =	stream.indirect.scatter [tilespmem:s19], [sflag:$0x3], $0x80, s18, s17, $0xb8;
	[tilespmem:$0x1CB00] =	vst v63  }
.Ltmp3:
0x3c: {  	_ =	swait.ge [sflag:s20], $0x1000;
	(pc) =	sbr.rel @p0 .LBB2_11-.Ltmp3, $4  }
0x3d: {  	[sflag:s20] =	ssyncset.done $0x0  }
0x3e: {  	[sflag:s20] =	ssyncadd.s32 $0xFFFFF000  }
0x3f: {  	[bflag:$0x0] =	sbarrier.arrive $0xFFFF  }
0x40: {  	s30 =	rddreg [dreg:$0x4]  }
.LBB2_8:
0x41: {  	s0 =	sshll.u32 s30, $0x2  }
0x42: {  	s31 =	simm.s32 $0x0;
	s15 =	sadd.s32 s5, s0  }
0x43: {  	[tilespmem:s21], [sflag:$0x3] =	stream.linear.gather [hbm4b:s15+s31], $0x20, $0x38;
	[tilespmem:$0x1CB00] =	vst v63  }
0x44: {  	_ =	swait.ge [sflag:s20], $0x20  }
0x45: {  	[sflag:s20] =	ssyncset.done $0x0  }
0x46: {  	s0 =	sadd.s32 s7, s0;
	[sflag:s20] =	ssyncadd.s32 $0xFFFFFFE0  }
0x47: {  	[tilespmem:s16], [sflag:$0x3] =	stream.linear.gather [hbm4b:s0+s31], $0x20, $0x38;
	[tilespmem:$0x1CB00] =	vst v63  }
0x48: {  	_ =	swait.ge [sflag:s20], $0x20  }
0x49: {  	[sflag:s20] =	ssyncset.done $0x0  }
0x4a: {  	s22 =	sshll.u32 s30, $0x9;
	[sflag:s20] =	ssyncadd.s32 $0xFFFFFFE0  }
0x4b: {  	[tilespmem:s23], [sflag:$0x1] =	stream.indirect.gather [hbm4b:s3+s17], $0x80, s21, s17, $0xb8;
	[tilespmem:$0x1CB00] =	vst v63  }
0x4c: {  	s0 =	sadd.s32 s4, s22  }
0x4d: {  	[tilespmem:s31], [sflag:$0x2] =	stream.linear.gather [hbm4b:s0+s31], $0x1000, $0x38;
	[tilespmem:$0x1CB00] =	vst v63  }
0x4e: {  	v8 =	vld [tilespmem:$0x2080]  }
0x4f: {  	v9 =	vld [tilespmem:$0x2090];
	_ =	sdelay $0x4  }
0x50: {  	v10 =	vsub.s32 v8, v0;
	v8 =	vand.u32 $0x1, v8;
	v11 =	vsub.s32 v9, v0  }
0x51: {  	v9 =	vand.u32 $0x1, v9;
	vm0 =	vgt.s32 v10, $0xFFFFFFFF;
	vm1 =	vlt.s32 v10, v2  }
0x52: {  	vm2 =	veq.s32 v8, $0x0;
	v8 =	vshra.s32 v10, $0x1;
	vm13 =	vgt.s32 v11, $0xFFFFFFFF  }
0x53: {  	vm14 =	vlt.s32 v11, v2;
	vm15 =	veq.s32 v9, $0x0;
	vm0 =	vmand vm0, vm1  }
0x54: {  	v9 =	vshra.s32 v11, $0x1;
	vm1 =	vmand vm2, vm0;
	vm0 =	vmneg vm0  }
0x55: {  	v10 =	vsel vm1, v8, v6;
	vm0 =	vmor vm2, vm0;
	vm1 =	vmand vm13, vm14  }
0x56: {  	v8 =	vsel vm0, v7, v8;
	[tilespmem:$0x3100] =	vst v10;
	vm2 =	vmand vm15, vm1;
	vm1 =	vmneg vm1  }
0x57: {  	[tilespmem:$0x3180] =	vst v8;
	v8 =	vsel vm2, v9, v6;
	vm0 =	vmor vm15, vm1  }
0x58: {  	[tilespmem:$0x3110] =	vst v8;
	v8 =	vsel vm0, v7, v9  }
0x59: {  	[tilespmem:$0x3190] =	vst v8  }
0x5a: {  	_ =	swait.ge [sflag:s24], $0x1000  }
0x5b: {  	[sflag:s24] =	ssyncset.done $0x0  }
0x5c: {  	[sflag:s24] =	ssyncadd.s32 $0xFFFFF000  }
0x5d: {  	_ =	swait.ge [sflag:s25], $0x1000  }
0x5e: {  	[sflag:s25] =	ssyncset.done $0x0  }
0x5f: {  	s0 =	simm.s32 $0x0;
	[sflag:s25] =	ssyncadd.s32 $0xFFFFF000  }
0x60: {  	v8 =	vld [tilespmem:s0+$0x0]  }
0x61: {  	v9 =	vld [tilespmem:s0+$0x10]  }
0x62: {  	v13 =	vld [tilespmem:s0+$0x20]  }
0x63: {  	v14 =	vld [tilespmem:s0+$0x30]  }
0x64: {  	v11 =	vld [tilespmem:s0+$0x1000]  }
0x65: {  	v12 =	vld [tilespmem:s0+$0x1010]  }
0x66: {  	v15 =	vld [tilespmem:s0+$0x1020]  }
0x67: {  	v16 =	vld [tilespmem:s0+$0x1030]  }
0x68: {  	s31 =	simm.s32 $0x80  }
0x69: {  	v10 =	vld [tilespmem:s31+$0x0];
	v17 =	vadd.f32 v8, v11  }
0x6a: {  	v11 =	vld [tilespmem:s31+$0x10];
	v18 =	vadd.f32 v9, v12  }
0x6b: {  	v8 =	vld [tilespmem:s31+$0x20];
	v12 =	vmax.f32 v17, $0.0e+00;
	v17 =	vadd.f32 v13, v15  }
0x6c: {  	v9 =	vld [tilespmem:s31+$0x30];
	v14 =	vadd.f32 v14, v16;
	v13 =	vmax.f32 v18, $0.0e+00;
	[tilespmem:s0+$0x1000] =	vst v12  }
0x6d: {  	v15 =	vld [tilespmem:s31+$0x1000];
	[tilespmem:s0+$0x1010] =	vst v13;
	v16 =	vmax.f32 v17, $0.0e+00  }
0x6e: {  	v18 =	vmax.f32 v14, $0.0e+00;
	v17 =	vld [tilespmem:s31+$0x1010];
	[tilespmem:s0+$0x1020] =	vst v16  }
0x6f: {  	s15 =	simm.s32 $0x400;
	v14 =	vld [tilespmem:s31+$0x1020];
	[tilespmem:s0+$0x1030] =	vst v18  }
.LBB2_9:
0x70: {  	p1 =	sne.s32 s15, $0x3E00;
	v19 =	vld [tilespmem:s31+$0x1030];
	[tilespmem:s0+$0x2140] =	vst v12  }
0x71: {  	s11 =	sshra.s32 s15, $0x2;
	[tilespmem:s0+$0x2150] =	vst v13  }
0x72: {  	v12 =	vadd.f32 v10, v15;
	v10 =	vld [tilespmem:s11+$0x0];
	[tilespmem:s0+$0x2160] =	vst v16  }
0x73: {  	v13 =	vadd.f32 v11, v17;
	v11 =	vld [tilespmem:s11+$0x10];
	[tilespmem:s0+$0x2170] =	vst v18;
	s0 =	smov.u32 s31;
	s31 =	smov.u32 s11  }
.Ltmp4:
0x74: {  	v12 =	vmax.f32 v12, $0.0e+00;
	v14 =	vadd.f32 v8, v14;
	v8 =	vld [tilespmem:s31+$0x20];
	(pc) =	sbr.rel @p1 .LBB2_9-.Ltmp4, $4  }
0x75: {  	[tilespmem:s0+$0x1000] =	vst v12;
	v13 =	vmax.f32 v13, $0.0e+00;
	v18 =	vadd.f32 v9, v19;
	v9 =	vld [tilespmem:s31+$0x30]  }
0x76: {  	v15 =	vld [tilespmem:s31+$0x1000];
	[tilespmem:s0+$0x1010] =	vst v13;
	v16 =	vmax.f32 v14, $0.0e+00  }
0x77: {  	v17 =	vld [tilespmem:s31+$0x1010];
	[tilespmem:s0+$0x1020] =	vst v16;
	v18 =	vmax.f32 v18, $0.0e+00  }
0x78: {  	s15 =	sadd.s32 $0x200, s15;
	v14 =	vld [tilespmem:s31+$0x1020];
	[tilespmem:s0+$0x1030] =	vst v18  }
0x79: {  	_ = 	snop  }
0x7a: {  	v19 =	vld [tilespmem:s31+$0x1030];
	[tilespmem:s0+$0x2140] =	vst v12  }
0x7b: {  	[tilespmem:s0+$0x2150] =	vst v13;
	v10 =	vadd.f32 v10, v15  }
0x7c: {  	[tilespmem:s0+$0x2160] =	vst v16  }
0x7d: {  	[tilespmem:s0+$0x2170] =	vst v18;
	v11 =	vadd.f32 v11, v17;
	v10 =	vmax.f32 v10, $0.0e+00  }
0x7e: {  	[tilespmem:s31+$0x1000] =	vst v10  }
0x7f: {  	v8 =	vadd.f32 v8, v14;
	v11 =	vmax.f32 v11, $0.0e+00;
	[tilespmem:s31+$0x2140] =	vst v10  }
0x80: {  	[tilespmem:s31+$0x1010] =	vst v11  }
0x81: {  	v9 =	vadd.f32 v9, v19;
	v8 =	vmax.f32 v8, $0.0e+00;
	[tilespmem:s31+$0x2150] =	vst v11  }
0x82: {  	[tilespmem:s31+$0x1020] =	vst v8  }
0x83: {  	v9 =	vmax.f32 v9, $0.0e+00;
	[tilespmem:s31+$0x2160] =	vst v8  }
0x84: {  	[tilespmem:s31+$0x1030] =	vst v9  }
0x85: {  	[tilespmem:s31+$0x2170] =	vst v9  }
0x86: {  	[spmem:s1] =	stream.indirect.scatter.add.f32 [tilespmem:s23], [sflag:$0x3], $0x80, s26, s17, $0xb8;
	[tilespmem:$0x1CB00] =	vst v63  }
0x87: {  	s30 =	sadd.s32 $0x1, s30;
	_ =	swait.ge [sflag:s20], $0x1000  }
0x88: {  	p1 =	sne.s32 s30, s12;
	[sflag:s20] =	ssyncset.done $0x0  }
.Ltmp5:
0x89: {  	[sflag:s20] =	ssyncadd.s32 $0xFFFFF000;
	(pc) =	sbr.rel @p1 .LBB2_8-.Ltmp5, $4  }
0x8a: {  	[spmem:s1] =	stream.indirect.scatter.add.f32 [tilespmem:s29], [sflag:$0x3], $0x80, s28, s17, $0xb8;
	[tilespmem:$0x1CB00] =	vst v63  }
0x8b: {  	_ =	swait.ge [sflag:s20], $0x1000  }
0x8c: {  	[sflag:s20] =	ssyncset.done $0x0  }
0x8d: {  	[sflag:s20] =	ssyncadd.s32 $0xFFFFF000  }
.LBB2_11:
0x8e: {  	[dreg:$0x3] =	wrdreg s2;
	s0 =	sadd.s32 $0x0, s6  }
0x8f: {  	s2 =	rddreg [dreg:$0x6];
	p1 =	sge.u32 s0, s13  }
0x90: {  	p2 =	slt.s32 @!p1 s2, s14  }
0x91: {  	s0 =	smov.u32 s2;
	p2 =	por !p2, p1;
	p1 =	por p1, p1  }
0x92: {  	s0 =	smov.u32 @p2 s14;
	v8 =	vlaneseq.u32 @!p1  }
0x93: {  	[bflag:$0x0] =	sbarrier.arrive $0xFFFF;
	v9 =	vadd.s32 @!p1 s0, v8;
	s11 =	sor.u32 @!p1 $0x10, s0  }
0x94: {  	s15 =	simm.s32 @!p1 $0x20;
	s30 =	simm.s32 @!p1 $0x4200;
	[tilespmem:$0x4200] =	vst @!p1 v9;
	v8 =	vadd.s32 @!p1 s11, v8  }
0x95: {  	s31 =	simm.s32 @!p1 $0x3200;
	s0 =	sadd.s32 @!p1 s9, s0;
	s11 =	simm.s32 @!p1 $0x4;
	[tilespmem:$0x4210] =	vst @!p1 v8  }
0x96: {  	[tilespmem:s31], [sflag:$0x4] =	stream.indirect.gather @!p1 [spmem:s1], $0x80, s30, s15, $0xb8;
	[tilespmem:$0x1CB00] =	vst v63  }
0x97: {  	s0 =	sshll.u32 @!p1 s0, $0x4;
	_ =	swait.ge @!p1 [sflag:s11], $0x1000  }
0x98: {  	s0 =	sadd.s32 @!p1 s8, s0;
	s15 =	simm.s32 @!p1 $0x3;
	[sflag:s11] =	ssyncset.done @!p1 $0x0  }
0x99: {  	s30 =	sadd.s32 $0x10, s6;
	[sflag:s11] =	ssyncadd.s32 @!p1 $0xFFFFF000;
	s11 =	simm.s32 @!p1 $0x0  }
0x9a: {  	[hbm4b:s0+s11] =	stream.linear.scatter @!p1 [tilespmem:s31], [sflag:$0x3], $0x1000, $0x38;
	[tilespmem:$0x1CB00] =	vst v63  }
0x9b: {  	p3 =	sge.u32 s30, s13;
	s0 =	sadd.s32 $0x200, s2;
	_ =	swait.ge @!p1 [sflag:s15], $0x1000  }
0x9c: {  	s30 =	simm.s32 $0x20;
	p4 =	slt.s32 @!p3 s0, s14;
	[sflag:s15] =	ssyncset.done @!p1 $0x0  }
.LBB2_12:
0x9d: {  	p4 =	por !p4, p3;
	[sflag:s15] =	ssyncadd.s32 @!p1 $0xFFFFF000;
	s11 =	smov.u32 s30  }
0x9e: {  	s30 =	sadd.s32 $0x10, s30;
	p1 =	por p3, p3;
	s15 =	smov.u32 s0  }
0x9f: {  	p2 =	sne.s32 s30, $0x190;
	s15 =	smov.u32 @p4 s14;
	v8 =	vlaneseq.u32 @!p1  }
0xa0: {  	v9 =	vadd.s32 @!p1 s15, v8;
	s31 =	sor.u32 @!p1 $0x10, s15;
	s15 =	sadd.s32 @!p1 s9, s15  }
0xa1: {  	[tilespmem:$0x4200] =	vst @!p1 v9;
	v8 =	vadd.s32 @!p1 s31, v8;
	s31 =	simm.s32 @!p1 $0x4;
	s15 =	sshll.u32 @!p1 s15, $0x4  }
0xa2: {  	s16 =	simm.s32 @!p1 $0x20;
	s2 =	simm.s32 @!p1 $0x4200;
	s22 =	simm.s32 @!p1 $0x3200;
	[tilespmem:$0x4210] =	vst @!p1 v8  }
0xa3: {  	[tilespmem:s22], [sflag:$0x4] =	stream.indirect.gather @!p1 [spmem:s1], $0x80, s2, s16, $0xb8;
	[tilespmem:$0x1CB00] =	vst v63  }
0xa4: {  	s2 =	sadd.s32 @!p1 s8, s15;
	_ =	swait.ge @!p1 [sflag:s31], $0x1000  }
.Ltmp6:
0xa5: {  	s15 =	simm.s32 @!p1 $0x3;
	[sflag:s31] =	ssyncset.done @!p1 $0x0;
	(pc) =	sbr.rel @p2 .LBB2_12-.Ltmp6, $4  }
0xa6: {  	s11 =	sadd.s32 s11, s6;
	s16 =	simm.s32 @!p1 $0x0;
	[sflag:s31] =	ssyncadd.s32 @!p1 $0xFFFFF000  }
0xa7: {  	[hbm4b:s2+s16] =	stream.linear.scatter @!p1 [tilespmem:s22], [sflag:$0x3], $0x1000, $0x38;
	[tilespmem:$0x1CB00] =	vst v63  }
0xa8: {  	s0 =	sadd.s32 $0x200, s0;
	p3 =	sge.u32 s11, s13;
	_ =	swait.ge @!p1 [sflag:s15], $0x1000  }
0xa9: {  	p4 =	slt.s32 @!p3 s0, s14;
	[sflag:s15] =	ssyncset.done @!p1 $0x0  }
0xaa: {  	p4 =	por !p4, p3;
	p2 =	por p3, p3  }
0xab: {  	s0 =	smov.u32 @p4 s14;
	v8 =	vlaneseq.u32 @!p2  }
0xac: {  	[sflag:s15] =	ssyncadd.s32 @!p1 $0xFFFFF000;
	v9 =	vadd.s32 @!p2 s0, v8;
	s2 =	sor.u32 @!p2 $0x10, s0  }
0xad: {  	s11 =	simm.s32 @!p2 $0x20;
	s15 =	simm.s32 @!p2 $0x4200;
	[tilespmem:$0x4200] =	vst @!p2 v9;
	v8 =	vadd.s32 @!p2 s2, v8  }
0xae: {  	s16 =	simm.s32 @!p2 $0x3200;
	s0 =	sadd.s32 @!p2 s9, s0;
	s2 =	simm.s32 @!p2 $0x4;
	[tilespmem:$0x4210] =	vst @!p2 v8  }
0xaf: {  	[tilespmem:s16], [sflag:$0x4] =	stream.indirect.gather @!p2 [spmem:s1], $0x80, s15, s11, $0xb8;
	[tilespmem:$0x1CB00] =	vst v63  }
0xb0: {  	s0 =	sshll.u32 @!p2 s0, $0x4;
	_ =	swait.ge @!p2 [sflag:s2], $0x1000  }
0xb1: {  	s0 =	sadd.s32 @!p2 s8, s0;
	[sflag:s2] =	ssyncset.done @!p2 $0x0  }
0xb2: {  	s11 =	simm.s32 @!p2 $0x3;
	[sflag:s2] =	ssyncadd.s32 @!p2 $0xFFFFF000;
	s2 =	simm.s32 @!p2 $0x0  }
0xb3: {  	[hbm4b:s0+s2] =	stream.linear.scatter @!p2 [tilespmem:s16], [sflag:$0x3], $0x1000, $0x38;
	[tilespmem:$0x1CB00] =	vst v63  }
0xb4: {  	_ =	swait.ge @!p2 [sflag:s11], $0x1000  }
0xb5: {  	s30 =	rddreg [dreg:$0x3]  }
0xb6: {  	s31 =	rddreg [dreg:$0x5];
	s2 =	sadd.s32 $0x1, s30  }
0xb7: {  	p1 =	sne.s32 s2, s31  }
.Ltmp7:
0xb8: {  	_ = 	snop;
	(pc) =	sbr.rel @p1 .LBB2_1-.Ltmp7, $3  }
0xb9: {  	_ =	sdelay $0x1  }
0xba: {  	[sflag:s11] =	ssyncset.done @!p2 $0x0  }
0xbb: {  	s16 =	simm.s32 $0x2080;
	[sflag:s11] =	ssyncadd.s32 @!p2 $0xFFFFF000  }
0xbc: {  	_ =	sfence.sel $0x180000  }
0xbd: {  	[bflag:$0x0] =	sbarrier.arrive $0xFFFF  }
0xbe: {  	_ =	strace $0x9000004D  }
0xbf: {  	[bflag:$0x2] =	sbarrier.arrive $0xFFFF  }
0xc0: {  	p0 =	sne.s32 s6, $0x0;
	s0 =	rddreg [dreg:$0x2]  }
0xc1: {  	s0 =	sadd.s32 @!p0 $0x100000, s0  }
0xc2: {  	[sflag:s0] =	ssyncadd.tile.s32 @!p0 $0x1;
	_ =	shalt  }
.Lfunc_end2:
_tile_overlayer_lowered:
.L_overlay_start_2:
0xc3: {  	(tag) =	ssettag $0x2  }
0xc4: {  	s0 =	rddreg [dreg:$0x0];
	s2 =	stileid.u32  }
0xc5: {  	s1 =	rddreg [dreg:$0x1];
	p0 =	sne.s32 s2, $0x0  }
0xc6: {  	s3 =	rddreg [dreg:$0x2];
	[bflag:$0x3] =	sbarrier.arrive $0xFFFF;
	s2 =	simm.s32 @!p0 $0x1C03  }
0xc7: {  	[timem:s3], [sflag:s2] =	dma.local @!p0 [hbm:s0], s1  }
0xc8: {  	s0 =	simm.s32 @!p0 $0x3  }
0xc9: {  	_ =	swait.ge @!p0 [sflag:s0], s1  }
0xca: {  	s1 =	ssub.s32 @!p0 $0x0, s1;
	[sflag:s0] =	ssyncset.done @!p0 $0x0  }
0xcb: {  	[sflag:s0] =	ssyncadd.s32 @!p0 s1  }
0xcc: {  	[bflag:$0x3] =	sbarrier.arrive $0xFFFF  }
0xcd: {  	_ =	shalt  }

</sc_bundles>
